<compile_context>
chip_gen: v7x
topology: tpu7x:2x2x1
jax: 0.10.2.dev20260603
libtpu: 0.0.44.dev20260713+nightly
codegen_flags: <defaults>
</compile_context>

<pallas_src>
import functools

import jax
import jax.numpy as jnp
from jax import lax
from jax.experimental import pallas as pl
from jax.experimental.pallas import tpu as pltpu
from jax.experimental.pallas import tpu_sc as plsc

T, N, C, H, O = 4, 10000, 128, 16, 32
E1, E2 = 320000, 160000
ND1, ND2 = 5000, 2000
NC, NS, LANES = 2, 16, 16
NW = NC * NS

F32 = jnp.float32
I32 = jnp.int32



def _proj_body(x_ref, w_ref, asrc_ref, adst_ref, h_ref, es_ref, ed_ref):
    x = x_ref[0]
    h = jnp.dot(x, w_ref[...], preferred_element_type=F32)
    h_ref[0] = h
    es_ref[0] = jnp.dot(h, asrc_ref[...][:, None], preferred_element_type=F32)
    ed_ref[0] = jnp.dot(h, adst_ref[...][:, None], preferred_element_type=F32)


def _proj(x, w, asrc, adst, nv, d_in, d_out):
    return pl.pallas_call(
        _proj_body,
        grid=(T,),
        in_specs=[
            pl.BlockSpec((1, nv, d_in), lambda t: (t, 0, 0)),
            pl.BlockSpec((d_in, d_out), lambda t: (0, 0)),
            pl.BlockSpec((d_out,), lambda t: (0,)),
            pl.BlockSpec((d_out,), lambda t: (0,)),
        ],
        out_specs=[
            pl.BlockSpec((1, nv, d_out), lambda t: (t, 0, 0)),
            pl.BlockSpec((1, nv, 1), lambda t: (t, 0, 0)),
            pl.BlockSpec((1, nv, 1), lambda t: (t, 0, 0)),
        ],
        out_shape=[
            jax.ShapeDtypeStruct((T, nv, d_out), F32),
            jax.ShapeDtypeStruct((T, nv, 1), F32),
            jax.ShapeDtypeStruct((T, nv, 1), F32),
        ],
    )(x, w, asrc, adst)


def _combine_body(p0_ref, p1_ref, o_ref):
    s = p0_ref[...] + p1_ref[...]
    o_ref[...] = jnp.where(s >= 0, s, 0.01 * s)


def _combine(p0, p1):
    return pl.pallas_call(
        _combine_body,
        out_shape=jax.ShapeDtypeStruct(p0.shape, F32),
    )(p0, p1)



_MESH = plsc.VectorSubcoreMesh(
    core_axis_name="c", subcore_axis_name="s", num_cores=NC, num_subcores=NS)


def _make_pass_a(e_total, nv, ndpad, sub):
    ds_sz = 4 * ndpad
    nchunk = e_total // sub
    rounds = -(-nchunk // NW)
    k4 = sub * 4 // 128
    stripe = ds_sz // NS

    @functools.partial(
        pl.kernel,
        out_type=(
            jax.ShapeDtypeStruct((e_total * 4,), F32),
            jax.ShapeDtypeStruct((NC, ds_sz), F32),
        ),
        mesh=_MESH,
        compiler_params=pltpu.CompilerParams(
            needs_layout_passes=False, use_tc_tiling_on_sc=False),
        scratch_types=[
            pltpu.VMEM((4 * nv,), F32),
            pltpu.VMEM((4 * nv,), F32),
            pltpu.VMEM((sub,), I32),
            pltpu.VMEM((sub,), I32),
            pltpu.VMEM((sub * 4,), F32),
            pltpu.VMEM((k4, 128), I32),
            pltpu.VMEM((stripe,), F32),
            pltpu.VMEM_SHARED((ds_sz,), F32),
            pltpu.SemaphoreType.DMA,
        ],
    )
    def pass_a(ei_hbm, es_hbm, ed_hbm, ex_hbm, dnp_hbm,
               es_v, ed_v, src_v, dst_v, ex_v, didx_v, zb_v, dn_sh, seml):
        c = lax.axis_index("c")
        s = lax.axis_index("s")
        wid = c * NS + s

        pltpu.sync_copy(es_hbm, es_v)
        pltpu.sync_copy(ed_hbm, ed_v)

        def zero_body(i, _):
            zb_v[pl.ds(i * 16, 16)] = jnp.zeros((16,), F32)
            return 0
        lax.fori_loop(0, stripe // 16, zero_body, 0)
        pltpu.sync_copy(zb_v, dn_sh.at[pl.ds(s * stripe, stripe)])
        plsc.subcore_barrier()

        iota = lax.iota(I32, 16)
        erep = iota // 4
        tpat = iota % 4

        def round_body(r, _):
            cid = wid + r * NW
            act = cid < nchunk
            base = jnp.minimum(cid, nchunk - 1) * sub
            cp1 = pltpu.async_copy(ei_hbm.at[0, pl.ds(base, sub)], src_v, seml)
            cp2 = pltpu.async_copy(ei_hbm.at[1, pl.ds(base, sub)], dst_v, seml)
            cp1.wait()
            cp2.wait()

            def vec_body(i, _):
                sl = pl.ds(i * 16, 16)
                eids = i * 4 + erep
                srcr = plsc.load_gather(src_v, [eids])
                dstr = plsc.load_gather(dst_v, [eids])
                sv = plsc.load_gather(es_v, [srcr * 4 + tpat])
                dv = plsc.load_gather(ed_v, [dstr * 4 + tpat])
                e = sv + dv
                e = jnp.where(e >= 0, e, 0.2 * e)
                ex_v[sl] = jnp.exp(e)
                gi = jnp.where(act, tpat * ndpad + dstr,
                               tpat * ndpad + nv + (dstr & 7))
                didx_v[i // 8, pl.ds((i % 8) * 16, 16)] = gi
                return 0
            lax.fori_loop(0, sub // 4, vec_body, 0)

            pltpu.sync_copy(ex_v, ex_hbm.at[pl.ds(base * 4, sub * 4)])
            for j in range(k4):
                pltpu.sync_copy(ex_v.at[pl.ds(j * 128, 128)],
                                dn_sh.at[didx_v.at[j]], add=True)
            return 0
        lax.fori_loop(0, rounds, round_body, 0)

        plsc.subcore_barrier()

        @pl.when(s == 0)
        def _():
            pltpu.sync_copy(dn_sh, dnp_hbm.at[c])

    return pass_a


def _make_pass_b(e_total, nv, ndpad_dn, ndout, ndoutpad, d, sub, mask_dst):
    ds_sz = 4 * ndpad_dn
    td = 4 * d
    nchunk = e_total // sub
    rounds = -(-nchunk // NW)
    k = sub // 128
    kd = d // 16
    rstripe = ndoutpad // NS

    @functools.partial(
        pl.kernel,
        out_type=jax.ShapeDtypeStruct((NC, ndoutpad, td), F32),
        mesh=_MESH,
        compiler_params=pltpu.CompilerParams(
            needs_layout_passes=False, use_tc_tiling_on_sc=False),
        scratch_types=[
            pltpu.VMEM((ds_sz,), F32),
            pltpu.VMEM((ds_sz,), F32),
            pltpu.VMEM((sub,), I32),
            pltpu.VMEM((sub,), I32),
            pltpu.VMEM((sub,), F32),
            pltpu.VMEM((sub * 4,), F32),
            pltpu.VMEM((sub * 4,), F32),
            pltpu.VMEM((k, 128), I32),
            pltpu.VMEM((k, 128), I32),
            pltpu.VMEM((sub, td), F32),
            pltpu.VMEM_SHARED((ndoutpad, td), F32),
            pltpu.SemaphoreType.DMA,
            pltpu.SemaphoreType.DMA,
            pltpu.SemaphoreType.DMA,
        ],
    )
    def pass_b(ei_hbm, ew_hbm, ex_hbm, dnp_hbm, h_hbm, outp_hbm,
               dn_v, tmp_v, src_v, dst_v, ew_v, ex_v, sc_v, gidx_v, oidx_v,
               rows_v, out_sh, seml, semg, sems):
        c = lax.axis_index("c")
        s = lax.axis_index("s")
        wid = c * NS + s

        pltpu.sync_copy(dnp_hbm.at[0], dn_v)
        pltpu.sync_copy(dnp_hbm.at[1], tmp_v)

        def add_body(i, _):
            sl = pl.ds(i * 16, 16)
            dn_v[sl] = dn_v[sl] + tmp_v[sl]
            return 0
        lax.fori_loop(0, ds_sz // 16, add_body, 0)

        def zero_body(i, _):
            for kk in range(4 * kd):
                rows_v[i, pl.ds(kk * 16, 16)] = jnp.zeros((16,), F32)
            return 0
        lax.fori_loop(0, rstripe, zero_body, 0)
        pltpu.sync_copy(rows_v.at[pl.ds(0, rstripe)],
                        out_sh.at[pl.ds(s * rstripe, rstripe)])
        plsc.subcore_barrier()

        iota = lax.iota(I32, 16)
        erep = iota // 4
        tpat = iota % 4

        def round_body(r, _):
            cid = wid + r * NW
            act = cid < nchunk
            base = jnp.minimum(cid, nchunk - 1) * sub
            cps = [
                pltpu.async_copy(ei_hbm.at[0, pl.ds(base, sub)], src_v, seml),
                pltpu.async_copy(ei_hbm.at[1, pl.ds(base, sub)], dst_v, seml),
                pltpu.async_copy(ew_hbm.at[pl.ds(base, sub)], ew_v, seml),
                pltpu.async_copy(ex_hbm.at[pl.ds(base * 4, sub * 4)], ex_v,
                                 seml),
            ]
            for cp in cps:
                cp.wait()

            def idx_body(i, _):
                sl = pl.ds(i * 16, 16)
                src16 = src_v[sl]
                dst16 = dst_v[sl]
                if mask_dst:
                    valid = (dst16 < ndout) & act
                else:
                    valid = jnp.full((16,), True) & act
                dstc = jnp.where(valid, dst16, ndout + (dst16 & 15))
                gidx_v[i // 8, pl.ds((i % 8) * 16, 16)] = src16
                oidx_v[i // 8, pl.ds((i % 8) * 16, 16)] = dstc
                return 0
            lax.fori_loop(0, sub // 16, idx_body, 0)

            gcps = [
                pltpu.async_copy(h_hbm.at[gidx_v.at[j]],
                                 rows_v.at[pl.ds(j * 128, 128)], semg)
                for j in range(k)
            ]

            def sc_body(i, _):
                sl = pl.ds(i * 16, 16)
                eids = i * 4 + erep
                dstr = plsc.load_gather(dst_v, [eids])
                ewr = plsc.load_gather(ew_v, [eids])
                exv = ex_v[sl]
                dnv = plsc.load_gather(dn_v, [tpat * ndpad_dn + dstr])
                scv = exv / (dnv + 1e-16) * ewr
                if mask_dst:
                    valid = (dstr < ndout) & act
                else:
                    valid = jnp.full((16,), True) & act
                sc_v[sl] = jnp.where(valid, scv, 0.0)
                return 0
            lax.fori_loop(0, sub // 4, sc_body, 0)

            for cp in gcps:
                cp.wait()

            def scale_body(g, _):
                for q in range(4):
                    e = g * 4 + q
                    for t in range(4):
                        sp = plsc.load_gather(
                            sc_v, [jnp.full((16,), 0, I32) + (e * 4 + t)])
                        for kk in range(kd):
                            sl = pl.ds(t * d + kk * 16, 16)
                            rows_v[e, sl] = rows_v[e, sl] * sp
                return 0
            lax.fori_loop(0, sub // 4, scale_body, 0)

            scps = [
                pltpu.async_copy(rows_v.at[pl.ds(j * 128, 128)],
                                 out_sh.at[oidx_v.at[j]], sems, add=True)
                for j in range(k)
            ]
            for cp in scps:
                cp.wait()
            return 0
        lax.fori_loop(0, rounds, round_body, 0)

        plsc.subcore_barrier()

        @pl.when(s == 0)
        def _():
            pltpu.sync_copy(out_sh, outp_hbm.at[c])

    return pass_b


_NDPAD1 = 5056
_NDPAD2 = 2048
_NDOPAD1 = 2016
_NDOPAD2 = 2016
_SUB1, _SUB2 = 640, 640

_pass_a1 = _make_pass_a(E1, ND1, _NDPAD1, _SUB1)
_pass_b1 = _make_pass_b(E1, ND1, _NDPAD1, ND2, _NDOPAD1, H, _SUB1, True)
_pass_a2 = _make_pass_a(E2, ND2, _NDPAD2, _SUB2)
_pass_b2 = _make_pass_b(E2, ND2, _NDPAD2, ND2, _NDOPAD2, O, _SUB2, False)


def _node_major(a):
    t, nv, d = a.shape
    return jnp.transpose(a, (1, 0, 2)).reshape(nv, t * d)


def kernel(node_feat, block1_edge_index, block2_edge_index, edge_weight1,
           edge_weight2, num_dst1, num_dst2, W1, a_src1, a_dst1, W2, a_src2,
           a_dst2):
    x1 = node_feat[:, :ND1, :]
    h1t, es1, ed1 = _proj(x1, W1, a_src1, a_dst1, ND1, C, H)
    h1_nm = _node_major(h1t)
    es1_nm = _node_major(es1).reshape(4 * ND1)
    ed1_nm = _node_major(ed1).reshape(4 * ND1)

    ex1, dnp1 = _pass_a1(block1_edge_index, es1_nm, ed1_nm)
    outp1 = _pass_b1(block1_edge_index, edge_weight1, ex1, dnp1, h1_nm)

    h1act = _combine(outp1[0, :ND2, :], outp1[1, :ND2, :])
    x2 = jnp.transpose(h1act.reshape(ND2, 4, H), (1, 0, 2))
    h2t, es2, ed2 = _proj(x2, W2, a_src2, a_dst2, ND2, H, O)
    h2_nm = _node_major(h2t)
    es2_nm = _node_major(es2).reshape(4 * ND2)
    ed2_nm = _node_major(ed2).reshape(4 * ND2)

    ex2, dnp2 = _pass_a2(block2_edge_index, es2_nm, ed2_nm)
    outp2 = _pass_b2(block2_edge_index, edge_weight2, ex2, dnp2, h2_nm)

    out = _combine(outp2[0, :ND2, :], outp2[1, :ND2, :])
    return jnp.transpose(out.reshape(ND2, 4, O), (1, 0, 2))

# --- scband reference (transcript-rebuilt; emitter-appended) ---
"""Pipeline reference for scband-gatnet-33852932227160 (READ-ONLY COPY).

The authoritative reference and input builder live on the scoring server;
editing this copy changes nothing except your own understanding.
"""

import jax, jax.numpy as jnp
import numpy as np


def _gat_layer(edge_index, feat_src, feat_dst, ew, W, a_src, a_dst, n_dst):
    # feat_src: [N_src, T, C]; feat_dst: [N_dst, T, C]; edge_index: [2, E]; ew: [E]
    h_src = feat_src @ W  # [N_src, T, D]
    h_dst = feat_dst @ W  # [N_dst, T, D]
    src = edge_index[0]
    dst = edge_index[1]
    e_src = (h_src * a_src).sum(-1)  # [N_src, T]
    e_dst = (h_dst * a_dst).sum(-1)  # [N_dst, T]
    e = jax.nn.leaky_relu(e_src[src] + e_dst[dst], 0.2)  # [E, T]
    e_max = jax.ops.segment_max(e, dst, num_segments=n_dst)
    e_max = jnp.where(jnp.isfinite(e_max), e_max, 0.0)
    ex = jnp.exp(e - e_max[dst])
    denom = jax.ops.segment_sum(ex, dst, num_segments=n_dst)
    alpha = ex / (denom[dst] + 1e-16)  # edge softmax over incoming edges
    msg = (alpha * ew[:, None])[:, :, None] * h_src[src]  # [E, T, D]
    return jax.ops.segment_sum(msg, dst, num_segments=n_dst)  # [N_dst, T, D]


def setup_inputs(seed: int = 0) -> dict:
    key = jax.random.key(seed)
    ks = jax.random.split(key, 12)
    T, N, C, H, O = 4, 10000, 128, 16, 32
    E1, E2 = 320000, 160000
    ND1, ND2 = 5000, 2000
    node_feat = jax.random.normal(ks[0], (T, N, C), dtype=jnp.float32)
    block1_edge_index = jax.random.randint(ks[1], (2, E1), 0, ND1)
    block2_edge_index = jax.random.randint(ks[2], (2, E2), 0, ND2)
    edge_weight1 = jax.random.uniform(ks[3], (E1,), dtype=jnp.float32)
    edge_weight2 = jax.random.uniform(ks[4], (E2,), dtype=jnp.float32)
    W1 = jax.random.normal(ks[5], (C, H), dtype=jnp.float32) * (1.0 / np.sqrt(C))
    a_src1 = jax.random.normal(ks[6], (H,), dtype=jnp.float32) * 0.1
    a_dst1 = jax.random.normal(ks[7], (H,), dtype=jnp.float32) * 0.1
    W2 = jax.random.normal(ks[8], (H, O), dtype=jnp.float32) * (1.0 / np.sqrt(H))
    a_src2 = jax.random.normal(ks[9], (O,), dtype=jnp.float32) * 0.1
    a_dst2 = jax.random.normal(ks[10], (O,), dtype=jnp.float32) * 0.1
    return {"node_feat": node_feat, "block1_edge_index": block1_edge_index,
            "block2_edge_index": block2_edge_index, "edge_weight1": edge_weight1,
            "edge_weight2": edge_weight2, "num_dst1": ND1, "num_dst2": ND2,
            "W1": W1, "a_src1": a_src1, "a_dst1": a_dst1,
            "W2": W2, "a_src2": a_src2, "a_dst2": a_dst2}


def reference(node_feat, block1_edge_index, block2_edge_index, edge_weight1,
              edge_weight2, num_dst1, num_dst2, W1, a_src1, a_dst1, W2, a_src2, a_dst2):
    # node_feat: [T, N, C] -> permute(1,0,2) -> [N, T, C]
    ND1, ND2 = 5000, 2000
    x = jnp.transpose(node_feat, (1, 0, 2))
    x_dst = jax.lax.dynamic_slice_in_dim(x, num_dst1 - ND1, ND1, axis=0)
    h1 = _gat_layer(block1_edge_index, x, x_dst, edge_weight1,
                    W1, a_src1, a_dst1, ND1)
    h1 = jax.nn.leaky_relu(h1, 0.01)
    h1_dst = jax.lax.dynamic_slice_in_dim(h1, num_dst2 - ND2, ND2, axis=0)
    h2 = _gat_layer(block2_edge_index, h1, h1_dst, edge_weight2,
                    W2, a_src2, a_dst2, ND2)
    h2 = jax.nn.leaky_relu(h2, 0.01)
    return jnp.transpose(h2, (1, 0, 2))  # [T, N_dst2, O]

if __name__ == "__main__":
    import jax
    _d = setup_inputs()
    print(jax.jit(kernel)(*tuple(_d.values())))

</pallas_src>

<mosaic_0001>
#map = affine_map<(d0, d1) -> (0, 0)>
#map1 = affine_map<(d0, d1) -> (0)>
#map2 = affine_map<(d0, d1) -> (0, 0, 0)>
module attributes {stable_mosaic.version = 14 : i64} {
  func.func @pass_b(%arg0: i32, %arg1: i32, %arg2: memref<2x160000xi32, #tpu.memory_space<hbm>>, %arg3: memref<160000xf32, #tpu.memory_space<hbm>>, %arg4: memref<640000xf32, #tpu.memory_space<hbm>>, %arg5: memref<2x8192xf32, #tpu.memory_space<hbm>>, %arg6: memref<2000x128xf32, #tpu.memory_space<hbm>>, %arg7: memref<2x2016x128xf32, #tpu.memory_space<hbm>>, %arg8: memref<8192xf32, #tpu.memory_space<vmem>>, %arg9: memref<8192xf32, #tpu.memory_space<vmem>>, %arg10: memref<640xi32, #tpu.memory_space<vmem>>, %arg11: memref<640xi32, #tpu.memory_space<vmem>>, %arg12: memref<640xf32, #tpu.memory_space<vmem>>, %arg13: memref<2560xf32, #tpu.memory_space<vmem>>, %arg14: memref<2560xf32, #tpu.memory_space<vmem>>, %arg15: memref<5x128xi32, #tpu.memory_space<vmem>>, %arg16: memref<5x128xi32, #tpu.memory_space<vmem>>, %arg17: memref<640x128xf32, #tpu.memory_space<vmem>>, %arg18: memref<2016x128xf32, #tpu.memory_space<vmem_shared>>, %arg19: memref<!tpu.dma_semaphore, #tpu.memory_space<semaphore_mem>>, %arg20: memref<!tpu.dma_semaphore, #tpu.memory_space<semaphore_mem>>, %arg21: memref<!tpu.dma_semaphore, #tpu.memory_space<semaphore_mem>>) attributes {dimension_semantics = [#tpu.dimension_semantics<core_parallel>, #tpu.dimension_semantics<subcore_parallel>], iteration_bounds = array<i64: 2, 16>, scalar_prefetch = 0 : i64, scratch_operands = 14 : i64, tpu.core_type = #tpu.core_type<sc_vector_subcore>, window_params = [{transform_indices = #map}, {transform_indices = #map1}, {transform_indices = #map1}, {transform_indices = #map}, {transform_indices = #map}, {transform_indices = #map2}]} {
    %mul3A = arith.constant 16 : i32
    %mul3A_0 = arith.muli %arg0, %mul3A : i32
    %add3A = arith.addi %mul3A_0, %arg1 : i32
    %run_scoped3A = arith.constant 0 : i32
    "tpu.region"() ({
      %run_scoped3A_71 = tpu.sem_alloc : memref<!tpu.dma_semaphore, #tpu.memory_space<semaphore_mem>>
      %dma_start3A = arith.constant 0 : i32
      %dma_start3A_72 = tpu.memref_slice %arg5[%run_scoped3A, %dma_start3A] : memref<2x8192xf32, #tpu.memory_space<hbm>> -> memref<1x8192xf32, #tpu.memory_space<hbm>>
      %dma_start3A_73 = tpu.memref_squeeze %dma_start3A_72 : memref<1x8192xf32, #tpu.memory_space<hbm>> -> memref<8192xf32, #tpu.memory_space<hbm>>
      %dma_start3A_74 = arith.constant 0 : i32
      %dma_start3A_75 = tpu.memref_slice %arg5[%run_scoped3A, %dma_start3A_74] : memref<2x8192xf32, #tpu.memory_space<hbm>> -> memref<1x8192xf32, #tpu.memory_space<hbm>>
      %dma_start3A_76 = tpu.memref_squeeze %dma_start3A_75 : memref<1x8192xf32, #tpu.memory_space<hbm>> -> memref<8192xf32, #tpu.memory_space<hbm>>
      tpu.enqueue_dma source(%dma_start3A_76 : memref<8192xf32, #tpu.memory_space<hbm>>) target(%arg8 : memref<8192xf32, #tpu.memory_space<vmem>>) target_semaphore(%run_scoped3A_71 : memref<!tpu.dma_semaphore, #tpu.memory_space<semaphore_mem>>)
      %dma_wait3A = arith.constant 0 : i32
      %dma_wait3A_77 = tpu.memref_slice %arg5[%run_scoped3A, %dma_wait3A] : memref<2x8192xf32, #tpu.memory_space<hbm>> -> memref<1x8192xf32, #tpu.memory_space<hbm>>
      %dma_wait3A_78 = tpu.memref_squeeze %dma_wait3A_77 : memref<1x8192xf32, #tpu.memory_space<hbm>> -> memref<8192xf32, #tpu.memory_space<hbm>>
      %dma_wait3A_79 = arith.constant 0 : i32
      %dma_wait3A_80 = tpu.memref_slice %arg5[%run_scoped3A, %dma_wait3A_79] : memref<2x8192xf32, #tpu.memory_space<hbm>> -> memref<1x8192xf32, #tpu.memory_space<hbm>>
      %dma_wait3A_81 = tpu.memref_squeeze %dma_wait3A_80 : memref<1x8192xf32, #tpu.memory_space<hbm>> -> memref<8192xf32, #tpu.memory_space<hbm>>
      tpu.wait_dma2 semaphore(%run_scoped3A_71 : memref<!tpu.dma_semaphore, #tpu.memory_space<semaphore_mem>>) src(%dma_wait3A_81 : memref<8192xf32, #tpu.memory_space<hbm>>) dst(%arg8 : memref<8192xf32, #tpu.memory_space<vmem>>)
      tpu.yield
    }) : () -> ()
    %run_scoped3A_1 = arith.constant 1 : i32
    "tpu.region"() ({
      %run_scoped3A_71 = tpu.sem_alloc : memref<!tpu.dma_semaphore, #tpu.memory_space<semaphore_mem>>
      %dma_start3A = arith.constant 0 : i32
      %dma_start3A_72 = tpu.memref_slice %arg5[%run_scoped3A_1, %dma_start3A] : memref<2x8192xf32, #tpu.memory_space<hbm>> -> memref<1x8192xf32, #tpu.memory_space<hbm>>
      %dma_start3A_73 = tpu.memref_squeeze %dma_start3A_72 : memref<1x8192xf32, #tpu.memory_space<hbm>> -> memref<8192xf32, #tpu.memory_space<hbm>>
      %dma_start3A_74 = arith.constant 0 : i32
      %dma_start3A_75 = tpu.memref_slice %arg5[%run_scoped3A_1, %dma_start3A_74] : memref<2x8192xf32, #tpu.memory_space<hbm>> -> memref<1x8192xf32, #tpu.memory_space<hbm>>
      %dma_start3A_76 = tpu.memref_squeeze %dma_start3A_75 : memref<1x8192xf32, #tpu.memory_space<hbm>> -> memref<8192xf32, #tpu.memory_space<hbm>>
      tpu.enqueue_dma source(%dma_start3A_76 : memref<8192xf32, #tpu.memory_space<hbm>>) target(%arg9 : memref<8192xf32, #tpu.memory_space<vmem>>) target_semaphore(%run_scoped3A_71 : memref<!tpu.dma_semaphore, #tpu.memory_space<semaphore_mem>>)
      %dma_wait3A = arith.constant 0 : i32
      %dma_wait3A_77 = tpu.memref_slice %arg5[%run_scoped3A_1, %dma_wait3A] : memref<2x8192xf32, #tpu.memory_space<hbm>> -> memref<1x8192xf32, #tpu.memory_space<hbm>>
      %dma_wait3A_78 = tpu.memref_squeeze %dma_wait3A_77 : memref<1x8192xf32, #tpu.memory_space<hbm>> -> memref<8192xf32, #tpu.memory_space<hbm>>
      %dma_wait3A_79 = arith.constant 0 : i32
      %dma_wait3A_80 = tpu.memref_slice %arg5[%run_scoped3A_1, %dma_wait3A_79] : memref<2x8192xf32, #tpu.memory_space<hbm>> -> memref<1x8192xf32, #tpu.memory_space<hbm>>
      %dma_wait3A_81 = tpu.memref_squeeze %dma_wait3A_80 : memref<1x8192xf32, #tpu.memory_space<hbm>> -> memref<8192xf32, #tpu.memory_space<hbm>>
      tpu.wait_dma2 semaphore(%run_scoped3A_71 : memref<!tpu.dma_semaphore, #tpu.memory_space<semaphore_mem>>) src(%dma_wait3A_81 : memref<8192xf32, #tpu.memory_space<hbm>>) dst(%arg9 : memref<8192xf32, #tpu.memory_space<vmem>>)
      tpu.yield
    }) : () -> ()
    %scan3A = arith.constant 0 : i32
    %scan3A_2 = arith.constant 0 : i32
    %scan3A_3 = arith.constant 512 : i32
    %scan3A_4 = arith.addi %scan3A_2, %scan3A_3 : i32
    %scan3A_5 = arith.constant 1 : i32
    %scan3A_6 = scf.for %scan3A_71 = %scan3A_2 to %scan3A_4 step %scan3A_5 iter_args(%scan3A_72 = %scan3A) -> (i32)  : i32 {
      %mul3A_73 = arith.constant 16 : i32
      %mul3A_74 = arith.muli %scan3A_71, %mul3A_73 : i32
      %get3A = arith.index_cast %mul3A_74 : i32 to index
      %get3A_75 = tpu.vector_load %arg8[%get3A] {strides = array<i32>} : memref<8192xf32, #tpu.memory_space<vmem>>, vector<16xf32>,
      %get3A_76 = arith.index_cast %mul3A_74 : i32 to index
      %get3A_77 = tpu.vector_load %arg9[%get3A_76] {strides = array<i32>} : memref<8192xf32, #tpu.memory_space<vmem>>, vector<16xf32>,
      %add3A_78 = arith.addf %get3A_75, %get3A_77 : vector<16xf32>
      %swap3A = arith.index_cast %mul3A_74 : i32 to index
      %swap3A_79 = tpu.vector_load %arg8[%swap3A] {strides = array<i32>} : memref<8192xf32, #tpu.memory_space<vmem>>, vector<16xf32>,
      tpu.vector_store %arg8[%swap3A], %add3A_78 {strides = array<i32>} : memref<8192xf32, #tpu.memory_space<vmem>>, vector<16xf32>,
      %scan3A_80 = arith.constant 0 : i32
      scf.yield %scan3A_80 : i32
    }
    %scan3A_7 = arith.constant 512 : i32
    %scan3A_8 = arith.constant 0 : i32
    %scan3A_9 = arith.constant 0 : i32
    %scan3A_10 = arith.constant 126 : i32
    %scan3A_11 = arith.addi %scan3A_9, %scan3A_10 : i32
    %scan3A_12 = arith.constant 1 : i32
    %scan3A_13 = scf.for %scan3A_71 = %scan3A_9 to %scan3A_11 step %scan3A_12 iter_args(%scan3A_72 = %scan3A_8) -> (i32)  : i32 {
      %broadcast_in_dim3A = arith.constant 0.000000e+00 : f32
      %broadcast_in_dim3A_73 = vector.broadcast %broadcast_in_dim3A : f32 to vector<16xf32>
      %swap3A = arith.index_cast %scan3A_71 : i32 to index
      %swap3A_74 = arith.constant 0 : index
      %swap3A_75 = tpu.vector_load %arg17[%swap3A, %swap3A_74] {strides = array<i32>} : memref<640x128xf32, #tpu.memory_space<vmem>>, vector<16xf32>,
      tpu.vector_store %arg17[%swap3A, %swap3A_74], %broadcast_in_dim3A_73 {strides = array<i32>} : memref<640x128xf32, #tpu.memory_space<vmem>>, vector<16xf32>,
      %broadcast_in_dim3A_76 = arith.constant 0.000000e+00 : f32
      %broadcast_in_dim3A_77 = vector.broadcast %broadcast_in_dim3A_76 : f32 to vector<16xf32>
      %swap3A_78 = arith.index_cast %scan3A_71 : i32 to index
      %swap3A_79 = arith.constant 16 : index
      %swap3A_80 = tpu.vector_load %arg17[%swap3A_78, %swap3A_79] {strides = array<i32>} : memref<640x128xf32, #tpu.memory_space<vmem>>, vector<16xf32>,
      tpu.vector_store %arg17[%swap3A_78, %swap3A_79], %broadcast_in_dim3A_77 {strides = array<i32>} : memref<640x128xf32, #tpu.memory_space<vmem>>, vector<16xf32>,
      %broadcast_in_dim3A_81 = arith.constant 0.000000e+00 : f32
      %broadcast_in_dim3A_82 = vector.broadcast %broadcast_in_dim3A_81 : f32 to vector<16xf32>
      %swap3A_83 = arith.index_cast %scan3A_71 : i32 to index
      %swap3A_84 = arith.constant 32 : index
      %swap3A_85 = tpu.vector_load %arg17[%swap3A_83, %swap3A_84] {strides = array<i32>} : memref<640x128xf32, #tpu.memory_space<vmem>>, vector<16xf32>,
      tpu.vector_store %arg17[%swap3A_83, %swap3A_84], %broadcast_in_dim3A_82 {strides = array<i32>} : memref<640x128xf32, #tpu.memory_space<vmem>>, vector<16xf32>,
      %broadcast_in_dim3A_86 = arith.constant 0.000000e+00 : f32
      %broadcast_in_dim3A_87 = vector.broadcast %broadcast_in_dim3A_86 : f32 to vector<16xf32>
      %swap3A_88 = arith.index_cast %scan3A_71 : i32 to index
      %swap3A_89 = arith.constant 48 : index
      %swap3A_90 = tpu.vector_load %arg17[%swap3A_88, %swap3A_89] {strides = array<i32>} : memref<640x128xf32, #tpu.memory_space<vmem>>, vector<16xf32>,
      tpu.vector_store %arg17[%swap3A_88, %swap3A_89], %broadcast_in_dim3A_87 {strides = array<i32>} : memref<640x128xf32, #tpu.memory_space<vmem>>, vector<16xf32>,
      %broadcast_in_dim3A_91 = arith.constant 0.000000e+00 : f32
      %broadcast_in_dim3A_92 = vector.broadcast %broadcast_in_dim3A_91 : f32 to vector<16xf32>
      %swap3A_93 = arith.index_cast %scan3A_71 : i32 to index
      %swap3A_94 = arith.constant 64 : index
      %swap3A_95 = tpu.vector_load %arg17[%swap3A_93, %swap3A_94] {strides = array<i32>} : memref<640x128xf32, #tpu.memory_space<vmem>>, vector<16xf32>,
      tpu.vector_store %arg17[%swap3A_93, %swap3A_94], %broadcast_in_dim3A_92 {strides = array<i32>} : memref<640x128xf32, #tpu.memory_space<vmem>>, vector<16xf32>,
      %broadcast_in_dim3A_96 = arith.constant 0.000000e+00 : f32
      %broadcast_in_dim3A_97 = vector.broadcast %broadcast_in_dim3A_96 : f32 to vector<16xf32>
      %swap3A_98 = arith.index_cast %scan3A_71 : i32 to index
      %swap3A_99 = arith.constant 80 : index
      %swap3A_100 = tpu.vector_load %arg17[%swap3A_98, %swap3A_99] {strides = array<i32>} : memref<640x128xf32, #tpu.memory_space<vmem>>, vector<16xf32>,
      tpu.vector_store %arg17[%swap3A_98, %swap3A_99], %broadcast_in_dim3A_97 {strides = array<i32>} : memref<640x128xf32, #tpu.memory_space<vmem>>, vector<16xf32>,
      %broadcast_in_dim3A_101 = arith.constant 0.000000e+00 : f32
      %broadcast_in_dim3A_102 = vector.broadcast %broadcast_in_dim3A_101 : f32 to vector<16xf32>
      %swap3A_103 = arith.index_cast %scan3A_71 : i32 to index
      %swap3A_104 = arith.constant 96 : index
      %swap3A_105 = tpu.vector_load %arg17[%swap3A_103, %swap3A_104] {strides = array<i32>} : memref<640x128xf32, #tpu.memory_space<vmem>>, vector<16xf32>,
      tpu.vector_store %arg17[%swap3A_103, %swap3A_104], %broadcast_in_dim3A_102 {strides = array<i32>} : memref<640x128xf32, #tpu.memory_space<vmem>>, vector<16xf32>,
      %broadcast_in_dim3A_106 = arith.constant 0.000000e+00 : f32
      %broadcast_in_dim3A_107 = vector.broadcast %broadcast_in_dim3A_106 : f32 to vector<16xf32>
      %swap3A_108 = arith.index_cast %scan3A_71 : i32 to index
      %swap3A_109 = arith.constant 112 : index
      %swap3A_110 = tpu.vector_load %arg17[%swap3A_108, %swap3A_109] {strides = array<i32>} : memref<640x128xf32, #tpu.memory_space<vmem>>, vector<16xf32>,
      tpu.vector_store %arg17[%swap3A_108, %swap3A_109], %broadcast_in_dim3A_107 {strides = array<i32>} : memref<640x128xf32, #tpu.memory_space<vmem>>, vector<16xf32>,
      %scan3A_111 = arith.constant 0 : i32
      scf.yield %scan3A_111 : i32
    }
    %scan3A_14 = arith.constant 126 : i32
    %mul3A_15 = arith.constant 126 : i32
    %mul3A_16 = arith.muli %arg1, %mul3A_15 : i32
    "tpu.region"() ({
      %run_scoped3A_71 = tpu.sem_alloc : memref<!tpu.dma_semaphore, #tpu.memory_space<semaphore_mem>>
      %dma_start3A = arith.constant 0 : i32
      %dma_start3A_72 = arith.constant 0 : i32
      %dma_start3A_73 = tpu.memref_slice %arg17[%dma_start3A, %dma_start3A_72] : memref<640x128xf32, #tpu.memory_space<vmem>> -> memref<126x128xf32, #tpu.memory_space<vmem>>
      %dma_start3A_74 = arith.constant 0 : i32
      %dma_start3A_75 = tpu.memref_slice %arg18[%mul3A_16, %dma_start3A_74] : memref<2016x128xf32, #tpu.memory_space<vmem_shared>> -> memref<126x128xf32, #tpu.memory_space<vmem_shared>>
      %dma_start3A_76 = arith.constant 0 : i32
      %dma_start3A_77 = tpu.memref_slice %arg18[%mul3A_16, %dma_start3A_76] : memref<2016x128xf32, #tpu.memory_space<vmem_shared>> -> memref<126x128xf32, #tpu.memory_space<vmem_shared>>
      %dma_start3A_78 = arith.constant 0 : i32
      %dma_start3A_79 = arith.constant 0 : i32
      %dma_start3A_80 = tpu.memref_slice %arg17[%dma_start3A_78, %dma_start3A_79] : memref<640x128xf32, #tpu.memory_space<vmem>> -> memref<126x128xf32, #tpu.memory_space<vmem>>
      tpu.enqueue_dma source(%dma_start3A_80 : memref<126x128xf32, #tpu.memory_space<vmem>>) target(%dma_start3A_77 : memref<126x128xf32, #tpu.memory_space<vmem_shared>>) target_semaphore(%run_scoped3A_71 : memref<!tpu.dma_semaphore, #tpu.memory_space<semaphore_mem>>)
      %dma_wait3A = arith.constant 0 : i32
      %dma_wait3A_81 = arith.constant 0 : i32
      %dma_wait3A_82 = tpu.memref_slice %arg17[%dma_wait3A, %dma_wait3A_81] : memref<640x128xf32, #tpu.memory_space<vmem>> -> memref<126x128xf32, #tpu.memory_space<vmem>>
      %dma_wait3A_83 = arith.constant 0 : i32
      %dma_wait3A_84 = tpu.memref_slice %arg18[%mul3A_16, %dma_wait3A_83] : memref<2016x128xf32, #tpu.memory_space<vmem_shared>> -> memref<126x128xf32, #tpu.memory_space<vmem_shared>>
      %dma_wait3A_85 = arith.constant 0 : i32
      %dma_wait3A_86 = tpu.memref_slice %arg18[%mul3A_16, %dma_wait3A_85] : memref<2016x128xf32, #tpu.memory_space<vmem_shared>> -> memref<126x128xf32, #tpu.memory_space<vmem_shared>>
      %dma_wait3A_87 = arith.constant 0 : i32
      %dma_wait3A_88 = arith.constant 0 : i32
      %dma_wait3A_89 = tpu.memref_slice %arg17[%dma_wait3A_87, %dma_wait3A_88] : memref<640x128xf32, #tpu.memory_space<vmem>> -> memref<126x128xf32, #tpu.memory_space<vmem>>
      tpu.wait_dma2 semaphore(%run_scoped3A_71 : memref<!tpu.dma_semaphore, #tpu.memory_space<semaphore_mem>>) src(%dma_wait3A_89 : memref<126x128xf32, #tpu.memory_space<vmem>>) dst(%dma_wait3A_86 : memref<126x128xf32, #tpu.memory_space<vmem_shared>>)
      tpu.yield
    }) : () -> ()
    %barrier3A = arith.constant 0 : index
    tpu.barrier barrier_id(%barrier3A)
    %iota3A = tpu.iota {dimensions = array<i32: 0>} : vector<16xi32>
    %jit3A = arith.constant 4 : i32
    %div3A = vector.broadcast %jit3A : i32 to vector<16xi32>
    %div3A_17 = arith.divsi %iota3A, %div3A : vector<16xi32>
    %sign3A = arith.constant 0 : i32
    %sign3A_18 = vector.broadcast %sign3A : i32 to vector<16xi32>
    %sign3A_19 = arith.cmpi sgt, %iota3A, %sign3A_18 : vector<16xi32>
    %sign3A_20 = arith.extui %sign3A_19 : vector<16xi1> to vector<16xi32>
    %sign3A_21 = arith.constant 0 : i32
    %sign3A_22 = vector.broadcast %sign3A_21 : i32 to vector<16xi32>
    %sign3A_23 = arith.cmpi slt, %iota3A, %sign3A_22 : vector<16xi32>
    %sign3A_24 = arith.extui %sign3A_23 : vector<16xi1> to vector<16xi32>
    %sign3A_25 = arith.subi %sign3A_20, %sign3A_24 : vector<16xi32>
    %sign3A_26 = arith.constant 0 : i32
    %sign3A_27 = arith.cmpi sgt, %jit3A, %sign3A_26 : i32
    %sign3A_28 = arith.extui %sign3A_27 : i1 to i32
    %sign3A_29 = arith.constant 0 : i32
    %sign3A_30 = arith.cmpi slt, %jit3A, %sign3A_29 : i32
    %sign3A_31 = arith.extui %sign3A_30 : i1 to i32
    %sign3A_32 = arith.subi %sign3A_28, %sign3A_31 : i32
    %ne3A = vector.broadcast %sign3A_32 : i32 to vector<16xi32>
    %ne3A_33 = arith.cmpi ne, %sign3A_25, %ne3A : vector<16xi32>
    %rem3A = vector.broadcast %jit3A : i32 to vector<16xi32>
    %rem3A_34 = arith.remsi %iota3A, %rem3A : vector<16xi32>
    %ne3A_35 = arith.constant 0 : i32
    %ne3A_36 = vector.broadcast %ne3A_35 : i32 to vector<16xi32>
    %ne3A_37 = arith.cmpi ne, %rem3A_34, %ne3A_36 : vector<16xi32>
    %and3A = arith.andi %ne3A_33, %ne3A_37 : vector<16xi1>
    %sub3A = arith.constant 1 : i32
    %sub3A_38 = vector.broadcast %sub3A : i32 to vector<16xi32>
    %sub3A_39 = arith.subi %div3A_17, %sub3A_38 : vector<16xi32>
    %select_n3A = arith.select %and3A, %sub3A_39, %div3A_17 : vector<16xi1>, vector<16xi32>
    %jit3A_40 = arith.constant 4 : i32
    %eq3A = arith.constant 0 : i32
    %eq3A_41 = arith.cmpi eq, %jit3A_40, %eq3A : i32
    %jit3A_42 = arith.constant 1 : i32
    %select_n3A_43 = arith.select %eq3A_41, %jit3A_42, %jit3A_40 : i32
    %rem3A_44 = vector.broadcast %select_n3A_43 : i32 to vector<16xi32>
    %rem3A_45 = arith.remsi %iota3A, %rem3A_44 : vector<16xi32>
    %ne3A_46 = arith.constant 0 : i32
    %ne3A_47 = vector.broadcast %ne3A_46 : i32 to vector<16xi32>
    %ne3A_48 = arith.cmpi ne, %rem3A_45, %ne3A_47 : vector<16xi32>
    %lt3A = arith.constant 0 : i32
    %lt3A_49 = vector.broadcast %lt3A : i32 to vector<16xi32>
    %lt3A_50 = arith.cmpi slt, %rem3A_45, %lt3A_49 : vector<16xi32>
    %lt3A_51 = arith.constant 0 : i32
    %lt3A_52 = arith.cmpi slt, %select_n3A_43, %lt3A_51 : i32
    %ne3A_53 = vector.broadcast %lt3A_52 : i1 to vector<16xi1>
    %ne3A_54 = vector.broadcast %ne3A_53 : vector<16xi1> to vector<16xi1>
    %ne3A_55 = arith.xori %lt3A_50, %ne3A_54 : vector<16xi1>
    %and3A_56 = arith.andi %ne3A_55, %ne3A_48 : vector<16xi1>
    %add3A_57 = vector.broadcast %select_n3A_43 : i32 to vector<16xi32>
    %add3A_58 = arith.addi %rem3A_45, %add3A_57 : vector<16xi32>
    %select_n3A_59 = arith.select %and3A_56, %add3A_58, %rem3A_45 : vector<16xi1>, vector<16xi32>
    %scan3A_60 = arith.constant 0 : i32
    %scan3A_61 = arith.constant 0 : i32
    %scan3A_62 = arith.constant 8 : i32
    %scan3A_63 = arith.addi %scan3A_61, %scan3A_62 : i32
    %scan3A_64 = arith.constant 1 : i32
    %scan3A_65 = scf.for %scan3A_71 = %scan3A_61 to %scan3A_63 step %scan3A_64 iter_args(%scan3A_72 = %scan3A_60) -> (i32)  : i32 {
      %mul3A_73 = arith.constant 32 : i32
      %mul3A_74 = arith.muli %scan3A_71, %mul3A_73 : i32
      %add3A_75 = arith.addi %add3A, %mul3A_74 : i32
      %lt3A_76 = arith.constant 250 : i32
      %lt3A_77 = arith.cmpi slt, %add3A_75, %lt3A_76 : i32
      %min3A = arith.constant 249 : i32
      %min3A_78 = arith.minsi %add3A_75, %min3A : i32
      %mul3A_79 = arith.constant 640 : i32
      %mul3A_80 = arith.muli %min3A_78, %mul3A_79 : i32
      %dma_start3A = arith.constant 0 : i32
      %dma_start3A_81 = tpu.memref_slice %arg2[%dma_start3A, %mul3A_80] : memref<2x160000xi32, #tpu.memory_space<hbm>> -> memref<1x640xi32, #tpu.memory_space<hbm>>
      %dma_start3A_82 = tpu.memref_squeeze %dma_start3A_81 : memref<1x640xi32, #tpu.memory_space<hbm>> -> memref<640xi32, #tpu.memory_space<hbm>>
      %dma_start3A_83 = tpu.memref_slice %arg2[%dma_start3A, %mul3A_80] : memref<2x160000xi32, #tpu.memory_space<hbm>> -> memref<1x640xi32, #tpu.memory_space<hbm>>
      %dma_start3A_84 = tpu.memref_squeeze %dma_start3A_83 : memref<1x640xi32, #tpu.memory_space<hbm>> -> memref<640xi32, #tpu.memory_space<hbm>>
      tpu.enqueue_dma source(%dma_start3A_84 : memref<640xi32, #tpu.memory_space<hbm>>) target(%arg10 : memref<640xi32, #tpu.memory_space<vmem>>) target_semaphore(%arg19 : memref<!tpu.dma_semaphore, #tpu.memory_space<semaphore_mem>>)
      %dma_start3A_85 = arith.constant 1 : i32
      %dma_start3A_86 = tpu.memref_slice %arg2[%dma_start3A_85, %mul3A_80] : memref<2x160000xi32, #tpu.memory_space<hbm>> -> memref<1x640xi32, #tpu.memory_space<hbm>>
      %dma_start3A_87 = tpu.memref_squeeze %dma_start3A_86 : memref<1x640xi32, #tpu.memory_space<hbm>> -> memref<640xi32, #tpu.memory_space<hbm>>
      %dma_start3A_88 = tpu.memref_slice %arg2[%dma_start3A_85, %mul3A_80] : memref<2x160000xi32, #tpu.memory_space<hbm>> -> memref<1x640xi32, #tpu.memory_space<hbm>>
      %dma_start3A_89 = tpu.memref_squeeze %dma_start3A_88 : memref<1x640xi32, #tpu.memory_space<hbm>> -> memref<640xi32, #tpu.memory_space<hbm>>
      tpu.enqueue_dma source(%dma_start3A_89 : memref<640xi32, #tpu.memory_space<hbm>>) target(%arg11 : memref<640xi32, #tpu.memory_space<vmem>>) target_semaphore(%arg19 : memref<!tpu.dma_semaphore, #tpu.memory_space<semaphore_mem>>)
      %dma_start3A_90 = tpu.memref_slice %arg3[%mul3A_80] : memref<160000xf32, #tpu.memory_space<hbm>> -> memref<640xf32, #tpu.memory_space<hbm>>
      %dma_start3A_91 = tpu.memref_slice %arg3[%mul3A_80] : memref<160000xf32, #tpu.memory_space<hbm>> -> memref<640xf32, #tpu.memory_space<hbm>>
      tpu.enqueue_dma source(%dma_start3A_91 : memref<640xf32, #tpu.memory_space<hbm>>) target(%arg12 : memref<640xf32, #tpu.memory_space<vmem>>) target_semaphore(%arg19 : memref<!tpu.dma_semaphore, #tpu.memory_space<semaphore_mem>>)
      %mul3A_92 = arith.constant 4 : i32
      %mul3A_93 = arith.muli %mul3A_80, %mul3A_92 : i32
      %dma_start3A_94 = tpu.memref_slice %arg4[%mul3A_93] : memref<640000xf32, #tpu.memory_space<hbm>> -> memref<2560xf32, #tpu.memory_space<hbm>>
      %dma_start3A_95 = tpu.memref_slice %arg4[%mul3A_93] : memref<640000xf32, #tpu.memory_space<hbm>> -> memref<2560xf32, #tpu.memory_space<hbm>>
      tpu.enqueue_dma source(%dma_start3A_95 : memref<2560xf32, #tpu.memory_space<hbm>>) target(%arg13 : memref<2560xf32, #tpu.memory_space<vmem>>) target_semaphore(%arg19 : memref<!tpu.dma_semaphore, #tpu.memory_space<semaphore_mem>>)
      %dma_wait3A = arith.constant 0 : i32
      %dma_wait3A_96 = tpu.memref_slice %arg2[%dma_wait3A, %mul3A_80] : memref<2x160000xi32, #tpu.memory_space<hbm>> -> memref<1x640xi32, #tpu.memory_space<hbm>>
      %dma_wait3A_97 = tpu.memref_squeeze %dma_wait3A_96 : memref<1x640xi32, #tpu.memory_space<hbm>> -> memref<640xi32, #tpu.memory_space<hbm>>
      %dma_wait3A_98 = tpu.memref_slice %arg2[%dma_wait3A, %mul3A_80] : memref<2x160000xi32, #tpu.memory_space<hbm>> -> memref<1x640xi32, #tpu.memory_space<hbm>>
      %dma_wait3A_99 = tpu.memref_squeeze %dma_wait3A_98 : memref<1x640xi32, #tpu.memory_space<hbm>> -> memref<640xi32, #tpu.memory_space<hbm>>
      tpu.wait_dma2 semaphore(%arg19 : memref<!tpu.dma_semaphore, #tpu.memory_space<semaphore_mem>>) src(%dma_wait3A_99 : memref<640xi32, #tpu.memory_space<hbm>>) dst(%arg10 : memref<640xi32, #tpu.memory_space<vmem>>)
      %dma_wait3A_100 = arith.constant 1 : i32
      %dma_wait3A_101 = tpu.memref_slice %arg2[%dma_wait3A_100, %mul3A_80] : memref<2x160000xi32, #tpu.memory_space<hbm>> -> memref<1x640xi32, #tpu.memory_space<hbm>>
      %dma_wait3A_102 = tpu.memref_squeeze %dma_wait3A_101 : memref<1x640xi32, #tpu.memory_space<hbm>> -> memref<640xi32, #tpu.memory_space<hbm>>
      %dma_wait3A_103 = tpu.memref_slice %arg2[%dma_wait3A_100, %mul3A_80] : memref<2x160000xi32, #tpu.memory_space<hbm>> -> memref<1x640xi32, #tpu.memory_space<hbm>>
      %dma_wait3A_104 = tpu.memref_squeeze %dma_wait3A_103 : memref<1x640xi32, #tpu.memory_space<hbm>> -> memref<640xi32, #tpu.memory_space<hbm>>
      tpu.wait_dma2 semaphore(%arg19 : memref<!tpu.dma_semaphore, #tpu.memory_space<semaphore_mem>>) src(%dma_wait3A_104 : memref<640xi32, #tpu.memory_space<hbm>>) dst(%arg11 : memref<640xi32, #tpu.memory_space<vmem>>)
      %dma_wait3A_105 = tpu.memref_slice %arg3[%mul3A_80] : memref<160000xf32, #tpu.memory_space<hbm>> -> memref<640xf32, #tpu.memory_space<hbm>>
      %dma_wait3A_106 = tpu.memref_slice %arg3[%mul3A_80] : memref<160000xf32, #tpu.memory_space<hbm>> -> memref<640xf32, #tpu.memory_space<hbm>>
      tpu.wait_dma2 semaphore(%arg19 : memref<!tpu.dma_semaphore, #tpu.memory_space<semaphore_mem>>) src(%dma_wait3A_106 : memref<640xf32, #tpu.memory_space<hbm>>) dst(%arg12 : memref<640xf32, #tpu.memory_space<vmem>>)
      %dma_wait3A_107 = tpu.memref_slice %arg4[%mul3A_93] : memref<640000xf32, #tpu.memory_space<hbm>> -> memref<2560xf32, #tpu.memory_space<hbm>>
      %dma_wait3A_108 = tpu.memref_slice %arg4[%mul3A_93] : memref<640000xf32, #tpu.memory_space<hbm>> -> memref<2560xf32, #tpu.memory_space<hbm>>
      tpu.wait_dma2 semaphore(%arg19 : memref<!tpu.dma_semaphore, #tpu.memory_space<semaphore_mem>>) src(%dma_wait3A_108 : memref<2560xf32, #tpu.memory_space<hbm>>) dst(%arg13 : memref<2560xf32, #tpu.memory_space<vmem>>)
      %scan3A_109 = arith.constant 0 : i32
      %scan3A_110 = arith.constant 0 : i32
      %scan3A_111 = arith.constant 40 : i32
      %scan3A_112 = arith.addi %scan3A_110, %scan3A_111 : i32
      %scan3A_113 = arith.constant 1 : i32
      %scan3A_114 = scf.for %scan3A_331 = %scan3A_110 to %scan3A_112 step %scan3A_113 iter_args(%scan3A_332 = %scan3A_109) -> (i32)  : i32 {
        %mul3A_333 = arith.constant 16 : i32
        %mul3A_334 = arith.muli %scan3A_331, %mul3A_333 : i32
        %get3A = arith.index_cast %mul3A_334 : i32 to index
        %get3A_335 = tpu.vector_load %arg10[%get3A] {strides = array<i32>} : memref<640xi32, #tpu.memory_space<vmem>>, vector<16xi32>,
        %get3A_336 = arith.index_cast %mul3A_334 : i32 to index
        %get3A_337 = tpu.vector_load %arg11[%get3A_336] {strides = array<i32>} : memref<640xi32, #tpu.memory_space<vmem>>, vector<16xi32>,
        %broadcast_in_dim3A = arith.constant true
        %broadcast_in_dim3A_338 = vector.broadcast %broadcast_in_dim3A : i1 to vector<16xi1>
        %and3A_339 = vector.broadcast %lt3A_77 : i1 to vector<16xi1>
        %and3A_340 = arith.andi %broadcast_in_dim3A_338, %and3A_339 : vector<16xi1>
        %and3A_341 = arith.constant 15 : i32
        %and3A_342 = vector.broadcast %and3A_341 : i32 to vector<16xi32>
        %and3A_343 = arith.andi %get3A_337, %and3A_342 : vector<16xi32>
        %add3A_344 = arith.constant 2000 : i32
        %add3A_345 = vector.broadcast %add3A_344 : i32 to vector<16xi32>
        %add3A_346 = arith.addi %add3A_345, %and3A_343 : vector<16xi32>
        %select_n3A_347 = arith.select %and3A_340, %get3A_337, %add3A_346 : vector<16xi1>, vector<16xi32>
        %jit3A_348 = arith.constant 8 : i32
        %div3A_349 = arith.divsi %scan3A_331, %jit3A_348 : i32
        %sign3A_350 = arith.constant 0 : i32
        %sign3A_351 = arith.cmpi sgt, %scan3A_331, %sign3A_350 : i32
        %sign3A_352 = arith.extui %sign3A_351 : i1 to i32
        %sign3A_353 = arith.constant 0 : i32
        %sign3A_354 = arith.cmpi slt, %scan3A_331, %sign3A_353 : i32
        %sign3A_355 = arith.extui %sign3A_354 : i1 to i32
        %sign3A_356 = arith.subi %sign3A_352, %sign3A_355 : i32
        %sign3A_357 = arith.constant 0 : i32
        %sign3A_358 = arith.cmpi sgt, %jit3A_348, %sign3A_357 : i32
        %sign3A_359 = arith.extui %sign3A_358 : i1 to i32
        %sign3A_360 = arith.constant 0 : i32
        %sign3A_361 = arith.cmpi slt, %jit3A_348, %sign3A_360 : i32
        %sign3A_362 = arith.extui %sign3A_361 : i1 to i32
        %sign3A_363 = arith.subi %sign3A_359, %sign3A_362 : i32
        %ne3A_364 = arith.cmpi ne, %sign3A_356, %sign3A_363 : i32
        %rem3A_365 = arith.remsi %scan3A_331, %jit3A_348 : i32
        %ne3A_366 = arith.constant 0 : i32
        %ne3A_367 = arith.cmpi ne, %rem3A_365, %ne3A_366 : i32
        %and3A_368 = arith.andi %ne3A_364, %ne3A_367 : i1
        %sub3A_369 = arith.constant 1 : i32
        %sub3A_370 = arith.subi %div3A_349, %sub3A_369 : i32
        %select_n3A_371 = arith.select %and3A_368, %sub3A_370, %div3A_349 : i32
        %jit3A_372 = arith.constant 8 : i32
        %eq3A_373 = arith.constant 0 : i32
        %eq3A_374 = arith.cmpi eq, %jit3A_372, %eq3A_373 : i32
        %jit3A_375 = arith.constant 1 : i32
        %select_n3A_376 = arith.select %eq3A_374, %jit3A_375, %jit3A_372 : i32
        %rem3A_377 = arith.remsi %scan3A_331, %select_n3A_376 : i32
        %ne3A_378 = arith.constant 0 : i32
        %ne3A_379 = arith.cmpi ne, %rem3A_377, %ne3A_378 : i32
        %lt3A_380 = arith.constant 0 : i32
        %lt3A_381 = arith.cmpi slt, %rem3A_377, %lt3A_380 : i32
        %lt3A_382 = arith.constant 0 : i32
        %lt3A_383 = arith.cmpi slt, %select_n3A_376, %lt3A_382 : i32
        %ne3A_384 = arith.xori %lt3A_381, %lt3A_383 : i1
        %and3A_385 = arith.andi %ne3A_384, %ne3A_379 : i1
        %add3A_386 = arith.addi %rem3A_377, %select_n3A_376 : i32
        %select_n3A_387 = arith.select %and3A_385, %add3A_386, %rem3A_377 : i32
        %mul3A_388 = arith.constant 16 : i32
        %mul3A_389 = arith.muli %select_n3A_387, %mul3A_388 : i32
        %swap3A = arith.index_cast %select_n3A_371 : i32 to index
        %swap3A_390 = arith.index_cast %mul3A_389 : i32 to index
        %swap3A_391 = tpu.vector_load %arg15[%swap3A, %swap3A_390] {strides = array<i32>} : memref<5x128xi32, #tpu.memory_space<vmem>>, vector<16xi32>,
        tpu.vector_store %arg15[%swap3A, %swap3A_390], %get3A_335 {strides = array<i32>} : memref<5x128xi32, #tpu.memory_space<vmem>>, vector<16xi32>,
        %jit3A_392 = arith.constant 8 : i32
        %div3A_393 = arith.divsi %scan3A_331, %jit3A_392 : i32
        %sign3A_394 = arith.constant 0 : i32
        %sign3A_395 = arith.cmpi sgt, %scan3A_331, %sign3A_394 : i32
        %sign3A_396 = arith.extui %sign3A_395 : i1 to i32
        %sign3A_397 = arith.constant 0 : i32
        %sign3A_398 = arith.cmpi slt, %scan3A_331, %sign3A_397 : i32
        %sign3A_399 = arith.extui %sign3A_398 : i1 to i32
        %sign3A_400 = arith.subi %sign3A_396, %sign3A_399 : i32
        %sign3A_401 = arith.constant 0 : i32
        %sign3A_402 = arith.cmpi sgt, %jit3A_392, %sign3A_401 : i32
        %sign3A_403 = arith.extui %sign3A_402 : i1 to i32
        %sign3A_404 = arith.constant 0 : i32
        %sign3A_405 = arith.cmpi slt, %jit3A_392, %sign3A_404 : i32
        %sign3A_406 = arith.extui %sign3A_405 : i1 to i32
        %sign3A_407 = arith.subi %sign3A_403, %sign3A_406 : i32
        %ne3A_408 = arith.cmpi ne, %sign3A_400, %sign3A_407 : i32
        %rem3A_409 = arith.remsi %scan3A_331, %jit3A_392 : i32
        %ne3A_410 = arith.constant 0 : i32
        %ne3A_411 = arith.cmpi ne, %rem3A_409, %ne3A_410 : i32
        %and3A_412 = arith.andi %ne3A_408, %ne3A_411 : i1
        %sub3A_413 = arith.constant 1 : i32
        %sub3A_414 = arith.subi %div3A_393, %sub3A_413 : i32
        %select_n3A_415 = arith.select %and3A_412, %sub3A_414, %div3A_393 : i32
        %jit3A_416 = arith.constant 8 : i32
        %eq3A_417 = arith.constant 0 : i32
        %eq3A_418 = arith.cmpi eq, %jit3A_416, %eq3A_417 : i32
        %jit3A_419 = arith.constant 1 : i32
        %select_n3A_420 = arith.select %eq3A_418, %jit3A_419, %jit3A_416 : i32
        %rem3A_421 = arith.remsi %scan3A_331, %select_n3A_420 : i32
        %ne3A_422 = arith.constant 0 : i32
        %ne3A_423 = arith.cmpi ne, %rem3A_421, %ne3A_422 : i32
        %lt3A_424 = arith.constant 0 : i32
        %lt3A_425 = arith.cmpi slt, %rem3A_421, %lt3A_424 : i32
        %lt3A_426 = arith.constant 0 : i32
        %lt3A_427 = arith.cmpi slt, %select_n3A_420, %lt3A_426 : i32
        %ne3A_428 = arith.xori %lt3A_425, %lt3A_427 : i1
        %and3A_429 = arith.andi %ne3A_428, %ne3A_423 : i1
        %add3A_430 = arith.addi %rem3A_421, %select_n3A_420 : i32
        %select_n3A_431 = arith.select %and3A_429, %add3A_430, %rem3A_421 : i32
        %mul3A_432 = arith.constant 16 : i32
        %mul3A_433 = arith.muli %select_n3A_431, %mul3A_432 : i32
        %swap3A_434 = arith.index_cast %select_n3A_415 : i32 to index
        %swap3A_435 = arith.index_cast %mul3A_433 : i32 to index
        %swap3A_436 = tpu.vector_load %arg16[%swap3A_434, %swap3A_435] {strides = array<i32>} : memref<5x128xi32, #tpu.memory_space<vmem>>, vector<16xi32>,
        tpu.vector_store %arg16[%swap3A_434, %swap3A_435], %select_n3A_347 {strides = array<i32>} : memref<5x128xi32, #tpu.memory_space<vmem>>, vector<16xi32>,
        %scan3A_437 = arith.constant 0 : i32
        scf.yield %scan3A_437 : i32
      }
      %scan3A_115 = arith.constant 40 : i32
      %dma_start3A_116 = arith.constant 0 : i32
      %dma_start3A_117 = arith.constant 0 : i32
      %dma_start3A_118 = arith.constant 0 : i32
      %dma_start3A_119 = tpu.memref_slice %arg17[%dma_start3A_117, %dma_start3A_118] : memref<640x128xf32, #tpu.memory_space<vmem>> -> memref<128x128xf32, #tpu.memory_space<vmem>>
      %dma_start3A_120 = arith.constant 0 : i32
      %dma_start3A_121 = tpu.memref_slice %arg15[%dma_start3A_116, %dma_start3A_120] : memref<5x128xi32, #tpu.memory_space<vmem>> -> memref<1x128xi32, #tpu.memory_space<vmem>>
      %dma_start3A_122 = tpu.memref_squeeze %dma_start3A_121 : memref<1x128xi32, #tpu.memory_space<vmem>> -> memref<128xi32, #tpu.memory_space<vmem>>
      %dma_start3A_123 = arith.constant 0 : i32
      %dma_start3A_124 = arith.constant 0 : i32
      %dma_start3A_125 = tpu.memref_slice %arg6[%dma_start3A_123, %dma_start3A_124] : memref<2000x128xf32, #tpu.memory_space<hbm>> -> memref<2000x128xf32, #tpu.memory_space<hbm>>
      tpu.enqueue_indirect_dma source(%dma_start3A_125 : memref<2000x128xf32, #tpu.memory_space<hbm>>) target(%dma_start3A_119 : memref<128x128xf32, #tpu.memory_space<vmem>>) offsets(%dma_start3A_122 : memref<128xi32, #tpu.memory_space<vmem>>) semaphore(%arg20 : memref<!tpu.dma_semaphore, #tpu.memory_space<semaphore_mem>>)
      %dma_start3A_126 = arith.constant 1 : i32
      %dma_start3A_127 = arith.constant 128 : i32
      %dma_start3A_128 = arith.constant 0 : i32
      %dma_start3A_129 = tpu.memref_slice %arg17[%dma_start3A_127, %dma_start3A_128] : memref<640x128xf32, #tpu.memory_space<vmem>> -> memref<128x128xf32, #tpu.memory_space<vmem>>
      %dma_start3A_130 = arith.constant 0 : i32
      %dma_start3A_131 = tpu.memref_slice %arg15[%dma_start3A_126, %dma_start3A_130] : memref<5x128xi32, #tpu.memory_space<vmem>> -> memref<1x128xi32, #tpu.memory_space<vmem>>
      %dma_start3A_132 = tpu.memref_squeeze %dma_start3A_131 : memref<1x128xi32, #tpu.memory_space<vmem>> -> memref<128xi32, #tpu.memory_space<vmem>>
      %dma_start3A_133 = arith.constant 0 : i32
      %dma_start3A_134 = arith.constant 0 : i32
      %dma_start3A_135 = tpu.memref_slice %arg6[%dma_start3A_133, %dma_start3A_134] : memref<2000x128xf32, #tpu.memory_space<hbm>> -> memref<2000x128xf32, #tpu.memory_space<hbm>>
      tpu.enqueue_indirect_dma source(%dma_start3A_135 : memref<2000x128xf32, #tpu.memory_space<hbm>>) target(%dma_start3A_129 : memref<128x128xf32, #tpu.memory_space<vmem>>) offsets(%dma_start3A_132 : memref<128xi32, #tpu.memory_space<vmem>>) semaphore(%arg20 : memref<!tpu.dma_semaphore, #tpu.memory_space<semaphore_mem>>)
      %dma_start3A_136 = arith.constant 2 : i32
      %dma_start3A_137 = arith.constant 256 : i32
      %dma_start3A_138 = arith.constant 0 : i32
      %dma_start3A_139 = tpu.memref_slice %arg17[%dma_start3A_137, %dma_start3A_138] : memref<640x128xf32, #tpu.memory_space<vmem>> -> memref<128x128xf32, #tpu.memory_space<vmem>>
      %dma_start3A_140 = arith.constant 0 : i32
      %dma_start3A_141 = tpu.memref_slice %arg15[%dma_start3A_136, %dma_start3A_140] : memref<5x128xi32, #tpu.memory_space<vmem>> -> memref<1x128xi32, #tpu.memory_space<vmem>>
      %dma_start3A_142 = tpu.memref_squeeze %dma_start3A_141 : memref<1x128xi32, #tpu.memory_space<vmem>> -> memref<128xi32, #tpu.memory_space<vmem>>
      %dma_start3A_143 = arith.constant 0 : i32
      %dma_start3A_144 = arith.constant 0 : i32
      %dma_start3A_145 = tpu.memref_slice %arg6[%dma_start3A_143, %dma_start3A_144] : memref<2000x128xf32, #tpu.memory_space<hbm>> -> memref<2000x128xf32, #tpu.memory_space<hbm>>
      tpu.enqueue_indirect_dma source(%dma_start3A_145 : memref<2000x128xf32, #tpu.memory_space<hbm>>) target(%dma_start3A_139 : memref<128x128xf32, #tpu.memory_space<vmem>>) offsets(%dma_start3A_142 : memref<128xi32, #tpu.memory_space<vmem>>) semaphore(%arg20 : memref<!tpu.dma_semaphore, #tpu.memory_space<semaphore_mem>>)
      %dma_start3A_146 = arith.constant 3 : i32
      %dma_start3A_147 = arith.constant 384 : i32
      %dma_start3A_148 = arith.constant 0 : i32
      %dma_start3A_149 = tpu.memref_slice %arg17[%dma_start3A_147, %dma_start3A_148] : memref<640x128xf32, #tpu.memory_space<vmem>> -> memref<128x128xf32, #tpu.memory_space<vmem>>
      %dma_start3A_150 = arith.constant 0 : i32
      %dma_start3A_151 = tpu.memref_slice %arg15[%dma_start3A_146, %dma_start3A_150] : memref<5x128xi32, #tpu.memory_space<vmem>> -> memref<1x128xi32, #tpu.memory_space<vmem>>
      %dma_start3A_152 = tpu.memref_squeeze %dma_start3A_151 : memref<1x128xi32, #tpu.memory_space<vmem>> -> memref<128xi32, #tpu.memory_space<vmem>>
      %dma_start3A_153 = arith.constant 0 : i32
      %dma_start3A_154 = arith.constant 0 : i32
      %dma_start3A_155 = tpu.memref_slice %arg6[%dma_start3A_153, %dma_start3A_154] : memref<2000x128xf32, #tpu.memory_space<hbm>> -> memref<2000x128xf32, #tpu.memory_space<hbm>>
      tpu.enqueue_indirect_dma source(%dma_start3A_155 : memref<2000x128xf32, #tpu.memory_space<hbm>>) target(%dma_start3A_149 : memref<128x128xf32, #tpu.memory_space<vmem>>) offsets(%dma_start3A_152 : memref<128xi32, #tpu.memory_space<vmem>>) semaphore(%arg20 : memref<!tpu.dma_semaphore, #tpu.memory_space<semaphore_mem>>)
      %dma_start3A_156 = arith.constant 4 : i32
      %dma_start3A_157 = arith.constant 512 : i32
      %dma_start3A_158 = arith.constant 0 : i32
      %dma_start3A_159 = tpu.memref_slice %arg17[%dma_start3A_157, %dma_start3A_158] : memref<640x128xf32, #tpu.memory_space<vmem>> -> memref<128x128xf32, #tpu.memory_space<vmem>>
      %dma_start3A_160 = arith.constant 0 : i32
      %dma_start3A_161 = tpu.memref_slice %arg15[%dma_start3A_156, %dma_start3A_160] : memref<5x128xi32, #tpu.memory_space<vmem>> -> memref<1x128xi32, #tpu.memory_space<vmem>>
      %dma_start3A_162 = tpu.memref_squeeze %dma_start3A_161 : memref<1x128xi32, #tpu.memory_space<vmem>> -> memref<128xi32, #tpu.memory_space<vmem>>
      %dma_start3A_163 = arith.constant 0 : i32
      %dma_start3A_164 = arith.constant 0 : i32
      %dma_start3A_165 = tpu.memref_slice %arg6[%dma_start3A_163, %dma_start3A_164] : memref<2000x128xf32, #tpu.memory_space<hbm>> -> memref<2000x128xf32, #tpu.memory_space<hbm>>
      tpu.enqueue_indirect_dma source(%dma_start3A_165 : memref<2000x128xf32, #tpu.memory_space<hbm>>) target(%dma_start3A_159 : memref<128x128xf32, #tpu.memory_space<vmem>>) offsets(%dma_start3A_162 : memref<128xi32, #tpu.memory_space<vmem>>) semaphore(%arg20 : memref<!tpu.dma_semaphore, #tpu.memory_space<semaphore_mem>>)
      %scan3A_166 = arith.constant 0 : i32
      %scan3A_167 = arith.constant 0 : i32
      %scan3A_168 = arith.constant 160 : i32
      %scan3A_169 = arith.addi %scan3A_167, %scan3A_168 : i32
      %scan3A_170 = arith.constant 1 : i32
      %scan3A_171 = scf.for %scan3A_331 = %scan3A_167 to %scan3A_169 step %scan3A_170 iter_args(%scan3A_332 = %scan3A_166) -> (i32)  : i32 {
        %mul3A_333 = arith.constant 16 : i32
        %mul3A_334 = arith.muli %scan3A_331, %mul3A_333 : i32
        %mul3A_335 = arith.constant 4 : i32
        %mul3A_336 = arith.muli %scan3A_331, %mul3A_335 : i32
        %add3A_337 = vector.broadcast %mul3A_336 : i32 to vector<16xi32>
        %add3A_338 = arith.addi %add3A_337, %select_n3A : vector<16xi32>
        %gather3A = tpu.vector_load_idx %arg11[%add3A_338] : memref<640xi32, #tpu.memory_space<vmem>>[vector<16xi32>], vector<16xi32>,
        %gather3A_339 = tpu.vector_load_idx %arg12[%add3A_338] : memref<640xf32, #tpu.memory_space<vmem>>[vector<16xi32>], vector<16xf32>,
        %get3A = arith.index_cast %mul3A_334 : i32 to index
        %get3A_340 = tpu.vector_load %arg13[%get3A] {strides = array<i32>} : memref<2560xf32, #tpu.memory_space<vmem>>, vector<16xf32>,
        %mul3A_341 = arith.constant 2048 : i32
        %mul3A_342 = vector.broadcast %mul3A_341 : i32 to vector<16xi32>
        %mul3A_343 = arith.muli %select_n3A_59, %mul3A_342 : vector<16xi32>
        %add3A_344 = arith.addi %mul3A_343, %gather3A : vector<16xi32>
        %gather3A_345 = tpu.vector_load_idx %arg8[%add3A_344] : memref<8192xf32, #tpu.memory_space<vmem>>[vector<16xi32>], vector<16xf32>,
        %add3A_346 = arith.constant 1.000000e-16 : f32
        %add3A_347 = vector.broadcast %add3A_346 : f32 to vector<16xf32>
        %add3A_348 = arith.addf %gather3A_345, %add3A_347 : vector<16xf32>
        %div3A_349 = arith.divf %get3A_340, %add3A_348 : vector<16xf32>
        %mul3A_350 = arith.mulf %div3A_349, %gather3A_339 : vector<16xf32>
        %broadcast_in_dim3A = arith.constant true
        %broadcast_in_dim3A_351 = vector.broadcast %broadcast_in_dim3A : i1 to vector<16xi1>
        %and3A_352 = vector.broadcast %lt3A_77 : i1 to vector<16xi1>
        %and3A_353 = arith.andi %broadcast_in_dim3A_351, %and3A_352 : vector<16xi1>
        %jit3A_354 = arith.constant 0.000000e+00 : f32
        %broadcast_in_dim3A_355 = vector.broadcast %jit3A_354 : f32 to vector<16xf32>
        %select_n3A_356 = arith.select %and3A_353, %mul3A_350, %broadcast_in_dim3A_355 : vector<16xi1>, vector<16xf32>
        %swap3A = arith.index_cast %mul3A_334 : i32 to index
        %swap3A_357 = tpu.vector_load %arg14[%swap3A] {strides = array<i32>} : memref<2560xf32, #tpu.memory_space<vmem>>, vector<16xf32>,
        tpu.vector_store %arg14[%swap3A], %select_n3A_356 {strides = array<i32>} : memref<2560xf32, #tpu.memory_space<vmem>>, vector<16xf32>,
        %scan3A_358 = arith.constant 0 : i32
        scf.yield %scan3A_358 : i32
      }
      %scan3A_172 = arith.constant 160 : i32
      %dma_wait3A_173 = arith.constant 0 : i32
      %dma_wait3A_174 = arith.constant 0 : i32
      %dma_wait3A_175 = arith.constant 0 : i32
      %dma_wait3A_176 = tpu.memref_slice %arg17[%dma_wait3A_174, %dma_wait3A_175] : memref<640x128xf32, #tpu.memory_space<vmem>> -> memref<128x128xf32, #tpu.memory_space<vmem>>
      %dma_wait3A_177 = arith.constant 0 : i32
      %dma_wait3A_178 = tpu.memref_slice %arg15[%dma_wait3A_173, %dma_wait3A_177] : memref<5x128xi32, #tpu.memory_space<vmem>> -> memref<1x128xi32, #tpu.memory_space<vmem>>
      %dma_wait3A_179 = tpu.memref_squeeze %dma_wait3A_178 : memref<1x128xi32, #tpu.memory_space<vmem>> -> memref<128xi32, #tpu.memory_space<vmem>>
      %dma_wait3A_180 = arith.constant 0 : i32
      %dma_wait3A_181 = arith.constant 0 : i32
      %dma_wait3A_182 = tpu.memref_slice %arg6[%dma_wait3A_180, %dma_wait3A_181] : memref<2000x128xf32, #tpu.memory_space<hbm>> -> memref<2000x128xf32, #tpu.memory_space<hbm>>
      tpu.wait_indirect_dma semaphore(%arg20 : memref<!tpu.dma_semaphore, #tpu.memory_space<semaphore_mem>>) src(%dma_wait3A_182 : memref<2000x128xf32, #tpu.memory_space<hbm>>) dst(%dma_wait3A_176 : memref<128x128xf32, #tpu.memory_space<vmem>>)
      %dma_wait3A_183 = arith.constant 1 : i32
      %dma_wait3A_184 = arith.constant 128 : i32
      %dma_wait3A_185 = arith.constant 0 : i32
      %dma_wait3A_186 = tpu.memref_slice %arg17[%dma_wait3A_184, %dma_wait3A_185] : memref<640x128xf32, #tpu.memory_space<vmem>> -> memref<128x128xf32, #tpu.memory_space<vmem>>
      %dma_wait3A_187 = arith.constant 0 : i32
      %dma_wait3A_188 = tpu.memref_slice %arg15[%dma_wait3A_183, %dma_wait3A_187] : memref<5x128xi32, #tpu.memory_space<vmem>> -> memref<1x128xi32, #tpu.memory_space<vmem>>
      %dma_wait3A_189 = tpu.memref_squeeze %dma_wait3A_188 : memref<1x128xi32, #tpu.memory_space<vmem>> -> memref<128xi32, #tpu.memory_space<vmem>>
      %dma_wait3A_190 = arith.constant 0 : i32
      %dma_wait3A_191 = arith.constant 0 : i32
      %dma_wait3A_192 = tpu.memref_slice %arg6[%dma_wait3A_190, %dma_wait3A_191] : memref<2000x128xf32, #tpu.memory_space<hbm>> -> memref<2000x128xf32, #tpu.memory_space<hbm>>
      tpu.wait_indirect_dma semaphore(%arg20 : memref<!tpu.dma_semaphore, #tpu.memory_space<semaphore_mem>>) src(%dma_wait3A_192 : memref<2000x128xf32, #tpu.memory_space<hbm>>) dst(%dma_wait3A_186 : memref<128x128xf32, #tpu.memory_space<vmem>>)
      %dma_wait3A_193 = arith.constant 2 : i32
      %dma_wait3A_194 = arith.constant 256 : i32
      %dma_wait3A_195 = arith.constant 0 : i32
      %dma_wait3A_196 = tpu.memref_slice %arg17[%dma_wait3A_194, %dma_wait3A_195] : memref<640x128xf32, #tpu.memory_space<vmem>> -> memref<128x128xf32, #tpu.memory_space<vmem>>
      %dma_wait3A_197 = arith.constant 0 : i32
      %dma_wait3A_198 = tpu.memref_slice %arg15[%dma_wait3A_193, %dma_wait3A_197] : memref<5x128xi32, #tpu.memory_space<vmem>> -> memref<1x128xi32, #tpu.memory_space<vmem>>
      %dma_wait3A_199 = tpu.memref_squeeze %dma_wait3A_198 : memref<1x128xi32, #tpu.memory_space<vmem>> -> memref<128xi32, #tpu.memory_space<vmem>>
      %dma_wait3A_200 = arith.constant 0 : i32
      %dma_wait3A_201 = arith.constant 0 : i32
      %dma_wait3A_202 = tpu.memref_slice %arg6[%dma_wait3A_200, %dma_wait3A_201] : memref<2000x128xf32, #tpu.memory_space<hbm>> -> memref<2000x128xf32, #tpu.memory_space<hbm>>
      tpu.wait_indirect_dma semaphore(%arg20 : memref<!tpu.dma_semaphore, #tpu.memory_space<semaphore_mem>>) src(%dma_wait3A_202 : memref<2000x128xf32, #tpu.memory_space<hbm>>) dst(%dma_wait3A_196 : memref<128x128xf32, #tpu.memory_space<vmem>>)
      %dma_wait3A_203 = arith.constant 3 : i32
      %dma_wait3A_204 = arith.constant 384 : i32
      %dma_wait3A_205 = arith.constant 0 : i32
      %dma_wait3A_206 = tpu.memref_slice %arg17[%dma_wait3A_204, %dma_wait3A_205] : memref<640x128xf32, #tpu.memory_space<vmem>> -> memref<128x128xf32, #tpu.memory_space<vmem>>
      %dma_wait3A_207 = arith.constant 0 : i32
      %dma_wait3A_208 = tpu.memref_slice %arg15[%dma_wait3A_203, %dma_wait3A_207] : memref<5x128xi32, #tpu.memory_space<vmem>> -> memref<1x128xi32, #tpu.memory_space<vmem>>
      %dma_wait3A_209 = tpu.memref_squeeze %dma_wait3A_208 : memref<1x128xi32, #tpu.memory_space<vmem>> -> memref<128xi32, #tpu.memory_space<vmem>>
      %dma_wait3A_210 = arith.constant 0 : i32
      %dma_wait3A_211 = arith.constant 0 : i32
      %dma_wait3A_212 = tpu.memref_slice %arg6[%dma_wait3A_210, %dma_wait3A_211] : memref<2000x128xf32, #tpu.memory_space<hbm>> -> memref<2000x128xf32, #tpu.memory_space<hbm>>
      tpu.wait_indirect_dma semaphore(%arg20 : memref<!tpu.dma_semaphore, #tpu.memory_space<semaphore_mem>>) src(%dma_wait3A_212 : memref<2000x128xf32, #tpu.memory_space<hbm>>) dst(%dma_wait3A_206 : memref<128x128xf32, #tpu.memory_space<vmem>>)
      %dma_wait3A_213 = arith.constant 4 : i32
      %dma_wait3A_214 = arith.constant 512 : i32
      %dma_wait3A_215 = arith.constant 0 : i32
      %dma_wait3A_216 = tpu.memref_slice %arg17[%dma_wait3A_214, %dma_wait3A_215] : memref<640x128xf32, #tpu.memory_space<vmem>> -> memref<128x128xf32, #tpu.memory_space<vmem>>
      %dma_wait3A_217 = arith.constant 0 : i32
      %dma_wait3A_218 = tpu.memref_slice %arg15[%dma_wait3A_213, %dma_wait3A_217] : memref<5x128xi32, #tpu.memory_space<vmem>> -> memref<1x128xi32, #tpu.memory_space<vmem>>
      %dma_wait3A_219 = tpu.memref_squeeze %dma_wait3A_218 : memref<1x128xi32, #tpu.memory_space<vmem>> -> memref<128xi32, #tpu.memory_space<vmem>>
      %dma_wait3A_220 = arith.constant 0 : i32
      %dma_wait3A_221 = arith.constant 0 : i32
      %dma_wait3A_222 = tpu.memref_slice %arg6[%dma_wait3A_220, %dma_wait3A_221] : memref<2000x128xf32, #tpu.memory_space<hbm>> -> memref<2000x128xf32, #tpu.memory_space<hbm>>
      tpu.wait_indirect_dma semaphore(%arg20 : memref<!tpu.dma_semaphore, #tpu.memory_space<semaphore_mem>>) src(%dma_wait3A_222 : memref<2000x128xf32, #tpu.memory_space<hbm>>) dst(%dma_wait3A_216 : memref<128x128xf32, #tpu.memory_space<vmem>>)
      %scan3A_223 = arith.constant 0 : i32
      %scan3A_224 = arith.constant 0 : i32
      %scan3A_225 = arith.constant 160 : i32
      %scan3A_226 = arith.addi %scan3A_224, %scan3A_225 : i32
      %scan3A_227 = arith.constant 1 : i32
      %scan3A_228 = scf.for %scan3A_331 = %scan3A_224 to %scan3A_226 step %scan3A_227 iter_args(%scan3A_332 = %scan3A_223) -> (i32)  : i32 {
        %mul3A_333 = arith.constant 4 : i32
        %mul3A_334 = arith.muli %scan3A_331, %mul3A_333 : i32
        %add3A_335 = arith.constant 0 : i32
        %add3A_336 = arith.addi %mul3A_334, %add3A_335 : i32
        %broadcast_in_dim3A = arith.constant 0 : i32
        %broadcast_in_dim3A_337 = vector.broadcast %broadcast_in_dim3A : i32 to vector<16xi32>
        %mul3A_338 = arith.constant 4 : i32
        %mul3A_339 = arith.muli %add3A_336, %mul3A_338 : i32
        %add3A_340 = arith.constant 0 : i32
        %add3A_341 = arith.addi %mul3A_339, %add3A_340 : i32
        %add3A_342 = vector.broadcast %add3A_341 : i32 to vector<16xi32>
        %add3A_343 = arith.addi %broadcast_in_dim3A_337, %add3A_342 : vector<16xi32>
        %gather3A = tpu.vector_load_idx %arg14[%add3A_343] : memref<2560xf32, #tpu.memory_space<vmem>>[vector<16xi32>], vector<16xf32>,
        %get3A = arith.index_cast %add3A_336 : i32 to index
        %get3A_344 = arith.constant 0 : index
        %get3A_345 = tpu.vector_load %arg17[%get3A, %get3A_344] {strides = array<i32>} : memref<640x128xf32, #tpu.memory_space<vmem>>, vector<16xf32>,
        %mul3A_346 = arith.mulf %get3A_345, %gather3A : vector<16xf32>
        %swap3A = arith.index_cast %add3A_336 : i32 to index
        %swap3A_347 = arith.constant 0 : index
        %swap3A_348 = tpu.vector_load %arg17[%swap3A, %swap3A_347] {strides = array<i32>} : memref<640x128xf32, #tpu.memory_space<vmem>>, vector<16xf32>,
        tpu.vector_store %arg17[%swap3A, %swap3A_347], %mul3A_346 {strides = array<i32>} : memref<640x128xf32, #tpu.memory_space<vmem>>, vector<16xf32>,
        %get3A_349 = arith.index_cast %add3A_336 : i32 to index
        %get3A_350 = arith.constant 16 : index
        %get3A_351 = tpu.vector_load %arg17[%get3A_349, %get3A_350] {strides = array<i32>} : memref<640x128xf32, #tpu.memory_space<vmem>>, vector<16xf32>,
        %mul3A_352 = arith.mulf %get3A_351, %gather3A : vector<16xf32>
        %swap3A_353 = arith.index_cast %add3A_336 : i32 to index
        %swap3A_354 = arith.constant 16 : index
        %swap3A_355 = tpu.vector_load %arg17[%swap3A_353, %swap3A_354] {strides = array<i32>} : memref<640x128xf32, #tpu.memory_space<vmem>>, vector<16xf32>,
        tpu.vector_store %arg17[%swap3A_353, %swap3A_354], %mul3A_352 {strides = array<i32>} : memref<640x128xf32, #tpu.memory_space<vmem>>, vector<16xf32>,
        %broadcast_in_dim3A_356 = arith.constant 0 : i32
        %broadcast_in_dim3A_357 = vector.broadcast %broadcast_in_dim3A_356 : i32 to vector<16xi32>
        %mul3A_358 = arith.constant 4 : i32
        %mul3A_359 = arith.muli %add3A_336, %mul3A_358 : i32
        %add3A_360 = arith.constant 1 : i32
        %add3A_361 = arith.addi %mul3A_359, %add3A_360 : i32
        %add3A_362 = vector.broadcast %add3A_361 : i32 to vector<16xi32>
        %add3A_363 = arith.addi %broadcast_in_dim3A_357, %add3A_362 : vector<16xi32>
        %gather3A_364 = tpu.vector_load_idx %arg14[%add3A_363] : memref<2560xf32, #tpu.memory_space<vmem>>[vector<16xi32>], vector<16xf32>,
        %get3A_365 = arith.index_cast %add3A_336 : i32 to index
        %get3A_366 = arith.constant 32 : index
        %get3A_367 = tpu.vector_load %arg17[%get3A_365, %get3A_366] {strides = array<i32>} : memref<640x128xf32, #tpu.memory_space<vmem>>, vector<16xf32>,
        %mul3A_368 = arith.mulf %get3A_367, %gather3A_364 : vector<16xf32>
        %swap3A_369 = arith.index_cast %add3A_336 : i32 to index
        %swap3A_370 = arith.constant 32 : index
        %swap3A_371 = tpu.vector_load %arg17[%swap3A_369, %swap3A_370] {strides = array<i32>} : memref<640x128xf32, #tpu.memory_space<vmem>>, vector<16xf32>,
        tpu.vector_store %arg17[%swap3A_369, %swap3A_370], %mul3A_368 {strides = array<i32>} : memref<640x128xf32, #tpu.memory_space<vmem>>, vector<16xf32>,
        %get3A_372 = arith.index_cast %add3A_336 : i32 to index
        %get3A_373 = arith.constant 48 : index
        %get3A_374 = tpu.vector_load %arg17[%get3A_372, %get3A_373] {strides = array<i32>} : memref<640x128xf32, #tpu.memory_space<vmem>>, vector<16xf32>,
        %mul3A_375 = arith.mulf %get3A_374, %gather3A_364 : vector<16xf32>
        %swap3A_376 = arith.index_cast %add3A_336 : i32 to index
        %swap3A_377 = arith.constant 48 : index
        %swap3A_378 = tpu.vector_load %arg17[%swap3A_376, %swap3A_377] {strides = array<i32>} : memref<640x128xf32, #tpu.memory_space<vmem>>, vector<16xf32>,
        tpu.vector_store %arg17[%swap3A_376, %swap3A_377], %mul3A_375 {strides = array<i32>} : memref<640x128xf32, #tpu.memory_space<vmem>>, vector<16xf32>,
        %broadcast_in_dim3A_379 = arith.constant 0 : i32
        %broadcast_in_dim3A_380 = vector.broadcast %broadcast_in_dim3A_379 : i32 to vector<16xi32>
        %mul3A_381 = arith.constant 4 : i32
        %mul3A_382 = arith.muli %add3A_336, %mul3A_381 : i32
        %add3A_383 = arith.constant 2 : i32
        %add3A_384 = arith.addi %mul3A_382, %add3A_383 : i32
        %add3A_385 = vector.broadcast %add3A_384 : i32 to vector<16xi32>
        %add3A_386 = arith.addi %broadcast_in_dim3A_380, %add3A_385 : vector<16xi32>
        %gather3A_387 = tpu.vector_load_idx %arg14[%add3A_386] : memref<2560xf32, #tpu.memory_space<vmem>>[vector<16xi32>], vector<16xf32>,
        %get3A_388 = arith.index_cast %add3A_336 : i32 to index
        %get3A_389 = arith.constant 64 : index
        %get3A_390 = tpu.vector_load %arg17[%get3A_388, %get3A_389] {strides = array<i32>} : memref<640x128xf32, #tpu.memory_space<vmem>>, vector<16xf32>,
        %mul3A_391 = arith.mulf %get3A_390, %gather3A_387 : vector<16xf32>
        %swap3A_392 = arith.index_cast %add3A_336 : i32 to index
        %swap3A_393 = arith.constant 64 : index
        %swap3A_394 = tpu.vector_load %arg17[%swap3A_392, %swap3A_393] {strides = array<i32>} : memref<640x128xf32, #tpu.memory_space<vmem>>, vector<16xf32>,
        tpu.vector_store %arg17[%swap3A_392, %swap3A_393], %mul3A_391 {strides = array<i32>} : memref<640x128xf32, #tpu.memory_space<vmem>>, vector<16xf32>,
        %get3A_395 = arith.index_cast %add3A_336 : i32 to index
        %get3A_396 = arith.constant 80 : index
        %get3A_397 = tpu.vector_load %arg17[%get3A_395, %get3A_396] {strides = array<i32>} : memref<640x128xf32, #tpu.memory_space<vmem>>, vector<16xf32>,
        %mul3A_398 = arith.mulf %get3A_397, %gather3A_387 : vector<16xf32>
        %swap3A_399 = arith.index_cast %add3A_336 : i32 to index
        %swap3A_400 = arith.constant 80 : index
        %swap3A_401 = tpu.vector_load %arg17[%swap3A_399, %swap3A_400] {strides = array<i32>} : memref<640x128xf32, #tpu.memory_space<vmem>>, vector<16xf32>,
        tpu.vector_store %arg17[%swap3A_399, %swap3A_400], %mul3A_398 {strides = array<i32>} : memref<640x128xf32, #tpu.memory_space<vmem>>, vector<16xf32>,
        %broadcast_in_dim3A_402 = arith.constant 0 : i32
        %broadcast_in_dim3A_403 = vector.broadcast %broadcast_in_dim3A_402 : i32 to vector<16xi32>
        %mul3A_404 = arith.constant 4 : i32
        %mul3A_405 = arith.muli %add3A_336, %mul3A_404 : i32
        %add3A_406 = arith.constant 3 : i32
        %add3A_407 = arith.addi %mul3A_405, %add3A_406 : i32
        %add3A_408 = vector.broadcast %add3A_407 : i32 to vector<16xi32>
        %add3A_409 = arith.addi %broadcast_in_dim3A_403, %add3A_408 : vector<16xi32>
        %gather3A_410 = tpu.vector_load_idx %arg14[%add3A_409] : memref<2560xf32, #tpu.memory_space<vmem>>[vector<16xi32>], vector<16xf32>,
        %get3A_411 = arith.index_cast %add3A_336 : i32 to index
        %get3A_412 = arith.constant 96 : index
        %get3A_413 = tpu.vector_load %arg17[%get3A_411, %get3A_412] {strides = array<i32>} : memref<640x128xf32, #tpu.memory_space<vmem>>, vector<16xf32>,
        %mul3A_414 = arith.mulf %get3A_413, %gather3A_410 : vector<16xf32>
        %swap3A_415 = arith.index_cast %add3A_336 : i32 to index
        %swap3A_416 = arith.constant 96 : index
        %swap3A_417 = tpu.vector_load %arg17[%swap3A_415, %swap3A_416] {strides = array<i32>} : memref<640x128xf32, #tpu.memory_space<vmem>>, vector<16xf32>,
        tpu.vector_store %arg17[%swap3A_415, %swap3A_416], %mul3A_414 {strides = array<i32>} : memref<640x128xf32, #tpu.memory_space<vmem>>, vector<16xf32>,
        %get3A_418 = arith.index_cast %add3A_336 : i32 to index
        %get3A_419 = arith.constant 112 : index
        %get3A_420 = tpu.vector_load %arg17[%get3A_418, %get3A_419] {strides = array<i32>} : memref<640x128xf32, #tpu.memory_space<vmem>>, vector<16xf32>,
        %mul3A_421 = arith.mulf %get3A_420, %gather3A_410 : vector<16xf32>
        %swap3A_422 = arith.index_cast %add3A_336 : i32 to index
        %swap3A_423 = arith.constant 112 : index
        %swap3A_424 = tpu.vector_load %arg17[%swap3A_422, %swap3A_423] {strides = array<i32>} : memref<640x128xf32, #tpu.memory_space<vmem>>, vector<16xf32>,
        tpu.vector_store %arg17[%swap3A_422, %swap3A_423], %mul3A_421 {strides = array<i32>} : memref<640x128xf32, #tpu.memory_space<vmem>>, vector<16xf32>,
        %mul3A_425 = arith.constant 4 : i32
        %mul3A_426 = arith.muli %scan3A_331, %mul3A_425 : i32
        %add3A_427 = arith.constant 1 : i32
        %add3A_428 = arith.addi %mul3A_426, %add3A_427 : i32
        %broadcast_in_dim3A_429 = arith.constant 0 : i32
        %broadcast_in_dim3A_430 = vector.broadcast %broadcast_in_dim3A_429 : i32 to vector<16xi32>
        %mul3A_431 = arith.constant 4 : i32
        %mul3A_432 = arith.muli %add3A_428, %mul3A_431 : i32
        %add3A_433 = arith.constant 0 : i32
        %add3A_434 = arith.addi %mul3A_432, %add3A_433 : i32
        %add3A_435 = vector.broadcast %add3A_434 : i32 to vector<16xi32>
        %add3A_436 = arith.addi %broadcast_in_dim3A_430, %add3A_435 : vector<16xi32>
        %gather3A_437 = tpu.vector_load_idx %arg14[%add3A_436] : memref<2560xf32, #tpu.memory_space<vmem>>[vector<16xi32>], vector<16xf32>,
        %get3A_438 = arith.index_cast %add3A_428 : i32 to index
        %get3A_439 = arith.constant 0 : index
        %get3A_440 = tpu.vector_load %arg17[%get3A_438, %get3A_439] {strides = array<i32>} : memref<640x128xf32, #tpu.memory_space<vmem>>, vector<16xf32>,
        %mul3A_441 = arith.mulf %get3A_440, %gather3A_437 : vector<16xf32>
        %swap3A_442 = arith.index_cast %add3A_428 : i32 to index
        %swap3A_443 = arith.constant 0 : index
        %swap3A_444 = tpu.vector_load %arg17[%swap3A_442, %swap3A_443] {strides = array<i32>} : memref<640x128xf32, #tpu.memory_space<vmem>>, vector<16xf32>,
        tpu.vector_store %arg17[%swap3A_442, %swap3A_443], %mul3A_441 {strides = array<i32>} : memref<640x128xf32, #tpu.memory_space<vmem>>, vector<16xf32>,
        %get3A_445 = arith.index_cast %add3A_428 : i32 to index
        %get3A_446 = arith.constant 16 : index
        %get3A_447 = tpu.vector_load %arg17[%get3A_445, %get3A_446] {strides = array<i32>} : memref<640x128xf32, #tpu.memory_space<vmem>>, vector<16xf32>,
        %mul3A_448 = arith.mulf %get3A_447, %gather3A_437 : vector<16xf32>
        %swap3A_449 = arith.index_cast %add3A_428 : i32 to index
        %swap3A_450 = arith.constant 16 : index
        %swap3A_451 = tpu.vector_load %arg17[%swap3A_449, %swap3A_450] {strides = array<i32>} : memref<640x128xf32, #tpu.memory_space<vmem>>, vector<16xf32>,
        tpu.vector_store %arg17[%swap3A_449, %swap3A_450], %mul3A_448 {strides = array<i32>} : memref<640x128xf32, #tpu.memory_space<vmem>>, vector<16xf32>,
        %broadcast_in_dim3A_452 = arith.constant 0 : i32
        %broadcast_in_dim3A_453 = vector.broadcast %broadcast_in_dim3A_452 : i32 to vector<16xi32>
        %mul3A_454 = arith.constant 4 : i32
        %mul3A_455 = arith.muli %add3A_428, %mul3A_454 : i32
        %add3A_456 = arith.constant 1 : i32
        %add3A_457 = arith.addi %mul3A_455, %add3A_456 : i32
        %add3A_458 = vector.broadcast %add3A_457 : i32 to vector<16xi32>
        %add3A_459 = arith.addi %broadcast_in_dim3A_453, %add3A_458 : vector<16xi32>
        %gather3A_460 = tpu.vector_load_idx %arg14[%add3A_459] : memref<2560xf32, #tpu.memory_space<vmem>>[vector<16xi32>], vector<16xf32>,
        %get3A_461 = arith.index_cast %add3A_428 : i32 to index
        %get3A_462 = arith.constant 32 : index
        %get3A_463 = tpu.vector_load %arg17[%get3A_461, %get3A_462] {strides = array<i32>} : memref<640x128xf32, #tpu.memory_space<vmem>>, vector<16xf32>,
        %mul3A_464 = arith.mulf %get3A_463, %gather3A_460 : vector<16xf32>
        %swap3A_465 = arith.index_cast %add3A_428 : i32 to index
        %swap3A_466 = arith.constant 32 : index
        %swap3A_467 = tpu.vector_load %arg17[%swap3A_465, %swap3A_466] {strides = array<i32>} : memref<640x128xf32, #tpu.memory_space<vmem>>, vector<16xf32>,
        tpu.vector_store %arg17[%swap3A_465, %swap3A_466], %mul3A_464 {strides = array<i32>} : memref<640x128xf32, #tpu.memory_space<vmem>>, vector<16xf32>,
        %get3A_468 = arith.index_cast %add3A_428 : i32 to index
        %get3A_469 = arith.constant 48 : index
        %get3A_470 = tpu.vector_load %arg17[%get3A_468, %get3A_469] {strides = array<i32>} : memref<640x128xf32, #tpu.memory_space<vmem>>, vector<16xf32>,
        %mul3A_471 = arith.mulf %get3A_470, %gather3A_460 : vector<16xf32>
        %swap3A_472 = arith.index_cast %add3A_428 : i32 to index
        %swap3A_473 = arith.constant 48 : index
        %swap3A_474 = tpu.vector_load %arg17[%swap3A_472, %swap3A_473] {strides = array<i32>} : memref<640x128xf32, #tpu.memory_space<vmem>>, vector<16xf32>,
        tpu.vector_store %arg17[%swap3A_472, %swap3A_473], %mul3A_471 {strides = array<i32>} : memref<640x128xf32, #tpu.memory_space<vmem>>, vector<16xf32>,
        %broadcast_in_dim3A_475 = arith.constant 0 : i32
        %broadcast_in_dim3A_476 = vector.broadcast %broadcast_in_dim3A_475 : i32 to vector<16xi32>
        %mul3A_477 = arith.constant 4 : i32
        %mul3A_478 = arith.muli %add3A_428, %mul3A_477 : i32
        %add3A_479 = arith.constant 2 : i32
        %add3A_480 = arith.addi %mul3A_478, %add3A_479 : i32
        %add3A_481 = vector.broadcast %add3A_480 : i32 to vector<16xi32>
        %add3A_482 = arith.addi %broadcast_in_dim3A_476, %add3A_481 : vector<16xi32>
        %gather3A_483 = tpu.vector_load_idx %arg14[%add3A_482] : memref<2560xf32, #tpu.memory_space<vmem>>[vector<16xi32>], vector<16xf32>,
        %get3A_484 = arith.index_cast %add3A_428 : i32 to index
        %get3A_485 = arith.constant 64 : index
        %get3A_486 = tpu.vector_load %arg17[%get3A_484, %get3A_485] {strides = array<i32>} : memref<640x128xf32, #tpu.memory_space<vmem>>, vector<16xf32>,
        %mul3A_487 = arith.mulf %get3A_486, %gather3A_483 : vector<16xf32>
        %swap3A_488 = arith.index_cast %add3A_428 : i32 to index
        %swap3A_489 = arith.constant 64 : index
        %swap3A_490 = tpu.vector_load %arg17[%swap3A_488, %swap3A_489] {strides = array<i32>} : memref<640x128xf32, #tpu.memory_space<vmem>>, vector<16xf32>,
        tpu.vector_store %arg17[%swap3A_488, %swap3A_489], %mul3A_487 {strides = array<i32>} : memref<640x128xf32, #tpu.memory_space<vmem>>, vector<16xf32>,
        %get3A_491 = arith.index_cast %add3A_428 : i32 to index
        %get3A_492 = arith.constant 80 : index
        %get3A_493 = tpu.vector_load %arg17[%get3A_491, %get3A_492] {strides = array<i32>} : memref<640x128xf32, #tpu.memory_space<vmem>>, vector<16xf32>,
        %mul3A_494 = arith.mulf %get3A_493, %gather3A_483 : vector<16xf32>
        %swap3A_495 = arith.index_cast %add3A_428 : i32 to index
        %swap3A_496 = arith.constant 80 : index
        %swap3A_497 = tpu.vector_load %arg17[%swap3A_495, %swap3A_496] {strides = array<i32>} : memref<640x128xf32, #tpu.memory_space<vmem>>, vector<16xf32>,
        tpu.vector_store %arg17[%swap3A_495, %swap3A_496], %mul3A_494 {strides = array<i32>} : memref<640x128xf32, #tpu.memory_space<vmem>>, vector<16xf32>,
        %broadcast_in_dim3A_498 = arith.constant 0 : i32
        %broadcast_in_dim3A_499 = vector.broadcast %broadcast_in_dim3A_498 : i32 to vector<16xi32>
        %mul3A_500 = arith.constant 4 : i32
        %mul3A_501 = arith.muli %add3A_428, %mul3A_500 : i32
        %add3A_502 = arith.constant 3 : i32
        %add3A_503 = arith.addi %mul3A_501, %add3A_502 : i32
        %add3A_504 = vector.broadcast %add3A_503 : i32 to vector<16xi32>
        %add3A_505 = arith.addi %broadcast_in_dim3A_499, %add3A_504 : vector<16xi32>
        %gather3A_506 = tpu.vector_load_idx %arg14[%add3A_505] : memref<2560xf32, #tpu.memory_space<vmem>>[vector<16xi32>], vector<16xf32>,
        %get3A_507 = arith.index_cast %add3A_428 : i32 to index
        %get3A_508 = arith.constant 96 : index
        %get3A_509 = tpu.vector_load %arg17[%get3A_507, %get3A_508] {strides = array<i32>} : memref<640x128xf32, #tpu.memory_space<vmem>>, vector<16xf32>,
        %mul3A_510 = arith.mulf %get3A_509, %gather3A_506 : vector<16xf32>
        %swap3A_511 = arith.index_cast %add3A_428 : i32 to index
        %swap3A_512 = arith.constant 96 : index
        %swap3A_513 = tpu.vector_load %arg17[%swap3A_511, %swap3A_512] {strides = array<i32>} : memref<640x128xf32, #tpu.memory_space<vmem>>, vector<16xf32>,
        tpu.vector_store %arg17[%swap3A_511, %swap3A_512], %mul3A_510 {strides = array<i32>} : memref<640x128xf32, #tpu.memory_space<vmem>>, vector<16xf32>,
        %get3A_514 = arith.index_cast %add3A_428 : i32 to index
        %get3A_515 = arith.constant 112 : index
        %get3A_516 = tpu.vector_load %arg17[%get3A_514, %get3A_515] {strides = array<i32>} : memref<640x128xf32, #tpu.memory_space<vmem>>, vector<16xf32>,
        %mul3A_517 = arith.mulf %get3A_516, %gather3A_506 : vector<16xf32>
        %swap3A_518 = arith.index_cast %add3A_428 : i32 to index
        %swap3A_519 = arith.constant 112 : index
        %swap3A_520 = tpu.vector_load %arg17[%swap3A_518, %swap3A_519] {strides = array<i32>} : memref<640x128xf32, #tpu.memory_space<vmem>>, vector<16xf32>,
        tpu.vector_store %arg17[%swap3A_518, %swap3A_519], %mul3A_517 {strides = array<i32>} : memref<640x128xf32, #tpu.memory_space<vmem>>, vector<16xf32>,
        %mul3A_521 = arith.constant 4 : i32
        %mul3A_522 = arith.muli %scan3A_331, %mul3A_521 : i32
        %add3A_523 = arith.constant 2 : i32
        %add3A_524 = arith.addi %mul3A_522, %add3A_523 : i32
        %broadcast_in_dim3A_525 = arith.constant 0 : i32
        %broadcast_in_dim3A_526 = vector.broadcast %broadcast_in_dim3A_525 : i32 to vector<16xi32>
        %mul3A_527 = arith.constant 4 : i32
        %mul3A_528 = arith.muli %add3A_524, %mul3A_527 : i32
        %add3A_529 = arith.constant 0 : i32
        %add3A_530 = arith.addi %mul3A_528, %add3A_529 : i32
        %add3A_531 = vector.broadcast %add3A_530 : i32 to vector<16xi32>
        %add3A_532 = arith.addi %broadcast_in_dim3A_526, %add3A_531 : vector<16xi32>
        %gather3A_533 = tpu.vector_load_idx %arg14[%add3A_532] : memref<2560xf32, #tpu.memory_space<vmem>>[vector<16xi32>], vector<16xf32>,
        %get3A_534 = arith.index_cast %add3A_524 : i32 to index
        %get3A_535 = arith.constant 0 : index
        %get3A_536 = tpu.vector_load %arg17[%get3A_534, %get3A_535] {strides = array<i32>} : memref<640x128xf32, #tpu.memory_space<vmem>>, vector<16xf32>,
        %mul3A_537 = arith.mulf %get3A_536, %gather3A_533 : vector<16xf32>
        %swap3A_538 = arith.index_cast %add3A_524 : i32 to index
        %swap3A_539 = arith.constant 0 : index
        %swap3A_540 = tpu.vector_load %arg17[%swap3A_538, %swap3A_539] {strides = array<i32>} : memref<640x128xf32, #tpu.memory_space<vmem>>, vector<16xf32>,
        tpu.vector_store %arg17[%swap3A_538, %swap3A_539], %mul3A_537 {strides = array<i32>} : memref<640x128xf32, #tpu.memory_space<vmem>>, vector<16xf32>,
        %get3A_541 = arith.index_cast %add3A_524 : i32 to index
        %get3A_542 = arith.constant 16 : index
        %get3A_543 = tpu.vector_load %arg17[%get3A_541, %get3A_542] {strides = array<i32>} : memref<640x128xf32, #tpu.memory_space<vmem>>, vector<16xf32>,
        %mul3A_544 = arith.mulf %get3A_543, %gather3A_533 : vector<16xf32>
        %swap3A_545 = arith.index_cast %add3A_524 : i32 to index
        %swap3A_546 = arith.constant 16 : index
        %swap3A_547 = tpu.vector_load %arg17[%swap3A_545, %swap3A_546] {strides = array<i32>} : memref<640x128xf32, #tpu.memory_space<vmem>>, vector<16xf32>,
        tpu.vector_store %arg17[%swap3A_545, %swap3A_546], %mul3A_544 {strides = array<i32>} : memref<640x128xf32, #tpu.memory_space<vmem>>, vector<16xf32>,
        %broadcast_in_dim3A_548 = arith.constant 0 : i32
        %broadcast_in_dim3A_549 = vector.broadcast %broadcast_in_dim3A_548 : i32 to vector<16xi32>
        %mul3A_550 = arith.constant 4 : i32
        %mul3A_551 = arith.muli %add3A_524, %mul3A_550 : i32
        %add3A_552 = arith.constant 1 : i32
        %add3A_553 = arith.addi %mul3A_551, %add3A_552 : i32
        %add3A_554 = vector.broadcast %add3A_553 : i32 to vector<16xi32>
        %add3A_555 = arith.addi %broadcast_in_dim3A_549, %add3A_554 : vector<16xi32>
        %gather3A_556 = tpu.vector_load_idx %arg14[%add3A_555] : memref<2560xf32, #tpu.memory_space<vmem>>[vector<16xi32>], vector<16xf32>,
        %get3A_557 = arith.index_cast %add3A_524 : i32 to index
        %get3A_558 = arith.constant 32 : index
        %get3A_559 = tpu.vector_load %arg17[%get3A_557, %get3A_558] {strides = array<i32>} : memref<640x128xf32, #tpu.memory_space<vmem>>, vector<16xf32>,
        %mul3A_560 = arith.mulf %get3A_559, %gather3A_556 : vector<16xf32>
        %swap3A_561 = arith.index_cast %add3A_524 : i32 to index
        %swap3A_562 = arith.constant 32 : index
        %swap3A_563 = tpu.vector_load %arg17[%swap3A_561, %swap3A_562] {strides = array<i32>} : memref<640x128xf32, #tpu.memory_space<vmem>>, vector<16xf32>,
        tpu.vector_store %arg17[%swap3A_561, %swap3A_562], %mul3A_560 {strides = array<i32>} : memref<640x128xf32, #tpu.memory_space<vmem>>, vector<16xf32>,
        %get3A_564 = arith.index_cast %add3A_524 : i32 to index
        %get3A_565 = arith.constant 48 : index
        %get3A_566 = tpu.vector_load %arg17[%get3A_564, %get3A_565] {strides = array<i32>} : memref<640x128xf32, #tpu.memory_space<vmem>>, vector<16xf32>,
        %mul3A_567 = arith.mulf %get3A_566, %gather3A_556 : vector<16xf32>
        %swap3A_568 = arith.index_cast %add3A_524 : i32 to index
        %swap3A_569 = arith.constant 48 : index
        %swap3A_570 = tpu.vector_load %arg17[%swap3A_568, %swap3A_569] {strides = array<i32>} : memref<640x128xf32, #tpu.memory_space<vmem>>, vector<16xf32>,
        tpu.vector_store %arg17[%swap3A_568, %swap3A_569], %mul3A_567 {strides = array<i32>} : memref<640x128xf32, #tpu.memory_space<vmem>>, vector<16xf32>,
        %broadcast_in_dim3A_571 = arith.constant 0 : i32
        %broadcast_in_dim3A_572 = vector.broadcast %broadcast_in_dim3A_571 : i32 to vector<16xi32>
        %mul3A_573 = arith.constant 4 : i32
        %mul3A_574 = arith.muli %add3A_524, %mul3A_573 : i32
        %add3A_575 = arith.constant 2 : i32
        %add3A_576 = arith.addi %mul3A_574, %add3A_575 : i32
        %add3A_577 = vector.broadcast %add3A_576 : i32 to vector<16xi32>
        %add3A_578 = arith.addi %broadcast_in_dim3A_572, %add3A_577 : vector<16xi32>
        %gather3A_579 = tpu.vector_load_idx %arg14[%add3A_578] : memref<2560xf32, #tpu.memory_space<vmem>>[vector<16xi32>], vector<16xf32>,
        %get3A_580 = arith.index_cast %add3A_524 : i32 to index
        %get3A_581 = arith.constant 64 : index
        %get3A_582 = tpu.vector_load %arg17[%get3A_580, %get3A_581] {strides = array<i32>} : memref<640x128xf32, #tpu.memory_space<vmem>>, vector<16xf32>,
        %mul3A_583 = arith.mulf %get3A_582, %gather3A_579 : vector<16xf32>
        %swap3A_584 = arith.index_cast %add3A_524 : i32 to index
        %swap3A_585 = arith.constant 64 : index
        %swap3A_586 = tpu.vector_load %arg17[%swap3A_584, %swap3A_585] {strides = array<i32>} : memref<640x128xf32, #tpu.memory_space<vmem>>, vector<16xf32>,
        tpu.vector_store %arg17[%swap3A_584, %swap3A_585], %mul3A_583 {strides = array<i32>} : memref<640x128xf32, #tpu.memory_space<vmem>>, vector<16xf32>,
        %get3A_587 = arith.index_cast %add3A_524 : i32 to index
        %get3A_588 = arith.constant 80 : index
        %get3A_589 = tpu.vector_load %arg17[%get3A_587, %get3A_588] {strides = array<i32>} : memref<640x128xf32, #tpu.memory_space<vmem>>, vector<16xf32>,
        %mul3A_590 = arith.mulf %get3A_589, %gather3A_579 : vector<16xf32>
        %swap3A_591 = arith.index_cast %add3A_524 : i32 to index
        %swap3A_592 = arith.constant 80 : index
        %swap3A_593 = tpu.vector_load %arg17[%swap3A_591, %swap3A_592] {strides = array<i32>} : memref<640x128xf32, #tpu.memory_space<vmem>>, vector<16xf32>,
        tpu.vector_store %arg17[%swap3A_591, %swap3A_592], %mul3A_590 {strides = array<i32>} : memref<640x128xf32, #tpu.memory_space<vmem>>, vector<16xf32>,
        %broadcast_in_dim3A_594 = arith.constant 0 : i32
        %broadcast_in_dim3A_595 = vector.broadcast %broadcast_in_dim3A_594 : i32 to vector<16xi32>
        %mul3A_596 = arith.constant 4 : i32
        %mul3A_597 = arith.muli %add3A_524, %mul3A_596 : i32
        %add3A_598 = arith.constant 3 : i32
        %add3A_599 = arith.addi %mul3A_597, %add3A_598 : i32
        %add3A_600 = vector.broadcast %add3A_599 : i32 to vector<16xi32>
        %add3A_601 = arith.addi %broadcast_in_dim3A_595, %add3A_600 : vector<16xi32>
        %gather3A_602 = tpu.vector_load_idx %arg14[%add3A_601] : memref<2560xf32, #tpu.memory_space<vmem>>[vector<16xi32>], vector<16xf32>,
        %get3A_603 = arith.index_cast %add3A_524 : i32 to index
        %get3A_604 = arith.constant 96 : index
        %get3A_605 = tpu.vector_load %arg17[%get3A_603, %get3A_604] {strides = array<i32>} : memref<640x128xf32, #tpu.memory_space<vmem>>, vector<16xf32>,
        %mul3A_606 = arith.mulf %get3A_605, %gather3A_602 : vector<16xf32>
        %swap3A_607 = arith.index_cast %add3A_524 : i32 to index
        %swap3A_608 = arith.constant 96 : index
        %swap3A_609 = tpu.vector_load %arg17[%swap3A_607, %swap3A_608] {strides = array<i32>} : memref<640x128xf32, #tpu.memory_space<vmem>>, vector<16xf32>,
        tpu.vector_store %arg17[%swap3A_607, %swap3A_608], %mul3A_606 {strides = array<i32>} : memref<640x128xf32, #tpu.memory_space<vmem>>, vector<16xf32>,
        %get3A_610 = arith.index_cast %add3A_524 : i32 to index
        %get3A_611 = arith.constant 112 : index
        %get3A_612 = tpu.vector_load %arg17[%get3A_610, %get3A_611] {strides = array<i32>} : memref<640x128xf32, #tpu.memory_space<vmem>>, vector<16xf32>,
        %mul3A_613 = arith.mulf %get3A_612, %gather3A_602 : vector<16xf32>
        %swap3A_614 = arith.index_cast %add3A_524 : i32 to index
        %swap3A_615 = arith.constant 112 : index
        %swap3A_616 = tpu.vector_load %arg17[%swap3A_614, %swap3A_615] {strides = array<i32>} : memref<640x128xf32, #tpu.memory_space<vmem>>, vector<16xf32>,
        tpu.vector_store %arg17[%swap3A_614, %swap3A_615], %mul3A_613 {strides = array<i32>} : memref<640x128xf32, #tpu.memory_space<vmem>>, vector<16xf32>,
        %mul3A_617 = arith.constant 4 : i32
        %mul3A_618 = arith.muli %scan3A_331, %mul3A_617 : i32
        %add3A_619 = arith.constant 3 : i32
        %add3A_620 = arith.addi %mul3A_618, %add3A_619 : i32
        %broadcast_in_dim3A_621 = arith.constant 0 : i32
        %broadcast_in_dim3A_622 = vector.broadcast %broadcast_in_dim3A_621 : i32 to vector<16xi32>
        %mul3A_623 = arith.constant 4 : i32
        %mul3A_624 = arith.muli %add3A_620, %mul3A_623 : i32
        %add3A_625 = arith.constant 0 : i32
        %add3A_626 = arith.addi %mul3A_624, %add3A_625 : i32
        %add3A_627 = vector.broadcast %add3A_626 : i32 to vector<16xi32>
        %add3A_628 = arith.addi %broadcast_in_dim3A_622, %add3A_627 : vector<16xi32>
        %gather3A_629 = tpu.vector_load_idx %arg14[%add3A_628] : memref<2560xf32, #tpu.memory_space<vmem>>[vector<16xi32>], vector<16xf32>,
        %get3A_630 = arith.index_cast %add3A_620 : i32 to index
        %get3A_631 = arith.constant 0 : index
        %get3A_632 = tpu.vector_load %arg17[%get3A_630, %get3A_631] {strides = array<i32>} : memref<640x128xf32, #tpu.memory_space<vmem>>, vector<16xf32>,
        %mul3A_633 = arith.mulf %get3A_632, %gather3A_629 : vector<16xf32>
        %swap3A_634 = arith.index_cast %add3A_620 : i32 to index
        %swap3A_635 = arith.constant 0 : index
        %swap3A_636 = tpu.vector_load %arg17[%swap3A_634, %swap3A_635] {strides = array<i32>} : memref<640x128xf32, #tpu.memory_space<vmem>>, vector<16xf32>,
        tpu.vector_store %arg17[%swap3A_634, %swap3A_635], %mul3A_633 {strides = array<i32>} : memref<640x128xf32, #tpu.memory_space<vmem>>, vector<16xf32>,
        %get3A_637 = arith.index_cast %add3A_620 : i32 to index
        %get3A_638 = arith.constant 16 : index
        %get3A_639 = tpu.vector_load %arg17[%get3A_637, %get3A_638] {strides = array<i32>} : memref<640x128xf32, #tpu.memory_space<vmem>>, vector<16xf32>,
        %mul3A_640 = arith.mulf %get3A_639, %gather3A_629 : vector<16xf32>
        %swap3A_641 = arith.index_cast %add3A_620 : i32 to index
        %swap3A_642 = arith.constant 16 : index
        %swap3A_643 = tpu.vector_load %arg17[%swap3A_641, %swap3A_642] {strides = array<i32>} : memref<640x128xf32, #tpu.memory_space<vmem>>, vector<16xf32>,
        tpu.vector_store %arg17[%swap3A_641, %swap3A_642], %mul3A_640 {strides = array<i32>} : memref<640x128xf32, #tpu.memory_space<vmem>>, vector<16xf32>,
        %broadcast_in_dim3A_644 = arith.constant 0 : i32
        %broadcast_in_dim3A_645 = vector.broadcast %broadcast_in_dim3A_644 : i32 to vector<16xi32>
        %mul3A_646 = arith.constant 4 : i32
        %mul3A_647 = arith.muli %add3A_620, %mul3A_646 : i32
        %add3A_648 = arith.constant 1 : i32
        %add3A_649 = arith.addi %mul3A_647, %add3A_648 : i32
        %add3A_650 = vector.broadcast %add3A_649 : i32 to vector<16xi32>
        %add3A_651 = arith.addi %broadcast_in_dim3A_645, %add3A_650 : vector<16xi32>
        %gather3A_652 = tpu.vector_load_idx %arg14[%add3A_651] : memref<2560xf32, #tpu.memory_space<vmem>>[vector<16xi32>], vector<16xf32>,
        %get3A_653 = arith.index_cast %add3A_620 : i32 to index
        %get3A_654 = arith.constant 32 : index
        %get3A_655 = tpu.vector_load %arg17[%get3A_653, %get3A_654] {strides = array<i32>} : memref<640x128xf32, #tpu.memory_space<vmem>>, vector<16xf32>,
        %mul3A_656 = arith.mulf %get3A_655, %gather3A_652 : vector<16xf32>
        %swap3A_657 = arith.index_cast %add3A_620 : i32 to index
        %swap3A_658 = arith.constant 32 : index
        %swap3A_659 = tpu.vector_load %arg17[%swap3A_657, %swap3A_658] {strides = array<i32>} : memref<640x128xf32, #tpu.memory_space<vmem>>, vector<16xf32>,
        tpu.vector_store %arg17[%swap3A_657, %swap3A_658], %mul3A_656 {strides = array<i32>} : memref<640x128xf32, #tpu.memory_space<vmem>>, vector<16xf32>,
        %get3A_660 = arith.index_cast %add3A_620 : i32 to index
        %get3A_661 = arith.constant 48 : index
        %get3A_662 = tpu.vector_load %arg17[%get3A_660, %get3A_661] {strides = array<i32>} : memref<640x128xf32, #tpu.memory_space<vmem>>, vector<16xf32>,
        %mul3A_663 = arith.mulf %get3A_662, %gather3A_652 : vector<16xf32>
        %swap3A_664 = arith.index_cast %add3A_620 : i32 to index
        %swap3A_665 = arith.constant 48 : index
        %swap3A_666 = tpu.vector_load %arg17[%swap3A_664, %swap3A_665] {strides = array<i32>} : memref<640x128xf32, #tpu.memory_space<vmem>>, vector<16xf32>,
        tpu.vector_store %arg17[%swap3A_664, %swap3A_665], %mul3A_663 {strides = array<i32>} : memref<640x128xf32, #tpu.memory_space<vmem>>, vector<16xf32>,
        %broadcast_in_dim3A_667 = arith.constant 0 : i32
        %broadcast_in_dim3A_668 = vector.broadcast %broadcast_in_dim3A_667 : i32 to vector<16xi32>
        %mul3A_669 = arith.constant 4 : i32
        %mul3A_670 = arith.muli %add3A_620, %mul3A_669 : i32
        %add3A_671 = arith.constant 2 : i32
        %add3A_672 = arith.addi %mul3A_670, %add3A_671 : i32
        %add3A_673 = vector.broadcast %add3A_672 : i32 to vector<16xi32>
        %add3A_674 = arith.addi %broadcast_in_dim3A_668, %add3A_673 : vector<16xi32>
        %gather3A_675 = tpu.vector_load_idx %arg14[%add3A_674] : memref<2560xf32, #tpu.memory_space<vmem>>[vector<16xi32>], vector<16xf32>,
        %get3A_676 = arith.index_cast %add3A_620 : i32 to index
        %get3A_677 = arith.constant 64 : index
        %get3A_678 = tpu.vector_load %arg17[%get3A_676, %get3A_677] {strides = array<i32>} : memref<640x128xf32, #tpu.memory_space<vmem>>, vector<16xf32>,
        %mul3A_679 = arith.mulf %get3A_678, %gather3A_675 : vector<16xf32>
        %swap3A_680 = arith.index_cast %add3A_620 : i32 to index
        %swap3A_681 = arith.constant 64 : index
        %swap3A_682 = tpu.vector_load %arg17[%swap3A_680, %swap3A_681] {strides = array<i32>} : memref<640x128xf32, #tpu.memory_space<vmem>>, vector<16xf32>,
        tpu.vector_store %arg17[%swap3A_680, %swap3A_681], %mul3A_679 {strides = array<i32>} : memref<640x128xf32, #tpu.memory_space<vmem>>, vector<16xf32>,
        %get3A_683 = arith.index_cast %add3A_620 : i32 to index
        %get3A_684 = arith.constant 80 : index
        %get3A_685 = tpu.vector_load %arg17[%get3A_683, %get3A_684] {strides = array<i32>} : memref<640x128xf32, #tpu.memory_space<vmem>>, vector<16xf32>,
        %mul3A_686 = arith.mulf %get3A_685, %gather3A_675 : vector<16xf32>
        %swap3A_687 = arith.index_cast %add3A_620 : i32 to index
        %swap3A_688 = arith.constant 80 : index
        %swap3A_689 = tpu.vector_load %arg17[%swap3A_687, %swap3A_688] {strides = array<i32>} : memref<640x128xf32, #tpu.memory_space<vmem>>, vector<16xf32>,
        tpu.vector_store %arg17[%swap3A_687, %swap3A_688], %mul3A_686 {strides = array<i32>} : memref<640x128xf32, #tpu.memory_space<vmem>>, vector<16xf32>,
        %broadcast_in_dim3A_690 = arith.constant 0 : i32
        %broadcast_in_dim3A_691 = vector.broadcast %broadcast_in_dim3A_690 : i32 to vector<16xi32>
        %mul3A_692 = arith.constant 4 : i32
        %mul3A_693 = arith.muli %add3A_620, %mul3A_692 : i32
        %add3A_694 = arith.constant 3 : i32
        %add3A_695 = arith.addi %mul3A_693, %add3A_694 : i32
        %add3A_696 = vector.broadcast %add3A_695 : i32 to vector<16xi32>
        %add3A_697 = arith.addi %broadcast_in_dim3A_691, %add3A_696 : vector<16xi32>
        %gather3A_698 = tpu.vector_load_idx %arg14[%add3A_697] : memref<2560xf32, #tpu.memory_space<vmem>>[vector<16xi32>], vector<16xf32>,
        %get3A_699 = arith.index_cast %add3A_620 : i32 to index
        %get3A_700 = arith.constant 96 : index
        %get3A_701 = tpu.vector_load %arg17[%get3A_699, %get3A_700] {strides = array<i32>} : memref<640x128xf32, #tpu.memory_space<vmem>>, vector<16xf32>,
        %mul3A_702 = arith.mulf %get3A_701, %gather3A_698 : vector<16xf32>
        %swap3A_703 = arith.index_cast %add3A_620 : i32 to index
        %swap3A_704 = arith.constant 96 : index
        %swap3A_705 = tpu.vector_load %arg17[%swap3A_703, %swap3A_704] {strides = array<i32>} : memref<640x128xf32, #tpu.memory_space<vmem>>, vector<16xf32>,
        tpu.vector_store %arg17[%swap3A_703, %swap3A_704], %mul3A_702 {strides = array<i32>} : memref<640x128xf32, #tpu.memory_space<vmem>>, vector<16xf32>,
        %get3A_706 = arith.index_cast %add3A_620 : i32 to index
        %get3A_707 = arith.constant 112 : index
        %get3A_708 = tpu.vector_load %arg17[%get3A_706, %get3A_707] {strides = array<i32>} : memref<640x128xf32, #tpu.memory_space<vmem>>, vector<16xf32>,
        %mul3A_709 = arith.mulf %get3A_708, %gather3A_698 : vector<16xf32>
        %swap3A_710 = arith.index_cast %add3A_620 : i32 to index
        %swap3A_711 = arith.constant 112 : index
        %swap3A_712 = tpu.vector_load %arg17[%swap3A_710, %swap3A_711] {strides = array<i32>} : memref<640x128xf32, #tpu.memory_space<vmem>>, vector<16xf32>,
        tpu.vector_store %arg17[%swap3A_710, %swap3A_711], %mul3A_709 {strides = array<i32>} : memref<640x128xf32, #tpu.memory_space<vmem>>, vector<16xf32>,
        %scan3A_713 = arith.constant 0 : i32
        scf.yield %scan3A_713 : i32
      }
      %scan3A_229 = arith.constant 160 : i32
      %dma_start3A_230 = arith.constant 0 : i32
      %dma_start3A_231 = arith.constant 0 : i32
      %dma_start3A_232 = arith.constant 0 : i32
      %dma_start3A_233 = tpu.memref_slice %arg17[%dma_start3A_231, %dma_start3A_232] : memref<640x128xf32, #tpu.memory_space<vmem>> -> memref<128x128xf32, #tpu.memory_space<vmem>>
      %dma_start3A_234 = arith.constant 0 : i32
      %dma_start3A_235 = tpu.memref_slice %arg16[%dma_start3A_230, %dma_start3A_234] : memref<5x128xi32, #tpu.memory_space<vmem>> -> memref<1x128xi32, #tpu.memory_space<vmem>>
      %dma_start3A_236 = tpu.memref_squeeze %dma_start3A_235 : memref<1x128xi32, #tpu.memory_space<vmem>> -> memref<128xi32, #tpu.memory_space<vmem>>
      %dma_start3A_237 = arith.constant 0 : i32
      %dma_start3A_238 = arith.constant 0 : i32
      %dma_start3A_239 = tpu.memref_slice %arg18[%dma_start3A_237, %dma_start3A_238] : memref<2016x128xf32, #tpu.memory_space<vmem_shared>> -> memref<2016x128xf32, #tpu.memory_space<vmem_shared>>
      tpu.enqueue_indirect_dma source(%dma_start3A_233 : memref<128x128xf32, #tpu.memory_space<vmem>>) target(%dma_start3A_239 : memref<2016x128xf32, #tpu.memory_space<vmem_shared>>) offsets(%dma_start3A_236 : memref<128xi32, #tpu.memory_space<vmem>>) semaphore(%arg21 : memref<!tpu.dma_semaphore, #tpu.memory_space<semaphore_mem>>) {add = true}
      %dma_start3A_240 = arith.constant 1 : i32
      %dma_start3A_241 = arith.constant 128 : i32
      %dma_start3A_242 = arith.constant 0 : i32
      %dma_start3A_243 = tpu.memref_slice %arg17[%dma_start3A_241, %dma_start3A_242] : memref<640x128xf32, #tpu.memory_space<vmem>> -> memref<128x128xf32, #tpu.memory_space<vmem>>
      %dma_start3A_244 = arith.constant 0 : i32
      %dma_start3A_245 = tpu.memref_slice %arg16[%dma_start3A_240, %dma_start3A_244] : memref<5x128xi32, #tpu.memory_space<vmem>> -> memref<1x128xi32, #tpu.memory_space<vmem>>
      %dma_start3A_246 = tpu.memref_squeeze %dma_start3A_245 : memref<1x128xi32, #tpu.memory_space<vmem>> -> memref<128xi32, #tpu.memory_space<vmem>>
      %dma_start3A_247 = arith.constant 0 : i32
      %dma_start3A_248 = arith.constant 0 : i32
      %dma_start3A_249 = tpu.memref_slice %arg18[%dma_start3A_247, %dma_start3A_248] : memref<2016x128xf32, #tpu.memory_space<vmem_shared>> -> memref<2016x128xf32, #tpu.memory_space<vmem_shared>>
      tpu.enqueue_indirect_dma source(%dma_start3A_243 : memref<128x128xf32, #tpu.memory_space<vmem>>) target(%dma_start3A_249 : memref<2016x128xf32, #tpu.memory_space<vmem_shared>>) offsets(%dma_start3A_246 : memref<128xi32, #tpu.memory_space<vmem>>) semaphore(%arg21 : memref<!tpu.dma_semaphore, #tpu.memory_space<semaphore_mem>>) {add = true}
      %dma_start3A_250 = arith.constant 2 : i32
      %dma_start3A_251 = arith.constant 256 : i32
      %dma_start3A_252 = arith.constant 0 : i32
      %dma_start3A_253 = tpu.memref_slice %arg17[%dma_start3A_251, %dma_start3A_252] : memref<640x128xf32, #tpu.memory_space<vmem>> -> memref<128x128xf32, #tpu.memory_space<vmem>>
      %dma_start3A_254 = arith.constant 0 : i32
      %dma_start3A_255 = tpu.memref_slice %arg16[%dma_start3A_250, %dma_start3A_254] : memref<5x128xi32, #tpu.memory_space<vmem>> -> memref<1x128xi32, #tpu.memory_space<vmem>>
      %dma_start3A_256 = tpu.memref_squeeze %dma_start3A_255 : memref<1x128xi32, #tpu.memory_space<vmem>> -> memref<128xi32, #tpu.memory_space<vmem>>
      %dma_start3A_257 = arith.constant 0 : i32
      %dma_start3A_258 = arith.constant 0 : i32
      %dma_start3A_259 = tpu.memref_slice %arg18[%dma_start3A_257, %dma_start3A_258] : memref<2016x128xf32, #tpu.memory_space<vmem_shared>> -> memref<2016x128xf32, #tpu.memory_space<vmem_shared>>
      tpu.enqueue_indirect_dma source(%dma_start3A_253 : memref<128x128xf32, #tpu.memory_space<vmem>>) target(%dma_start3A_259 : memref<2016x128xf32, #tpu.memory_space<vmem_shared>>) offsets(%dma_start3A_256 : memref<128xi32, #tpu.memory_space<vmem>>) semaphore(%arg21 : memref<!tpu.dma_semaphore, #tpu.memory_space<semaphore_mem>>) {add = true}
      %dma_start3A_260 = arith.constant 3 : i32
      %dma_start3A_261 = arith.constant 384 : i32
      %dma_start3A_262 = arith.constant 0 : i32
      %dma_start3A_263 = tpu.memref_slice %arg17[%dma_start3A_261, %dma_start3A_262] : memref<640x128xf32, #tpu.memory_space<vmem>> -> memref<128x128xf32, #tpu.memory_space<vmem>>
      %dma_start3A_264 = arith.constant 0 : i32
      %dma_start3A_265 = tpu.memref_slice %arg16[%dma_start3A_260, %dma_start3A_264] : memref<5x128xi32, #tpu.memory_space<vmem>> -> memref<1x128xi32, #tpu.memory_space<vmem>>
      %dma_start3A_266 = tpu.memref_squeeze %dma_start3A_265 : memref<1x128xi32, #tpu.memory_space<vmem>> -> memref<128xi32, #tpu.memory_space<vmem>>
      %dma_start3A_267 = arith.constant 0 : i32
      %dma_start3A_268 = arith.constant 0 : i32
      %dma_start3A_269 = tpu.memref_slice %arg18[%dma_start3A_267, %dma_start3A_268] : memref<2016x128xf32, #tpu.memory_space<vmem_shared>> -> memref<2016x128xf32, #tpu.memory_space<vmem_shared>>
      tpu.enqueue_indirect_dma source(%dma_start3A_263 : memref<128x128xf32, #tpu.memory_space<vmem>>) target(%dma_start3A_269 : memref<2016x128xf32, #tpu.memory_space<vmem_shared>>) offsets(%dma_start3A_266 : memref<128xi32, #tpu.memory_space<vmem>>) semaphore(%arg21 : memref<!tpu.dma_semaphore, #tpu.memory_space<semaphore_mem>>) {add = true}
      %dma_start3A_270 = arith.constant 4 : i32
      %dma_start3A_271 = arith.constant 512 : i32
      %dma_start3A_272 = arith.constant 0 : i32
      %dma_start3A_273 = tpu.memref_slice %arg17[%dma_start3A_271, %dma_start3A_272] : memref<640x128xf32, #tpu.memory_space<vmem>> -> memref<128x128xf32, #tpu.memory_space<vmem>>
      %dma_start3A_274 = arith.constant 0 : i32
      %dma_start3A_275 = tpu.memref_slice %arg16[%dma_start3A_270, %dma_start3A_274] : memref<5x128xi32, #tpu.memory_space<vmem>> -> memref<1x128xi32, #tpu.memory_space<vmem>>
      %dma_start3A_276 = tpu.memref_squeeze %dma_start3A_275 : memref<1x128xi32, #tpu.memory_space<vmem>> -> memref<128xi32, #tpu.memory_space<vmem>>
      %dma_start3A_277 = arith.constant 0 : i32
      %dma_start3A_278 = arith.constant 0 : i32
      %dma_start3A_279 = tpu.memref_slice %arg18[%dma_start3A_277, %dma_start3A_278] : memref<2016x128xf32, #tpu.memory_space<vmem_shared>> -> memref<2016x128xf32, #tpu.memory_space<vmem_shared>>
      tpu.enqueue_indirect_dma source(%dma_start3A_273 : memref<128x128xf32, #tpu.memory_space<vmem>>) target(%dma_start3A_279 : memref<2016x128xf32, #tpu.memory_space<vmem_shared>>) offsets(%dma_start3A_276 : memref<128xi32, #tpu.memory_space<vmem>>) semaphore(%arg21 : memref<!tpu.dma_semaphore, #tpu.memory_space<semaphore_mem>>) {add = true}
      %dma_wait3A_280 = arith.constant 0 : i32
      %dma_wait3A_281 = arith.constant 0 : i32
      %dma_wait3A_282 = arith.constant 0 : i32
      %dma_wait3A_283 = tpu.memref_slice %arg17[%dma_wait3A_281, %dma_wait3A_282] : memref<640x128xf32, #tpu.memory_space<vmem>> -> memref<128x128xf32, #tpu.memory_space<vmem>>
      %dma_wait3A_284 = arith.constant 0 : i32
      %dma_wait3A_285 = tpu.memref_slice %arg16[%dma_wait3A_280, %dma_wait3A_284] : memref<5x128xi32, #tpu.memory_space<vmem>> -> memref<1x128xi32, #tpu.memory_space<vmem>>
      %dma_wait3A_286 = tpu.memref_squeeze %dma_wait3A_285 : memref<1x128xi32, #tpu.memory_space<vmem>> -> memref<128xi32, #tpu.memory_space<vmem>>
      %dma_wait3A_287 = arith.constant 0 : i32
      %dma_wait3A_288 = arith.constant 0 : i32
      %dma_wait3A_289 = tpu.memref_slice %arg18[%dma_wait3A_287, %dma_wait3A_288] : memref<2016x128xf32, #tpu.memory_space<vmem_shared>> -> memref<2016x128xf32, #tpu.memory_space<vmem_shared>>
      tpu.wait_indirect_dma semaphore(%arg21 : memref<!tpu.dma_semaphore, #tpu.memory_space<semaphore_mem>>) src(%dma_wait3A_283 : memref<128x128xf32, #tpu.memory_space<vmem>>) dst(%dma_wait3A_289 : memref<2016x128xf32, #tpu.memory_space<vmem_shared>>)
      %dma_wait3A_290 = arith.constant 1 : i32
      %dma_wait3A_291 = arith.constant 128 : i32
      %dma_wait3A_292 = arith.constant 0 : i32
      %dma_wait3A_293 = tpu.memref_slice %arg17[%dma_wait3A_291, %dma_wait3A_292] : memref<640x128xf32, #tpu.memory_space<vmem>> -> memref<128x128xf32, #tpu.memory_space<vmem>>
      %dma_wait3A_294 = arith.constant 0 : i32
      %dma_wait3A_295 = tpu.memref_slice %arg16[%dma_wait3A_290, %dma_wait3A_294] : memref<5x128xi32, #tpu.memory_space<vmem>> -> memref<1x128xi32, #tpu.memory_space<vmem>>
      %dma_wait3A_296 = tpu.memref_squeeze %dma_wait3A_295 : memref<1x128xi32, #tpu.memory_space<vmem>> -> memref<128xi32, #tpu.memory_space<vmem>>
      %dma_wait3A_297 = arith.constant 0 : i32
      %dma_wait3A_298 = arith.constant 0 : i32
      %dma_wait3A_299 = tpu.memref_slice %arg18[%dma_wait3A_297, %dma_wait3A_298] : memref<2016x128xf32, #tpu.memory_space<vmem_shared>> -> memref<2016x128xf32, #tpu.memory_space<vmem_shared>>
      tpu.wait_indirect_dma semaphore(%arg21 : memref<!tpu.dma_semaphore, #tpu.memory_space<semaphore_mem>>) src(%dma_wait3A_293 : memref<128x128xf32, #tpu.memory_space<vmem>>) dst(%dma_wait3A_299 : memref<2016x128xf32, #tpu.memory_space<vmem_shared>>)
      %dma_wait3A_300 = arith.constant 2 : i32
      %dma_wait3A_301 = arith.constant 256 : i32
      %dma_wait3A_302 = arith.constant 0 : i32
      %dma_wait3A_303 = tpu.memref_slice %arg17[%dma_wait3A_301, %dma_wait3A_302] : memref<640x128xf32, #tpu.memory_space<vmem>> -> memref<128x128xf32, #tpu.memory_space<vmem>>
      %dma_wait3A_304 = arith.constant 0 : i32
      %dma_wait3A_305 = tpu.memref_slice %arg16[%dma_wait3A_300, %dma_wait3A_304] : memref<5x128xi32, #tpu.memory_space<vmem>> -> memref<1x128xi32, #tpu.memory_space<vmem>>
      %dma_wait3A_306 = tpu.memref_squeeze %dma_wait3A_305 : memref<1x128xi32, #tpu.memory_space<vmem>> -> memref<128xi32, #tpu.memory_space<vmem>>
      %dma_wait3A_307 = arith.constant 0 : i32
      %dma_wait3A_308 = arith.constant 0 : i32
      %dma_wait3A_309 = tpu.memref_slice %arg18[%dma_wait3A_307, %dma_wait3A_308] : memref<2016x128xf32, #tpu.memory_space<vmem_shared>> -> memref<2016x128xf32, #tpu.memory_space<vmem_shared>>
      tpu.wait_indirect_dma semaphore(%arg21 : memref<!tpu.dma_semaphore, #tpu.memory_space<semaphore_mem>>) src(%dma_wait3A_303 : memref<128x128xf32, #tpu.memory_space<vmem>>) dst(%dma_wait3A_309 : memref<2016x128xf32, #tpu.memory_space<vmem_shared>>)
      %dma_wait3A_310 = arith.constant 3 : i32
      %dma_wait3A_311 = arith.constant 384 : i32
      %dma_wait3A_312 = arith.constant 0 : i32
      %dma_wait3A_313 = tpu.memref_slice %arg17[%dma_wait3A_311, %dma_wait3A_312] : memref<640x128xf32, #tpu.memory_space<vmem>> -> memref<128x128xf32, #tpu.memory_space<vmem>>
      %dma_wait3A_314 = arith.constant 0 : i32
      %dma_wait3A_315 = tpu.memref_slice %arg16[%dma_wait3A_310, %dma_wait3A_314] : memref<5x128xi32, #tpu.memory_space<vmem>> -> memref<1x128xi32, #tpu.memory_space<vmem>>
      %dma_wait3A_316 = tpu.memref_squeeze %dma_wait3A_315 : memref<1x128xi32, #tpu.memory_space<vmem>> -> memref<128xi32, #tpu.memory_space<vmem>>
      %dma_wait3A_317 = arith.constant 0 : i32
      %dma_wait3A_318 = arith.constant 0 : i32
      %dma_wait3A_319 = tpu.memref_slice %arg18[%dma_wait3A_317, %dma_wait3A_318] : memref<2016x128xf32, #tpu.memory_space<vmem_shared>> -> memref<2016x128xf32, #tpu.memory_space<vmem_shared>>
      tpu.wait_indirect_dma semaphore(%arg21 : memref<!tpu.dma_semaphore, #tpu.memory_space<semaphore_mem>>) src(%dma_wait3A_313 : memref<128x128xf32, #tpu.memory_space<vmem>>) dst(%dma_wait3A_319 : memref<2016x128xf32, #tpu.memory_space<vmem_shared>>)
      %dma_wait3A_320 = arith.constant 4 : i32
      %dma_wait3A_321 = arith.constant 512 : i32
      %dma_wait3A_322 = arith.constant 0 : i32
      %dma_wait3A_323 = tpu.memref_slice %arg17[%dma_wait3A_321, %dma_wait3A_322] : memref<640x128xf32, #tpu.memory_space<vmem>> -> memref<128x128xf32, #tpu.memory_space<vmem>>
      %dma_wait3A_324 = arith.constant 0 : i32
      %dma_wait3A_325 = tpu.memref_slice %arg16[%dma_wait3A_320, %dma_wait3A_324] : memref<5x128xi32, #tpu.memory_space<vmem>> -> memref<1x128xi32, #tpu.memory_space<vmem>>
      %dma_wait3A_326 = tpu.memref_squeeze %dma_wait3A_325 : memref<1x128xi32, #tpu.memory_space<vmem>> -> memref<128xi32, #tpu.memory_space<vmem>>
      %dma_wait3A_327 = arith.constant 0 : i32
      %dma_wait3A_328 = arith.constant 0 : i32
      %dma_wait3A_329 = tpu.memref_slice %arg18[%dma_wait3A_327, %dma_wait3A_328] : memref<2016x128xf32, #tpu.memory_space<vmem_shared>> -> memref<2016x128xf32, #tpu.memory_space<vmem_shared>>
      tpu.wait_indirect_dma semaphore(%arg21 : memref<!tpu.dma_semaphore, #tpu.memory_space<semaphore_mem>>) src(%dma_wait3A_323 : memref<128x128xf32, #tpu.memory_space<vmem>>) dst(%dma_wait3A_329 : memref<2016x128xf32, #tpu.memory_space<vmem_shared>>)
      %scan3A_330 = arith.constant 0 : i32
      scf.yield %scan3A_330 : i32
    }
    %scan3A_66 = arith.constant 8 : i32
    %barrier3A_67 = arith.constant 0 : index
    tpu.barrier barrier_id(%barrier3A_67)
    %eq3A_68 = arith.constant 0 : i32
    %eq3A_69 = arith.cmpi eq, %arg1, %eq3A_68 : i32
    %convert_element_type3A = arith.extui %eq3A_69 : i1 to i32
    %cond3A = arith.constant 0 : i32
    %cond3A_70 = arith.cmpi ne, %convert_element_type3A, %cond3A : i32
    scf.if %cond3A_70 {
      "tpu.region"() ({
        %run_scoped3A_71 = tpu.sem_alloc : memref<!tpu.dma_semaphore, #tpu.memory_space<semaphore_mem>>
        %dma_start3A = arith.constant 0 : i32
        %dma_start3A_72 = arith.constant 0 : i32
        %dma_start3A_73 = tpu.memref_slice %arg7[%arg0, %dma_start3A, %dma_start3A_72] : memref<2x2016x128xf32, #tpu.memory_space<hbm>> -> memref<1x2016x128xf32, #tpu.memory_space<hbm>>
        %dma_start3A_74 = tpu.memref_squeeze %dma_start3A_73 : memref<1x2016x128xf32, #tpu.memory_space<hbm>> -> memref<2016x128xf32, #tpu.memory_space<hbm>>
        tpu.enqueue_dma source(%arg18 : memref<2016x128xf32, #tpu.memory_space<vmem_shared>>) target(%dma_start3A_74 : memref<2016x128xf32, #tpu.memory_space<hbm>>) target_semaphore(%run_scoped3A_71 : memref<!tpu.dma_semaphore, #tpu.memory_space<semaphore_mem>>)
        %dma_wait3A = arith.constant 0 : i32
        %dma_wait3A_75 = arith.constant 0 : i32
        %dma_wait3A_76 = tpu.memref_slice %arg7[%arg0, %dma_wait3A, %dma_wait3A_75] : memref<2x2016x128xf32, #tpu.memory_space<hbm>> -> memref<1x2016x128xf32, #tpu.memory_space<hbm>>
        %dma_wait3A_77 = tpu.memref_squeeze %dma_wait3A_76 : memref<1x2016x128xf32, #tpu.memory_space<hbm>> -> memref<2016x128xf32, #tpu.memory_space<hbm>>
        tpu.wait_dma2 semaphore(%run_scoped3A_71 : memref<!tpu.dma_semaphore, #tpu.memory_space<semaphore_mem>>) src(%arg18 : memref<2016x128xf32, #tpu.memory_space<vmem_shared>>) dst(%dma_wait3A_77 : memref<2016x128xf32, #tpu.memory_space<hbm>>)
        tpu.yield
      }) : () -> ()
    } else {
    }
    return
  }
}

#map = affine_map<(d0, d1) -> (0, 0)>
#map1 = affine_map<(d0, d1) -> (0)>
module attributes {stable_mosaic.version = 14 : i64} {
  func.func @pass_a(%arg0: i32, %arg1: i32, %arg2: memref<2x320000xi32, #tpu.memory_space<hbm>>, %arg3: memref<20000xf32, #tpu.memory_space<hbm>>, %arg4: memref<20000xf32, #tpu.memory_space<hbm>>, %arg5: memref<1280000xf32, #tpu.memory_space<hbm>>, %arg6: memref<2x20224xf32, #tpu.memory_space<hbm>>, %arg7: memref<20000xf32, #tpu.memory_space<vmem>>, %arg8: memref<20000xf32, #tpu.memory_space<vmem>>, %arg9: memref<640xi32, #tpu.memory_space<vmem>>, %arg10: memref<640xi32, #tpu.memory_space<vmem>>, %arg11: memref<2560xf32, #tpu.memory_space<vmem>>, %arg12: memref<20x128xi32, #tpu.memory_space<vmem>>, %arg13: memref<1264xf32, #tpu.memory_space<vmem>>, %arg14: memref<20224xf32, #tpu.memory_space<vmem_shared>>, %arg15: memref<!tpu.dma_semaphore, #tpu.memory_space<semaphore_mem>>) attributes {dimension_semantics = [#tpu.dimension_semantics<core_parallel>, #tpu.dimension_semantics<subcore_parallel>], iteration_bounds = array<i64: 2, 16>, scalar_prefetch = 0 : i64, scratch_operands = 9 : i64, tpu.core_type = #tpu.core_type<sc_vector_subcore>, window_params = [{transform_indices = #map}, {transform_indices = #map1}, {transform_indices = #map1}, {transform_indices = #map1}, {transform_indices = #map}]} {
    %mul3A = arith.constant 16 : i32
    %mul3A_0 = arith.muli %arg0, %mul3A : i32
    %add3A = arith.addi %mul3A_0, %arg1 : i32
    "tpu.region"() ({
      %run_scoped3A = tpu.sem_alloc : memref<!tpu.dma_semaphore, #tpu.memory_space<semaphore_mem>>
      tpu.enqueue_dma source(%arg3 : memref<20000xf32, #tpu.memory_space<hbm>>) target(%arg7 : memref<20000xf32, #tpu.memory_space<vmem>>) target_semaphore(%run_scoped3A : memref<!tpu.dma_semaphore, #tpu.memory_space<semaphore_mem>>)
      tpu.wait_dma2 semaphore(%run_scoped3A : memref<!tpu.dma_semaphore, #tpu.memory_space<semaphore_mem>>) src(%arg3 : memref<20000xf32, #tpu.memory_space<hbm>>) dst(%arg7 : memref<20000xf32, #tpu.memory_space<vmem>>)
      tpu.yield
    }) : () -> ()
    "tpu.region"() ({
      %run_scoped3A = tpu.sem_alloc : memref<!tpu.dma_semaphore, #tpu.memory_space<semaphore_mem>>
      tpu.enqueue_dma source(%arg4 : memref<20000xf32, #tpu.memory_space<hbm>>) target(%arg8 : memref<20000xf32, #tpu.memory_space<vmem>>) target_semaphore(%run_scoped3A : memref<!tpu.dma_semaphore, #tpu.memory_space<semaphore_mem>>)
      tpu.wait_dma2 semaphore(%run_scoped3A : memref<!tpu.dma_semaphore, #tpu.memory_space<semaphore_mem>>) src(%arg4 : memref<20000xf32, #tpu.memory_space<hbm>>) dst(%arg8 : memref<20000xf32, #tpu.memory_space<vmem>>)
      tpu.yield
    }) : () -> ()
    %scan3A = arith.constant 0 : i32
    %scan3A_1 = arith.constant 0 : i32
    %scan3A_2 = arith.constant 79 : i32
    %scan3A_3 = arith.addi %scan3A_1, %scan3A_2 : i32
    %scan3A_4 = arith.constant 1 : i32
    %scan3A_5 = scf.for %scan3A_63 = %scan3A_1 to %scan3A_3 step %scan3A_4 iter_args(%scan3A_64 = %scan3A) -> (i32)  : i32 {
      %broadcast_in_dim3A = arith.constant 0.000000e+00 : f32
      %broadcast_in_dim3A_65 = vector.broadcast %broadcast_in_dim3A : f32 to vector<16xf32>
      %mul3A_66 = arith.constant 16 : i32
      %mul3A_67 = arith.muli %scan3A_63, %mul3A_66 : i32
      %swap3A = arith.index_cast %mul3A_67 : i32 to index
      %swap3A_68 = tpu.vector_load %arg13[%swap3A] {strides = array<i32>} : memref<1264xf32, #tpu.memory_space<vmem>>, vector<16xf32>,
      tpu.vector_store %arg13[%swap3A], %broadcast_in_dim3A_65 {strides = array<i32>} : memref<1264xf32, #tpu.memory_space<vmem>>, vector<16xf32>,
      %scan3A_69 = arith.constant 0 : i32
      scf.yield %scan3A_69 : i32
    }
    %scan3A_6 = arith.constant 79 : i32
    %mul3A_7 = arith.constant 1264 : i32
    %mul3A_8 = arith.muli %arg1, %mul3A_7 : i32
    "tpu.region"() ({
      %run_scoped3A = tpu.sem_alloc : memref<!tpu.dma_semaphore, #tpu.memory_space<semaphore_mem>>
      %dma_start3A = tpu.memref_slice %arg14[%mul3A_8] : memref<20224xf32, #tpu.memory_space<vmem_shared>> -> memref<1264xf32, #tpu.memory_space<vmem_shared>>
      %dma_start3A_63 = tpu.memref_slice %arg14[%mul3A_8] : memref<20224xf32, #tpu.memory_space<vmem_shared>> -> memref<1264xf32, #tpu.memory_space<vmem_shared>>
      tpu.enqueue_dma source(%arg13 : memref<1264xf32, #tpu.memory_space<vmem>>) target(%dma_start3A_63 : memref<1264xf32, #tpu.memory_space<vmem_shared>>) target_semaphore(%run_scoped3A : memref<!tpu.dma_semaphore, #tpu.memory_space<semaphore_mem>>)
      %dma_wait3A = tpu.memref_slice %arg14[%mul3A_8] : memref<20224xf32, #tpu.memory_space<vmem_shared>> -> memref<1264xf32, #tpu.memory_space<vmem_shared>>
      %dma_wait3A_64 = tpu.memref_slice %arg14[%mul3A_8] : memref<20224xf32, #tpu.memory_space<vmem_shared>> -> memref<1264xf32, #tpu.memory_space<vmem_shared>>
      tpu.wait_dma2 semaphore(%run_scoped3A : memref<!tpu.dma_semaphore, #tpu.memory_space<semaphore_mem>>) src(%arg13 : memref<1264xf32, #tpu.memory_space<vmem>>) dst(%dma_wait3A_64 : memref<1264xf32, #tpu.memory_space<vmem_shared>>)
      tpu.yield
    }) : () -> ()
    %barrier3A = arith.constant 0 : index
    tpu.barrier barrier_id(%barrier3A)
    %iota3A = tpu.iota {dimensions = array<i32: 0>} : vector<16xi32>
    %jit3A = arith.constant 4 : i32
    %div3A = vector.broadcast %jit3A : i32 to vector<16xi32>
    %div3A_9 = arith.divsi %iota3A, %div3A : vector<16xi32>
    %sign3A = arith.constant 0 : i32
    %sign3A_10 = vector.broadcast %sign3A : i32 to vector<16xi32>
    %sign3A_11 = arith.cmpi sgt, %iota3A, %sign3A_10 : vector<16xi32>
    %sign3A_12 = arith.extui %sign3A_11 : vector<16xi1> to vector<16xi32>
    %sign3A_13 = arith.constant 0 : i32
    %sign3A_14 = vector.broadcast %sign3A_13 : i32 to vector<16xi32>
    %sign3A_15 = arith.cmpi slt, %iota3A, %sign3A_14 : vector<16xi32>
    %sign3A_16 = arith.extui %sign3A_15 : vector<16xi1> to vector<16xi32>
    %sign3A_17 = arith.subi %sign3A_12, %sign3A_16 : vector<16xi32>
    %sign3A_18 = arith.constant 0 : i32
    %sign3A_19 = arith.cmpi sgt, %jit3A, %sign3A_18 : i32
    %sign3A_20 = arith.extui %sign3A_19 : i1 to i32
    %sign3A_21 = arith.constant 0 : i32
    %sign3A_22 = arith.cmpi slt, %jit3A, %sign3A_21 : i32
    %sign3A_23 = arith.extui %sign3A_22 : i1 to i32
    %sign3A_24 = arith.subi %sign3A_20, %sign3A_23 : i32
    %ne3A = vector.broadcast %sign3A_24 : i32 to vector<16xi32>
    %ne3A_25 = arith.cmpi ne, %sign3A_17, %ne3A : vector<16xi32>
    %rem3A = vector.broadcast %jit3A : i32 to vector<16xi32>
    %rem3A_26 = arith.remsi %iota3A, %rem3A : vector<16xi32>
    %ne3A_27 = arith.constant 0 : i32
    %ne3A_28 = vector.broadcast %ne3A_27 : i32 to vector<16xi32>
    %ne3A_29 = arith.cmpi ne, %rem3A_26, %ne3A_28 : vector<16xi32>
    %and3A = arith.andi %ne3A_25, %ne3A_29 : vector<16xi1>
    %sub3A = arith.constant 1 : i32
    %sub3A_30 = vector.broadcast %sub3A : i32 to vector<16xi32>
    %sub3A_31 = arith.subi %div3A_9, %sub3A_30 : vector<16xi32>
    %select_n3A = arith.select %and3A, %sub3A_31, %div3A_9 : vector<16xi1>, vector<16xi32>
    %jit3A_32 = arith.constant 4 : i32
    %eq3A = arith.constant 0 : i32
    %eq3A_33 = arith.cmpi eq, %jit3A_32, %eq3A : i32
    %jit3A_34 = arith.constant 1 : i32
    %select_n3A_35 = arith.select %eq3A_33, %jit3A_34, %jit3A_32 : i32
    %rem3A_36 = vector.broadcast %select_n3A_35 : i32 to vector<16xi32>
    %rem3A_37 = arith.remsi %iota3A, %rem3A_36 : vector<16xi32>
    %ne3A_38 = arith.constant 0 : i32
    %ne3A_39 = vector.broadcast %ne3A_38 : i32 to vector<16xi32>
    %ne3A_40 = arith.cmpi ne, %rem3A_37, %ne3A_39 : vector<16xi32>
    %lt3A = arith.constant 0 : i32
    %lt3A_41 = vector.broadcast %lt3A : i32 to vector<16xi32>
    %lt3A_42 = arith.cmpi slt, %rem3A_37, %lt3A_41 : vector<16xi32>
    %lt3A_43 = arith.constant 0 : i32
    %lt3A_44 = arith.cmpi slt, %select_n3A_35, %lt3A_43 : i32
    %ne3A_45 = vector.broadcast %lt3A_44 : i1 to vector<16xi1>
    %ne3A_46 = vector.broadcast %ne3A_45 : vector<16xi1> to vector<16xi1>
    %ne3A_47 = arith.xori %lt3A_42, %ne3A_46 : vector<16xi1>
    %and3A_48 = arith.andi %ne3A_47, %ne3A_40 : vector<16xi1>
    %add3A_49 = vector.broadcast %select_n3A_35 : i32 to vector<16xi32>
    %add3A_50 = arith.addi %rem3A_37, %add3A_49 : vector<16xi32>
    %select_n3A_51 = arith.select %and3A_48, %add3A_50, %rem3A_37 : vector<16xi1>, vector<16xi32>
    %scan3A_52 = arith.constant 0 : i32
    %scan3A_53 = arith.constant 0 : i32
    %scan3A_54 = arith.constant 16 : i32
    %scan3A_55 = arith.addi %scan3A_53, %scan3A_54 : i32
    %scan3A_56 = arith.constant 1 : i32
    %scan3A_57 = scf.for %scan3A_63 = %scan3A_53 to %scan3A_55 step %scan3A_56 iter_args(%scan3A_64 = %scan3A_52) -> (i32)  : i32 {
      %mul3A_65 = arith.constant 32 : i32
      %mul3A_66 = arith.muli %scan3A_63, %mul3A_65 : i32
      %add3A_67 = arith.addi %add3A, %mul3A_66 : i32
      %lt3A_68 = arith.constant 500 : i32
      %lt3A_69 = arith.cmpi slt, %add3A_67, %lt3A_68 : i32
      %min3A = arith.constant 499 : i32
      %min3A_70 = arith.minsi %add3A_67, %min3A : i32
      %mul3A_71 = arith.constant 640 : i32
      %mul3A_72 = arith.muli %min3A_70, %mul3A_71 : i32
      %dma_start3A = arith.constant 0 : i32
      %dma_start3A_73 = tpu.memref_slice %arg2[%dma_start3A, %mul3A_72] : memref<2x320000xi32, #tpu.memory_space<hbm>> -> memref<1x640xi32, #tpu.memory_space<hbm>>
      %dma_start3A_74 = tpu.memref_squeeze %dma_start3A_73 : memref<1x640xi32, #tpu.memory_space<hbm>> -> memref<640xi32, #tpu.memory_space<hbm>>
      %dma_start3A_75 = tpu.memref_slice %arg2[%dma_start3A, %mul3A_72] : memref<2x320000xi32, #tpu.memory_space<hbm>> -> memref<1x640xi32, #tpu.memory_space<hbm>>
      %dma_start3A_76 = tpu.memref_squeeze %dma_start3A_75 : memref<1x640xi32, #tpu.memory_space<hbm>> -> memref<640xi32, #tpu.memory_space<hbm>>
      tpu.enqueue_dma source(%dma_start3A_76 : memref<640xi32, #tpu.memory_space<hbm>>) target(%arg9 : memref<640xi32, #tpu.memory_space<vmem>>) target_semaphore(%arg15 : memref<!tpu.dma_semaphore, #tpu.memory_space<semaphore_mem>>)
      %dma_start3A_77 = arith.constant 1 : i32
      %dma_start3A_78 = tpu.memref_slice %arg2[%dma_start3A_77, %mul3A_72] : memref<2x320000xi32, #tpu.memory_space<hbm>> -> memref<1x640xi32, #tpu.memory_space<hbm>>
      %dma_start3A_79 = tpu.memref_squeeze %dma_start3A_78 : memref<1x640xi32, #tpu.memory_space<hbm>> -> memref<640xi32, #tpu.memory_space<hbm>>
      %dma_start3A_80 = tpu.memref_slice %arg2[%dma_start3A_77, %mul3A_72] : memref<2x320000xi32, #tpu.memory_space<hbm>> -> memref<1x640xi32, #tpu.memory_space<hbm>>
      %dma_start3A_81 = tpu.memref_squeeze %dma_start3A_80 : memref<1x640xi32, #tpu.memory_space<hbm>> -> memref<640xi32, #tpu.memory_space<hbm>>
      tpu.enqueue_dma source(%dma_start3A_81 : memref<640xi32, #tpu.memory_space<hbm>>) target(%arg10 : memref<640xi32, #tpu.memory_space<vmem>>) target_semaphore(%arg15 : memref<!tpu.dma_semaphore, #tpu.memory_space<semaphore_mem>>)
      %dma_wait3A = arith.constant 0 : i32
      %dma_wait3A_82 = tpu.memref_slice %arg2[%dma_wait3A, %mul3A_72] : memref<2x320000xi32, #tpu.memory_space<hbm>> -> memref<1x640xi32, #tpu.memory_space<hbm>>
      %dma_wait3A_83 = tpu.memref_squeeze %dma_wait3A_82 : memref<1x640xi32, #tpu.memory_space<hbm>> -> memref<640xi32, #tpu.memory_space<hbm>>
      %dma_wait3A_84 = tpu.memref_slice %arg2[%dma_wait3A, %mul3A_72] : memref<2x320000xi32, #tpu.memory_space<hbm>> -> memref<1x640xi32, #tpu.memory_space<hbm>>
      %dma_wait3A_85 = tpu.memref_squeeze %dma_wait3A_84 : memref<1x640xi32, #tpu.memory_space<hbm>> -> memref<640xi32, #tpu.memory_space<hbm>>
      tpu.wait_dma2 semaphore(%arg15 : memref<!tpu.dma_semaphore, #tpu.memory_space<semaphore_mem>>) src(%dma_wait3A_85 : memref<640xi32, #tpu.memory_space<hbm>>) dst(%arg9 : memref<640xi32, #tpu.memory_space<vmem>>)
      %dma_wait3A_86 = arith.constant 1 : i32
      %dma_wait3A_87 = tpu.memref_slice %arg2[%dma_wait3A_86, %mul3A_72] : memref<2x320000xi32, #tpu.memory_space<hbm>> -> memref<1x640xi32, #tpu.memory_space<hbm>>
      %dma_wait3A_88 = tpu.memref_squeeze %dma_wait3A_87 : memref<1x640xi32, #tpu.memory_space<hbm>> -> memref<640xi32, #tpu.memory_space<hbm>>
      %dma_wait3A_89 = tpu.memref_slice %arg2[%dma_wait3A_86, %mul3A_72] : memref<2x320000xi32, #tpu.memory_space<hbm>> -> memref<1x640xi32, #tpu.memory_space<hbm>>
      %dma_wait3A_90 = tpu.memref_squeeze %dma_wait3A_89 : memref<1x640xi32, #tpu.memory_space<hbm>> -> memref<640xi32, #tpu.memory_space<hbm>>
      tpu.wait_dma2 semaphore(%arg15 : memref<!tpu.dma_semaphore, #tpu.memory_space<semaphore_mem>>) src(%dma_wait3A_90 : memref<640xi32, #tpu.memory_space<hbm>>) dst(%arg10 : memref<640xi32, #tpu.memory_space<vmem>>)
      %scan3A_91 = arith.constant 0 : i32
      %scan3A_92 = arith.constant 0 : i32
      %scan3A_93 = arith.constant 160 : i32
      %scan3A_94 = arith.addi %scan3A_92, %scan3A_93 : i32
      %scan3A_95 = arith.constant 1 : i32
      %scan3A_96 = scf.for %scan3A_120 = %scan3A_92 to %scan3A_94 step %scan3A_95 iter_args(%scan3A_121 = %scan3A_91) -> (i32)  : i32 {
        %mul3A_122 = arith.constant 16 : i32
        %mul3A_123 = arith.muli %scan3A_120, %mul3A_122 : i32
        %mul3A_124 = arith.constant 4 : i32
        %mul3A_125 = arith.muli %scan3A_120, %mul3A_124 : i32
        %add3A_126 = vector.broadcast %mul3A_125 : i32 to vector<16xi32>
        %add3A_127 = arith.addi %add3A_126, %select_n3A : vector<16xi32>
        %gather3A = tpu.vector_load_idx %arg9[%add3A_127] : memref<640xi32, #tpu.memory_space<vmem>>[vector<16xi32>], vector<16xi32>,
        %gather3A_128 = tpu.vector_load_idx %arg10[%add3A_127] : memref<640xi32, #tpu.memory_space<vmem>>[vector<16xi32>], vector<16xi32>,
        %mul3A_129 = arith.constant 4 : i32
        %mul3A_130 = vector.broadcast %mul3A_129 : i32 to vector<16xi32>
        %mul3A_131 = arith.muli %gather3A, %mul3A_130 : vector<16xi32>
        %add3A_132 = arith.addi %mul3A_131, %select_n3A_51 : vector<16xi32>
        %gather3A_133 = tpu.vector_load_idx %arg7[%add3A_132] : memref<20000xf32, #tpu.memory_space<vmem>>[vector<16xi32>], vector<16xf32>,
        %mul3A_134 = arith.constant 4 : i32
        %mul3A_135 = vector.broadcast %mul3A_134 : i32 to vector<16xi32>
        %mul3A_136 = arith.muli %gather3A_128, %mul3A_135 : vector<16xi32>
        %add3A_137 = arith.addi %mul3A_136, %select_n3A_51 : vector<16xi32>
        %gather3A_138 = tpu.vector_load_idx %arg8[%add3A_137] : memref<20000xf32, #tpu.memory_space<vmem>>[vector<16xi32>], vector<16xf32>,
        %add3A_139 = arith.addf %gather3A_133, %gather3A_138 : vector<16xf32>
        %ge3A = arith.constant 0.000000e+00 : f32
        %ge3A_140 = vector.broadcast %ge3A : f32 to vector<16xf32>
        %ge3A_141 = arith.cmpf oge, %add3A_139, %ge3A_140 : vector<16xf32>
        %mul3A_142 = arith.constant 2.000000e-01 : f32
        %mul3A_143 = vector.broadcast %mul3A_142 : f32 to vector<16xf32>
        %mul3A_144 = arith.mulf %mul3A_143, %add3A_139 : vector<16xf32>
        %select_n3A_145 = arith.select %ge3A_141, %add3A_139, %mul3A_144 : vector<16xi1>, vector<16xf32>
        %exp3A = math.exp %select_n3A_145 : vector<16xf32>
        %swap3A = arith.index_cast %mul3A_123 : i32 to index
        %swap3A_146 = tpu.vector_load %arg11[%swap3A] {strides = array<i32>} : memref<2560xf32, #tpu.memory_space<vmem>>, vector<16xf32>,
        tpu.vector_store %arg11[%swap3A], %exp3A {strides = array<i32>} : memref<2560xf32, #tpu.memory_space<vmem>>, vector<16xf32>,
        %mul3A_147 = arith.constant 5056 : i32
        %mul3A_148 = vector.broadcast %mul3A_147 : i32 to vector<16xi32>
        %mul3A_149 = arith.muli %select_n3A_51, %mul3A_148 : vector<16xi32>
        %add3A_150 = arith.addi %mul3A_149, %gather3A_128 : vector<16xi32>
        %mul3A_151 = arith.constant 5056 : i32
        %mul3A_152 = vector.broadcast %mul3A_151 : i32 to vector<16xi32>
        %mul3A_153 = arith.muli %select_n3A_51, %mul3A_152 : vector<16xi32>
        %add3A_154 = arith.constant 5000 : i32
        %add3A_155 = vector.broadcast %add3A_154 : i32 to vector<16xi32>
        %add3A_156 = arith.addi %mul3A_153, %add3A_155 : vector<16xi32>
        %and3A_157 = arith.constant 7 : i32
        %and3A_158 = vector.broadcast %and3A_157 : i32 to vector<16xi32>
        %and3A_159 = arith.andi %gather3A_128, %and3A_158 : vector<16xi32>
        %add3A_160 = arith.addi %add3A_156, %and3A_159 : vector<16xi32>
        %select_n3A_161 = arith.select %lt3A_69, %add3A_150, %add3A_160 : vector<16xi32>
        %jit3A_162 = arith.constant 8 : i32
        %div3A_163 = arith.divsi %scan3A_120, %jit3A_162 : i32
        %sign3A_164 = arith.constant 0 : i32
        %sign3A_165 = arith.cmpi sgt, %scan3A_120, %sign3A_164 : i32
        %sign3A_166 = arith.extui %sign3A_165 : i1 to i32
        %sign3A_167 = arith.constant 0 : i32
        %sign3A_168 = arith.cmpi slt, %scan3A_120, %sign3A_167 : i32
        %sign3A_169 = arith.extui %sign3A_168 : i1 to i32
        %sign3A_170 = arith.subi %sign3A_166, %sign3A_169 : i32
        %sign3A_171 = arith.constant 0 : i32
        %sign3A_172 = arith.cmpi sgt, %jit3A_162, %sign3A_171 : i32
        %sign3A_173 = arith.extui %sign3A_172 : i1 to i32
        %sign3A_174 = arith.constant 0 : i32
        %sign3A_175 = arith.cmpi slt, %jit3A_162, %sign3A_174 : i32
        %sign3A_176 = arith.extui %sign3A_175 : i1 to i32
        %sign3A_177 = arith.subi %sign3A_173, %sign3A_176 : i32
        %ne3A_178 = arith.cmpi ne, %sign3A_170, %sign3A_177 : i32
        %rem3A_179 = arith.remsi %scan3A_120, %jit3A_162 : i32
        %ne3A_180 = arith.constant 0 : i32
        %ne3A_181 = arith.cmpi ne, %rem3A_179, %ne3A_180 : i32
        %and3A_182 = arith.andi %ne3A_178, %ne3A_181 : i1
        %sub3A_183 = arith.constant 1 : i32
        %sub3A_184 = arith.subi %div3A_163, %sub3A_183 : i32
        %select_n3A_185 = arith.select %and3A_182, %sub3A_184, %div3A_163 : i32
        %jit3A_186 = arith.constant 8 : i32
        %eq3A_187 = arith.constant 0 : i32
        %eq3A_188 = arith.cmpi eq, %jit3A_186, %eq3A_187 : i32
        %jit3A_189 = arith.constant 1 : i32
        %select_n3A_190 = arith.select %eq3A_188, %jit3A_189, %jit3A_186 : i32
        %rem3A_191 = arith.remsi %scan3A_120, %select_n3A_190 : i32
        %ne3A_192 = arith.constant 0 : i32
        %ne3A_193 = arith.cmpi ne, %rem3A_191, %ne3A_192 : i32
        %lt3A_194 = arith.constant 0 : i32
        %lt3A_195 = arith.cmpi slt, %rem3A_191, %lt3A_194 : i32
        %lt3A_196 = arith.constant 0 : i32
        %lt3A_197 = arith.cmpi slt, %select_n3A_190, %lt3A_196 : i32
        %ne3A_198 = arith.xori %lt3A_195, %lt3A_197 : i1
        %and3A_199 = arith.andi %ne3A_198, %ne3A_193 : i1
        %add3A_200 = arith.addi %rem3A_191, %select_n3A_190 : i32
        %select_n3A_201 = arith.select %and3A_199, %add3A_200, %rem3A_191 : i32
        %mul3A_202 = arith.constant 16 : i32
        %mul3A_203 = arith.muli %select_n3A_201, %mul3A_202 : i32
        %swap3A_204 = arith.index_cast %select_n3A_185 : i32 to index
        %swap3A_205 = arith.index_cast %mul3A_203 : i32 to index
        %swap3A_206 = tpu.vector_load %arg12[%swap3A_204, %swap3A_205] {strides = array<i32>} : memref<20x128xi32, #tpu.memory_space<vmem>>, vector<16xi32>,
        tpu.vector_store %arg12[%swap3A_204, %swap3A_205], %select_n3A_161 {strides = array<i32>} : memref<20x128xi32, #tpu.memory_space<vmem>>, vector<16xi32>,
        %scan3A_207 = arith.constant 0 : i32
        scf.yield %scan3A_207 : i32
      }
      %scan3A_97 = arith.constant 160 : i32
      %mul3A_98 = arith.constant 4 : i32
      %mul3A_99 = arith.muli %mul3A_72, %mul3A_98 : i32
      "tpu.region"() ({
        %run_scoped3A_120 = tpu.sem_alloc : memref<!tpu.dma_semaphore, #tpu.memory_space<semaphore_mem>>
        %dma_start3A_121 = tpu.memref_slice %arg5[%mul3A_99] : memref<1280000xf32, #tpu.memory_space<hbm>> -> memref<2560xf32, #tpu.memory_space<hbm>>
        %dma_start3A_122 = tpu.memref_slice %arg5[%mul3A_99] : memref<1280000xf32, #tpu.memory_space<hbm>> -> memref<2560xf32, #tpu.memory_space<hbm>>
        tpu.enqueue_dma source(%arg11 : memref<2560xf32, #tpu.memory_space<vmem>>) target(%dma_start3A_122 : memref<2560xf32, #tpu.memory_space<hbm>>) target_semaphore(%run_scoped3A_120 : memref<!tpu.dma_semaphore, #tpu.memory_space<semaphore_mem>>)
        %dma_wait3A_123 = tpu.memref_slice %arg5[%mul3A_99] : memref<1280000xf32, #tpu.memory_space<hbm>> -> memref<2560xf32, #tpu.memory_space<hbm>>
        %dma_wait3A_124 = tpu.memref_slice %arg5[%mul3A_99] : memref<1280000xf32, #tpu.memory_space<hbm>> -> memref<2560xf32, #tpu.memory_space<hbm>>
        tpu.wait_dma2 semaphore(%run_scoped3A_120 : memref<!tpu.dma_semaphore, #tpu.memory_space<semaphore_mem>>) src(%arg11 : memref<2560xf32, #tpu.memory_space<vmem>>) dst(%dma_wait3A_124 : memref<2560xf32, #tpu.memory_space<hbm>>)
        tpu.yield
      }) : () -> ()
      %run_scoped3A = arith.constant 0 : i32
      "tpu.region"() ({
        %run_scoped3A_120 = tpu.sem_alloc : memref<!tpu.dma_semaphore, #tpu.memory_space<semaphore_mem>>
        %dma_start3A_121 = arith.constant 0 : i32
        %dma_start3A_122 = tpu.memref_slice %arg11[%dma_start3A_121] : memref<2560xf32, #tpu.memory_space<vmem>> -> memref<128xf32, #tpu.memory_space<vmem>>
        %dma_start3A_123 = arith.constant 0 : i32
        %dma_start3A_124 = tpu.memref_slice %arg12[%run_scoped3A, %dma_start3A_123] : memref<20x128xi32, #tpu.memory_space<vmem>> -> memref<1x128xi32, #tpu.memory_space<vmem>>
        %dma_start3A_125 = tpu.memref_squeeze %dma_start3A_124 : memref<1x128xi32, #tpu.memory_space<vmem>> -> memref<128xi32, #tpu.memory_space<vmem>>
        %dma_start3A_126 = arith.constant 0 : i32
        %dma_start3A_127 = tpu.memref_slice %arg14[%dma_start3A_126] : memref<20224xf32, #tpu.memory_space<vmem_shared>> -> memref<20224xf32, #tpu.memory_space<vmem_shared>>
        tpu.enqueue_indirect_dma source(%dma_start3A_122 : memref<128xf32, #tpu.memory_space<vmem>>) target(%dma_start3A_127 : memref<20224xf32, #tpu.memory_space<vmem_shared>>) offsets(%dma_start3A_125 : memref<128xi32, #tpu.memory_space<vmem>>) semaphore(%run_scoped3A_120 : memref<!tpu.dma_semaphore, #tpu.memory_space<semaphore_mem>>) {add = true}
        %dma_wait3A_128 = arith.constant 0 : i32
        %dma_wait3A_129 = tpu.memref_slice %arg11[%dma_wait3A_128] : memref<2560xf32, #tpu.memory_space<vmem>> -> memref<128xf32, #tpu.memory_space<vmem>>
        %dma_wait3A_130 = arith.constant 0 : i32
        %dma_wait3A_131 = tpu.memref_slice %arg12[%run_scoped3A, %dma_wait3A_130] : memref<20x128xi32, #tpu.memory_space<vmem>> -> memref<1x128xi32, #tpu.memory_space<vmem>>
        %dma_wait3A_132 = tpu.memref_squeeze %dma_wait3A_131 : memref<1x128xi32, #tpu.memory_space<vmem>> -> memref<128xi32, #tpu.memory_space<vmem>>
        %dma_wait3A_133 = arith.constant 0 : i32
        %dma_wait3A_134 = tpu.memref_slice %arg14[%dma_wait3A_133] : memref<20224xf32, #tpu.memory_space<vmem_shared>> -> memref<20224xf32, #tpu.memory_space<vmem_shared>>
        tpu.wait_indirect_dma semaphore(%run_scoped3A_120 : memref<!tpu.dma_semaphore, #tpu.memory_space<semaphore_mem>>) src(%dma_wait3A_129 : memref<128xf32, #tpu.memory_space<vmem>>) dst(%dma_wait3A_134 : memref<20224xf32, #tpu.memory_space<vmem_shared>>)
        tpu.yield
      }) : () -> ()
      %run_scoped3A_100 = arith.constant 1 : i32
      "tpu.region"() ({
        %run_scoped3A_120 = tpu.sem_alloc : memref<!tpu.dma_semaphore, #tpu.memory_space<semaphore_mem>>
        %dma_start3A_121 = arith.constant 128 : i32
        %dma_start3A_122 = tpu.memref_slice %arg11[%dma_start3A_121] : memref<2560xf32, #tpu.memory_space<vmem>> -> memref<128xf32, #tpu.memory_space<vmem>>
        %dma_start3A_123 = arith.constant 0 : i32
        %dma_start3A_124 = tpu.memref_slice %arg12[%run_scoped3A_100, %dma_start3A_123] : memref<20x128xi32, #tpu.memory_space<vmem>> -> memref<1x128xi32, #tpu.memory_space<vmem>>
        %dma_start3A_125 = tpu.memref_squeeze %dma_start3A_124 : memref<1x128xi32, #tpu.memory_space<vmem>> -> memref<128xi32, #tpu.memory_space<vmem>>
        %dma_start3A_126 = arith.constant 0 : i32
        %dma_start3A_127 = tpu.memref_slice %arg14[%dma_start3A_126] : memref<20224xf32, #tpu.memory_space<vmem_shared>> -> memref<20224xf32, #tpu.memory_space<vmem_shared>>
        tpu.enqueue_indirect_dma source(%dma_start3A_122 : memref<128xf32, #tpu.memory_space<vmem>>) target(%dma_start3A_127 : memref<20224xf32, #tpu.memory_space<vmem_shared>>) offsets(%dma_start3A_125 : memref<128xi32, #tpu.memory_space<vmem>>) semaphore(%run_scoped3A_120 : memref<!tpu.dma_semaphore, #tpu.memory_space<semaphore_mem>>) {add = true}
        %dma_wait3A_128 = arith.constant 128 : i32
        %dma_wait3A_129 = tpu.memref_slice %arg11[%dma_wait3A_128] : memref<2560xf32, #tpu.memory_space<vmem>> -> memref<128xf32, #tpu.memory_space<vmem>>
        %dma_wait3A_130 = arith.constant 0 : i32
        %dma_wait3A_131 = tpu.memref_slice %arg12[%run_scoped3A_100, %dma_wait3A_130] : memref<20x128xi32, #tpu.memory_space<vmem>> -> memref<1x128xi32, #tpu.memory_space<vmem>>
        %dma_wait3A_132 = tpu.memref_squeeze %dma_wait3A_131 : memref<1x128xi32, #tpu.memory_space<vmem>> -> memref<128xi32, #tpu.memory_space<vmem>>
        %dma_wait3A_133 = arith.constant 0 : i32
        %dma_wait3A_134 = tpu.memref_slice %arg14[%dma_wait3A_133] : memref<20224xf32, #tpu.memory_space<vmem_shared>> -> memref<20224xf32, #tpu.memory_space<vmem_shared>>
        tpu.wait_indirect_dma semaphore(%run_scoped3A_120 : memref<!tpu.dma_semaphore, #tpu.memory_space<semaphore_mem>>) src(%dma_wait3A_129 : memref<128xf32, #tpu.memory_space<vmem>>) dst(%dma_wait3A_134 : memref<20224xf32, #tpu.memory_space<vmem_shared>>)
        tpu.yield
      }) : () -> ()
      %run_scoped3A_101 = arith.constant 2 : i32
      "tpu.region"() ({
        %run_scoped3A_120 = tpu.sem_alloc : memref<!tpu.dma_semaphore, #tpu.memory_space<semaphore_mem>>
        %dma_start3A_121 = arith.constant 256 : i32
        %dma_start3A_122 = tpu.memref_slice %arg11[%dma_start3A_121] : memref<2560xf32, #tpu.memory_space<vmem>> -> memref<128xf32, #tpu.memory_space<vmem>>
        %dma_start3A_123 = arith.constant 0 : i32
        %dma_start3A_124 = tpu.memref_slice %arg12[%run_scoped3A_101, %dma_start3A_123] : memref<20x128xi32, #tpu.memory_space<vmem>> -> memref<1x128xi32, #tpu.memory_space<vmem>>
        %dma_start3A_125 = tpu.memref_squeeze %dma_start3A_124 : memref<1x128xi32, #tpu.memory_space<vmem>> -> memref<128xi32, #tpu.memory_space<vmem>>
        %dma_start3A_126 = arith.constant 0 : i32
        %dma_start3A_127 = tpu.memref_slice %arg14[%dma_start3A_126] : memref<20224xf32, #tpu.memory_space<vmem_shared>> -> memref<20224xf32, #tpu.memory_space<vmem_shared>>
        tpu.enqueue_indirect_dma source(%dma_start3A_122 : memref<128xf32, #tpu.memory_space<vmem>>) target(%dma_start3A_127 : memref<20224xf32, #tpu.memory_space<vmem_shared>>) offsets(%dma_start3A_125 : memref<128xi32, #tpu.memory_space<vmem>>) semaphore(%run_scoped3A_120 : memref<!tpu.dma_semaphore, #tpu.memory_space<semaphore_mem>>) {add = true}
        %dma_wait3A_128 = arith.constant 256 : i32
        %dma_wait3A_129 = tpu.memref_slice %arg11[%dma_wait3A_128] : memref<2560xf32, #tpu.memory_space<vmem>> -> memref<128xf32, #tpu.memory_space<vmem>>
        %dma_wait3A_130 = arith.constant 0 : i32
        %dma_wait3A_131 = tpu.memref_slice %arg12[%run_scoped3A_101, %dma_wait3A_130] : memref<20x128xi32, #tpu.memory_space<vmem>> -> memref<1x128xi32, #tpu.memory_space<vmem>>
        %dma_wait3A_132 = tpu.memref_squeeze %dma_wait3A_131 : memref<1x128xi32, #tpu.memory_space<vmem>> -> memref<128xi32, #tpu.memory_space<vmem>>
        %dma_wait3A_133 = arith.constant 0 : i32
        %dma_wait3A_134 = tpu.memref_slice %arg14[%dma_wait3A_133] : memref<20224xf32, #tpu.memory_space<vmem_shared>> -> memref<20224xf32, #tpu.memory_space<vmem_shared>>
        tpu.wait_indirect_dma semaphore(%run_scoped3A_120 : memref<!tpu.dma_semaphore, #tpu.memory_space<semaphore_mem>>) src(%dma_wait3A_129 : memref<128xf32, #tpu.memory_space<vmem>>) dst(%dma_wait3A_134 : memref<20224xf32, #tpu.memory_space<vmem_shared>>)
        tpu.yield
      }) : () -> ()
      %run_scoped3A_102 = arith.constant 3 : i32
      "tpu.region"() ({
        %run_scoped3A_120 = tpu.sem_alloc : memref<!tpu.dma_semaphore, #tpu.memory_space<semaphore_mem>>
        %dma_start3A_121 = arith.constant 384 : i32
        %dma_start3A_122 = tpu.memref_slice %arg11[%dma_start3A_121] : memref<2560xf32, #tpu.memory_space<vmem>> -> memref<128xf32, #tpu.memory_space<vmem>>
        %dma_start3A_123 = arith.constant 0 : i32
        %dma_start3A_124 = tpu.memref_slice %arg12[%run_scoped3A_102, %dma_start3A_123] : memref<20x128xi32, #tpu.memory_space<vmem>> -> memref<1x128xi32, #tpu.memory_space<vmem>>
        %dma_start3A_125 = tpu.memref_squeeze %dma_start3A_124 : memref<1x128xi32, #tpu.memory_space<vmem>> -> memref<128xi32, #tpu.memory_space<vmem>>
        %dma_start3A_126 = arith.constant 0 : i32
        %dma_start3A_127 = tpu.memref_slice %arg14[%dma_start3A_126] : memref<20224xf32, #tpu.memory_space<vmem_shared>> -> memref<20224xf32, #tpu.memory_space<vmem_shared>>
        tpu.enqueue_indirect_dma source(%dma_start3A_122 : memref<128xf32, #tpu.memory_space<vmem>>) target(%dma_start3A_127 : memref<20224xf32, #tpu.memory_space<vmem_shared>>) offsets(%dma_start3A_125 : memref<128xi32, #tpu.memory_space<vmem>>) semaphore(%run_scoped3A_120 : memref<!tpu.dma_semaphore, #tpu.memory_space<semaphore_mem>>) {add = true}
        %dma_wait3A_128 = arith.constant 384 : i32
        %dma_wait3A_129 = tpu.memref_slice %arg11[%dma_wait3A_128] : memref<2560xf32, #tpu.memory_space<vmem>> -> memref<128xf32, #tpu.memory_space<vmem>>
        %dma_wait3A_130 = arith.constant 0 : i32
        %dma_wait3A_131 = tpu.memref_slice %arg12[%run_scoped3A_102, %dma_wait3A_130] : memref<20x128xi32, #tpu.memory_space<vmem>> -> memref<1x128xi32, #tpu.memory_space<vmem>>
        %dma_wait3A_132 = tpu.memref_squeeze %dma_wait3A_131 : memref<1x128xi32, #tpu.memory_space<vmem>> -> memref<128xi32, #tpu.memory_space<vmem>>
        %dma_wait3A_133 = arith.constant 0 : i32
        %dma_wait3A_134 = tpu.memref_slice %arg14[%dma_wait3A_133] : memref<20224xf32, #tpu.memory_space<vmem_shared>> -> memref<20224xf32, #tpu.memory_space<vmem_shared>>
        tpu.wait_indirect_dma semaphore(%run_scoped3A_120 : memref<!tpu.dma_semaphore, #tpu.memory_space<semaphore_mem>>) src(%dma_wait3A_129 : memref<128xf32, #tpu.memory_space<vmem>>) dst(%dma_wait3A_134 : memref<20224xf32, #tpu.memory_space<vmem_shared>>)
        tpu.yield
      }) : () -> ()
      %run_scoped3A_103 = arith.constant 4 : i32
      "tpu.region"() ({
        %run_scoped3A_120 = tpu.sem_alloc : memref<!tpu.dma_semaphore, #tpu.memory_space<semaphore_mem>>
        %dma_start3A_121 = arith.constant 512 : i32
        %dma_start3A_122 = tpu.memref_slice %arg11[%dma_start3A_121] : memref<2560xf32, #tpu.memory_space<vmem>> -> memref<128xf32, #tpu.memory_space<vmem>>
        %dma_start3A_123 = arith.constant 0 : i32
        %dma_start3A_124 = tpu.memref_slice %arg12[%run_scoped3A_103, %dma_start3A_123] : memref<20x128xi32, #tpu.memory_space<vmem>> -> memref<1x128xi32, #tpu.memory_space<vmem>>
        %dma_start3A_125 = tpu.memref_squeeze %dma_start3A_124 : memref<1x128xi32, #tpu.memory_space<vmem>> -> memref<128xi32, #tpu.memory_space<vmem>>
        %dma_start3A_126 = arith.constant 0 : i32
        %dma_start3A_127 = tpu.memref_slice %arg14[%dma_start3A_126] : memref<20224xf32, #tpu.memory_space<vmem_shared>> -> memref<20224xf32, #tpu.memory_space<vmem_shared>>
        tpu.enqueue_indirect_dma source(%dma_start3A_122 : memref<128xf32, #tpu.memory_space<vmem>>) target(%dma_start3A_127 : memref<20224xf32, #tpu.memory_space<vmem_shared>>) offsets(%dma_start3A_125 : memref<128xi32, #tpu.memory_space<vmem>>) semaphore(%run_scoped3A_120 : memref<!tpu.dma_semaphore, #tpu.memory_space<semaphore_mem>>) {add = true}
        %dma_wait3A_128 = arith.constant 512 : i32
        %dma_wait3A_129 = tpu.memref_slice %arg11[%dma_wait3A_128] : memref<2560xf32, #tpu.memory_space<vmem>> -> memref<128xf32, #tpu.memory_space<vmem>>
        %dma_wait3A_130 = arith.constant 0 : i32
        %dma_wait3A_131 = tpu.memref_slice %arg12[%run_scoped3A_103, %dma_wait3A_130] : memref<20x128xi32, #tpu.memory_space<vmem>> -> memref<1x128xi32, #tpu.memory_space<vmem>>
        %dma_wait3A_132 = tpu.memref_squeeze %dma_wait3A_131 : memref<1x128xi32, #tpu.memory_space<vmem>> -> memref<128xi32, #tpu.memory_space<vmem>>
        %dma_wait3A_133 = arith.constant 0 : i32
        %dma_wait3A_134 = tpu.memref_slice %arg14[%dma_wait3A_133] : memref<20224xf32, #tpu.memory_space<vmem_shared>> -> memref<20224xf32, #tpu.memory_space<vmem_shared>>
        tpu.wait_indirect_dma semaphore(%run_scoped3A_120 : memref<!tpu.dma_semaphore, #tpu.memory_space<semaphore_mem>>) src(%dma_wait3A_129 : memref<128xf32, #tpu.memory_space<vmem>>) dst(%dma_wait3A_134 : memref<20224xf32, #tpu.memory_space<vmem_shared>>)
        tpu.yield
      }) : () -> ()
      %run_scoped3A_104 = arith.constant 5 : i32
      "tpu.region"() ({
        %run_scoped3A_120 = tpu.sem_alloc : memref<!tpu.dma_semaphore, #tpu.memory_space<semaphore_mem>>
        %dma_start3A_121 = arith.constant 640 : i32
        %dma_start3A_122 = tpu.memref_slice %arg11[%dma_start3A_121] : memref<2560xf32, #tpu.memory_space<vmem>> -> memref<128xf32, #tpu.memory_space<vmem>>
        %dma_start3A_123 = arith.constant 0 : i32
        %dma_start3A_124 = tpu.memref_slice %arg12[%run_scoped3A_104, %dma_start3A_123] : memref<20x128xi32, #tpu.memory_space<vmem>> -> memref<1x128xi32, #tpu.memory_space<vmem>>
        %dma_start3A_125 = tpu.memref_squeeze %dma_start3A_124 : memref<1x128xi32, #tpu.memory_space<vmem>> -> memref<128xi32, #tpu.memory_space<vmem>>
        %dma_start3A_126 = arith.constant 0 : i32
        %dma_start3A_127 = tpu.memref_slice %arg14[%dma_start3A_126] : memref<20224xf32, #tpu.memory_space<vmem_shared>> -> memref<20224xf32, #tpu.memory_space<vmem_shared>>
        tpu.enqueue_indirect_dma source(%dma_start3A_122 : memref<128xf32, #tpu.memory_space<vmem>>) target(%dma_start3A_127 : memref<20224xf32, #tpu.memory_space<vmem_shared>>) offsets(%dma_start3A_125 : memref<128xi32, #tpu.memory_space<vmem>>) semaphore(%run_scoped3A_120 : memref<!tpu.dma_semaphore, #tpu.memory_space<semaphore_mem>>) {add = true}
        %dma_wait3A_128 = arith.constant 640 : i32
        %dma_wait3A_129 = tpu.memref_slice %arg11[%dma_wait3A_128] : memref<2560xf32, #tpu.memory_space<vmem>> -> memref<128xf32, #tpu.memory_space<vmem>>
        %dma_wait3A_130 = arith.constant 0 : i32
        %dma_wait3A_131 = tpu.memref_slice %arg12[%run_scoped3A_104, %dma_wait3A_130] : memref<20x128xi32, #tpu.memory_space<vmem>> -> memref<1x128xi32, #tpu.memory_space<vmem>>
        %dma_wait3A_132 = tpu.memref_squeeze %dma_wait3A_131 : memref<1x128xi32, #tpu.memory_space<vmem>> -> memref<128xi32, #tpu.memory_space<vmem>>
        %dma_wait3A_133 = arith.constant 0 : i32
        %dma_wait3A_134 = tpu.memref_slice %arg14[%dma_wait3A_133] : memref<20224xf32, #tpu.memory_space<vmem_shared>> -> memref<20224xf32, #tpu.memory_space<vmem_shared>>
        tpu.wait_indirect_dma semaphore(%run_scoped3A_120 : memref<!tpu.dma_semaphore, #tpu.memory_space<semaphore_mem>>) src(%dma_wait3A_129 : memref<128xf32, #tpu.memory_space<vmem>>) dst(%dma_wait3A_134 : memref<20224xf32, #tpu.memory_space<vmem_shared>>)
        tpu.yield
      }) : () -> ()
      %run_scoped3A_105 = arith.constant 6 : i32
      "tpu.region"() ({
        %run_scoped3A_120 = tpu.sem_alloc : memref<!tpu.dma_semaphore, #tpu.memory_space<semaphore_mem>>
        %dma_start3A_121 = arith.constant 768 : i32
        %dma_start3A_122 = tpu.memref_slice %arg11[%dma_start3A_121] : memref<2560xf32, #tpu.memory_space<vmem>> -> memref<128xf32, #tpu.memory_space<vmem>>
        %dma_start3A_123 = arith.constant 0 : i32
        %dma_start3A_124 = tpu.memref_slice %arg12[%run_scoped3A_105, %dma_start3A_123] : memref<20x128xi32, #tpu.memory_space<vmem>> -> memref<1x128xi32, #tpu.memory_space<vmem>>
        %dma_start3A_125 = tpu.memref_squeeze %dma_start3A_124 : memref<1x128xi32, #tpu.memory_space<vmem>> -> memref<128xi32, #tpu.memory_space<vmem>>
        %dma_start3A_126 = arith.constant 0 : i32
        %dma_start3A_127 = tpu.memref_slice %arg14[%dma_start3A_126] : memref<20224xf32, #tpu.memory_space<vmem_shared>> -> memref<20224xf32, #tpu.memory_space<vmem_shared>>
        tpu.enqueue_indirect_dma source(%dma_start3A_122 : memref<128xf32, #tpu.memory_space<vmem>>) target(%dma_start3A_127 : memref<20224xf32, #tpu.memory_space<vmem_shared>>) offsets(%dma_start3A_125 : memref<128xi32, #tpu.memory_space<vmem>>) semaphore(%run_scoped3A_120 : memref<!tpu.dma_semaphore, #tpu.memory_space<semaphore_mem>>) {add = true}
        %dma_wait3A_128 = arith.constant 768 : i32
        %dma_wait3A_129 = tpu.memref_slice %arg11[%dma_wait3A_128] : memref<2560xf32, #tpu.memory_space<vmem>> -> memref<128xf32, #tpu.memory_space<vmem>>
        %dma_wait3A_130 = arith.constant 0 : i32
        %dma_wait3A_131 = tpu.memref_slice %arg12[%run_scoped3A_105, %dma_wait3A_130] : memref<20x128xi32, #tpu.memory_space<vmem>> -> memref<1x128xi32, #tpu.memory_space<vmem>>
        %dma_wait3A_132 = tpu.memref_squeeze %dma_wait3A_131 : memref<1x128xi32, #tpu.memory_space<vmem>> -> memref<128xi32, #tpu.memory_space<vmem>>
        %dma_wait3A_133 = arith.constant 0 : i32
        %dma_wait3A_134 = tpu.memref_slice %arg14[%dma_wait3A_133] : memref<20224xf32, #tpu.memory_space<vmem_shared>> -> memref<20224xf32, #tpu.memory_space<vmem_shared>>
        tpu.wait_indirect_dma semaphore(%run_scoped3A_120 : memref<!tpu.dma_semaphore, #tpu.memory_space<semaphore_mem>>) src(%dma_wait3A_129 : memref<128xf32, #tpu.memory_space<vmem>>) dst(%dma_wait3A_134 : memref<20224xf32, #tpu.memory_space<vmem_shared>>)
        tpu.yield
      }) : () -> ()
      %run_scoped3A_106 = arith.constant 7 : i32
      "tpu.region"() ({
        %run_scoped3A_120 = tpu.sem_alloc : memref<!tpu.dma_semaphore, #tpu.memory_space<semaphore_mem>>
        %dma_start3A_121 = arith.constant 896 : i32
        %dma_start3A_122 = tpu.memref_slice %arg11[%dma_start3A_121] : memref<2560xf32, #tpu.memory_space<vmem>> -> memref<128xf32, #tpu.memory_space<vmem>>
        %dma_start3A_123 = arith.constant 0 : i32
        %dma_start3A_124 = tpu.memref_slice %arg12[%run_scoped3A_106, %dma_start3A_123] : memref<20x128xi32, #tpu.memory_space<vmem>> -> memref<1x128xi32, #tpu.memory_space<vmem>>
        %dma_start3A_125 = tpu.memref_squeeze %dma_start3A_124 : memref<1x128xi32, #tpu.memory_space<vmem>> -> memref<128xi32, #tpu.memory_space<vmem>>
        %dma_start3A_126 = arith.constant 0 : i32
        %dma_start3A_127 = tpu.memref_slice %arg14[%dma_start3A_126] : memref<20224xf32, #tpu.memory_space<vmem_shared>> -> memref<20224xf32, #tpu.memory_space<vmem_shared>>
        tpu.enqueue_indirect_dma source(%dma_start3A_122 : memref<128xf32, #tpu.memory_space<vmem>>) target(%dma_start3A_127 : memref<20224xf32, #tpu.memory_space<vmem_shared>>) offsets(%dma_start3A_125 : memref<128xi32, #tpu.memory_space<vmem>>) semaphore(%run_scoped3A_120 : memref<!tpu.dma_semaphore, #tpu.memory_space<semaphore_mem>>) {add = true}
        %dma_wait3A_128 = arith.constant 896 : i32
        %dma_wait3A_129 = tpu.memref_slice %arg11[%dma_wait3A_128] : memref<2560xf32, #tpu.memory_space<vmem>> -> memref<128xf32, #tpu.memory_space<vmem>>
        %dma_wait3A_130 = arith.constant 0 : i32
        %dma_wait3A_131 = tpu.memref_slice %arg12[%run_scoped3A_106, %dma_wait3A_130] : memref<20x128xi32, #tpu.memory_space<vmem>> -> memref<1x128xi32, #tpu.memory_space<vmem>>
        %dma_wait3A_132 = tpu.memref_squeeze %dma_wait3A_131 : memref<1x128xi32, #tpu.memory_space<vmem>> -> memref<128xi32, #tpu.memory_space<vmem>>
        %dma_wait3A_133 = arith.constant 0 : i32
        %dma_wait3A_134 = tpu.memref_slice %arg14[%dma_wait3A_133] : memref<20224xf32, #tpu.memory_space<vmem_shared>> -> memref<20224xf32, #tpu.memory_space<vmem_shared>>
        tpu.wait_indirect_dma semaphore(%run_scoped3A_120 : memref<!tpu.dma_semaphore, #tpu.memory_space<semaphore_mem>>) src(%dma_wait3A_129 : memref<128xf32, #tpu.memory_space<vmem>>) dst(%dma_wait3A_134 : memref<20224xf32, #tpu.memory_space<vmem_shared>>)
        tpu.yield
      }) : () -> ()
      %run_scoped3A_107 = arith.constant 8 : i32
      "tpu.region"() ({
        %run_scoped3A_120 = tpu.sem_alloc : memref<!tpu.dma_semaphore, #tpu.memory_space<semaphore_mem>>
        %dma_start3A_121 = arith.constant 1024 : i32
        %dma_start3A_122 = tpu.memref_slice %arg11[%dma_start3A_121] : memref<2560xf32, #tpu.memory_space<vmem>> -> memref<128xf32, #tpu.memory_space<vmem>>
        %dma_start3A_123 = arith.constant 0 : i32
        %dma_start3A_124 = tpu.memref_slice %arg12[%run_scoped3A_107, %dma_start3A_123] : memref<20x128xi32, #tpu.memory_space<vmem>> -> memref<1x128xi32, #tpu.memory_space<vmem>>
        %dma_start3A_125 = tpu.memref_squeeze %dma_start3A_124 : memref<1x128xi32, #tpu.memory_space<vmem>> -> memref<128xi32, #tpu.memory_space<vmem>>
        %dma_start3A_126 = arith.constant 0 : i32
        %dma_start3A_127 = tpu.memref_slice %arg14[%dma_start3A_126] : memref<20224xf32, #tpu.memory_space<vmem_shared>> -> memref<20224xf32, #tpu.memory_space<vmem_shared>>
        tpu.enqueue_indirect_dma source(%dma_start3A_122 : memref<128xf32, #tpu.memory_space<vmem>>) target(%dma_start3A_127 : memref<20224xf32, #tpu.memory_space<vmem_shared>>) offsets(%dma_start3A_125 : memref<128xi32, #tpu.memory_space<vmem>>) semaphore(%run_scoped3A_120 : memref<!tpu.dma_semaphore, #tpu.memory_space<semaphore_mem>>) {add = true}
        %dma_wait3A_128 = arith.constant 1024 : i32
        %dma_wait3A_129 = tpu.memref_slice %arg11[%dma_wait3A_128] : memref<2560xf32, #tpu.memory_space<vmem>> -> memref<128xf32, #tpu.memory_space<vmem>>
        %dma_wait3A_130 = arith.constant 0 : i32
        %dma_wait3A_131 = tpu.memref_slice %arg12[%run_scoped3A_107, %dma_wait3A_130] : memref<20x128xi32, #tpu.memory_space<vmem>> -> memref<1x128xi32, #tpu.memory_space<vmem>>
        %dma_wait3A_132 = tpu.memref_squeeze %dma_wait3A_131 : memref<1x128xi32, #tpu.memory_space<vmem>> -> memref<128xi32, #tpu.memory_space<vmem>>
        %dma_wait3A_133 = arith.constant 0 : i32
        %dma_wait3A_134 = tpu.memref_slice %arg14[%dma_wait3A_133] : memref<20224xf32, #tpu.memory_space<vmem_shared>> -> memref<20224xf32, #tpu.memory_space<vmem_shared>>
        tpu.wait_indirect_dma semaphore(%run_scoped3A_120 : memref<!tpu.dma_semaphore, #tpu.memory_space<semaphore_mem>>) src(%dma_wait3A_129 : memref<128xf32, #tpu.memory_space<vmem>>) dst(%dma_wait3A_134 : memref<20224xf32, #tpu.memory_space<vmem_shared>>)
        tpu.yield
      }) : () -> ()
      %run_scoped3A_108 = arith.constant 9 : i32
      "tpu.region"() ({
        %run_scoped3A_120 = tpu.sem_alloc : memref<!tpu.dma_semaphore, #tpu.memory_space<semaphore_mem>>
        %dma_start3A_121 = arith.constant 1152 : i32
        %dma_start3A_122 = tpu.memref_slice %arg11[%dma_start3A_121] : memref<2560xf32, #tpu.memory_space<vmem>> -> memref<128xf32, #tpu.memory_space<vmem>>
        %dma_start3A_123 = arith.constant 0 : i32
        %dma_start3A_124 = tpu.memref_slice %arg12[%run_scoped3A_108, %dma_start3A_123] : memref<20x128xi32, #tpu.memory_space<vmem>> -> memref<1x128xi32, #tpu.memory_space<vmem>>
        %dma_start3A_125 = tpu.memref_squeeze %dma_start3A_124 : memref<1x128xi32, #tpu.memory_space<vmem>> -> memref<128xi32, #tpu.memory_space<vmem>>
        %dma_start3A_126 = arith.constant 0 : i32
        %dma_start3A_127 = tpu.memref_slice %arg14[%dma_start3A_126] : memref<20224xf32, #tpu.memory_space<vmem_shared>> -> memref<20224xf32, #tpu.memory_space<vmem_shared>>
        tpu.enqueue_indirect_dma source(%dma_start3A_122 : memref<128xf32, #tpu.memory_space<vmem>>) target(%dma_start3A_127 : memref<20224xf32, #tpu.memory_space<vmem_shared>>) offsets(%dma_start3A_125 : memref<128xi32, #tpu.memory_space<vmem>>) semaphore(%run_scoped3A_120 : memref<!tpu.dma_semaphore, #tpu.memory_space<semaphore_mem>>) {add = true}
        %dma_wait3A_128 = arith.constant 1152 : i32
        %dma_wait3A_129 = tpu.memref_slice %arg11[%dma_wait3A_128] : memref<2560xf32, #tpu.memory_space<vmem>> -> memref<128xf32, #tpu.memory_space<vmem>>
        %dma_wait3A_130 = arith.constant 0 : i32
        %dma_wait3A_131 = tpu.memref_slice %arg12[%run_scoped3A_108, %dma_wait3A_130] : memref<20x128xi32, #tpu.memory_space<vmem>> -> memref<1x128xi32, #tpu.memory_space<vmem>>
        %dma_wait3A_132 = tpu.memref_squeeze %dma_wait3A_131 : memref<1x128xi32, #tpu.memory_space<vmem>> -> memref<128xi32, #tpu.memory_space<vmem>>
        %dma_wait3A_133 = arith.constant 0 : i32
        %dma_wait3A_134 = tpu.memref_slice %arg14[%dma_wait3A_133] : memref<20224xf32, #tpu.memory_space<vmem_shared>> -> memref<20224xf32, #tpu.memory_space<vmem_shared>>
        tpu.wait_indirect_dma semaphore(%run_scoped3A_120 : memref<!tpu.dma_semaphore, #tpu.memory_space<semaphore_mem>>) src(%dma_wait3A_129 : memref<128xf32, #tpu.memory_space<vmem>>) dst(%dma_wait3A_134 : memref<20224xf32, #tpu.memory_space<vmem_shared>>)
        tpu.yield
      }) : () -> ()
      %run_scoped3A_109 = arith.constant 10 : i32
      "tpu.region"() ({
        %run_scoped3A_120 = tpu.sem_alloc : memref<!tpu.dma_semaphore, #tpu.memory_space<semaphore_mem>>
        %dma_start3A_121 = arith.constant 1280 : i32
        %dma_start3A_122 = tpu.memref_slice %arg11[%dma_start3A_121] : memref<2560xf32, #tpu.memory_space<vmem>> -> memref<128xf32, #tpu.memory_space<vmem>>
        %dma_start3A_123 = arith.constant 0 : i32
        %dma_start3A_124 = tpu.memref_slice %arg12[%run_scoped3A_109, %dma_start3A_123] : memref<20x128xi32, #tpu.memory_space<vmem>> -> memref<1x128xi32, #tpu.memory_space<vmem>>
        %dma_start3A_125 = tpu.memref_squeeze %dma_start3A_124 : memref<1x128xi32, #tpu.memory_space<vmem>> -> memref<128xi32, #tpu.memory_space<vmem>>
        %dma_start3A_126 = arith.constant 0 : i32
        %dma_start3A_127 = tpu.memref_slice %arg14[%dma_start3A_126] : memref<20224xf32, #tpu.memory_space<vmem_shared>> -> memref<20224xf32, #tpu.memory_space<vmem_shared>>
        tpu.enqueue_indirect_dma source(%dma_start3A_122 : memref<128xf32, #tpu.memory_space<vmem>>) target(%dma_start3A_127 : memref<20224xf32, #tpu.memory_space<vmem_shared>>) offsets(%dma_start3A_125 : memref<128xi32, #tpu.memory_space<vmem>>) semaphore(%run_scoped3A_120 : memref<!tpu.dma_semaphore, #tpu.memory_space<semaphore_mem>>) {add = true}
        %dma_wait3A_128 = arith.constant 1280 : i32
        %dma_wait3A_129 = tpu.memref_slice %arg11[%dma_wait3A_128] : memref<2560xf32, #tpu.memory_space<vmem>> -> memref<128xf32, #tpu.memory_space<vmem>>
        %dma_wait3A_130 = arith.constant 0 : i32
        %dma_wait3A_131 = tpu.memref_slice %arg12[%run_scoped3A_109, %dma_wait3A_130] : memref<20x128xi32, #tpu.memory_space<vmem>> -> memref<1x128xi32, #tpu.memory_space<vmem>>
        %dma_wait3A_132 = tpu.memref_squeeze %dma_wait3A_131 : memref<1x128xi32, #tpu.memory_space<vmem>> -> memref<128xi32, #tpu.memory_space<vmem>>
        %dma_wait3A_133 = arith.constant 0 : i32
        %dma_wait3A_134 = tpu.memref_slice %arg14[%dma_wait3A_133] : memref<20224xf32, #tpu.memory_space<vmem_shared>> -> memref<20224xf32, #tpu.memory_space<vmem_shared>>
        tpu.wait_indirect_dma semaphore(%run_scoped3A_120 : memref<!tpu.dma_semaphore, #tpu.memory_space<semaphore_mem>>) src(%dma_wait3A_129 : memref<128xf32, #tpu.memory_space<vmem>>) dst(%dma_wait3A_134 : memref<20224xf32, #tpu.memory_space<vmem_shared>>)
        tpu.yield
      }) : () -> ()
      %run_scoped3A_110 = arith.constant 11 : i32
      "tpu.region"() ({
        %run_scoped3A_120 = tpu.sem_alloc : memref<!tpu.dma_semaphore, #tpu.memory_space<semaphore_mem>>
        %dma_start3A_121 = arith.constant 1408 : i32
        %dma_start3A_122 = tpu.memref_slice %arg11[%dma_start3A_121] : memref<2560xf32, #tpu.memory_space<vmem>> -> memref<128xf32, #tpu.memory_space<vmem>>
        %dma_start3A_123 = arith.constant 0 : i32
        %dma_start3A_124 = tpu.memref_slice %arg12[%run_scoped3A_110, %dma_start3A_123] : memref<20x128xi32, #tpu.memory_space<vmem>> -> memref<1x128xi32, #tpu.memory_space<vmem>>
        %dma_start3A_125 = tpu.memref_squeeze %dma_start3A_124 : memref<1x128xi32, #tpu.memory_space<vmem>> -> memref<128xi32, #tpu.memory_space<vmem>>
        %dma_start3A_126 = arith.constant 0 : i32
        %dma_start3A_127 = tpu.memref_slice %arg14[%dma_start3A_126] : memref<20224xf32, #tpu.memory_space<vmem_shared>> -> memref<20224xf32, #tpu.memory_space<vmem_shared>>
        tpu.enqueue_indirect_dma source(%dma_start3A_122 : memref<128xf32, #tpu.memory_space<vmem>>) target(%dma_start3A_127 : memref<20224xf32, #tpu.memory_space<vmem_shared>>) offsets(%dma_start3A_125 : memref<128xi32, #tpu.memory_space<vmem>>) semaphore(%run_scoped3A_120 : memref<!tpu.dma_semaphore, #tpu.memory_space<semaphore_mem>>) {add = true}
        %dma_wait3A_128 = arith.constant 1408 : i32
        %dma_wait3A_129 = tpu.memref_slice %arg11[%dma_wait3A_128] : memref<2560xf32, #tpu.memory_space<vmem>> -> memref<128xf32, #tpu.memory_space<vmem>>
        %dma_wait3A_130 = arith.constant 0 : i32
        %dma_wait3A_131 = tpu.memref_slice %arg12[%run_scoped3A_110, %dma_wait3A_130] : memref<20x128xi32, #tpu.memory_space<vmem>> -> memref<1x128xi32, #tpu.memory_space<vmem>>
        %dma_wait3A_132 = tpu.memref_squeeze %dma_wait3A_131 : memref<1x128xi32, #tpu.memory_space<vmem>> -> memref<128xi32, #tpu.memory_space<vmem>>
        %dma_wait3A_133 = arith.constant 0 : i32
        %dma_wait3A_134 = tpu.memref_slice %arg14[%dma_wait3A_133] : memref<20224xf32, #tpu.memory_space<vmem_shared>> -> memref<20224xf32, #tpu.memory_space<vmem_shared>>
        tpu.wait_indirect_dma semaphore(%run_scoped3A_120 : memref<!tpu.dma_semaphore, #tpu.memory_space<semaphore_mem>>) src(%dma_wait3A_129 : memref<128xf32, #tpu.memory_space<vmem>>) dst(%dma_wait3A_134 : memref<20224xf32, #tpu.memory_space<vmem_shared>>)
        tpu.yield
      }) : () -> ()
      %run_scoped3A_111 = arith.constant 12 : i32
      "tpu.region"() ({
        %run_scoped3A_120 = tpu.sem_alloc : memref<!tpu.dma_semaphore, #tpu.memory_space<semaphore_mem>>
        %dma_start3A_121 = arith.constant 1536 : i32
        %dma_start3A_122 = tpu.memref_slice %arg11[%dma_start3A_121] : memref<2560xf32, #tpu.memory_space<vmem>> -> memref<128xf32, #tpu.memory_space<vmem>>
        %dma_start3A_123 = arith.constant 0 : i32
        %dma_start3A_124 = tpu.memref_slice %arg12[%run_scoped3A_111, %dma_start3A_123] : memref<20x128xi32, #tpu.memory_space<vmem>> -> memref<1x128xi32, #tpu.memory_space<vmem>>
        %dma_start3A_125 = tpu.memref_squeeze %dma_start3A_124 : memref<1x128xi32, #tpu.memory_space<vmem>> -> memref<128xi32, #tpu.memory_space<vmem>>
        %dma_start3A_126 = arith.constant 0 : i32
        %dma_start3A_127 = tpu.memref_slice %arg14[%dma_start3A_126] : memref<20224xf32, #tpu.memory_space<vmem_shared>> -> memref<20224xf32, #tpu.memory_space<vmem_shared>>
        tpu.enqueue_indirect_dma source(%dma_start3A_122 : memref<128xf32, #tpu.memory_space<vmem>>) target(%dma_start3A_127 : memref<20224xf32, #tpu.memory_space<vmem_shared>>) offsets(%dma_start3A_125 : memref<128xi32, #tpu.memory_space<vmem>>) semaphore(%run_scoped3A_120 : memref<!tpu.dma_semaphore, #tpu.memory_space<semaphore_mem>>) {add = true}
        %dma_wait3A_128 = arith.constant 1536 : i32
        %dma_wait3A_129 = tpu.memref_slice %arg11[%dma_wait3A_128] : memref<2560xf32, #tpu.memory_space<vmem>> -> memref<128xf32, #tpu.memory_space<vmem>>
        %dma_wait3A_130 = arith.constant 0 : i32
        %dma_wait3A_131 = tpu.memref_slice %arg12[%run_scoped3A_111, %dma_wait3A_130] : memref<20x128xi32, #tpu.memory_space<vmem>> -> memref<1x128xi32, #tpu.memory_space<vmem>>
        %dma_wait3A_132 = tpu.memref_squeeze %dma_wait3A_131 : memref<1x128xi32, #tpu.memory_space<vmem>> -> memref<128xi32, #tpu.memory_space<vmem>>
        %dma_wait3A_133 = arith.constant 0 : i32
        %dma_wait3A_134 = tpu.memref_slice %arg14[%dma_wait3A_133] : memref<20224xf32, #tpu.memory_space<vmem_shared>> -> memref<20224xf32, #tpu.memory_space<vmem_shared>>
        tpu.wait_indirect_dma semaphore(%run_scoped3A_120 : memref<!tpu.dma_semaphore, #tpu.memory_space<semaphore_mem>>) src(%dma_wait3A_129 : memref<128xf32, #tpu.memory_space<vmem>>) dst(%dma_wait3A_134 : memref<20224xf32, #tpu.memory_space<vmem_shared>>)
        tpu.yield
      }) : () -> ()
      %run_scoped3A_112 = arith.constant 13 : i32
      "tpu.region"() ({
        %run_scoped3A_120 = tpu.sem_alloc : memref<!tpu.dma_semaphore, #tpu.memory_space<semaphore_mem>>
        %dma_start3A_121 = arith.constant 1664 : i32
        %dma_start3A_122 = tpu.memref_slice %arg11[%dma_start3A_121] : memref<2560xf32, #tpu.memory_space<vmem>> -> memref<128xf32, #tpu.memory_space<vmem>>
        %dma_start3A_123 = arith.constant 0 : i32
        %dma_start3A_124 = tpu.memref_slice %arg12[%run_scoped3A_112, %dma_start3A_123] : memref<20x128xi32, #tpu.memory_space<vmem>> -> memref<1x128xi32, #tpu.memory_space<vmem>>
        %dma_start3A_125 = tpu.memref_squeeze %dma_start3A_124 : memref<1x128xi32, #tpu.memory_space<vmem>> -> memref<128xi32, #tpu.memory_space<vmem>>
        %dma_start3A_126 = arith.constant 0 : i32
        %dma_start3A_127 = tpu.memref_slice %arg14[%dma_start3A_126] : memref<20224xf32, #tpu.memory_space<vmem_shared>> -> memref<20224xf32, #tpu.memory_space<vmem_shared>>
        tpu.enqueue_indirect_dma source(%dma_start3A_122 : memref<128xf32, #tpu.memory_space<vmem>>) target(%dma_start3A_127 : memref<20224xf32, #tpu.memory_space<vmem_shared>>) offsets(%dma_start3A_125 : memref<128xi32, #tpu.memory_space<vmem>>) semaphore(%run_scoped3A_120 : memref<!tpu.dma_semaphore, #tpu.memory_space<semaphore_mem>>) {add = true}
        %dma_wait3A_128 = arith.constant 1664 : i32
        %dma_wait3A_129 = tpu.memref_slice %arg11[%dma_wait3A_128] : memref<2560xf32, #tpu.memory_space<vmem>> -> memref<128xf32, #tpu.memory_space<vmem>>
        %dma_wait3A_130 = arith.constant 0 : i32
        %dma_wait3A_131 = tpu.memref_slice %arg12[%run_scoped3A_112, %dma_wait3A_130] : memref<20x128xi32, #tpu.memory_space<vmem>> -> memref<1x128xi32, #tpu.memory_space<vmem>>
        %dma_wait3A_132 = tpu.memref_squeeze %dma_wait3A_131 : memref<1x128xi32, #tpu.memory_space<vmem>> -> memref<128xi32, #tpu.memory_space<vmem>>
        %dma_wait3A_133 = arith.constant 0 : i32
        %dma_wait3A_134 = tpu.memref_slice %arg14[%dma_wait3A_133] : memref<20224xf32, #tpu.memory_space<vmem_shared>> -> memref<20224xf32, #tpu.memory_space<vmem_shared>>
        tpu.wait_indirect_dma semaphore(%run_scoped3A_120 : memref<!tpu.dma_semaphore, #tpu.memory_space<semaphore_mem>>) src(%dma_wait3A_129 : memref<128xf32, #tpu.memory_space<vmem>>) dst(%dma_wait3A_134 : memref<20224xf32, #tpu.memory_space<vmem_shared>>)
        tpu.yield
      }) : () -> ()
      %run_scoped3A_113 = arith.constant 14 : i32
      "tpu.region"() ({
        %run_scoped3A_120 = tpu.sem_alloc : memref<!tpu.dma_semaphore, #tpu.memory_space<semaphore_mem>>
        %dma_start3A_121 = arith.constant 1792 : i32
        %dma_start3A_122 = tpu.memref_slice %arg11[%dma_start3A_121] : memref<2560xf32, #tpu.memory_space<vmem>> -> memref<128xf32, #tpu.memory_space<vmem>>
        %dma_start3A_123 = arith.constant 0 : i32
        %dma_start3A_124 = tpu.memref_slice %arg12[%run_scoped3A_113, %dma_start3A_123] : memref<20x128xi32, #tpu.memory_space<vmem>> -> memref<1x128xi32, #tpu.memory_space<vmem>>
        %dma_start3A_125 = tpu.memref_squeeze %dma_start3A_124 : memref<1x128xi32, #tpu.memory_space<vmem>> -> memref<128xi32, #tpu.memory_space<vmem>>
        %dma_start3A_126 = arith.constant 0 : i32
        %dma_start3A_127 = tpu.memref_slice %arg14[%dma_start3A_126] : memref<20224xf32, #tpu.memory_space<vmem_shared>> -> memref<20224xf32, #tpu.memory_space<vmem_shared>>
        tpu.enqueue_indirect_dma source(%dma_start3A_122 : memref<128xf32, #tpu.memory_space<vmem>>) target(%dma_start3A_127 : memref<20224xf32, #tpu.memory_space<vmem_shared>>) offsets(%dma_start3A_125 : memref<128xi32, #tpu.memory_space<vmem>>) semaphore(%run_scoped3A_120 : memref<!tpu.dma_semaphore, #tpu.memory_space<semaphore_mem>>) {add = true}
        %dma_wait3A_128 = arith.constant 1792 : i32
        %dma_wait3A_129 = tpu.memref_slice %arg11[%dma_wait3A_128] : memref<2560xf32, #tpu.memory_space<vmem>> -> memref<128xf32, #tpu.memory_space<vmem>>
        %dma_wait3A_130 = arith.constant 0 : i32
        %dma_wait3A_131 = tpu.memref_slice %arg12[%run_scoped3A_113, %dma_wait3A_130] : memref<20x128xi32, #tpu.memory_space<vmem>> -> memref<1x128xi32, #tpu.memory_space<vmem>>
        %dma_wait3A_132 = tpu.memref_squeeze %dma_wait3A_131 : memref<1x128xi32, #tpu.memory_space<vmem>> -> memref<128xi32, #tpu.memory_space<vmem>>
        %dma_wait3A_133 = arith.constant 0 : i32
        %dma_wait3A_134 = tpu.memref_slice %arg14[%dma_wait3A_133] : memref<20224xf32, #tpu.memory_space<vmem_shared>> -> memref<20224xf32, #tpu.memory_space<vmem_shared>>
        tpu.wait_indirect_dma semaphore(%run_scoped3A_120 : memref<!tpu.dma_semaphore, #tpu.memory_space<semaphore_mem>>) src(%dma_wait3A_129 : memref<128xf32, #tpu.memory_space<vmem>>) dst(%dma_wait3A_134 : memref<20224xf32, #tpu.memory_space<vmem_shared>>)
        tpu.yield
      }) : () -> ()
      %run_scoped3A_114 = arith.constant 15 : i32
      "tpu.region"() ({
        %run_scoped3A_120 = tpu.sem_alloc : memref<!tpu.dma_semaphore, #tpu.memory_space<semaphore_mem>>
        %dma_start3A_121 = arith.constant 1920 : i32
        %dma_start3A_122 = tpu.memref_slice %arg11[%dma_start3A_121] : memref<2560xf32, #tpu.memory_space<vmem>> -> memref<128xf32, #tpu.memory_space<vmem>>
        %dma_start3A_123 = arith.constant 0 : i32
        %dma_start3A_124 = tpu.memref_slice %arg12[%run_scoped3A_114, %dma_start3A_123] : memref<20x128xi32, #tpu.memory_space<vmem>> -> memref<1x128xi32, #tpu.memory_space<vmem>>
        %dma_start3A_125 = tpu.memref_squeeze %dma_start3A_124 : memref<1x128xi32, #tpu.memory_space<vmem>> -> memref<128xi32, #tpu.memory_space<vmem>>
        %dma_start3A_126 = arith.constant 0 : i32
        %dma_start3A_127 = tpu.memref_slice %arg14[%dma_start3A_126] : memref<20224xf32, #tpu.memory_space<vmem_shared>> -> memref<20224xf32, #tpu.memory_space<vmem_shared>>
        tpu.enqueue_indirect_dma source(%dma_start3A_122 : memref<128xf32, #tpu.memory_space<vmem>>) target(%dma_start3A_127 : memref<20224xf32, #tpu.memory_space<vmem_shared>>) offsets(%dma_start3A_125 : memref<128xi32, #tpu.memory_space<vmem>>) semaphore(%run_scoped3A_120 : memref<!tpu.dma_semaphore, #tpu.memory_space<semaphore_mem>>) {add = true}
        %dma_wait3A_128 = arith.constant 1920 : i32
        %dma_wait3A_129 = tpu.memref_slice %arg11[%dma_wait3A_128] : memref<2560xf32, #tpu.memory_space<vmem>> -> memref<128xf32, #tpu.memory_space<vmem>>
        %dma_wait3A_130 = arith.constant 0 : i32
        %dma_wait3A_131 = tpu.memref_slice %arg12[%run_scoped3A_114, %dma_wait3A_130] : memref<20x128xi32, #tpu.memory_space<vmem>> -> memref<1x128xi32, #tpu.memory_space<vmem>>
        %dma_wait3A_132 = tpu.memref_squeeze %dma_wait3A_131 : memref<1x128xi32, #tpu.memory_space<vmem>> -> memref<128xi32, #tpu.memory_space<vmem>>
        %dma_wait3A_133 = arith.constant 0 : i32
        %dma_wait3A_134 = tpu.memref_slice %arg14[%dma_wait3A_133] : memref<20224xf32, #tpu.memory_space<vmem_shared>> -> memref<20224xf32, #tpu.memory_space<vmem_shared>>
        tpu.wait_indirect_dma semaphore(%run_scoped3A_120 : memref<!tpu.dma_semaphore, #tpu.memory_space<semaphore_mem>>) src(%dma_wait3A_129 : memref<128xf32, #tpu.memory_space<vmem>>) dst(%dma_wait3A_134 : memref<20224xf32, #tpu.memory_space<vmem_shared>>)
        tpu.yield
      }) : () -> ()
      %run_scoped3A_115 = arith.constant 16 : i32
      "tpu.region"() ({
        %run_scoped3A_120 = tpu.sem_alloc : memref<!tpu.dma_semaphore, #tpu.memory_space<semaphore_mem>>
        %dma_start3A_121 = arith.constant 2048 : i32
        %dma_start3A_122 = tpu.memref_slice %arg11[%dma_start3A_121] : memref<2560xf32, #tpu.memory_space<vmem>> -> memref<128xf32, #tpu.memory_space<vmem>>
        %dma_start3A_123 = arith.constant 0 : i32
        %dma_start3A_124 = tpu.memref_slice %arg12[%run_scoped3A_115, %dma_start3A_123] : memref<20x128xi32, #tpu.memory_space<vmem>> -> memref<1x128xi32, #tpu.memory_space<vmem>>
        %dma_start3A_125 = tpu.memref_squeeze %dma_start3A_124 : memref<1x128xi32, #tpu.memory_space<vmem>> -> memref<128xi32, #tpu.memory_space<vmem>>
        %dma_start3A_126 = arith.constant 0 : i32
        %dma_start3A_127 = tpu.memref_slice %arg14[%dma_start3A_126] : memref<20224xf32, #tpu.memory_space<vmem_shared>> -> memref<20224xf32, #tpu.memory_space<vmem_shared>>
        tpu.enqueue_indirect_dma source(%dma_start3A_122 : memref<128xf32, #tpu.memory_space<vmem>>) target(%dma_start3A_127 : memref<20224xf32, #tpu.memory_space<vmem_shared>>) offsets(%dma_start3A_125 : memref<128xi32, #tpu.memory_space<vmem>>) semaphore(%run_scoped3A_120 : memref<!tpu.dma_semaphore, #tpu.memory_space<semaphore_mem>>) {add = true}
        %dma_wait3A_128 = arith.constant 2048 : i32
        %dma_wait3A_129 = tpu.memref_slice %arg11[%dma_wait3A_128] : memref<2560xf32, #tpu.memory_space<vmem>> -> memref<128xf32, #tpu.memory_space<vmem>>
        %dma_wait3A_130 = arith.constant 0 : i32
        %dma_wait3A_131 = tpu.memref_slice %arg12[%run_scoped3A_115, %dma_wait3A_130] : memref<20x128xi32, #tpu.memory_space<vmem>> -> memref<1x128xi32, #tpu.memory_space<vmem>>
        %dma_wait3A_132 = tpu.memref_squeeze %dma_wait3A_131 : memref<1x128xi32, #tpu.memory_space<vmem>> -> memref<128xi32, #tpu.memory_space<vmem>>
        %dma_wait3A_133 = arith.constant 0 : i32
        %dma_wait3A_134 = tpu.memref_slice %arg14[%dma_wait3A_133] : memref<20224xf32, #tpu.memory_space<vmem_shared>> -> memref<20224xf32, #tpu.memory_space<vmem_shared>>
        tpu.wait_indirect_dma semaphore(%run_scoped3A_120 : memref<!tpu.dma_semaphore, #tpu.memory_space<semaphore_mem>>) src(%dma_wait3A_129 : memref<128xf32, #tpu.memory_space<vmem>>) dst(%dma_wait3A_134 : memref<20224xf32, #tpu.memory_space<vmem_shared>>)
        tpu.yield
      }) : () -> ()
      %run_scoped3A_116 = arith.constant 17 : i32
      "tpu.region"() ({
        %run_scoped3A_120 = tpu.sem_alloc : memref<!tpu.dma_semaphore, #tpu.memory_space<semaphore_mem>>
        %dma_start3A_121 = arith.constant 2176 : i32
        %dma_start3A_122 = tpu.memref_slice %arg11[%dma_start3A_121] : memref<2560xf32, #tpu.memory_space<vmem>> -> memref<128xf32, #tpu.memory_space<vmem>>
        %dma_start3A_123 = arith.constant 0 : i32
        %dma_start3A_124 = tpu.memref_slice %arg12[%run_scoped3A_116, %dma_start3A_123] : memref<20x128xi32, #tpu.memory_space<vmem>> -> memref<1x128xi32, #tpu.memory_space<vmem>>
        %dma_start3A_125 = tpu.memref_squeeze %dma_start3A_124 : memref<1x128xi32, #tpu.memory_space<vmem>> -> memref<128xi32, #tpu.memory_space<vmem>>
        %dma_start3A_126 = arith.constant 0 : i32
        %dma_start3A_127 = tpu.memref_slice %arg14[%dma_start3A_126] : memref<20224xf32, #tpu.memory_space<vmem_shared>> -> memref<20224xf32, #tpu.memory_space<vmem_shared>>
        tpu.enqueue_indirect_dma source(%dma_start3A_122 : memref<128xf32, #tpu.memory_space<vmem>>) target(%dma_start3A_127 : memref<20224xf32, #tpu.memory_space<vmem_shared>>) offsets(%dma_start3A_125 : memref<128xi32, #tpu.memory_space<vmem>>) semaphore(%run_scoped3A_120 : memref<!tpu.dma_semaphore, #tpu.memory_space<semaphore_mem>>) {add = true}
        %dma_wait3A_128 = arith.constant 2176 : i32
        %dma_wait3A_129 = tpu.memref_slice %arg11[%dma_wait3A_128] : memref<2560xf32, #tpu.memory_space<vmem>> -> memref<128xf32, #tpu.memory_space<vmem>>
        %dma_wait3A_130 = arith.constant 0 : i32
        %dma_wait3A_131 = tpu.memref_slice %arg12[%run_scoped3A_116, %dma_wait3A_130] : memref<20x128xi32, #tpu.memory_space<vmem>> -> memref<1x128xi32, #tpu.memory_space<vmem>>
        %dma_wait3A_132 = tpu.memref_squeeze %dma_wait3A_131 : memref<1x128xi32, #tpu.memory_space<vmem>> -> memref<128xi32, #tpu.memory_space<vmem>>
        %dma_wait3A_133 = arith.constant 0 : i32
        %dma_wait3A_134 = tpu.memref_slice %arg14[%dma_wait3A_133] : memref<20224xf32, #tpu.memory_space<vmem_shared>> -> memref<20224xf32, #tpu.memory_space<vmem_shared>>
        tpu.wait_indirect_dma semaphore(%run_scoped3A_120 : memref<!tpu.dma_semaphore, #tpu.memory_space<semaphore_mem>>) src(%dma_wait3A_129 : memref<128xf32, #tpu.memory_space<vmem>>) dst(%dma_wait3A_134 : memref<20224xf32, #tpu.memory_space<vmem_shared>>)
        tpu.yield
      }) : () -> ()
      %run_scoped3A_117 = arith.constant 18 : i32
      "tpu.region"() ({
        %run_scoped3A_120 = tpu.sem_alloc : memref<!tpu.dma_semaphore, #tpu.memory_space<semaphore_mem>>
        %dma_start3A_121 = arith.constant 2304 : i32
        %dma_start3A_122 = tpu.memref_slice %arg11[%dma_start3A_121] : memref<2560xf32, #tpu.memory_space<vmem>> -> memref<128xf32, #tpu.memory_space<vmem>>
        %dma_start3A_123 = arith.constant 0 : i32
        %dma_start3A_124 = tpu.memref_slice %arg12[%run_scoped3A_117, %dma_start3A_123] : memref<20x128xi32, #tpu.memory_space<vmem>> -> memref<1x128xi32, #tpu.memory_space<vmem>>
        %dma_start3A_125 = tpu.memref_squeeze %dma_start3A_124 : memref<1x128xi32, #tpu.memory_space<vmem>> -> memref<128xi32, #tpu.memory_space<vmem>>
        %dma_start3A_126 = arith.constant 0 : i32
        %dma_start3A_127 = tpu.memref_slice %arg14[%dma_start3A_126] : memref<20224xf32, #tpu.memory_space<vmem_shared>> -> memref<20224xf32, #tpu.memory_space<vmem_shared>>
        tpu.enqueue_indirect_dma source(%dma_start3A_122 : memref<128xf32, #tpu.memory_space<vmem>>) target(%dma_start3A_127 : memref<20224xf32, #tpu.memory_space<vmem_shared>>) offsets(%dma_start3A_125 : memref<128xi32, #tpu.memory_space<vmem>>) semaphore(%run_scoped3A_120 : memref<!tpu.dma_semaphore, #tpu.memory_space<semaphore_mem>>) {add = true}
        %dma_wait3A_128 = arith.constant 2304 : i32
        %dma_wait3A_129 = tpu.memref_slice %arg11[%dma_wait3A_128] : memref<2560xf32, #tpu.memory_space<vmem>> -> memref<128xf32, #tpu.memory_space<vmem>>
        %dma_wait3A_130 = arith.constant 0 : i32
        %dma_wait3A_131 = tpu.memref_slice %arg12[%run_scoped3A_117, %dma_wait3A_130] : memref<20x128xi32, #tpu.memory_space<vmem>> -> memref<1x128xi32, #tpu.memory_space<vmem>>
        %dma_wait3A_132 = tpu.memref_squeeze %dma_wait3A_131 : memref<1x128xi32, #tpu.memory_space<vmem>> -> memref<128xi32, #tpu.memory_space<vmem>>
        %dma_wait3A_133 = arith.constant 0 : i32
        %dma_wait3A_134 = tpu.memref_slice %arg14[%dma_wait3A_133] : memref<20224xf32, #tpu.memory_space<vmem_shared>> -> memref<20224xf32, #tpu.memory_space<vmem_shared>>
        tpu.wait_indirect_dma semaphore(%run_scoped3A_120 : memref<!tpu.dma_semaphore, #tpu.memory_space<semaphore_mem>>) src(%dma_wait3A_129 : memref<128xf32, #tpu.memory_space<vmem>>) dst(%dma_wait3A_134 : memref<20224xf32, #tpu.memory_space<vmem_shared>>)
        tpu.yield
      }) : () -> ()
      %run_scoped3A_118 = arith.constant 19 : i32
      "tpu.region"() ({
        %run_scoped3A_120 = tpu.sem_alloc : memref<!tpu.dma_semaphore, #tpu.memory_space<semaphore_mem>>
        %dma_start3A_121 = arith.constant 2432 : i32
        %dma_start3A_122 = tpu.memref_slice %arg11[%dma_start3A_121] : memref<2560xf32, #tpu.memory_space<vmem>> -> memref<128xf32, #tpu.memory_space<vmem>>
        %dma_start3A_123 = arith.constant 0 : i32
        %dma_start3A_124 = tpu.memref_slice %arg12[%run_scoped3A_118, %dma_start3A_123] : memref<20x128xi32, #tpu.memory_space<vmem>> -> memref<1x128xi32, #tpu.memory_space<vmem>>
        %dma_start3A_125 = tpu.memref_squeeze %dma_start3A_124 : memref<1x128xi32, #tpu.memory_space<vmem>> -> memref<128xi32, #tpu.memory_space<vmem>>
        %dma_start3A_126 = arith.constant 0 : i32
        %dma_start3A_127 = tpu.memref_slice %arg14[%dma_start3A_126] : memref<20224xf32, #tpu.memory_space<vmem_shared>> -> memref<20224xf32, #tpu.memory_space<vmem_shared>>
        tpu.enqueue_indirect_dma source(%dma_start3A_122 : memref<128xf32, #tpu.memory_space<vmem>>) target(%dma_start3A_127 : memref<20224xf32, #tpu.memory_space<vmem_shared>>) offsets(%dma_start3A_125 : memref<128xi32, #tpu.memory_space<vmem>>) semaphore(%run_scoped3A_120 : memref<!tpu.dma_semaphore, #tpu.memory_space<semaphore_mem>>) {add = true}
        %dma_wait3A_128 = arith.constant 2432 : i32
        %dma_wait3A_129 = tpu.memref_slice %arg11[%dma_wait3A_128] : memref<2560xf32, #tpu.memory_space<vmem>> -> memref<128xf32, #tpu.memory_space<vmem>>
        %dma_wait3A_130 = arith.constant 0 : i32
        %dma_wait3A_131 = tpu.memref_slice %arg12[%run_scoped3A_118, %dma_wait3A_130] : memref<20x128xi32, #tpu.memory_space<vmem>> -> memref<1x128xi32, #tpu.memory_space<vmem>>
        %dma_wait3A_132 = tpu.memref_squeeze %dma_wait3A_131 : memref<1x128xi32, #tpu.memory_space<vmem>> -> memref<128xi32, #tpu.memory_space<vmem>>
        %dma_wait3A_133 = arith.constant 0 : i32
        %dma_wait3A_134 = tpu.memref_slice %arg14[%dma_wait3A_133] : memref<20224xf32, #tpu.memory_space<vmem_shared>> -> memref<20224xf32, #tpu.memory_space<vmem_shared>>
        tpu.wait_indirect_dma semaphore(%run_scoped3A_120 : memref<!tpu.dma_semaphore, #tpu.memory_space<semaphore_mem>>) src(%dma_wait3A_129 : memref<128xf32, #tpu.memory_space<vmem>>) dst(%dma_wait3A_134 : memref<20224xf32, #tpu.memory_space<vmem_shared>>)
        tpu.yield
      }) : () -> ()
      %scan3A_119 = arith.constant 0 : i32
      scf.yield %scan3A_119 : i32
    }
    %scan3A_58 = arith.constant 16 : i32
    %barrier3A_59 = arith.constant 0 : index
    tpu.barrier barrier_id(%barrier3A_59)
    %eq3A_60 = arith.constant 0 : i32
    %eq3A_61 = arith.cmpi eq, %arg1, %eq3A_60 : i32
    %convert_element_type3A = arith.extui %eq3A_61 : i1 to i32
    %cond3A = arith.constant 0 : i32
    %cond3A_62 = arith.cmpi ne, %convert_element_type3A, %cond3A : i32
    scf.if %cond3A_62 {
      "tpu.region"() ({
        %run_scoped3A = tpu.sem_alloc : memref<!tpu.dma_semaphore, #tpu.memory_space<semaphore_mem>>
        %dma_start3A = arith.constant 0 : i32
        %dma_start3A_63 = tpu.memref_slice %arg6[%arg0, %dma_start3A] : memref<2x20224xf32, #tpu.memory_space<hbm>> -> memref<1x20224xf32, #tpu.memory_space<hbm>>
        %dma_start3A_64 = tpu.memref_squeeze %dma_start3A_63 : memref<1x20224xf32, #tpu.memory_space<hbm>> -> memref<20224xf32, #tpu.memory_space<hbm>>
        tpu.enqueue_dma source(%arg14 : memref<20224xf32, #tpu.memory_space<vmem_shared>>) target(%dma_start3A_64 : memref<20224xf32, #tpu.memory_space<hbm>>) target_semaphore(%run_scoped3A : memref<!tpu.dma_semaphore, #tpu.memory_space<semaphore_mem>>)
        %dma_wait3A = arith.constant 0 : i32
        %dma_wait3A_65 = tpu.memref_slice %arg6[%arg0, %dma_wait3A] : memref<2x20224xf32, #tpu.memory_space<hbm>> -> memref<1x20224xf32, #tpu.memory_space<hbm>>
        %dma_wait3A_66 = tpu.memref_squeeze %dma_wait3A_65 : memref<1x20224xf32, #tpu.memory_space<hbm>> -> memref<20224xf32, #tpu.memory_space<hbm>>
        tpu.wait_dma2 semaphore(%run_scoped3A : memref<!tpu.dma_semaphore, #tpu.memory_space<semaphore_mem>>) src(%arg14 : memref<20224xf32, #tpu.memory_space<vmem_shared>>) dst(%dma_wait3A_66 : memref<20224xf32, #tpu.memory_space<hbm>>)
        tpu.yield
      }) : () -> ()
    } else {
    }
    return
  }
}

#map = affine_map<(d0, d1) -> (0, 0)>
#map1 = affine_map<(d0, d1) -> (0)>
#map2 = affine_map<(d0, d1) -> (0, 0, 0)>
module attributes {stable_mosaic.version = 14 : i64} {
  func.func @pass_b(%arg0: i32, %arg1: i32, %arg2: memref<2x320000xi32, #tpu.memory_space<hbm>>, %arg3: memref<320000xf32, #tpu.memory_space<hbm>>, %arg4: memref<1280000xf32, #tpu.memory_space<hbm>>, %arg5: memref<2x20224xf32, #tpu.memory_space<hbm>>, %arg6: memref<5000x64xf32, #tpu.memory_space<hbm>>, %arg7: memref<2x2016x64xf32, #tpu.memory_space<hbm>>, %arg8: memref<20224xf32, #tpu.memory_space<vmem>>, %arg9: memref<20224xf32, #tpu.memory_space<vmem>>, %arg10: memref<640xi32, #tpu.memory_space<vmem>>, %arg11: memref<640xi32, #tpu.memory_space<vmem>>, %arg12: memref<640xf32, #tpu.memory_space<vmem>>, %arg13: memref<2560xf32, #tpu.memory_space<vmem>>, %arg14: memref<2560xf32, #tpu.memory_space<vmem>>, %arg15: memref<5x128xi32, #tpu.memory_space<vmem>>, %arg16: memref<5x128xi32, #tpu.memory_space<vmem>>, %arg17: memref<640x64xf32, #tpu.memory_space<vmem>>, %arg18: memref<2016x64xf32, #tpu.memory_space<vmem_shared>>, %arg19: memref<!tpu.dma_semaphore, #tpu.memory_space<semaphore_mem>>, %arg20: memref<!tpu.dma_semaphore, #tpu.memory_space<semaphore_mem>>, %arg21: memref<!tpu.dma_semaphore, #tpu.memory_space<semaphore_mem>>) attributes {dimension_semantics = [#tpu.dimension_semantics<core_parallel>, #tpu.dimension_semantics<subcore_parallel>], iteration_bounds = array<i64: 2, 16>, scalar_prefetch = 0 : i64, scratch_operands = 14 : i64, tpu.core_type = #tpu.core_type<sc_vector_subcore>, window_params = [{transform_indices = #map}, {transform_indices = #map1}, {transform_indices = #map1}, {transform_indices = #map}, {transform_indices = #map}, {transform_indices = #map2}]} {
    %mul3A = arith.constant 16 : i32
    %mul3A_0 = arith.muli %arg0, %mul3A : i32
    %add3A = arith.addi %mul3A_0, %arg1 : i32
    %run_scoped3A = arith.constant 0 : i32
    "tpu.region"() ({
      %run_scoped3A_71 = tpu.sem_alloc : memref<!tpu.dma_semaphore, #tpu.memory_space<semaphore_mem>>
      %dma_start3A = arith.constant 0 : i32
      %dma_start3A_72 = tpu.memref_slice %arg5[%run_scoped3A, %dma_start3A] : memref<2x20224xf32, #tpu.memory_space<hbm>> -> memref<1x20224xf32, #tpu.memory_space<hbm>>
      %dma_start3A_73 = tpu.memref_squeeze %dma_start3A_72 : memref<1x20224xf32, #tpu.memory_space<hbm>> -> memref<20224xf32, #tpu.memory_space<hbm>>
      %dma_start3A_74 = arith.constant 0 : i32
      %dma_start3A_75 = tpu.memref_slice %arg5[%run_scoped3A, %dma_start3A_74] : memref<2x20224xf32, #tpu.memory_space<hbm>> -> memref<1x20224xf32, #tpu.memory_space<hbm>>
      %dma_start3A_76 = tpu.memref_squeeze %dma_start3A_75 : memref<1x20224xf32, #tpu.memory_space<hbm>> -> memref<20224xf32, #tpu.memory_space<hbm>>
      tpu.enqueue_dma source(%dma_start3A_76 : memref<20224xf32, #tpu.memory_space<hbm>>) target(%arg8 : memref<20224xf32, #tpu.memory_space<vmem>>) target_semaphore(%run_scoped3A_71 : memref<!tpu.dma_semaphore, #tpu.memory_space<semaphore_mem>>)
      %dma_wait3A = arith.constant 0 : i32
      %dma_wait3A_77 = tpu.memref_slice %arg5[%run_scoped3A, %dma_wait3A] : memref<2x20224xf32, #tpu.memory_space<hbm>> -> memref<1x20224xf32, #tpu.memory_space<hbm>>
      %dma_wait3A_78 = tpu.memref_squeeze %dma_wait3A_77 : memref<1x20224xf32, #tpu.memory_space<hbm>> -> memref<20224xf32, #tpu.memory_space<hbm>>
      %dma_wait3A_79 = arith.constant 0 : i32
      %dma_wait3A_80 = tpu.memref_slice %arg5[%run_scoped3A, %dma_wait3A_79] : memref<2x20224xf32, #tpu.memory_space<hbm>> -> memref<1x20224xf32, #tpu.memory_space<hbm>>
      %dma_wait3A_81 = tpu.memref_squeeze %dma_wait3A_80 : memref<1x20224xf32, #tpu.memory_space<hbm>> -> memref<20224xf32, #tpu.memory_space<hbm>>
      tpu.wait_dma2 semaphore(%run_scoped3A_71 : memref<!tpu.dma_semaphore, #tpu.memory_space<semaphore_mem>>) src(%dma_wait3A_81 : memref<20224xf32, #tpu.memory_space<hbm>>) dst(%arg8 : memref<20224xf32, #tpu.memory_space<vmem>>)
      tpu.yield
    }) : () -> ()
    %run_scoped3A_1 = arith.constant 1 : i32
    "tpu.region"() ({
      %run_scoped3A_71 = tpu.sem_alloc : memref<!tpu.dma_semaphore, #tpu.memory_space<semaphore_mem>>
      %dma_start3A = arith.constant 0 : i32
      %dma_start3A_72 = tpu.memref_slice %arg5[%run_scoped3A_1, %dma_start3A] : memref<2x20224xf32, #tpu.memory_space<hbm>> -> memref<1x20224xf32, #tpu.memory_space<hbm>>
      %dma_start3A_73 = tpu.memref_squeeze %dma_start3A_72 : memref<1x20224xf32, #tpu.memory_space<hbm>> -> memref<20224xf32, #tpu.memory_space<hbm>>
      %dma_start3A_74 = arith.constant 0 : i32
      %dma_start3A_75 = tpu.memref_slice %arg5[%run_scoped3A_1, %dma_start3A_74] : memref<2x20224xf32, #tpu.memory_space<hbm>> -> memref<1x20224xf32, #tpu.memory_space<hbm>>
      %dma_start3A_76 = tpu.memref_squeeze %dma_start3A_75 : memref<1x20224xf32, #tpu.memory_space<hbm>> -> memref<20224xf32, #tpu.memory_space<hbm>>
      tpu.enqueue_dma source(%dma_start3A_76 : memref<20224xf32, #tpu.memory_space<hbm>>) target(%arg9 : memref<20224xf32, #tpu.memory_space<vmem>>) target_semaphore(%run_scoped3A_71 : memref<!tpu.dma_semaphore, #tpu.memory_space<semaphore_mem>>)
      %dma_wait3A = arith.constant 0 : i32
      %dma_wait3A_77 = tpu.memref_slice %arg5[%run_scoped3A_1, %dma_wait3A] : memref<2x20224xf32, #tpu.memory_space<hbm>> -> memref<1x20224xf32, #tpu.memory_space<hbm>>
      %dma_wait3A_78 = tpu.memref_squeeze %dma_wait3A_77 : memref<1x20224xf32, #tpu.memory_space<hbm>> -> memref<20224xf32, #tpu.memory_space<hbm>>
      %dma_wait3A_79 = arith.constant 0 : i32
      %dma_wait3A_80 = tpu.memref_slice %arg5[%run_scoped3A_1, %dma_wait3A_79] : memref<2x20224xf32, #tpu.memory_space<hbm>> -> memref<1x20224xf32, #tpu.memory_space<hbm>>
      %dma_wait3A_81 = tpu.memref_squeeze %dma_wait3A_80 : memref<1x20224xf32, #tpu.memory_space<hbm>> -> memref<20224xf32, #tpu.memory_space<hbm>>
      tpu.wait_dma2 semaphore(%run_scoped3A_71 : memref<!tpu.dma_semaphore, #tpu.memory_space<semaphore_mem>>) src(%dma_wait3A_81 : memref<20224xf32, #tpu.memory_space<hbm>>) dst(%arg9 : memref<20224xf32, #tpu.memory_space<vmem>>)
      tpu.yield
    }) : () -> ()
    %scan3A = arith.constant 0 : i32
    %scan3A_2 = arith.constant 0 : i32
    %scan3A_3 = arith.constant 1264 : i32
    %scan3A_4 = arith.addi %scan3A_2, %scan3A_3 : i32
    %scan3A_5 = arith.constant 1 : i32
    %scan3A_6 = scf.for %scan3A_71 = %scan3A_2 to %scan3A_4 step %scan3A_5 iter_args(%scan3A_72 = %scan3A) -> (i32)  : i32 {
      %mul3A_73 = arith.constant 16 : i32
      %mul3A_74 = arith.muli %scan3A_71, %mul3A_73 : i32
      %get3A = arith.index_cast %mul3A_74 : i32 to index
      %get3A_75 = tpu.vector_load %arg8[%get3A] {strides = array<i32>} : memref<20224xf32, #tpu.memory_space<vmem>>, vector<16xf32>,
      %get3A_76 = arith.index_cast %mul3A_74 : i32 to index
      %get3A_77 = tpu.vector_load %arg9[%get3A_76] {strides = array<i32>} : memref<20224xf32, #tpu.memory_space<vmem>>, vector<16xf32>,
      %add3A_78 = arith.addf %get3A_75, %get3A_77 : vector<16xf32>
      %swap3A = arith.index_cast %mul3A_74 : i32 to index
      %swap3A_79 = tpu.vector_load %arg8[%swap3A] {strides = array<i32>} : memref<20224xf32, #tpu.memory_space<vmem>>, vector<16xf32>,
      tpu.vector_store %arg8[%swap3A], %add3A_78 {strides = array<i32>} : memref<20224xf32, #tpu.memory_space<vmem>>, vector<16xf32>,
      %scan3A_80 = arith.constant 0 : i32
      scf.yield %scan3A_80 : i32
    }
    %scan3A_7 = arith.constant 1264 : i32
    %scan3A_8 = arith.constant 0 : i32
    %scan3A_9 = arith.constant 0 : i32
    %scan3A_10 = arith.constant 126 : i32
    %scan3A_11 = arith.addi %scan3A_9, %scan3A_10 : i32
    %scan3A_12 = arith.constant 1 : i32
    %scan3A_13 = scf.for %scan3A_71 = %scan3A_9 to %scan3A_11 step %scan3A_12 iter_args(%scan3A_72 = %scan3A_8) -> (i32)  : i32 {
      %broadcast_in_dim3A = arith.constant 0.000000e+00 : f32
      %broadcast_in_dim3A_73 = vector.broadcast %broadcast_in_dim3A : f32 to vector<16xf32>
      %swap3A = arith.index_cast %scan3A_71 : i32 to index
      %swap3A_74 = arith.constant 0 : index
      %swap3A_75 = tpu.vector_load %arg17[%swap3A, %swap3A_74] {strides = array<i32>} : memref<640x64xf32, #tpu.memory_space<vmem>>, vector<16xf32>,
      tpu.vector_store %arg17[%swap3A, %swap3A_74], %broadcast_in_dim3A_73 {strides = array<i32>} : memref<640x64xf32, #tpu.memory_space<vmem>>, vector<16xf32>,
      %broadcast_in_dim3A_76 = arith.constant 0.000000e+00 : f32
      %broadcast_in_dim3A_77 = vector.broadcast %broadcast_in_dim3A_76 : f32 to vector<16xf32>
      %swap3A_78 = arith.index_cast %scan3A_71 : i32 to index
      %swap3A_79 = arith.constant 16 : index
      %swap3A_80 = tpu.vector_load %arg17[%swap3A_78, %swap3A_79] {strides = array<i32>} : memref<640x64xf32, #tpu.memory_space<vmem>>, vector<16xf32>,
      tpu.vector_store %arg17[%swap3A_78, %swap3A_79], %broadcast_in_dim3A_77 {strides = array<i32>} : memref<640x64xf32, #tpu.memory_space<vmem>>, vector<16xf32>,
      %broadcast_in_dim3A_81 = arith.constant 0.000000e+00 : f32
      %broadcast_in_dim3A_82 = vector.broadcast %broadcast_in_dim3A_81 : f32 to vector<16xf32>
      %swap3A_83 = arith.index_cast %scan3A_71 : i32 to index
      %swap3A_84 = arith.constant 32 : index
      %swap3A_85 = tpu.vector_load %arg17[%swap3A_83, %swap3A_84] {strides = array<i32>} : memref<640x64xf32, #tpu.memory_space<vmem>>, vector<16xf32>,
      tpu.vector_store %arg17[%swap3A_83, %swap3A_84], %broadcast_in_dim3A_82 {strides = array<i32>} : memref<640x64xf32, #tpu.memory_space<vmem>>, vector<16xf32>,
      %broadcast_in_dim3A_86 = arith.constant 0.000000e+00 : f32
      %broadcast_in_dim3A_87 = vector.broadcast %broadcast_in_dim3A_86 : f32 to vector<16xf32>
      %swap3A_88 = arith.index_cast %scan3A_71 : i32 to index
      %swap3A_89 = arith.constant 48 : index
      %swap3A_90 = tpu.vector_load %arg17[%swap3A_88, %swap3A_89] {strides = array<i32>} : memref<640x64xf32, #tpu.memory_space<vmem>>, vector<16xf32>,
      tpu.vector_store %arg17[%swap3A_88, %swap3A_89], %broadcast_in_dim3A_87 {strides = array<i32>} : memref<640x64xf32, #tpu.memory_space<vmem>>, vector<16xf32>,
      %scan3A_91 = arith.constant 0 : i32
      scf.yield %scan3A_91 : i32
    }
    %scan3A_14 = arith.constant 126 : i32
    %mul3A_15 = arith.constant 126 : i32
    %mul3A_16 = arith.muli %arg1, %mul3A_15 : i32
    "tpu.region"() ({
      %run_scoped3A_71 = tpu.sem_alloc : memref<!tpu.dma_semaphore, #tpu.memory_space<semaphore_mem>>
      %dma_start3A = arith.constant 0 : i32
      %dma_start3A_72 = arith.constant 0 : i32
      %dma_start3A_73 = tpu.memref_slice %arg17[%dma_start3A, %dma_start3A_72] : memref<640x64xf32, #tpu.memory_space<vmem>> -> memref<126x64xf32, #tpu.memory_space<vmem>>
      %dma_start3A_74 = arith.constant 0 : i32
      %dma_start3A_75 = tpu.memref_slice %arg18[%mul3A_16, %dma_start3A_74] : memref<2016x64xf32, #tpu.memory_space<vmem_shared>> -> memref<126x64xf32, #tpu.memory_space<vmem_shared>>
      %dma_start3A_76 = arith.constant 0 : i32
      %dma_start3A_77 = tpu.memref_slice %arg18[%mul3A_16, %dma_start3A_76] : memref<2016x64xf32, #tpu.memory_space<vmem_shared>> -> memref<126x64xf32, #tpu.memory_space<vmem_shared>>
      %dma_start3A_78 = arith.constant 0 : i32
      %dma_start3A_79 = arith.constant 0 : i32
      %dma_start3A_80 = tpu.memref_slice %arg17[%dma_start3A_78, %dma_start3A_79] : memref<640x64xf32, #tpu.memory_space<vmem>> -> memref<126x64xf32, #tpu.memory_space<vmem>>
      tpu.enqueue_dma source(%dma_start3A_80 : memref<126x64xf32, #tpu.memory_space<vmem>>) target(%dma_start3A_77 : memref<126x64xf32, #tpu.memory_space<vmem_shared>>) target_semaphore(%run_scoped3A_71 : memref<!tpu.dma_semaphore, #tpu.memory_space<semaphore_mem>>)
      %dma_wait3A = arith.constant 0 : i32
      %dma_wait3A_81 = arith.constant 0 : i32
      %dma_wait3A_82 = tpu.memref_slice %arg17[%dma_wait3A, %dma_wait3A_81] : memref<640x64xf32, #tpu.memory_space<vmem>> -> memref<126x64xf32, #tpu.memory_space<vmem>>
      %dma_wait3A_83 = arith.constant 0 : i32
      %dma_wait3A_84 = tpu.memref_slice %arg18[%mul3A_16, %dma_wait3A_83] : memref<2016x64xf32, #tpu.memory_space<vmem_shared>> -> memref<126x64xf32, #tpu.memory_space<vmem_shared>>
      %dma_wait3A_85 = arith.constant 0 : i32
      %dma_wait3A_86 = tpu.memref_slice %arg18[%mul3A_16, %dma_wait3A_85] : memref<2016x64xf32, #tpu.memory_space<vmem_shared>> -> memref<126x64xf32, #tpu.memory_space<vmem_shared>>
      %dma_wait3A_87 = arith.constant 0 : i32
      %dma_wait3A_88 = arith.constant 0 : i32
      %dma_wait3A_89 = tpu.memref_slice %arg17[%dma_wait3A_87, %dma_wait3A_88] : memref<640x64xf32, #tpu.memory_space<vmem>> -> memref<126x64xf32, #tpu.memory_space<vmem>>
      tpu.wait_dma2 semaphore(%run_scoped3A_71 : memref<!tpu.dma_semaphore, #tpu.memory_space<semaphore_mem>>) src(%dma_wait3A_89 : memref<126x64xf32, #tpu.memory_space<vmem>>) dst(%dma_wait3A_86 : memref<126x64xf32, #tpu.memory_space<vmem_shared>>)
      tpu.yield
    }) : () -> ()
    %barrier3A = arith.constant 0 : index
    tpu.barrier barrier_id(%barrier3A)
    %iota3A = tpu.iota {dimensions = array<i32: 0>} : vector<16xi32>
    %jit3A = arith.constant 4 : i32
    %div3A = vector.broadcast %jit3A : i32 to vector<16xi32>
    %div3A_17 = arith.divsi %iota3A, %div3A : vector<16xi32>
    %sign3A = arith.constant 0 : i32
    %sign3A_18 = vector.broadcast %sign3A : i32 to vector<16xi32>
    %sign3A_19 = arith.cmpi sgt, %iota3A, %sign3A_18 : vector<16xi32>
    %sign3A_20 = arith.extui %sign3A_19 : vector<16xi1> to vector<16xi32>
    %sign3A_21 = arith.constant 0 : i32
    %sign3A_22 = vector.broadcast %sign3A_21 : i32 to vector<16xi32>
    %sign3A_23 = arith.cmpi slt, %iota3A, %sign3A_22 : vector<16xi32>
    %sign3A_24 = arith.extui %sign3A_23 : vector<16xi1> to vector<16xi32>
    %sign3A_25 = arith.subi %sign3A_20, %sign3A_24 : vector<16xi32>
    %sign3A_26 = arith.constant 0 : i32
    %sign3A_27 = arith.cmpi sgt, %jit3A, %sign3A_26 : i32
    %sign3A_28 = arith.extui %sign3A_27 : i1 to i32
    %sign3A_29 = arith.constant 0 : i32
    %sign3A_30 = arith.cmpi slt, %jit3A, %sign3A_29 : i32
    %sign3A_31 = arith.extui %sign3A_30 : i1 to i32
    %sign3A_32 = arith.subi %sign3A_28, %sign3A_31 : i32
    %ne3A = vector.broadcast %sign3A_32 : i32 to vector<16xi32>
    %ne3A_33 = arith.cmpi ne, %sign3A_25, %ne3A : vector<16xi32>
    %rem3A = vector.broadcast %jit3A : i32 to vector<16xi32>
    %rem3A_34 = arith.remsi %iota3A, %rem3A : vector<16xi32>
    %ne3A_35 = arith.constant 0 : i32
    %ne3A_36 = vector.broadcast %ne3A_35 : i32 to vector<16xi32>
    %ne3A_37 = arith.cmpi ne, %rem3A_34, %ne3A_36 : vector<16xi32>
    %and3A = arith.andi %ne3A_33, %ne3A_37 : vector<16xi1>
    %sub3A = arith.constant 1 : i32
    %sub3A_38 = vector.broadcast %sub3A : i32 to vector<16xi32>
    %sub3A_39 = arith.subi %div3A_17, %sub3A_38 : vector<16xi32>
    %select_n3A = arith.select %and3A, %sub3A_39, %div3A_17 : vector<16xi1>, vector<16xi32>
    %jit3A_40 = arith.constant 4 : i32
    %eq3A = arith.constant 0 : i32
    %eq3A_41 = arith.cmpi eq, %jit3A_40, %eq3A : i32
    %jit3A_42 = arith.constant 1 : i32
    %select_n3A_43 = arith.select %eq3A_41, %jit3A_42, %jit3A_40 : i32
    %rem3A_44 = vector.broadcast %select_n3A_43 : i32 to vector<16xi32>
    %rem3A_45 = arith.remsi %iota3A, %rem3A_44 : vector<16xi32>
    %ne3A_46 = arith.constant 0 : i32
    %ne3A_47 = vector.broadcast %ne3A_46 : i32 to vector<16xi32>
    %ne3A_48 = arith.cmpi ne, %rem3A_45, %ne3A_47 : vector<16xi32>
    %lt3A = arith.constant 0 : i32
    %lt3A_49 = vector.broadcast %lt3A : i32 to vector<16xi32>
    %lt3A_50 = arith.cmpi slt, %rem3A_45, %lt3A_49 : vector<16xi32>
    %lt3A_51 = arith.constant 0 : i32
    %lt3A_52 = arith.cmpi slt, %select_n3A_43, %lt3A_51 : i32
    %ne3A_53 = vector.broadcast %lt3A_52 : i1 to vector<16xi1>
    %ne3A_54 = vector.broadcast %ne3A_53 : vector<16xi1> to vector<16xi1>
    %ne3A_55 = arith.xori %lt3A_50, %ne3A_54 : vector<16xi1>
    %and3A_56 = arith.andi %ne3A_55, %ne3A_48 : vector<16xi1>
    %add3A_57 = vector.broadcast %select_n3A_43 : i32 to vector<16xi32>
    %add3A_58 = arith.addi %rem3A_45, %add3A_57 : vector<16xi32>
    %select_n3A_59 = arith.select %and3A_56, %add3A_58, %rem3A_45 : vector<16xi1>, vector<16xi32>
    %scan3A_60 = arith.constant 0 : i32
    %scan3A_61 = arith.constant 0 : i32
    %scan3A_62 = arith.constant 16 : i32
    %scan3A_63 = arith.addi %scan3A_61, %scan3A_62 : i32
    %scan3A_64 = arith.constant 1 : i32
    %scan3A_65 = scf.for %scan3A_71 = %scan3A_61 to %scan3A_63 step %scan3A_64 iter_args(%scan3A_72 = %scan3A_60) -> (i32)  : i32 {
      %mul3A_73 = arith.constant 32 : i32
      %mul3A_74 = arith.muli %scan3A_71, %mul3A_73 : i32
      %add3A_75 = arith.addi %add3A, %mul3A_74 : i32
      %lt3A_76 = arith.constant 500 : i32
      %lt3A_77 = arith.cmpi slt, %add3A_75, %lt3A_76 : i32
      %min3A = arith.constant 499 : i32
      %min3A_78 = arith.minsi %add3A_75, %min3A : i32
      %mul3A_79 = arith.constant 640 : i32
      %mul3A_80 = arith.muli %min3A_78, %mul3A_79 : i32
      %dma_start3A = arith.constant 0 : i32
      %dma_start3A_81 = tpu.memref_slice %arg2[%dma_start3A, %mul3A_80] : memref<2x320000xi32, #tpu.memory_space<hbm>> -> memref<1x640xi32, #tpu.memory_space<hbm>>
      %dma_start3A_82 = tpu.memref_squeeze %dma_start3A_81 : memref<1x640xi32, #tpu.memory_space<hbm>> -> memref<640xi32, #tpu.memory_space<hbm>>
      %dma_start3A_83 = tpu.memref_slice %arg2[%dma_start3A, %mul3A_80] : memref<2x320000xi32, #tpu.memory_space<hbm>> -> memref<1x640xi32, #tpu.memory_space<hbm>>
      %dma_start3A_84 = tpu.memref_squeeze %dma_start3A_83 : memref<1x640xi32, #tpu.memory_space<hbm>> -> memref<640xi32, #tpu.memory_space<hbm>>
      tpu.enqueue_dma source(%dma_start3A_84 : memref<640xi32, #tpu.memory_space<hbm>>) target(%arg10 : memref<640xi32, #tpu.memory_space<vmem>>) target_semaphore(%arg19 : memref<!tpu.dma_semaphore, #tpu.memory_space<semaphore_mem>>)
      %dma_start3A_85 = arith.constant 1 : i32
      %dma_start3A_86 = tpu.memref_slice %arg2[%dma_start3A_85, %mul3A_80] : memref<2x320000xi32, #tpu.memory_space<hbm>> -> memref<1x640xi32, #tpu.memory_space<hbm>>
      %dma_start3A_87 = tpu.memref_squeeze %dma_start3A_86 : memref<1x640xi32, #tpu.memory_space<hbm>> -> memref<640xi32, #tpu.memory_space<hbm>>
      %dma_start3A_88 = tpu.memref_slice %arg2[%dma_start3A_85, %mul3A_80] : memref<2x320000xi32, #tpu.memory_space<hbm>> -> memref<1x640xi32, #tpu.memory_space<hbm>>
      %dma_start3A_89 = tpu.memref_squeeze %dma_start3A_88 : memref<1x640xi32, #tpu.memory_space<hbm>> -> memref<640xi32, #tpu.memory_space<hbm>>
      tpu.enqueue_dma source(%dma_start3A_89 : memref<640xi32, #tpu.memory_space<hbm>>) target(%arg11 : memref<640xi32, #tpu.memory_space<vmem>>) target_semaphore(%arg19 : memref<!tpu.dma_semaphore, #tpu.memory_space<semaphore_mem>>)
      %dma_start3A_90 = tpu.memref_slice %arg3[%mul3A_80] : memref<320000xf32, #tpu.memory_space<hbm>> -> memref<640xf32, #tpu.memory_space<hbm>>
      %dma_start3A_91 = tpu.memref_slice %arg3[%mul3A_80] : memref<320000xf32, #tpu.memory_space<hbm>> -> memref<640xf32, #tpu.memory_space<hbm>>
      tpu.enqueue_dma source(%dma_start3A_91 : memref<640xf32, #tpu.memory_space<hbm>>) target(%arg12 : memref<640xf32, #tpu.memory_space<vmem>>) target_semaphore(%arg19 : memref<!tpu.dma_semaphore, #tpu.memory_space<semaphore_mem>>)
      %mul3A_92 = arith.constant 4 : i32
      %mul3A_93 = arith.muli %mul3A_80, %mul3A_92 : i32
      %dma_start3A_94 = tpu.memref_slice %arg4[%mul3A_93] : memref<1280000xf32, #tpu.memory_space<hbm>> -> memref<2560xf32, #tpu.memory_space<hbm>>
      %dma_start3A_95 = tpu.memref_slice %arg4[%mul3A_93] : memref<1280000xf32, #tpu.memory_space<hbm>> -> memref<2560xf32, #tpu.memory_space<hbm>>
      tpu.enqueue_dma source(%dma_start3A_95 : memref<2560xf32, #tpu.memory_space<hbm>>) target(%arg13 : memref<2560xf32, #tpu.memory_space<vmem>>) target_semaphore(%arg19 : memref<!tpu.dma_semaphore, #tpu.memory_space<semaphore_mem>>)
      %dma_wait3A = arith.constant 0 : i32
      %dma_wait3A_96 = tpu.memref_slice %arg2[%dma_wait3A, %mul3A_80] : memref<2x320000xi32, #tpu.memory_space<hbm>> -> memref<1x640xi32, #tpu.memory_space<hbm>>
      %dma_wait3A_97 = tpu.memref_squeeze %dma_wait3A_96 : memref<1x640xi32, #tpu.memory_space<hbm>> -> memref<640xi32, #tpu.memory_space<hbm>>
      %dma_wait3A_98 = tpu.memref_slice %arg2[%dma_wait3A, %mul3A_80] : memref<2x320000xi32, #tpu.memory_space<hbm>> -> memref<1x640xi32, #tpu.memory_space<hbm>>
      %dma_wait3A_99 = tpu.memref_squeeze %dma_wait3A_98 : memref<1x640xi32, #tpu.memory_space<hbm>> -> memref<640xi32, #tpu.memory_space<hbm>>
      tpu.wait_dma2 semaphore(%arg19 : memref<!tpu.dma_semaphore, #tpu.memory_space<semaphore_mem>>) src(%dma_wait3A_99 : memref<640xi32, #tpu.memory_space<hbm>>) dst(%arg10 : memref<640xi32, #tpu.memory_space<vmem>>)
      %dma_wait3A_100 = arith.constant 1 : i32
      %dma_wait3A_101 = tpu.memref_slice %arg2[%dma_wait3A_100, %mul3A_80] : memref<2x320000xi32, #tpu.memory_space<hbm>> -> memref<1x640xi32, #tpu.memory_space<hbm>>
      %dma_wait3A_102 = tpu.memref_squeeze %dma_wait3A_101 : memref<1x640xi32, #tpu.memory_space<hbm>> -> memref<640xi32, #tpu.memory_space<hbm>>
      %dma_wait3A_103 = tpu.memref_slice %arg2[%dma_wait3A_100, %mul3A_80] : memref<2x320000xi32, #tpu.memory_space<hbm>> -> memref<1x640xi32, #tpu.memory_space<hbm>>
      %dma_wait3A_104 = tpu.memref_squeeze %dma_wait3A_103 : memref<1x640xi32, #tpu.memory_space<hbm>> -> memref<640xi32, #tpu.memory_space<hbm>>
      tpu.wait_dma2 semaphore(%arg19 : memref<!tpu.dma_semaphore, #tpu.memory_space<semaphore_mem>>) src(%dma_wait3A_104 : memref<640xi32, #tpu.memory_space<hbm>>) dst(%arg11 : memref<640xi32, #tpu.memory_space<vmem>>)
      %dma_wait3A_105 = tpu.memref_slice %arg3[%mul3A_80] : memref<320000xf32, #tpu.memory_space<hbm>> -> memref<640xf32, #tpu.memory_space<hbm>>
      %dma_wait3A_106 = tpu.memref_slice %arg3[%mul3A_80] : memref<320000xf32, #tpu.memory_space<hbm>> -> memref<640xf32, #tpu.memory_space<hbm>>
      tpu.wait_dma2 semaphore(%arg19 : memref<!tpu.dma_semaphore, #tpu.memory_space<semaphore_mem>>) src(%dma_wait3A_106 : memref<640xf32, #tpu.memory_space<hbm>>) dst(%arg12 : memref<640xf32, #tpu.memory_space<vmem>>)
      %dma_wait3A_107 = tpu.memref_slice %arg4[%mul3A_93] : memref<1280000xf32, #tpu.memory_space<hbm>> -> memref<2560xf32, #tpu.memory_space<hbm>>
      %dma_wait3A_108 = tpu.memref_slice %arg4[%mul3A_93] : memref<1280000xf32, #tpu.memory_space<hbm>> -> memref<2560xf32, #tpu.memory_space<hbm>>
      tpu.wait_dma2 semaphore(%arg19 : memref<!tpu.dma_semaphore, #tpu.memory_space<semaphore_mem>>) src(%dma_wait3A_108 : memref<2560xf32, #tpu.memory_space<hbm>>) dst(%arg13 : memref<2560xf32, #tpu.memory_space<vmem>>)
      %scan3A_109 = arith.constant 0 : i32
      %scan3A_110 = arith.constant 0 : i32
      %scan3A_111 = arith.constant 40 : i32
      %scan3A_112 = arith.addi %scan3A_110, %scan3A_111 : i32
      %scan3A_113 = arith.constant 1 : i32
      %scan3A_114 = scf.for %scan3A_331 = %scan3A_110 to %scan3A_112 step %scan3A_113 iter_args(%scan3A_332 = %scan3A_109) -> (i32)  : i32 {
        %mul3A_333 = arith.constant 16 : i32
        %mul3A_334 = arith.muli %scan3A_331, %mul3A_333 : i32
        %get3A = arith.index_cast %mul3A_334 : i32 to index
        %get3A_335 = tpu.vector_load %arg10[%get3A] {strides = array<i32>} : memref<640xi32, #tpu.memory_space<vmem>>, vector<16xi32>,
        %get3A_336 = arith.index_cast %mul3A_334 : i32 to index
        %get3A_337 = tpu.vector_load %arg11[%get3A_336] {strides = array<i32>} : memref<640xi32, #tpu.memory_space<vmem>>, vector<16xi32>,
        %lt3A_338 = arith.constant 2000 : i32
        %lt3A_339 = vector.broadcast %lt3A_338 : i32 to vector<16xi32>
        %lt3A_340 = arith.cmpi slt, %get3A_337, %lt3A_339 : vector<16xi32>
        %and3A_341 = vector.broadcast %lt3A_77 : i1 to vector<16xi1>
        %and3A_342 = arith.andi %lt3A_340, %and3A_341 : vector<16xi1>
        %and3A_343 = arith.constant 15 : i32
        %and3A_344 = vector.broadcast %and3A_343 : i32 to vector<16xi32>
        %and3A_345 = arith.andi %get3A_337, %and3A_344 : vector<16xi32>
        %add3A_346 = arith.constant 2000 : i32
        %add3A_347 = vector.broadcast %add3A_346 : i32 to vector<16xi32>
        %add3A_348 = arith.addi %add3A_347, %and3A_345 : vector<16xi32>
        %select_n3A_349 = arith.select %and3A_342, %get3A_337, %add3A_348 : vector<16xi1>, vector<16xi32>
        %jit3A_350 = arith.constant 8 : i32
        %div3A_351 = arith.divsi %scan3A_331, %jit3A_350 : i32
        %sign3A_352 = arith.constant 0 : i32
        %sign3A_353 = arith.cmpi sgt, %scan3A_331, %sign3A_352 : i32
        %sign3A_354 = arith.extui %sign3A_353 : i1 to i32
        %sign3A_355 = arith.constant 0 : i32
        %sign3A_356 = arith.cmpi slt, %scan3A_331, %sign3A_355 : i32
        %sign3A_357 = arith.extui %sign3A_356 : i1 to i32
        %sign3A_358 = arith.subi %sign3A_354, %sign3A_357 : i32
        %sign3A_359 = arith.constant 0 : i32
        %sign3A_360 = arith.cmpi sgt, %jit3A_350, %sign3A_359 : i32
        %sign3A_361 = arith.extui %sign3A_360 : i1 to i32
        %sign3A_362 = arith.constant 0 : i32
        %sign3A_363 = arith.cmpi slt, %jit3A_350, %sign3A_362 : i32
        %sign3A_364 = arith.extui %sign3A_363 : i1 to i32
        %sign3A_365 = arith.subi %sign3A_361, %sign3A_364 : i32
        %ne3A_366 = arith.cmpi ne, %sign3A_358, %sign3A_365 : i32
        %rem3A_367 = arith.remsi %scan3A_331, %jit3A_350 : i32
        %ne3A_368 = arith.constant 0 : i32
        %ne3A_369 = arith.cmpi ne, %rem3A_367, %ne3A_368 : i32
        %and3A_370 = arith.andi %ne3A_366, %ne3A_369 : i1
        %sub3A_371 = arith.constant 1 : i32
        %sub3A_372 = arith.subi %div3A_351, %sub3A_371 : i32
        %select_n3A_373 = arith.select %and3A_370, %sub3A_372, %div3A_351 : i32
        %jit3A_374 = arith.constant 8 : i32
        %eq3A_375 = arith.constant 0 : i32
        %eq3A_376 = arith.cmpi eq, %jit3A_374, %eq3A_375 : i32
        %jit3A_377 = arith.constant 1 : i32
        %select_n3A_378 = arith.select %eq3A_376, %jit3A_377, %jit3A_374 : i32
        %rem3A_379 = arith.remsi %scan3A_331, %select_n3A_378 : i32
        %ne3A_380 = arith.constant 0 : i32
        %ne3A_381 = arith.cmpi ne, %rem3A_379, %ne3A_380 : i32
        %lt3A_382 = arith.constant 0 : i32
        %lt3A_383 = arith.cmpi slt, %rem3A_379, %lt3A_382 : i32
        %lt3A_384 = arith.constant 0 : i32
        %lt3A_385 = arith.cmpi slt, %select_n3A_378, %lt3A_384 : i32
        %ne3A_386 = arith.xori %lt3A_383, %lt3A_385 : i1
        %and3A_387 = arith.andi %ne3A_386, %ne3A_381 : i1
        %add3A_388 = arith.addi %rem3A_379, %select_n3A_378 : i32
        %select_n3A_389 = arith.select %and3A_387, %add3A_388, %rem3A_379 : i32
        %mul3A_390 = arith.constant 16 : i32
        %mul3A_391 = arith.muli %select_n3A_389, %mul3A_390 : i32
        %swap3A = arith.index_cast %select_n3A_373 : i32 to index
        %swap3A_392 = arith.index_cast %mul3A_391 : i32 to index
        %swap3A_393 = tpu.vector_load %arg15[%swap3A, %swap3A_392] {strides = array<i32>} : memref<5x128xi32, #tpu.memory_space<vmem>>, vector<16xi32>,
        tpu.vector_store %arg15[%swap3A, %swap3A_392], %get3A_335 {strides = array<i32>} : memref<5x128xi32, #tpu.memory_space<vmem>>, vector<16xi32>,
        %jit3A_394 = arith.constant 8 : i32
        %div3A_395 = arith.divsi %scan3A_331, %jit3A_394 : i32
        %sign3A_396 = arith.constant 0 : i32
        %sign3A_397 = arith.cmpi sgt, %scan3A_331, %sign3A_396 : i32
        %sign3A_398 = arith.extui %sign3A_397 : i1 to i32
        %sign3A_399 = arith.constant 0 : i32
        %sign3A_400 = arith.cmpi slt, %scan3A_331, %sign3A_399 : i32
        %sign3A_401 = arith.extui %sign3A_400 : i1 to i32
        %sign3A_402 = arith.subi %sign3A_398, %sign3A_401 : i32
        %sign3A_403 = arith.constant 0 : i32
        %sign3A_404 = arith.cmpi sgt, %jit3A_394, %sign3A_403 : i32
        %sign3A_405 = arith.extui %sign3A_404 : i1 to i32
        %sign3A_406 = arith.constant 0 : i32
        %sign3A_407 = arith.cmpi slt, %jit3A_394, %sign3A_406 : i32
        %sign3A_408 = arith.extui %sign3A_407 : i1 to i32
        %sign3A_409 = arith.subi %sign3A_405, %sign3A_408 : i32
        %ne3A_410 = arith.cmpi ne, %sign3A_402, %sign3A_409 : i32
        %rem3A_411 = arith.remsi %scan3A_331, %jit3A_394 : i32
        %ne3A_412 = arith.constant 0 : i32
        %ne3A_413 = arith.cmpi ne, %rem3A_411, %ne3A_412 : i32
        %and3A_414 = arith.andi %ne3A_410, %ne3A_413 : i1
        %sub3A_415 = arith.constant 1 : i32
        %sub3A_416 = arith.subi %div3A_395, %sub3A_415 : i32
        %select_n3A_417 = arith.select %and3A_414, %sub3A_416, %div3A_395 : i32
        %jit3A_418 = arith.constant 8 : i32
        %eq3A_419 = arith.constant 0 : i32
        %eq3A_420 = arith.cmpi eq, %jit3A_418, %eq3A_419 : i32
        %jit3A_421 = arith.constant 1 : i32
        %select_n3A_422 = arith.select %eq3A_420, %jit3A_421, %jit3A_418 : i32
        %rem3A_423 = arith.remsi %scan3A_331, %select_n3A_422 : i32
        %ne3A_424 = arith.constant 0 : i32
        %ne3A_425 = arith.cmpi ne, %rem3A_423, %ne3A_424 : i32
        %lt3A_426 = arith.constant 0 : i32
        %lt3A_427 = arith.cmpi slt, %rem3A_423, %lt3A_426 : i32
        %lt3A_428 = arith.constant 0 : i32
        %lt3A_429 = arith.cmpi slt, %select_n3A_422, %lt3A_428 : i32
        %ne3A_430 = arith.xori %lt3A_427, %lt3A_429 : i1
        %and3A_431 = arith.andi %ne3A_430, %ne3A_425 : i1
        %add3A_432 = arith.addi %rem3A_423, %select_n3A_422 : i32
        %select_n3A_433 = arith.select %and3A_431, %add3A_432, %rem3A_423 : i32
        %mul3A_434 = arith.constant 16 : i32
        %mul3A_435 = arith.muli %select_n3A_433, %mul3A_434 : i32
        %swap3A_436 = arith.index_cast %select_n3A_417 : i32 to index
        %swap3A_437 = arith.index_cast %mul3A_435 : i32 to index
        %swap3A_438 = tpu.vector_load %arg16[%swap3A_436, %swap3A_437] {strides = array<i32>} : memref<5x128xi32, #tpu.memory_space<vmem>>, vector<16xi32>,
        tpu.vector_store %arg16[%swap3A_436, %swap3A_437], %select_n3A_349 {strides = array<i32>} : memref<5x128xi32, #tpu.memory_space<vmem>>, vector<16xi32>,
        %scan3A_439 = arith.constant 0 : i32
        scf.yield %scan3A_439 : i32
      }
      %scan3A_115 = arith.constant 40 : i32
      %dma_start3A_116 = arith.constant 0 : i32
      %dma_start3A_117 = arith.constant 0 : i32
      %dma_start3A_118 = arith.constant 0 : i32
      %dma_start3A_119 = tpu.memref_slice %arg17[%dma_start3A_117, %dma_start3A_118] : memref<640x64xf32, #tpu.memory_space<vmem>> -> memref<128x64xf32, #tpu.memory_space<vmem>>
      %dma_start3A_120 = arith.constant 0 : i32
      %dma_start3A_121 = tpu.memref_slice %arg15[%dma_start3A_116, %dma_start3A_120] : memref<5x128xi32, #tpu.memory_space<vmem>> -> memref<1x128xi32, #tpu.memory_space<vmem>>
      %dma_start3A_122 = tpu.memref_squeeze %dma_start3A_121 : memref<1x128xi32, #tpu.memory_space<vmem>> -> memref<128xi32, #tpu.memory_space<vmem>>
      %dma_start3A_123 = arith.constant 0 : i32
      %dma_start3A_124 = arith.constant 0 : i32
      %dma_start3A_125 = tpu.memref_slice %arg6[%dma_start3A_123, %dma_start3A_124] : memref<5000x64xf32, #tpu.memory_space<hbm>> -> memref<5000x64xf32, #tpu.memory_space<hbm>>
      tpu.enqueue_indirect_dma source(%dma_start3A_125 : memref<5000x64xf32, #tpu.memory_space<hbm>>) target(%dma_start3A_119 : memref<128x64xf32, #tpu.memory_space<vmem>>) offsets(%dma_start3A_122 : memref<128xi32, #tpu.memory_space<vmem>>) semaphore(%arg20 : memref<!tpu.dma_semaphore, #tpu.memory_space<semaphore_mem>>)
      %dma_start3A_126 = arith.constant 1 : i32
      %dma_start3A_127 = arith.constant 128 : i32
      %dma_start3A_128 = arith.constant 0 : i32
      %dma_start3A_129 = tpu.memref_slice %arg17[%dma_start3A_127, %dma_start3A_128] : memref<640x64xf32, #tpu.memory_space<vmem>> -> memref<128x64xf32, #tpu.memory_space<vmem>>
      %dma_start3A_130 = arith.constant 0 : i32
      %dma_start3A_131 = tpu.memref_slice %arg15[%dma_start3A_126, %dma_start3A_130] : memref<5x128xi32, #tpu.memory_space<vmem>> -> memref<1x128xi32, #tpu.memory_space<vmem>>
      %dma_start3A_132 = tpu.memref_squeeze %dma_start3A_131 : memref<1x128xi32, #tpu.memory_space<vmem>> -> memref<128xi32, #tpu.memory_space<vmem>>
      %dma_start3A_133 = arith.constant 0 : i32
      %dma_start3A_134 = arith.constant 0 : i32
      %dma_start3A_135 = tpu.memref_slice %arg6[%dma_start3A_133, %dma_start3A_134] : memref<5000x64xf32, #tpu.memory_space<hbm>> -> memref<5000x64xf32, #tpu.memory_space<hbm>>
      tpu.enqueue_indirect_dma source(%dma_start3A_135 : memref<5000x64xf32, #tpu.memory_space<hbm>>) target(%dma_start3A_129 : memref<128x64xf32, #tpu.memory_space<vmem>>) offsets(%dma_start3A_132 : memref<128xi32, #tpu.memory_space<vmem>>) semaphore(%arg20 : memref<!tpu.dma_semaphore, #tpu.memory_space<semaphore_mem>>)
      %dma_start3A_136 = arith.constant 2 : i32
      %dma_start3A_137 = arith.constant 256 : i32
      %dma_start3A_138 = arith.constant 0 : i32
      %dma_start3A_139 = tpu.memref_slice %arg17[%dma_start3A_137, %dma_start3A_138] : memref<640x64xf32, #tpu.memory_space<vmem>> -> memref<128x64xf32, #tpu.memory_space<vmem>>
      %dma_start3A_140 = arith.constant 0 : i32
      %dma_start3A_141 = tpu.memref_slice %arg15[%dma_start3A_136, %dma_start3A_140] : memref<5x128xi32, #tpu.memory_space<vmem>> -> memref<1x128xi32, #tpu.memory_space<vmem>>
      %dma_start3A_142 = tpu.memref_squeeze %dma_start3A_141 : memref<1x128xi32, #tpu.memory_space<vmem>> -> memref<128xi32, #tpu.memory_space<vmem>>
      %dma_start3A_143 = arith.constant 0 : i32
      %dma_start3A_144 = arith.constant 0 : i32
      %dma_start3A_145 = tpu.memref_slice %arg6[%dma_start3A_143, %dma_start3A_144] : memref<5000x64xf32, #tpu.memory_space<hbm>> -> memref<5000x64xf32, #tpu.memory_space<hbm>>
      tpu.enqueue_indirect_dma source(%dma_start3A_145 : memref<5000x64xf32, #tpu.memory_space<hbm>>) target(%dma_start3A_139 : memref<128x64xf32, #tpu.memory_space<vmem>>) offsets(%dma_start3A_142 : memref<128xi32, #tpu.memory_space<vmem>>) semaphore(%arg20 : memref<!tpu.dma_semaphore, #tpu.memory_space<semaphore_mem>>)
      %dma_start3A_146 = arith.constant 3 : i32
      %dma_start3A_147 = arith.constant 384 : i32
      %dma_start3A_148 = arith.constant 0 : i32
      %dma_start3A_149 = tpu.memref_slice %arg17[%dma_start3A_147, %dma_start3A_148] : memref<640x64xf32, #tpu.memory_space<vmem>> -> memref<128x64xf32, #tpu.memory_space<vmem>>
      %dma_start3A_150 = arith.constant 0 : i32
      %dma_start3A_151 = tpu.memref_slice %arg15[%dma_start3A_146, %dma_start3A_150] : memref<5x128xi32, #tpu.memory_space<vmem>> -> memref<1x128xi32, #tpu.memory_space<vmem>>
      %dma_start3A_152 = tpu.memref_squeeze %dma_start3A_151 : memref<1x128xi32, #tpu.memory_space<vmem>> -> memref<128xi32, #tpu.memory_space<vmem>>
      %dma_start3A_153 = arith.constant 0 : i32
      %dma_start3A_154 = arith.constant 0 : i32
      %dma_start3A_155 = tpu.memref_slice %arg6[%dma_start3A_153, %dma_start3A_154] : memref<5000x64xf32, #tpu.memory_space<hbm>> -> memref<5000x64xf32, #tpu.memory_space<hbm>>
      tpu.enqueue_indirect_dma source(%dma_start3A_155 : memref<5000x64xf32, #tpu.memory_space<hbm>>) target(%dma_start3A_149 : memref<128x64xf32, #tpu.memory_space<vmem>>) offsets(%dma_start3A_152 : memref<128xi32, #tpu.memory_space<vmem>>) semaphore(%arg20 : memref<!tpu.dma_semaphore, #tpu.memory_space<semaphore_mem>>)
      %dma_start3A_156 = arith.constant 4 : i32
      %dma_start3A_157 = arith.constant 512 : i32
      %dma_start3A_158 = arith.constant 0 : i32
      %dma_start3A_159 = tpu.memref_slice %arg17[%dma_start3A_157, %dma_start3A_158] : memref<640x64xf32, #tpu.memory_space<vmem>> -> memref<128x64xf32, #tpu.memory_space<vmem>>
      %dma_start3A_160 = arith.constant 0 : i32
      %dma_start3A_161 = tpu.memref_slice %arg15[%dma_start3A_156, %dma_start3A_160] : memref<5x128xi32, #tpu.memory_space<vmem>> -> memref<1x128xi32, #tpu.memory_space<vmem>>
      %dma_start3A_162 = tpu.memref_squeeze %dma_start3A_161 : memref<1x128xi32, #tpu.memory_space<vmem>> -> memref<128xi32, #tpu.memory_space<vmem>>
      %dma_start3A_163 = arith.constant 0 : i32
      %dma_start3A_164 = arith.constant 0 : i32
      %dma_start3A_165 = tpu.memref_slice %arg6[%dma_start3A_163, %dma_start3A_164] : memref<5000x64xf32, #tpu.memory_space<hbm>> -> memref<5000x64xf32, #tpu.memory_space<hbm>>
      tpu.enqueue_indirect_dma source(%dma_start3A_165 : memref<5000x64xf32, #tpu.memory_space<hbm>>) target(%dma_start3A_159 : memref<128x64xf32, #tpu.memory_space<vmem>>) offsets(%dma_start3A_162 : memref<128xi32, #tpu.memory_space<vmem>>) semaphore(%arg20 : memref<!tpu.dma_semaphore, #tpu.memory_space<semaphore_mem>>)
      %scan3A_166 = arith.constant 0 : i32
      %scan3A_167 = arith.constant 0 : i32
      %scan3A_168 = arith.constant 160 : i32
      %scan3A_169 = arith.addi %scan3A_167, %scan3A_168 : i32
      %scan3A_170 = arith.constant 1 : i32
      %scan3A_171 = scf.for %scan3A_331 = %scan3A_167 to %scan3A_169 step %scan3A_170 iter_args(%scan3A_332 = %scan3A_166) -> (i32)  : i32 {
        %mul3A_333 = arith.constant 16 : i32
        %mul3A_334 = arith.muli %scan3A_331, %mul3A_333 : i32
        %mul3A_335 = arith.constant 4 : i32
        %mul3A_336 = arith.muli %scan3A_331, %mul3A_335 : i32
        %add3A_337 = vector.broadcast %mul3A_336 : i32 to vector<16xi32>
        %add3A_338 = arith.addi %add3A_337, %select_n3A : vector<16xi32>
        %gather3A = tpu.vector_load_idx %arg11[%add3A_338] : memref<640xi32, #tpu.memory_space<vmem>>[vector<16xi32>], vector<16xi32>,
        %gather3A_339 = tpu.vector_load_idx %arg12[%add3A_338] : memref<640xf32, #tpu.memory_space<vmem>>[vector<16xi32>], vector<16xf32>,
        %get3A = arith.index_cast %mul3A_334 : i32 to index
        %get3A_340 = tpu.vector_load %arg13[%get3A] {strides = array<i32>} : memref<2560xf32, #tpu.memory_space<vmem>>, vector<16xf32>,
        %mul3A_341 = arith.constant 5056 : i32
        %mul3A_342 = vector.broadcast %mul3A_341 : i32 to vector<16xi32>
        %mul3A_343 = arith.muli %select_n3A_59, %mul3A_342 : vector<16xi32>
        %add3A_344 = arith.addi %mul3A_343, %gather3A : vector<16xi32>
        %gather3A_345 = tpu.vector_load_idx %arg8[%add3A_344] : memref<20224xf32, #tpu.memory_space<vmem>>[vector<16xi32>], vector<16xf32>,
        %add3A_346 = arith.constant 1.000000e-16 : f32
        %add3A_347 = vector.broadcast %add3A_346 : f32 to vector<16xf32>
        %add3A_348 = arith.addf %gather3A_345, %add3A_347 : vector<16xf32>
        %div3A_349 = arith.divf %get3A_340, %add3A_348 : vector<16xf32>
        %mul3A_350 = arith.mulf %div3A_349, %gather3A_339 : vector<16xf32>
        %lt3A_351 = arith.constant 2000 : i32
        %lt3A_352 = vector.broadcast %lt3A_351 : i32 to vector<16xi32>
        %lt3A_353 = arith.cmpi slt, %gather3A, %lt3A_352 : vector<16xi32>
        %and3A_354 = vector.broadcast %lt3A_77 : i1 to vector<16xi1>
        %and3A_355 = arith.andi %lt3A_353, %and3A_354 : vector<16xi1>
        %jit3A_356 = arith.constant 0.000000e+00 : f32
        %broadcast_in_dim3A = vector.broadcast %jit3A_356 : f32 to vector<16xf32>
        %select_n3A_357 = arith.select %and3A_355, %mul3A_350, %broadcast_in_dim3A : vector<16xi1>, vector<16xf32>
        %swap3A = arith.index_cast %mul3A_334 : i32 to index
        %swap3A_358 = tpu.vector_load %arg14[%swap3A] {strides = array<i32>} : memref<2560xf32, #tpu.memory_space<vmem>>, vector<16xf32>,
        tpu.vector_store %arg14[%swap3A], %select_n3A_357 {strides = array<i32>} : memref<2560xf32, #tpu.memory_space<vmem>>, vector<16xf32>,
        %scan3A_359 = arith.constant 0 : i32
        scf.yield %scan3A_359 : i32
      }
      %scan3A_172 = arith.constant 160 : i32
      %dma_wait3A_173 = arith.constant 0 : i32
      %dma_wait3A_174 = arith.constant 0 : i32
      %dma_wait3A_175 = arith.constant 0 : i32
      %dma_wait3A_176 = tpu.memref_slice %arg17[%dma_wait3A_174, %dma_wait3A_175] : memref<640x64xf32, #tpu.memory_space<vmem>> -> memref<128x64xf32, #tpu.memory_space<vmem>>
      %dma_wait3A_177 = arith.constant 0 : i32
      %dma_wait3A_178 = tpu.memref_slice %arg15[%dma_wait3A_173, %dma_wait3A_177] : memref<5x128xi32, #tpu.memory_space<vmem>> -> memref<1x128xi32, #tpu.memory_space<vmem>>
      %dma_wait3A_179 = tpu.memref_squeeze %dma_wait3A_178 : memref<1x128xi32, #tpu.memory_space<vmem>> -> memref<128xi32, #tpu.memory_space<vmem>>
      %dma_wait3A_180 = arith.constant 0 : i32
      %dma_wait3A_181 = arith.constant 0 : i32
      %dma_wait3A_182 = tpu.memref_slice %arg6[%dma_wait3A_180, %dma_wait3A_181] : memref<5000x64xf32, #tpu.memory_space<hbm>> -> memref<5000x64xf32, #tpu.memory_space<hbm>>
      tpu.wait_indirect_dma semaphore(%arg20 : memref<!tpu.dma_semaphore, #tpu.memory_space<semaphore_mem>>) src(%dma_wait3A_182 : memref<5000x64xf32, #tpu.memory_space<hbm>>) dst(%dma_wait3A_176 : memref<128x64xf32, #tpu.memory_space<vmem>>)
      %dma_wait3A_183 = arith.constant 1 : i32
      %dma_wait3A_184 = arith.constant 128 : i32
      %dma_wait3A_185 = arith.constant 0 : i32
      %dma_wait3A_186 = tpu.memref_slice %arg17[%dma_wait3A_184, %dma_wait3A_185] : memref<640x64xf32, #tpu.memory_space<vmem>> -> memref<128x64xf32, #tpu.memory_space<vmem>>
      %dma_wait3A_187 = arith.constant 0 : i32
      %dma_wait3A_188 = tpu.memref_slice %arg15[%dma_wait3A_183, %dma_wait3A_187] : memref<5x128xi32, #tpu.memory_space<vmem>> -> memref<1x128xi32, #tpu.memory_space<vmem>>
      %dma_wait3A_189 = tpu.memref_squeeze %dma_wait3A_188 : memref<1x128xi32, #tpu.memory_space<vmem>> -> memref<128xi32, #tpu.memory_space<vmem>>
      %dma_wait3A_190 = arith.constant 0 : i32
      %dma_wait3A_191 = arith.constant 0 : i32
      %dma_wait3A_192 = tpu.memref_slice %arg6[%dma_wait3A_190, %dma_wait3A_191] : memref<5000x64xf32, #tpu.memory_space<hbm>> -> memref<5000x64xf32, #tpu.memory_space<hbm>>
      tpu.wait_indirect_dma semaphore(%arg20 : memref<!tpu.dma_semaphore, #tpu.memory_space<semaphore_mem>>) src(%dma_wait3A_192 : memref<5000x64xf32, #tpu.memory_space<hbm>>) dst(%dma_wait3A_186 : memref<128x64xf32, #tpu.memory_space<vmem>>)
      %dma_wait3A_193 = arith.constant 2 : i32
      %dma_wait3A_194 = arith.constant 256 : i32
      %dma_wait3A_195 = arith.constant 0 : i32
      %dma_wait3A_196 = tpu.memref_slice %arg17[%dma_wait3A_194, %dma_wait3A_195] : memref<640x64xf32, #tpu.memory_space<vmem>> -> memref<128x64xf32, #tpu.memory_space<vmem>>
      %dma_wait3A_197 = arith.constant 0 : i32
      %dma_wait3A_198 = tpu.memref_slice %arg15[%dma_wait3A_193, %dma_wait3A_197] : memref<5x128xi32, #tpu.memory_space<vmem>> -> memref<1x128xi32, #tpu.memory_space<vmem>>
      %dma_wait3A_199 = tpu.memref_squeeze %dma_wait3A_198 : memref<1x128xi32, #tpu.memory_space<vmem>> -> memref<128xi32, #tpu.memory_space<vmem>>
      %dma_wait3A_200 = arith.constant 0 : i32
      %dma_wait3A_201 = arith.constant 0 : i32
      %dma_wait3A_202 = tpu.memref_slice %arg6[%dma_wait3A_200, %dma_wait3A_201] : memref<5000x64xf32, #tpu.memory_space<hbm>> -> memref<5000x64xf32, #tpu.memory_space<hbm>>
      tpu.wait_indirect_dma semaphore(%arg20 : memref<!tpu.dma_semaphore, #tpu.memory_space<semaphore_mem>>) src(%dma_wait3A_202 : memref<5000x64xf32, #tpu.memory_space<hbm>>) dst(%dma_wait3A_196 : memref<128x64xf32, #tpu.memory_space<vmem>>)
      %dma_wait3A_203 = arith.constant 3 : i32
      %dma_wait3A_204 = arith.constant 384 : i32
      %dma_wait3A_205 = arith.constant 0 : i32
      %dma_wait3A_206 = tpu.memref_slice %arg17[%dma_wait3A_204, %dma_wait3A_205] : memref<640x64xf32, #tpu.memory_space<vmem>> -> memref<128x64xf32, #tpu.memory_space<vmem>>
      %dma_wait3A_207 = arith.constant 0 : i32
      %dma_wait3A_208 = tpu.memref_slice %arg15[%dma_wait3A_203, %dma_wait3A_207] : memref<5x128xi32, #tpu.memory_space<vmem>> -> memref<1x128xi32, #tpu.memory_space<vmem>>
      %dma_wait3A_209 = tpu.memref_squeeze %dma_wait3A_208 : memref<1x128xi32, #tpu.memory_space<vmem>> -> memref<128xi32, #tpu.memory_space<vmem>>
      %dma_wait3A_210 = arith.constant 0 : i32
      %dma_wait3A_211 = arith.constant 0 : i32
      %dma_wait3A_212 = tpu.memref_slice %arg6[%dma_wait3A_210, %dma_wait3A_211] : memref<5000x64xf32, #tpu.memory_space<hbm>> -> memref<5000x64xf32, #tpu.memory_space<hbm>>
      tpu.wait_indirect_dma semaphore(%arg20 : memref<!tpu.dma_semaphore, #tpu.memory_space<semaphore_mem>>) src(%dma_wait3A_212 : memref<5000x64xf32, #tpu.memory_space<hbm>>) dst(%dma_wait3A_206 : memref<128x64xf32, #tpu.memory_space<vmem>>)
      %dma_wait3A_213 = arith.constant 4 : i32
      %dma_wait3A_214 = arith.constant 512 : i32
      %dma_wait3A_215 = arith.constant 0 : i32
      %dma_wait3A_216 = tpu.memref_slice %arg17[%dma_wait3A_214, %dma_wait3A_215] : memref<640x64xf32, #tpu.memory_space<vmem>> -> memref<128x64xf32, #tpu.memory_space<vmem>>
      %dma_wait3A_217 = arith.constant 0 : i32
      %dma_wait3A_218 = tpu.memref_slice %arg15[%dma_wait3A_213, %dma_wait3A_217] : memref<5x128xi32, #tpu.memory_space<vmem>> -> memref<1x128xi32, #tpu.memory_space<vmem>>
      %dma_wait3A_219 = tpu.memref_squeeze %dma_wait3A_218 : memref<1x128xi32, #tpu.memory_space<vmem>> -> memref<128xi32, #tpu.memory_space<vmem>>
      %dma_wait3A_220 = arith.constant 0 : i32
      %dma_wait3A_221 = arith.constant 0 : i32
      %dma_wait3A_222 = tpu.memref_slice %arg6[%dma_wait3A_220, %dma_wait3A_221] : memref<5000x64xf32, #tpu.memory_space<hbm>> -> memref<5000x64xf32, #tpu.memory_space<hbm>>
      tpu.wait_indirect_dma semaphore(%arg20 : memref<!tpu.dma_semaphore, #tpu.memory_space<semaphore_mem>>) src(%dma_wait3A_222 : memref<5000x64xf32, #tpu.memory_space<hbm>>) dst(%dma_wait3A_216 : memref<128x64xf32, #tpu.memory_space<vmem>>)
      %scan3A_223 = arith.constant 0 : i32
      %scan3A_224 = arith.constant 0 : i32
      %scan3A_225 = arith.constant 160 : i32
      %scan3A_226 = arith.addi %scan3A_224, %scan3A_225 : i32
      %scan3A_227 = arith.constant 1 : i32
      %scan3A_228 = scf.for %scan3A_331 = %scan3A_224 to %scan3A_226 step %scan3A_227 iter_args(%scan3A_332 = %scan3A_223) -> (i32)  : i32 {
        %mul3A_333 = arith.constant 4 : i32
        %mul3A_334 = arith.muli %scan3A_331, %mul3A_333 : i32
        %add3A_335 = arith.constant 0 : i32
        %add3A_336 = arith.addi %mul3A_334, %add3A_335 : i32
        %broadcast_in_dim3A = arith.constant 0 : i32
        %broadcast_in_dim3A_337 = vector.broadcast %broadcast_in_dim3A : i32 to vector<16xi32>
        %mul3A_338 = arith.constant 4 : i32
        %mul3A_339 = arith.muli %add3A_336, %mul3A_338 : i32
        %add3A_340 = arith.constant 0 : i32
        %add3A_341 = arith.addi %mul3A_339, %add3A_340 : i32
        %add3A_342 = vector.broadcast %add3A_341 : i32 to vector<16xi32>
        %add3A_343 = arith.addi %broadcast_in_dim3A_337, %add3A_342 : vector<16xi32>
        %gather3A = tpu.vector_load_idx %arg14[%add3A_343] : memref<2560xf32, #tpu.memory_space<vmem>>[vector<16xi32>], vector<16xf32>,
        %get3A = arith.index_cast %add3A_336 : i32 to index
        %get3A_344 = arith.constant 0 : index
        %get3A_345 = tpu.vector_load %arg17[%get3A, %get3A_344] {strides = array<i32>} : memref<640x64xf32, #tpu.memory_space<vmem>>, vector<16xf32>,
        %mul3A_346 = arith.mulf %get3A_345, %gather3A : vector<16xf32>
        %swap3A = arith.index_cast %add3A_336 : i32 to index
        %swap3A_347 = arith.constant 0 : index
        %swap3A_348 = tpu.vector_load %arg17[%swap3A, %swap3A_347] {strides = array<i32>} : memref<640x64xf32, #tpu.memory_space<vmem>>, vector<16xf32>,
        tpu.vector_store %arg17[%swap3A, %swap3A_347], %mul3A_346 {strides = array<i32>} : memref<640x64xf32, #tpu.memory_space<vmem>>, vector<16xf32>,
        %broadcast_in_dim3A_349 = arith.constant 0 : i32
        %broadcast_in_dim3A_350 = vector.broadcast %broadcast_in_dim3A_349 : i32 to vector<16xi32>
        %mul3A_351 = arith.constant 4 : i32
        %mul3A_352 = arith.muli %add3A_336, %mul3A_351 : i32
        %add3A_353 = arith.constant 1 : i32
        %add3A_354 = arith.addi %mul3A_352, %add3A_353 : i32
        %add3A_355 = vector.broadcast %add3A_354 : i32 to vector<16xi32>
        %add3A_356 = arith.addi %broadcast_in_dim3A_350, %add3A_355 : vector<16xi32>
        %gather3A_357 = tpu.vector_load_idx %arg14[%add3A_356] : memref<2560xf32, #tpu.memory_space<vmem>>[vector<16xi32>], vector<16xf32>,
        %get3A_358 = arith.index_cast %add3A_336 : i32 to index
        %get3A_359 = arith.constant 16 : index
        %get3A_360 = tpu.vector_load %arg17[%get3A_358, %get3A_359] {strides = array<i32>} : memref<640x64xf32, #tpu.memory_space<vmem>>, vector<16xf32>,
        %mul3A_361 = arith.mulf %get3A_360, %gather3A_357 : vector<16xf32>
        %swap3A_362 = arith.index_cast %add3A_336 : i32 to index
        %swap3A_363 = arith.constant 16 : index
        %swap3A_364 = tpu.vector_load %arg17[%swap3A_362, %swap3A_363] {strides = array<i32>} : memref<640x64xf32, #tpu.memory_space<vmem>>, vector<16xf32>,
        tpu.vector_store %arg17[%swap3A_362, %swap3A_363], %mul3A_361 {strides = array<i32>} : memref<640x64xf32, #tpu.memory_space<vmem>>, vector<16xf32>,
        %broadcast_in_dim3A_365 = arith.constant 0 : i32
        %broadcast_in_dim3A_366 = vector.broadcast %broadcast_in_dim3A_365 : i32 to vector<16xi32>
        %mul3A_367 = arith.constant 4 : i32
        %mul3A_368 = arith.muli %add3A_336, %mul3A_367 : i32
        %add3A_369 = arith.constant 2 : i32
        %add3A_370 = arith.addi %mul3A_368, %add3A_369 : i32
        %add3A_371 = vector.broadcast %add3A_370 : i32 to vector<16xi32>
        %add3A_372 = arith.addi %broadcast_in_dim3A_366, %add3A_371 : vector<16xi32>
        %gather3A_373 = tpu.vector_load_idx %arg14[%add3A_372] : memref<2560xf32, #tpu.memory_space<vmem>>[vector<16xi32>], vector<16xf32>,
        %get3A_374 = arith.index_cast %add3A_336 : i32 to index
        %get3A_375 = arith.constant 32 : index
        %get3A_376 = tpu.vector_load %arg17[%get3A_374, %get3A_375] {strides = array<i32>} : memref<640x64xf32, #tpu.memory_space<vmem>>, vector<16xf32>,
        %mul3A_377 = arith.mulf %get3A_376, %gather3A_373 : vector<16xf32>
        %swap3A_378 = arith.index_cast %add3A_336 : i32 to index
        %swap3A_379 = arith.constant 32 : index
        %swap3A_380 = tpu.vector_load %arg17[%swap3A_378, %swap3A_379] {strides = array<i32>} : memref<640x64xf32, #tpu.memory_space<vmem>>, vector<16xf32>,
        tpu.vector_store %arg17[%swap3A_378, %swap3A_379], %mul3A_377 {strides = array<i32>} : memref<640x64xf32, #tpu.memory_space<vmem>>, vector<16xf32>,
        %broadcast_in_dim3A_381 = arith.constant 0 : i32
        %broadcast_in_dim3A_382 = vector.broadcast %broadcast_in_dim3A_381 : i32 to vector<16xi32>
        %mul3A_383 = arith.constant 4 : i32
        %mul3A_384 = arith.muli %add3A_336, %mul3A_383 : i32
        %add3A_385 = arith.constant 3 : i32
        %add3A_386 = arith.addi %mul3A_384, %add3A_385 : i32
        %add3A_387 = vector.broadcast %add3A_386 : i32 to vector<16xi32>
        %add3A_388 = arith.addi %broadcast_in_dim3A_382, %add3A_387 : vector<16xi32>
        %gather3A_389 = tpu.vector_load_idx %arg14[%add3A_388] : memref<2560xf32, #tpu.memory_space<vmem>>[vector<16xi32>], vector<16xf32>,
        %get3A_390 = arith.index_cast %add3A_336 : i32 to index
        %get3A_391 = arith.constant 48 : index
        %get3A_392 = tpu.vector_load %arg17[%get3A_390, %get3A_391] {strides = array<i32>} : memref<640x64xf32, #tpu.memory_space<vmem>>, vector<16xf32>,
        %mul3A_393 = arith.mulf %get3A_392, %gather3A_389 : vector<16xf32>
        %swap3A_394 = arith.index_cast %add3A_336 : i32 to index
        %swap3A_395 = arith.constant 48 : index
        %swap3A_396 = tpu.vector_load %arg17[%swap3A_394, %swap3A_395] {strides = array<i32>} : memref<640x64xf32, #tpu.memory_space<vmem>>, vector<16xf32>,
        tpu.vector_store %arg17[%swap3A_394, %swap3A_395], %mul3A_393 {strides = array<i32>} : memref<640x64xf32, #tpu.memory_space<vmem>>, vector<16xf32>,
        %mul3A_397 = arith.constant 4 : i32
        %mul3A_398 = arith.muli %scan3A_331, %mul3A_397 : i32
        %add3A_399 = arith.constant 1 : i32
        %add3A_400 = arith.addi %mul3A_398, %add3A_399 : i32
        %broadcast_in_dim3A_401 = arith.constant 0 : i32
        %broadcast_in_dim3A_402 = vector.broadcast %broadcast_in_dim3A_401 : i32 to vector<16xi32>
        %mul3A_403 = arith.constant 4 : i32
        %mul3A_404 = arith.muli %add3A_400, %mul3A_403 : i32
        %add3A_405 = arith.constant 0 : i32
        %add3A_406 = arith.addi %mul3A_404, %add3A_405 : i32
        %add3A_407 = vector.broadcast %add3A_406 : i32 to vector<16xi32>
        %add3A_408 = arith.addi %broadcast_in_dim3A_402, %add3A_407 : vector<16xi32>
        %gather3A_409 = tpu.vector_load_idx %arg14[%add3A_408] : memref<2560xf32, #tpu.memory_space<vmem>>[vector<16xi32>], vector<16xf32>,
        %get3A_410 = arith.index_cast %add3A_400 : i32 to index
        %get3A_411 = arith.constant 0 : index
        %get3A_412 = tpu.vector_load %arg17[%get3A_410, %get3A_411] {strides = array<i32>} : memref<640x64xf32, #tpu.memory_space<vmem>>, vector<16xf32>,
        %mul3A_413 = arith.mulf %get3A_412, %gather3A_409 : vector<16xf32>
        %swap3A_414 = arith.index_cast %add3A_400 : i32 to index
        %swap3A_415 = arith.constant 0 : index
        %swap3A_416 = tpu.vector_load %arg17[%swap3A_414, %swap3A_415] {strides = array<i32>} : memref<640x64xf32, #tpu.memory_space<vmem>>, vector<16xf32>,
        tpu.vector_store %arg17[%swap3A_414, %swap3A_415], %mul3A_413 {strides = array<i32>} : memref<640x64xf32, #tpu.memory_space<vmem>>, vector<16xf32>,
        %broadcast_in_dim3A_417 = arith.constant 0 : i32
        %broadcast_in_dim3A_418 = vector.broadcast %broadcast_in_dim3A_417 : i32 to vector<16xi32>
        %mul3A_419 = arith.constant 4 : i32
        %mul3A_420 = arith.muli %add3A_400, %mul3A_419 : i32
        %add3A_421 = arith.constant 1 : i32
        %add3A_422 = arith.addi %mul3A_420, %add3A_421 : i32
        %add3A_423 = vector.broadcast %add3A_422 : i32 to vector<16xi32>
        %add3A_424 = arith.addi %broadcast_in_dim3A_418, %add3A_423 : vector<16xi32>
        %gather3A_425 = tpu.vector_load_idx %arg14[%add3A_424] : memref<2560xf32, #tpu.memory_space<vmem>>[vector<16xi32>], vector<16xf32>,
        %get3A_426 = arith.index_cast %add3A_400 : i32 to index
        %get3A_427 = arith.constant 16 : index
        %get3A_428 = tpu.vector_load %arg17[%get3A_426, %get3A_427] {strides = array<i32>} : memref<640x64xf32, #tpu.memory_space<vmem>>, vector<16xf32>,
        %mul3A_429 = arith.mulf %get3A_428, %gather3A_425 : vector<16xf32>
        %swap3A_430 = arith.index_cast %add3A_400 : i32 to index
        %swap3A_431 = arith.constant 16 : index
        %swap3A_432 = tpu.vector_load %arg17[%swap3A_430, %swap3A_431] {strides = array<i32>} : memref<640x64xf32, #tpu.memory_space<vmem>>, vector<16xf32>,
        tpu.vector_store %arg17[%swap3A_430, %swap3A_431], %mul3A_429 {strides = array<i32>} : memref<640x64xf32, #tpu.memory_space<vmem>>, vector<16xf32>,
        %broadcast_in_dim3A_433 = arith.constant 0 : i32
        %broadcast_in_dim3A_434 = vector.broadcast %broadcast_in_dim3A_433 : i32 to vector<16xi32>
        %mul3A_435 = arith.constant 4 : i32
        %mul3A_436 = arith.muli %add3A_400, %mul3A_435 : i32
        %add3A_437 = arith.constant 2 : i32
        %add3A_438 = arith.addi %mul3A_436, %add3A_437 : i32
        %add3A_439 = vector.broadcast %add3A_438 : i32 to vector<16xi32>
        %add3A_440 = arith.addi %broadcast_in_dim3A_434, %add3A_439 : vector<16xi32>
        %gather3A_441 = tpu.vector_load_idx %arg14[%add3A_440] : memref<2560xf32, #tpu.memory_space<vmem>>[vector<16xi32>], vector<16xf32>,
        %get3A_442 = arith.index_cast %add3A_400 : i32 to index
        %get3A_443 = arith.constant 32 : index
        %get3A_444 = tpu.vector_load %arg17[%get3A_442, %get3A_443] {strides = array<i32>} : memref<640x64xf32, #tpu.memory_space<vmem>>, vector<16xf32>,
        %mul3A_445 = arith.mulf %get3A_444, %gather3A_441 : vector<16xf32>
        %swap3A_446 = arith.index_cast %add3A_400 : i32 to index
        %swap3A_447 = arith.constant 32 : index
        %swap3A_448 = tpu.vector_load %arg17[%swap3A_446, %swap3A_447] {strides = array<i32>} : memref<640x64xf32, #tpu.memory_space<vmem>>, vector<16xf32>,
        tpu.vector_store %arg17[%swap3A_446, %swap3A_447], %mul3A_445 {strides = array<i32>} : memref<640x64xf32, #tpu.memory_space<vmem>>, vector<16xf32>,
        %broadcast_in_dim3A_449 = arith.constant 0 : i32
        %broadcast_in_dim3A_450 = vector.broadcast %broadcast_in_dim3A_449 : i32 to vector<16xi32>
        %mul3A_451 = arith.constant 4 : i32
        %mul3A_452 = arith.muli %add3A_400, %mul3A_451 : i32
        %add3A_453 = arith.constant 3 : i32
        %add3A_454 = arith.addi %mul3A_452, %add3A_453 : i32
        %add3A_455 = vector.broadcast %add3A_454 : i32 to vector<16xi32>
        %add3A_456 = arith.addi %broadcast_in_dim3A_450, %add3A_455 : vector<16xi32>
        %gather3A_457 = tpu.vector_load_idx %arg14[%add3A_456] : memref<2560xf32, #tpu.memory_space<vmem>>[vector<16xi32>], vector<16xf32>,
        %get3A_458 = arith.index_cast %add3A_400 : i32 to index
        %get3A_459 = arith.constant 48 : index
        %get3A_460 = tpu.vector_load %arg17[%get3A_458, %get3A_459] {strides = array<i32>} : memref<640x64xf32, #tpu.memory_space<vmem>>, vector<16xf32>,
        %mul3A_461 = arith.mulf %get3A_460, %gather3A_457 : vector<16xf32>
        %swap3A_462 = arith.index_cast %add3A_400 : i32 to index
        %swap3A_463 = arith.constant 48 : index
        %swap3A_464 = tpu.vector_load %arg17[%swap3A_462, %swap3A_463] {strides = array<i32>} : memref<640x64xf32, #tpu.memory_space<vmem>>, vector<16xf32>,
        tpu.vector_store %arg17[%swap3A_462, %swap3A_463], %mul3A_461 {strides = array<i32>} : memref<640x64xf32, #tpu.memory_space<vmem>>, vector<16xf32>,
        %mul3A_465 = arith.constant 4 : i32
        %mul3A_466 = arith.muli %scan3A_331, %mul3A_465 : i32
        %add3A_467 = arith.constant 2 : i32
        %add3A_468 = arith.addi %mul3A_466, %add3A_467 : i32
        %broadcast_in_dim3A_469 = arith.constant 0 : i32
        %broadcast_in_dim3A_470 = vector.broadcast %broadcast_in_dim3A_469 : i32 to vector<16xi32>
        %mul3A_471 = arith.constant 4 : i32
        %mul3A_472 = arith.muli %add3A_468, %mul3A_471 : i32
        %add3A_473 = arith.constant 0 : i32
        %add3A_474 = arith.addi %mul3A_472, %add3A_473 : i32
        %add3A_475 = vector.broadcast %add3A_474 : i32 to vector<16xi32>
        %add3A_476 = arith.addi %broadcast_in_dim3A_470, %add3A_475 : vector<16xi32>
        %gather3A_477 = tpu.vector_load_idx %arg14[%add3A_476] : memref<2560xf32, #tpu.memory_space<vmem>>[vector<16xi32>], vector<16xf32>,
        %get3A_478 = arith.index_cast %add3A_468 : i32 to index
        %get3A_479 = arith.constant 0 : index
        %get3A_480 = tpu.vector_load %arg17[%get3A_478, %get3A_479] {strides = array<i32>} : memref<640x64xf32, #tpu.memory_space<vmem>>, vector<16xf32>,
        %mul3A_481 = arith.mulf %get3A_480, %gather3A_477 : vector<16xf32>
        %swap3A_482 = arith.index_cast %add3A_468 : i32 to index
        %swap3A_483 = arith.constant 0 : index
        %swap3A_484 = tpu.vector_load %arg17[%swap3A_482, %swap3A_483] {strides = array<i32>} : memref<640x64xf32, #tpu.memory_space<vmem>>, vector<16xf32>,
        tpu.vector_store %arg17[%swap3A_482, %swap3A_483], %mul3A_481 {strides = array<i32>} : memref<640x64xf32, #tpu.memory_space<vmem>>, vector<16xf32>,
        %broadcast_in_dim3A_485 = arith.constant 0 : i32
        %broadcast_in_dim3A_486 = vector.broadcast %broadcast_in_dim3A_485 : i32 to vector<16xi32>
        %mul3A_487 = arith.constant 4 : i32
        %mul3A_488 = arith.muli %add3A_468, %mul3A_487 : i32
        %add3A_489 = arith.constant 1 : i32
        %add3A_490 = arith.addi %mul3A_488, %add3A_489 : i32
        %add3A_491 = vector.broadcast %add3A_490 : i32 to vector<16xi32>
        %add3A_492 = arith.addi %broadcast_in_dim3A_486, %add3A_491 : vector<16xi32>
        %gather3A_493 = tpu.vector_load_idx %arg14[%add3A_492] : memref<2560xf32, #tpu.memory_space<vmem>>[vector<16xi32>], vector<16xf32>,
        %get3A_494 = arith.index_cast %add3A_468 : i32 to index
        %get3A_495 = arith.constant 16 : index
        %get3A_496 = tpu.vector_load %arg17[%get3A_494, %get3A_495] {strides = array<i32>} : memref<640x64xf32, #tpu.memory_space<vmem>>, vector<16xf32>,
        %mul3A_497 = arith.mulf %get3A_496, %gather3A_493 : vector<16xf32>
        %swap3A_498 = arith.index_cast %add3A_468 : i32 to index
        %swap3A_499 = arith.constant 16 : index
        %swap3A_500 = tpu.vector_load %arg17[%swap3A_498, %swap3A_499] {strides = array<i32>} : memref<640x64xf32, #tpu.memory_space<vmem>>, vector<16xf32>,
        tpu.vector_store %arg17[%swap3A_498, %swap3A_499], %mul3A_497 {strides = array<i32>} : memref<640x64xf32, #tpu.memory_space<vmem>>, vector<16xf32>,
        %broadcast_in_dim3A_501 = arith.constant 0 : i32
        %broadcast_in_dim3A_502 = vector.broadcast %broadcast_in_dim3A_501 : i32 to vector<16xi32>
        %mul3A_503 = arith.constant 4 : i32
        %mul3A_504 = arith.muli %add3A_468, %mul3A_503 : i32
        %add3A_505 = arith.constant 2 : i32
        %add3A_506 = arith.addi %mul3A_504, %add3A_505 : i32
        %add3A_507 = vector.broadcast %add3A_506 : i32 to vector<16xi32>
        %add3A_508 = arith.addi %broadcast_in_dim3A_502, %add3A_507 : vector<16xi32>
        %gather3A_509 = tpu.vector_load_idx %arg14[%add3A_508] : memref<2560xf32, #tpu.memory_space<vmem>>[vector<16xi32>], vector<16xf32>,
        %get3A_510 = arith.index_cast %add3A_468 : i32 to index
        %get3A_511 = arith.constant 32 : index
        %get3A_512 = tpu.vector_load %arg17[%get3A_510, %get3A_511] {strides = array<i32>} : memref<640x64xf32, #tpu.memory_space<vmem>>, vector<16xf32>,
        %mul3A_513 = arith.mulf %get3A_512, %gather3A_509 : vector<16xf32>
        %swap3A_514 = arith.index_cast %add3A_468 : i32 to index
        %swap3A_515 = arith.constant 32 : index
        %swap3A_516 = tpu.vector_load %arg17[%swap3A_514, %swap3A_515] {strides = array<i32>} : memref<640x64xf32, #tpu.memory_space<vmem>>, vector<16xf32>,
        tpu.vector_store %arg17[%swap3A_514, %swap3A_515], %mul3A_513 {strides = array<i32>} : memref<640x64xf32, #tpu.memory_space<vmem>>, vector<16xf32>,
        %broadcast_in_dim3A_517 = arith.constant 0 : i32
        %broadcast_in_dim3A_518 = vector.broadcast %broadcast_in_dim3A_517 : i32 to vector<16xi32>
        %mul3A_519 = arith.constant 4 : i32
        %mul3A_520 = arith.muli %add3A_468, %mul3A_519 : i32
        %add3A_521 = arith.constant 3 : i32
        %add3A_522 = arith.addi %mul3A_520, %add3A_521 : i32
        %add3A_523 = vector.broadcast %add3A_522 : i32 to vector<16xi32>
        %add3A_524 = arith.addi %broadcast_in_dim3A_518, %add3A_523 : vector<16xi32>
        %gather3A_525 = tpu.vector_load_idx %arg14[%add3A_524] : memref<2560xf32, #tpu.memory_space<vmem>>[vector<16xi32>], vector<16xf32>,
        %get3A_526 = arith.index_cast %add3A_468 : i32 to index
        %get3A_527 = arith.constant 48 : index
        %get3A_528 = tpu.vector_load %arg17[%get3A_526, %get3A_527] {strides = array<i32>} : memref<640x64xf32, #tpu.memory_space<vmem>>, vector<16xf32>,
        %mul3A_529 = arith.mulf %get3A_528, %gather3A_525 : vector<16xf32>
        %swap3A_530 = arith.index_cast %add3A_468 : i32 to index
        %swap3A_531 = arith.constant 48 : index
        %swap3A_532 = tpu.vector_load %arg17[%swap3A_530, %swap3A_531] {strides = array<i32>} : memref<640x64xf32, #tpu.memory_space<vmem>>, vector<16xf32>,
        tpu.vector_store %arg17[%swap3A_530, %swap3A_531], %mul3A_529 {strides = array<i32>} : memref<640x64xf32, #tpu.memory_space<vmem>>, vector<16xf32>,
        %mul3A_533 = arith.constant 4 : i32
        %mul3A_534 = arith.muli %scan3A_331, %mul3A_533 : i32
        %add3A_535 = arith.constant 3 : i32
        %add3A_536 = arith.addi %mul3A_534, %add3A_535 : i32
        %broadcast_in_dim3A_537 = arith.constant 0 : i32
        %broadcast_in_dim3A_538 = vector.broadcast %broadcast_in_dim3A_537 : i32 to vector<16xi32>
        %mul3A_539 = arith.constant 4 : i32
        %mul3A_540 = arith.muli %add3A_536, %mul3A_539 : i32
        %add3A_541 = arith.constant 0 : i32
        %add3A_542 = arith.addi %mul3A_540, %add3A_541 : i32
        %add3A_543 = vector.broadcast %add3A_542 : i32 to vector<16xi32>
        %add3A_544 = arith.addi %broadcast_in_dim3A_538, %add3A_543 : vector<16xi32>
        %gather3A_545 = tpu.vector_load_idx %arg14[%add3A_544] : memref<2560xf32, #tpu.memory_space<vmem>>[vector<16xi32>], vector<16xf32>,
        %get3A_546 = arith.index_cast %add3A_536 : i32 to index
        %get3A_547 = arith.constant 0 : index
        %get3A_548 = tpu.vector_load %arg17[%get3A_546, %get3A_547] {strides = array<i32>} : memref<640x64xf32, #tpu.memory_space<vmem>>, vector<16xf32>,
        %mul3A_549 = arith.mulf %get3A_548, %gather3A_545 : vector<16xf32>
        %swap3A_550 = arith.index_cast %add3A_536 : i32 to index
        %swap3A_551 = arith.constant 0 : index
        %swap3A_552 = tpu.vector_load %arg17[%swap3A_550, %swap3A_551] {strides = array<i32>} : memref<640x64xf32, #tpu.memory_space<vmem>>, vector<16xf32>,
        tpu.vector_store %arg17[%swap3A_550, %swap3A_551], %mul3A_549 {strides = array<i32>} : memref<640x64xf32, #tpu.memory_space<vmem>>, vector<16xf32>,
        %broadcast_in_dim3A_553 = arith.constant 0 : i32
        %broadcast_in_dim3A_554 = vector.broadcast %broadcast_in_dim3A_553 : i32 to vector<16xi32>
        %mul3A_555 = arith.constant 4 : i32
        %mul3A_556 = arith.muli %add3A_536, %mul3A_555 : i32
        %add3A_557 = arith.constant 1 : i32
        %add3A_558 = arith.addi %mul3A_556, %add3A_557 : i32
        %add3A_559 = vector.broadcast %add3A_558 : i32 to vector<16xi32>
        %add3A_560 = arith.addi %broadcast_in_dim3A_554, %add3A_559 : vector<16xi32>
        %gather3A_561 = tpu.vector_load_idx %arg14[%add3A_560] : memref<2560xf32, #tpu.memory_space<vmem>>[vector<16xi32>], vector<16xf32>,
        %get3A_562 = arith.index_cast %add3A_536 : i32 to index
        %get3A_563 = arith.constant 16 : index
        %get3A_564 = tpu.vector_load %arg17[%get3A_562, %get3A_563] {strides = array<i32>} : memref<640x64xf32, #tpu.memory_space<vmem>>, vector<16xf32>,
        %mul3A_565 = arith.mulf %get3A_564, %gather3A_561 : vector<16xf32>
        %swap3A_566 = arith.index_cast %add3A_536 : i32 to index
        %swap3A_567 = arith.constant 16 : index
        %swap3A_568 = tpu.vector_load %arg17[%swap3A_566, %swap3A_567] {strides = array<i32>} : memref<640x64xf32, #tpu.memory_space<vmem>>, vector<16xf32>,
        tpu.vector_store %arg17[%swap3A_566, %swap3A_567], %mul3A_565 {strides = array<i32>} : memref<640x64xf32, #tpu.memory_space<vmem>>, vector<16xf32>,
        %broadcast_in_dim3A_569 = arith.constant 0 : i32
        %broadcast_in_dim3A_570 = vector.broadcast %broadcast_in_dim3A_569 : i32 to vector<16xi32>
        %mul3A_571 = arith.constant 4 : i32
        %mul3A_572 = arith.muli %add3A_536, %mul3A_571 : i32
        %add3A_573 = arith.constant 2 : i32
        %add3A_574 = arith.addi %mul3A_572, %add3A_573 : i32
        %add3A_575 = vector.broadcast %add3A_574 : i32 to vector<16xi32>
        %add3A_576 = arith.addi %broadcast_in_dim3A_570, %add3A_575 : vector<16xi32>
        %gather3A_577 = tpu.vector_load_idx %arg14[%add3A_576] : memref<2560xf32, #tpu.memory_space<vmem>>[vector<16xi32>], vector<16xf32>,
        %get3A_578 = arith.index_cast %add3A_536 : i32 to index
        %get3A_579 = arith.constant 32 : index
        %get3A_580 = tpu.vector_load %arg17[%get3A_578, %get3A_579] {strides = array<i32>} : memref<640x64xf32, #tpu.memory_space<vmem>>, vector<16xf32>,
        %mul3A_581 = arith.mulf %get3A_580, %gather3A_577 : vector<16xf32>
        %swap3A_582 = arith.index_cast %add3A_536 : i32 to index
        %swap3A_583 = arith.constant 32 : index
        %swap3A_584 = tpu.vector_load %arg17[%swap3A_582, %swap3A_583] {strides = array<i32>} : memref<640x64xf32, #tpu.memory_space<vmem>>, vector<16xf32>,
        tpu.vector_store %arg17[%swap3A_582, %swap3A_583], %mul3A_581 {strides = array<i32>} : memref<640x64xf32, #tpu.memory_space<vmem>>, vector<16xf32>,
        %broadcast_in_dim3A_585 = arith.constant 0 : i32
        %broadcast_in_dim3A_586 = vector.broadcast %broadcast_in_dim3A_585 : i32 to vector<16xi32>
        %mul3A_587 = arith.constant 4 : i32
        %mul3A_588 = arith.muli %add3A_536, %mul3A_587 : i32
        %add3A_589 = arith.constant 3 : i32
        %add3A_590 = arith.addi %mul3A_588, %add3A_589 : i32
        %add3A_591 = vector.broadcast %add3A_590 : i32 to vector<16xi32>
        %add3A_592 = arith.addi %broadcast_in_dim3A_586, %add3A_591 : vector<16xi32>
        %gather3A_593 = tpu.vector_load_idx %arg14[%add3A_592] : memref<2560xf32, #tpu.memory_space<vmem>>[vector<16xi32>], vector<16xf32>,
        %get3A_594 = arith.index_cast %add3A_536 : i32 to index
        %get3A_595 = arith.constant 48 : index
        %get3A_596 = tpu.vector_load %arg17[%get3A_594, %get3A_595] {strides = array<i32>} : memref<640x64xf32, #tpu.memory_space<vmem>>, vector<16xf32>,
        %mul3A_597 = arith.mulf %get3A_596, %gather3A_593 : vector<16xf32>
        %swap3A_598 = arith.index_cast %add3A_536 : i32 to index
        %swap3A_599 = arith.constant 48 : index
        %swap3A_600 = tpu.vector_load %arg17[%swap3A_598, %swap3A_599] {strides = array<i32>} : memref<640x64xf32, #tpu.memory_space<vmem>>, vector<16xf32>,
        tpu.vector_store %arg17[%swap3A_598, %swap3A_599], %mul3A_597 {strides = array<i32>} : memref<640x64xf32, #tpu.memory_space<vmem>>, vector<16xf32>,
        %scan3A_601 = arith.constant 0 : i32
        scf.yield %scan3A_601 : i32
      }
      %scan3A_229 = arith.constant 160 : i32
      %dma_start3A_230 = arith.constant 0 : i32
      %dma_start3A_231 = arith.constant 0 : i32
      %dma_start3A_232 = arith.constant 0 : i32
      %dma_start3A_233 = tpu.memref_slice %arg17[%dma_start3A_231, %dma_start3A_232] : memref<640x64xf32, #tpu.memory_space<vmem>> -> memref<128x64xf32, #tpu.memory_space<vmem>>
      %dma_start3A_234 = arith.constant 0 : i32
      %dma_start3A_235 = tpu.memref_slice %arg16[%dma_start3A_230, %dma_start3A_234] : memref<5x128xi32, #tpu.memory_space<vmem>> -> memref<1x128xi32, #tpu.memory_space<vmem>>
      %dma_start3A_236 = tpu.memref_squeeze %dma_start3A_235 : memref<1x128xi32, #tpu.memory_space<vmem>> -> memref<128xi32, #tpu.memory_space<vmem>>
      %dma_start3A_237 = arith.constant 0 : i32
      %dma_start3A_238 = arith.constant 0 : i32
      %dma_start3A_239 = tpu.memref_slice %arg18[%dma_start3A_237, %dma_start3A_238] : memref<2016x64xf32, #tpu.memory_space<vmem_shared>> -> memref<2016x64xf32, #tpu.memory_space<vmem_shared>>
      tpu.enqueue_indirect_dma source(%dma_start3A_233 : memref<128x64xf32, #tpu.memory_space<vmem>>) target(%dma_start3A_239 : memref<2016x64xf32, #tpu.memory_space<vmem_shared>>) offsets(%dma_start3A_236 : memref<128xi32, #tpu.memory_space<vmem>>) semaphore(%arg21 : memref<!tpu.dma_semaphore, #tpu.memory_space<semaphore_mem>>) {add = true}
      %dma_start3A_240 = arith.constant 1 : i32
      %dma_start3A_241 = arith.constant 128 : i32
      %dma_start3A_242 = arith.constant 0 : i32
      %dma_start3A_243 = tpu.memref_slice %arg17[%dma_start3A_241, %dma_start3A_242] : memref<640x64xf32, #tpu.memory_space<vmem>> -> memref<128x64xf32, #tpu.memory_space<vmem>>
      %dma_start3A_244 = arith.constant 0 : i32
      %dma_start3A_245 = tpu.memref_slice %arg16[%dma_start3A_240, %dma_start3A_244] : memref<5x128xi32, #tpu.memory_space<vmem>> -> memref<1x128xi32, #tpu.memory_space<vmem>>
      %dma_start3A_246 = tpu.memref_squeeze %dma_start3A_245 : memref<1x128xi32, #tpu.memory_space<vmem>> -> memref<128xi32, #tpu.memory_space<vmem>>
      %dma_start3A_247 = arith.constant 0 : i32
      %dma_start3A_248 = arith.constant 0 : i32
      %dma_start3A_249 = tpu.memref_slice %arg18[%dma_start3A_247, %dma_start3A_248] : memref<2016x64xf32, #tpu.memory_space<vmem_shared>> -> memref<2016x64xf32, #tpu.memory_space<vmem_shared>>
      tpu.enqueue_indirect_dma source(%dma_start3A_243 : memref<128x64xf32, #tpu.memory_space<vmem>>) target(%dma_start3A_249 : memref<2016x64xf32, #tpu.memory_space<vmem_shared>>) offsets(%dma_start3A_246 : memref<128xi32, #tpu.memory_space<vmem>>) semaphore(%arg21 : memref<!tpu.dma_semaphore, #tpu.memory_space<semaphore_mem>>) {add = true}
      %dma_start3A_250 = arith.constant 2 : i32
      %dma_start3A_251 = arith.constant 256 : i32
      %dma_start3A_252 = arith.constant 0 : i32
      %dma_start3A_253 = tpu.memref_slice %arg17[%dma_start3A_251, %dma_start3A_252] : memref<640x64xf32, #tpu.memory_space<vmem>> -> memref<128x64xf32, #tpu.memory_space<vmem>>
      %dma_start3A_254 = arith.constant 0 : i32
      %dma_start3A_255 = tpu.memref_slice %arg16[%dma_start3A_250, %dma_start3A_254] : memref<5x128xi32, #tpu.memory_space<vmem>> -> memref<1x128xi32, #tpu.memory_space<vmem>>
      %dma_start3A_256 = tpu.memref_squeeze %dma_start3A_255 : memref<1x128xi32, #tpu.memory_space<vmem>> -> memref<128xi32, #tpu.memory_space<vmem>>
      %dma_start3A_257 = arith.constant 0 : i32
      %dma_start3A_258 = arith.constant 0 : i32
      %dma_start3A_259 = tpu.memref_slice %arg18[%dma_start3A_257, %dma_start3A_258] : memref<2016x64xf32, #tpu.memory_space<vmem_shared>> -> memref<2016x64xf32, #tpu.memory_space<vmem_shared>>
      tpu.enqueue_indirect_dma source(%dma_start3A_253 : memref<128x64xf32, #tpu.memory_space<vmem>>) target(%dma_start3A_259 : memref<2016x64xf32, #tpu.memory_space<vmem_shared>>) offsets(%dma_start3A_256 : memref<128xi32, #tpu.memory_space<vmem>>) semaphore(%arg21 : memref<!tpu.dma_semaphore, #tpu.memory_space<semaphore_mem>>) {add = true}
      %dma_start3A_260 = arith.constant 3 : i32
      %dma_start3A_261 = arith.constant 384 : i32
      %dma_start3A_262 = arith.constant 0 : i32
      %dma_start3A_263 = tpu.memref_slice %arg17[%dma_start3A_261, %dma_start3A_262] : memref<640x64xf32, #tpu.memory_space<vmem>> -> memref<128x64xf32, #tpu.memory_space<vmem>>
      %dma_start3A_264 = arith.constant 0 : i32
      %dma_start3A_265 = tpu.memref_slice %arg16[%dma_start3A_260, %dma_start3A_264] : memref<5x128xi32, #tpu.memory_space<vmem>> -> memref<1x128xi32, #tpu.memory_space<vmem>>
      %dma_start3A_266 = tpu.memref_squeeze %dma_start3A_265 : memref<1x128xi32, #tpu.memory_space<vmem>> -> memref<128xi32, #tpu.memory_space<vmem>>
      %dma_start3A_267 = arith.constant 0 : i32
      %dma_start3A_268 = arith.constant 0 : i32
      %dma_start3A_269 = tpu.memref_slice %arg18[%dma_start3A_267, %dma_start3A_268] : memref<2016x64xf32, #tpu.memory_space<vmem_shared>> -> memref<2016x64xf32, #tpu.memory_space<vmem_shared>>
      tpu.enqueue_indirect_dma source(%dma_start3A_263 : memref<128x64xf32, #tpu.memory_space<vmem>>) target(%dma_start3A_269 : memref<2016x64xf32, #tpu.memory_space<vmem_shared>>) offsets(%dma_start3A_266 : memref<128xi32, #tpu.memory_space<vmem>>) semaphore(%arg21 : memref<!tpu.dma_semaphore, #tpu.memory_space<semaphore_mem>>) {add = true}
      %dma_start3A_270 = arith.constant 4 : i32
      %dma_start3A_271 = arith.constant 512 : i32
      %dma_start3A_272 = arith.constant 0 : i32
      %dma_start3A_273 = tpu.memref_slice %arg17[%dma_start3A_271, %dma_start3A_272] : memref<640x64xf32, #tpu.memory_space<vmem>> -> memref<128x64xf32, #tpu.memory_space<vmem>>
      %dma_start3A_274 = arith.constant 0 : i32
      %dma_start3A_275 = tpu.memref_slice %arg16[%dma_start3A_270, %dma_start3A_274] : memref<5x128xi32, #tpu.memory_space<vmem>> -> memref<1x128xi32, #tpu.memory_space<vmem>>
      %dma_start3A_276 = tpu.memref_squeeze %dma_start3A_275 : memref<1x128xi32, #tpu.memory_space<vmem>> -> memref<128xi32, #tpu.memory_space<vmem>>
      %dma_start3A_277 = arith.constant 0 : i32
      %dma_start3A_278 = arith.constant 0 : i32
      %dma_start3A_279 = tpu.memref_slice %arg18[%dma_start3A_277, %dma_start3A_278] : memref<2016x64xf32, #tpu.memory_space<vmem_shared>> -> memref<2016x64xf32, #tpu.memory_space<vmem_shared>>
      tpu.enqueue_indirect_dma source(%dma_start3A_273 : memref<128x64xf32, #tpu.memory_space<vmem>>) target(%dma_start3A_279 : memref<2016x64xf32, #tpu.memory_space<vmem_shared>>) offsets(%dma_start3A_276 : memref<128xi32, #tpu.memory_space<vmem>>) semaphore(%arg21 : memref<!tpu.dma_semaphore, #tpu.memory_space<semaphore_mem>>) {add = true}
      %dma_wait3A_280 = arith.constant 0 : i32
      %dma_wait3A_281 = arith.constant 0 : i32
      %dma_wait3A_282 = arith.constant 0 : i32
      %dma_wait3A_283 = tpu.memref_slice %arg17[%dma_wait3A_281, %dma_wait3A_282] : memref<640x64xf32, #tpu.memory_space<vmem>> -> memref<128x64xf32, #tpu.memory_space<vmem>>
      %dma_wait3A_284 = arith.constant 0 : i32
      %dma_wait3A_285 = tpu.memref_slice %arg16[%dma_wait3A_280, %dma_wait3A_284] : memref<5x128xi32, #tpu.memory_space<vmem>> -> memref<1x128xi32, #tpu.memory_space<vmem>>
      %dma_wait3A_286 = tpu.memref_squeeze %dma_wait3A_285 : memref<1x128xi32, #tpu.memory_space<vmem>> -> memref<128xi32, #tpu.memory_space<vmem>>
      %dma_wait3A_287 = arith.constant 0 : i32
      %dma_wait3A_288 = arith.constant 0 : i32
      %dma_wait3A_289 = tpu.memref_slice %arg18[%dma_wait3A_287, %dma_wait3A_288] : memref<2016x64xf32, #tpu.memory_space<vmem_shared>> -> memref<2016x64xf32, #tpu.memory_space<vmem_shared>>
      tpu.wait_indirect_dma semaphore(%arg21 : memref<!tpu.dma_semaphore, #tpu.memory_space<semaphore_mem>>) src(%dma_wait3A_283 : memref<128x64xf32, #tpu.memory_space<vmem>>) dst(%dma_wait3A_289 : memref<2016x64xf32, #tpu.memory_space<vmem_shared>>)
      %dma_wait3A_290 = arith.constant 1 : i32
      %dma_wait3A_291 = arith.constant 128 : i32
      %dma_wait3A_292 = arith.constant 0 : i32
      %dma_wait3A_293 = tpu.memref_slice %arg17[%dma_wait3A_291, %dma_wait3A_292] : memref<640x64xf32, #tpu.memory_space<vmem>> -> memref<128x64xf32, #tpu.memory_space<vmem>>
      %dma_wait3A_294 = arith.constant 0 : i32
      %dma_wait3A_295 = tpu.memref_slice %arg16[%dma_wait3A_290, %dma_wait3A_294] : memref<5x128xi32, #tpu.memory_space<vmem>> -> memref<1x128xi32, #tpu.memory_space<vmem>>
      %dma_wait3A_296 = tpu.memref_squeeze %dma_wait3A_295 : memref<1x128xi32, #tpu.memory_space<vmem>> -> memref<128xi32, #tpu.memory_space<vmem>>
      %dma_wait3A_297 = arith.constant 0 : i32
      %dma_wait3A_298 = arith.constant 0 : i32
      %dma_wait3A_299 = tpu.memref_slice %arg18[%dma_wait3A_297, %dma_wait3A_298] : memref<2016x64xf32, #tpu.memory_space<vmem_shared>> -> memref<2016x64xf32, #tpu.memory_space<vmem_shared>>
      tpu.wait_indirect_dma semaphore(%arg21 : memref<!tpu.dma_semaphore, #tpu.memory_space<semaphore_mem>>) src(%dma_wait3A_293 : memref<128x64xf32, #tpu.memory_space<vmem>>) dst(%dma_wait3A_299 : memref<2016x64xf32, #tpu.memory_space<vmem_shared>>)
      %dma_wait3A_300 = arith.constant 2 : i32
      %dma_wait3A_301 = arith.constant 256 : i32
      %dma_wait3A_302 = arith.constant 0 : i32
      %dma_wait3A_303 = tpu.memref_slice %arg17[%dma_wait3A_301, %dma_wait3A_302] : memref<640x64xf32, #tpu.memory_space<vmem>> -> memref<128x64xf32, #tpu.memory_space<vmem>>
      %dma_wait3A_304 = arith.constant 0 : i32
      %dma_wait3A_305 = tpu.memref_slice %arg16[%dma_wait3A_300, %dma_wait3A_304] : memref<5x128xi32, #tpu.memory_space<vmem>> -> memref<1x128xi32, #tpu.memory_space<vmem>>
      %dma_wait3A_306 = tpu.memref_squeeze %dma_wait3A_305 : memref<1x128xi32, #tpu.memory_space<vmem>> -> memref<128xi32, #tpu.memory_space<vmem>>
      %dma_wait3A_307 = arith.constant 0 : i32
      %dma_wait3A_308 = arith.constant 0 : i32
      %dma_wait3A_309 = tpu.memref_slice %arg18[%dma_wait3A_307, %dma_wait3A_308] : memref<2016x64xf32, #tpu.memory_space<vmem_shared>> -> memref<2016x64xf32, #tpu.memory_space<vmem_shared>>
      tpu.wait_indirect_dma semaphore(%arg21 : memref<!tpu.dma_semaphore, #tpu.memory_space<semaphore_mem>>) src(%dma_wait3A_303 : memref<128x64xf32, #tpu.memory_space<vmem>>) dst(%dma_wait3A_309 : memref<2016x64xf32, #tpu.memory_space<vmem_shared>>)
      %dma_wait3A_310 = arith.constant 3 : i32
      %dma_wait3A_311 = arith.constant 384 : i32
      %dma_wait3A_312 = arith.constant 0 : i32
      %dma_wait3A_313 = tpu.memref_slice %arg17[%dma_wait3A_311, %dma_wait3A_312] : memref<640x64xf32, #tpu.memory_space<vmem>> -> memref<128x64xf32, #tpu.memory_space<vmem>>
      %dma_wait3A_314 = arith.constant 0 : i32
      %dma_wait3A_315 = tpu.memref_slice %arg16[%dma_wait3A_310, %dma_wait3A_314] : memref<5x128xi32, #tpu.memory_space<vmem>> -> memref<1x128xi32, #tpu.memory_space<vmem>>
      %dma_wait3A_316 = tpu.memref_squeeze %dma_wait3A_315 : memref<1x128xi32, #tpu.memory_space<vmem>> -> memref<128xi32, #tpu.memory_space<vmem>>
      %dma_wait3A_317 = arith.constant 0 : i32
      %dma_wait3A_318 = arith.constant 0 : i32
      %dma_wait3A_319 = tpu.memref_slice %arg18[%dma_wait3A_317, %dma_wait3A_318] : memref<2016x64xf32, #tpu.memory_space<vmem_shared>> -> memref<2016x64xf32, #tpu.memory_space<vmem_shared>>
      tpu.wait_indirect_dma semaphore(%arg21 : memref<!tpu.dma_semaphore, #tpu.memory_space<semaphore_mem>>) src(%dma_wait3A_313 : memref<128x64xf32, #tpu.memory_space<vmem>>) dst(%dma_wait3A_319 : memref<2016x64xf32, #tpu.memory_space<vmem_shared>>)
      %dma_wait3A_320 = arith.constant 4 : i32
      %dma_wait3A_321 = arith.constant 512 : i32
      %dma_wait3A_322 = arith.constant 0 : i32
      %dma_wait3A_323 = tpu.memref_slice %arg17[%dma_wait3A_321, %dma_wait3A_322] : memref<640x64xf32, #tpu.memory_space<vmem>> -> memref<128x64xf32, #tpu.memory_space<vmem>>
      %dma_wait3A_324 = arith.constant 0 : i32
      %dma_wait3A_325 = tpu.memref_slice %arg16[%dma_wait3A_320, %dma_wait3A_324] : memref<5x128xi32, #tpu.memory_space<vmem>> -> memref<1x128xi32, #tpu.memory_space<vmem>>
      %dma_wait3A_326 = tpu.memref_squeeze %dma_wait3A_325 : memref<1x128xi32, #tpu.memory_space<vmem>> -> memref<128xi32, #tpu.memory_space<vmem>>
      %dma_wait3A_327 = arith.constant 0 : i32
      %dma_wait3A_328 = arith.constant 0 : i32
      %dma_wait3A_329 = tpu.memref_slice %arg18[%dma_wait3A_327, %dma_wait3A_328] : memref<2016x64xf32, #tpu.memory_space<vmem_shared>> -> memref<2016x64xf32, #tpu.memory_space<vmem_shared>>
      tpu.wait_indirect_dma semaphore(%arg21 : memref<!tpu.dma_semaphore, #tpu.memory_space<semaphore_mem>>) src(%dma_wait3A_323 : memref<128x64xf32, #tpu.memory_space<vmem>>) dst(%dma_wait3A_329 : memref<2016x64xf32, #tpu.memory_space<vmem_shared>>)
      %scan3A_330 = arith.constant 0 : i32
      scf.yield %scan3A_330 : i32
    }
    %scan3A_66 = arith.constant 16 : i32
    %barrier3A_67 = arith.constant 0 : index
    tpu.barrier barrier_id(%barrier3A_67)
    %eq3A_68 = arith.constant 0 : i32
    %eq3A_69 = arith.cmpi eq, %arg1, %eq3A_68 : i32
    %convert_element_type3A = arith.extui %eq3A_69 : i1 to i32
    %cond3A = arith.constant 0 : i32
    %cond3A_70 = arith.cmpi ne, %convert_element_type3A, %cond3A : i32
    scf.if %cond3A_70 {
      "tpu.region"() ({
        %run_scoped3A_71 = tpu.sem_alloc : memref<!tpu.dma_semaphore, #tpu.memory_space<semaphore_mem>>
        %dma_start3A = arith.constant 0 : i32
        %dma_start3A_72 = arith.constant 0 : i32
        %dma_start3A_73 = tpu.memref_slice %arg7[%arg0, %dma_start3A, %dma_start3A_72] : memref<2x2016x64xf32, #tpu.memory_space<hbm>> -> memref<1x2016x64xf32, #tpu.memory_space<hbm>>
        %dma_start3A_74 = tpu.memref_squeeze %dma_start3A_73 : memref<1x2016x64xf32, #tpu.memory_space<hbm>> -> memref<2016x64xf32, #tpu.memory_space<hbm>>
        tpu.enqueue_dma source(%arg18 : memref<2016x64xf32, #tpu.memory_space<vmem_shared>>) target(%dma_start3A_74 : memref<2016x64xf32, #tpu.memory_space<hbm>>) target_semaphore(%run_scoped3A_71 : memref<!tpu.dma_semaphore, #tpu.memory_space<semaphore_mem>>)
        %dma_wait3A = arith.constant 0 : i32
        %dma_wait3A_75 = arith.constant 0 : i32
        %dma_wait3A_76 = tpu.memref_slice %arg7[%arg0, %dma_wait3A, %dma_wait3A_75] : memref<2x2016x64xf32, #tpu.memory_space<hbm>> -> memref<1x2016x64xf32, #tpu.memory_space<hbm>>
        %dma_wait3A_77 = tpu.memref_squeeze %dma_wait3A_76 : memref<1x2016x64xf32, #tpu.memory_space<hbm>> -> memref<2016x64xf32, #tpu.memory_space<hbm>>
        tpu.wait_dma2 semaphore(%run_scoped3A_71 : memref<!tpu.dma_semaphore, #tpu.memory_space<semaphore_mem>>) src(%arg18 : memref<2016x64xf32, #tpu.memory_space<vmem_shared>>) dst(%dma_wait3A_77 : memref<2016x64xf32, #tpu.memory_space<hbm>>)
        tpu.yield
      }) : () -> ()
    } else {
    }
    return
  }
}

#map = affine_map<(d0, d1) -> (0, 0)>
#map1 = affine_map<(d0, d1) -> (0)>
module attributes {stable_mosaic.version = 14 : i64} {
  func.func @pass_a(%arg0: i32, %arg1: i32, %arg2: memref<2x160000xi32, #tpu.memory_space<hbm>>, %arg3: memref<8000xf32, #tpu.memory_space<hbm>>, %arg4: memref<8000xf32, #tpu.memory_space<hbm>>, %arg5: memref<640000xf32, #tpu.memory_space<hbm>>, %arg6: memref<2x8192xf32, #tpu.memory_space<hbm>>, %arg7: memref<8000xf32, #tpu.memory_space<vmem>>, %arg8: memref<8000xf32, #tpu.memory_space<vmem>>, %arg9: memref<640xi32, #tpu.memory_space<vmem>>, %arg10: memref<640xi32, #tpu.memory_space<vmem>>, %arg11: memref<2560xf32, #tpu.memory_space<vmem>>, %arg12: memref<20x128xi32, #tpu.memory_space<vmem>>, %arg13: memref<512xf32, #tpu.memory_space<vmem>>, %arg14: memref<8192xf32, #tpu.memory_space<vmem_shared>>, %arg15: memref<!tpu.dma_semaphore, #tpu.memory_space<semaphore_mem>>) attributes {dimension_semantics = [#tpu.dimension_semantics<core_parallel>, #tpu.dimension_semantics<subcore_parallel>], iteration_bounds = array<i64: 2, 16>, scalar_prefetch = 0 : i64, scratch_operands = 9 : i64, tpu.core_type = #tpu.core_type<sc_vector_subcore>, window_params = [{transform_indices = #map}, {transform_indices = #map1}, {transform_indices = #map1}, {transform_indices = #map1}, {transform_indices = #map}]} {
    %mul3A = arith.constant 16 : i32
    %mul3A_0 = arith.muli %arg0, %mul3A : i32
    %add3A = arith.addi %mul3A_0, %arg1 : i32
    "tpu.region"() ({
      %run_scoped3A = tpu.sem_alloc : memref<!tpu.dma_semaphore, #tpu.memory_space<semaphore_mem>>
      tpu.enqueue_dma source(%arg3 : memref<8000xf32, #tpu.memory_space<hbm>>) target(%arg7 : memref<8000xf32, #tpu.memory_space<vmem>>) target_semaphore(%run_scoped3A : memref<!tpu.dma_semaphore, #tpu.memory_space<semaphore_mem>>)
      tpu.wait_dma2 semaphore(%run_scoped3A : memref<!tpu.dma_semaphore, #tpu.memory_space<semaphore_mem>>) src(%arg3 : memref<8000xf32, #tpu.memory_space<hbm>>) dst(%arg7 : memref<8000xf32, #tpu.memory_space<vmem>>)
      tpu.yield
    }) : () -> ()
    "tpu.region"() ({
      %run_scoped3A = tpu.sem_alloc : memref<!tpu.dma_semaphore, #tpu.memory_space<semaphore_mem>>
      tpu.enqueue_dma source(%arg4 : memref<8000xf32, #tpu.memory_space<hbm>>) target(%arg8 : memref<8000xf32, #tpu.memory_space<vmem>>) target_semaphore(%run_scoped3A : memref<!tpu.dma_semaphore, #tpu.memory_space<semaphore_mem>>)
      tpu.wait_dma2 semaphore(%run_scoped3A : memref<!tpu.dma_semaphore, #tpu.memory_space<semaphore_mem>>) src(%arg4 : memref<8000xf32, #tpu.memory_space<hbm>>) dst(%arg8 : memref<8000xf32, #tpu.memory_space<vmem>>)
      tpu.yield
    }) : () -> ()
    %scan3A = arith.constant 0 : i32
    %scan3A_1 = arith.constant 0 : i32
    %scan3A_2 = arith.constant 32 : i32
    %scan3A_3 = arith.addi %scan3A_1, %scan3A_2 : i32
    %scan3A_4 = arith.constant 1 : i32
    %scan3A_5 = scf.for %scan3A_63 = %scan3A_1 to %scan3A_3 step %scan3A_4 iter_args(%scan3A_64 = %scan3A) -> (i32)  : i32 {
      %broadcast_in_dim3A = arith.constant 0.000000e+00 : f32
      %broadcast_in_dim3A_65 = vector.broadcast %broadcast_in_dim3A : f32 to vector<16xf32>
      %mul3A_66 = arith.constant 16 : i32
      %mul3A_67 = arith.muli %scan3A_63, %mul3A_66 : i32
      %swap3A = arith.index_cast %mul3A_67 : i32 to index
      %swap3A_68 = tpu.vector_load %arg13[%swap3A] {strides = array<i32>} : memref<512xf32, #tpu.memory_space<vmem>>, vector<16xf32>,
      tpu.vector_store %arg13[%swap3A], %broadcast_in_dim3A_65 {strides = array<i32>} : memref<512xf32, #tpu.memory_space<vmem>>, vector<16xf32>,
      %scan3A_69 = arith.constant 0 : i32
      scf.yield %scan3A_69 : i32
    }
    %scan3A_6 = arith.constant 32 : i32
    %mul3A_7 = arith.constant 512 : i32
    %mul3A_8 = arith.muli %arg1, %mul3A_7 : i32
    "tpu.region"() ({
      %run_scoped3A = tpu.sem_alloc : memref<!tpu.dma_semaphore, #tpu.memory_space<semaphore_mem>>
      %dma_start3A = tpu.memref_slice %arg14[%mul3A_8] : memref<8192xf32, #tpu.memory_space<vmem_shared>> -> memref<512xf32, #tpu.memory_space<vmem_shared>>
      %dma_start3A_63 = tpu.memref_slice %arg14[%mul3A_8] : memref<8192xf32, #tpu.memory_space<vmem_shared>> -> memref<512xf32, #tpu.memory_space<vmem_shared>>
      tpu.enqueue_dma source(%arg13 : memref<512xf32, #tpu.memory_space<vmem>>) target(%dma_start3A_63 : memref<512xf32, #tpu.memory_space<vmem_shared>>) target_semaphore(%run_scoped3A : memref<!tpu.dma_semaphore, #tpu.memory_space<semaphore_mem>>)
      %dma_wait3A = tpu.memref_slice %arg14[%mul3A_8] : memref<8192xf32, #tpu.memory_space<vmem_shared>> -> memref<512xf32, #tpu.memory_space<vmem_shared>>
      %dma_wait3A_64 = tpu.memref_slice %arg14[%mul3A_8] : memref<8192xf32, #tpu.memory_space<vmem_shared>> -> memref<512xf32, #tpu.memory_space<vmem_shared>>
      tpu.wait_dma2 semaphore(%run_scoped3A : memref<!tpu.dma_semaphore, #tpu.memory_space<semaphore_mem>>) src(%arg13 : memref<512xf32, #tpu.memory_space<vmem>>) dst(%dma_wait3A_64 : memref<512xf32, #tpu.memory_space<vmem_shared>>)
      tpu.yield
    }) : () -> ()
    %barrier3A = arith.constant 0 : index
    tpu.barrier barrier_id(%barrier3A)
    %iota3A = tpu.iota {dimensions = array<i32: 0>} : vector<16xi32>
    %jit3A = arith.constant 4 : i32
    %div3A = vector.broadcast %jit3A : i32 to vector<16xi32>
    %div3A_9 = arith.divsi %iota3A, %div3A : vector<16xi32>
    %sign3A = arith.constant 0 : i32
    %sign3A_10 = vector.broadcast %sign3A : i32 to vector<16xi32>
    %sign3A_11 = arith.cmpi sgt, %iota3A, %sign3A_10 : vector<16xi32>
    %sign3A_12 = arith.extui %sign3A_11 : vector<16xi1> to vector<16xi32>
    %sign3A_13 = arith.constant 0 : i32
    %sign3A_14 = vector.broadcast %sign3A_13 : i32 to vector<16xi32>
    %sign3A_15 = arith.cmpi slt, %iota3A, %sign3A_14 : vector<16xi32>
    %sign3A_16 = arith.extui %sign3A_15 : vector<16xi1> to vector<16xi32>
    %sign3A_17 = arith.subi %sign3A_12, %sign3A_16 : vector<16xi32>
    %sign3A_18 = arith.constant 0 : i32
    %sign3A_19 = arith.cmpi sgt, %jit3A, %sign3A_18 : i32
    %sign3A_20 = arith.extui %sign3A_19 : i1 to i32
    %sign3A_21 = arith.constant 0 : i32
    %sign3A_22 = arith.cmpi slt, %jit3A, %sign3A_21 : i32
    %sign3A_23 = arith.extui %sign3A_22 : i1 to i32
    %sign3A_24 = arith.subi %sign3A_20, %sign3A_23 : i32
    %ne3A = vector.broadcast %sign3A_24 : i32 to vector<16xi32>
    %ne3A_25 = arith.cmpi ne, %sign3A_17, %ne3A : vector<16xi32>
    %rem3A = vector.broadcast %jit3A : i32 to vector<16xi32>
    %rem3A_26 = arith.remsi %iota3A, %rem3A : vector<16xi32>
    %ne3A_27 = arith.constant 0 : i32
    %ne3A_28 = vector.broadcast %ne3A_27 : i32 to vector<16xi32>
    %ne3A_29 = arith.cmpi ne, %rem3A_26, %ne3A_28 : vector<16xi32>
    %and3A = arith.andi %ne3A_25, %ne3A_29 : vector<16xi1>
    %sub3A = arith.constant 1 : i32
    %sub3A_30 = vector.broadcast %sub3A : i32 to vector<16xi32>
    %sub3A_31 = arith.subi %div3A_9, %sub3A_30 : vector<16xi32>
    %select_n3A = arith.select %and3A, %sub3A_31, %div3A_9 : vector<16xi1>, vector<16xi32>
    %jit3A_32 = arith.constant 4 : i32
    %eq3A = arith.constant 0 : i32
    %eq3A_33 = arith.cmpi eq, %jit3A_32, %eq3A : i32
    %jit3A_34 = arith.constant 1 : i32
    %select_n3A_35 = arith.select %eq3A_33, %jit3A_34, %jit3A_32 : i32
    %rem3A_36 = vector.broadcast %select_n3A_35 : i32 to vector<16xi32>
    %rem3A_37 = arith.remsi %iota3A, %rem3A_36 : vector<16xi32>
    %ne3A_38 = arith.constant 0 : i32
    %ne3A_39 = vector.broadcast %ne3A_38 : i32 to vector<16xi32>
    %ne3A_40 = arith.cmpi ne, %rem3A_37, %ne3A_39 : vector<16xi32>
    %lt3A = arith.constant 0 : i32
    %lt3A_41 = vector.broadcast %lt3A : i32 to vector<16xi32>
    %lt3A_42 = arith.cmpi slt, %rem3A_37, %lt3A_41 : vector<16xi32>
    %lt3A_43 = arith.constant 0 : i32
    %lt3A_44 = arith.cmpi slt, %select_n3A_35, %lt3A_43 : i32
    %ne3A_45 = vector.broadcast %lt3A_44 : i1 to vector<16xi1>
    %ne3A_46 = vector.broadcast %ne3A_45 : vector<16xi1> to vector<16xi1>
    %ne3A_47 = arith.xori %lt3A_42, %ne3A_46 : vector<16xi1>
    %and3A_48 = arith.andi %ne3A_47, %ne3A_40 : vector<16xi1>
    %add3A_49 = vector.broadcast %select_n3A_35 : i32 to vector<16xi32>
    %add3A_50 = arith.addi %rem3A_37, %add3A_49 : vector<16xi32>
    %select_n3A_51 = arith.select %and3A_48, %add3A_50, %rem3A_37 : vector<16xi1>, vector<16xi32>
    %scan3A_52 = arith.constant 0 : i32
    %scan3A_53 = arith.constant 0 : i32
    %scan3A_54 = arith.constant 8 : i32
    %scan3A_55 = arith.addi %scan3A_53, %scan3A_54 : i32
    %scan3A_56 = arith.constant 1 : i32
    %scan3A_57 = scf.for %scan3A_63 = %scan3A_53 to %scan3A_55 step %scan3A_56 iter_args(%scan3A_64 = %scan3A_52) -> (i32)  : i32 {
      %mul3A_65 = arith.constant 32 : i32
      %mul3A_66 = arith.muli %scan3A_63, %mul3A_65 : i32
      %add3A_67 = arith.addi %add3A, %mul3A_66 : i32
      %lt3A_68 = arith.constant 250 : i32
      %lt3A_69 = arith.cmpi slt, %add3A_67, %lt3A_68 : i32
      %min3A = arith.constant 249 : i32
      %min3A_70 = arith.minsi %add3A_67, %min3A : i32
      %mul3A_71 = arith.constant 640 : i32
      %mul3A_72 = arith.muli %min3A_70, %mul3A_71 : i32
      %dma_start3A = arith.constant 0 : i32
      %dma_start3A_73 = tpu.memref_slice %arg2[%dma_start3A, %mul3A_72] : memref<2x160000xi32, #tpu.memory_space<hbm>> -> memref<1x640xi32, #tpu.memory_space<hbm>>
      %dma_start3A_74 = tpu.memref_squeeze %dma_start3A_73 : memref<1x640xi32, #tpu.memory_space<hbm>> -> memref<640xi32, #tpu.memory_space<hbm>>
      %dma_start3A_75 = tpu.memref_slice %arg2[%dma_start3A, %mul3A_72] : memref<2x160000xi32, #tpu.memory_space<hbm>> -> memref<1x640xi32, #tpu.memory_space<hbm>>
      %dma_start3A_76 = tpu.memref_squeeze %dma_start3A_75 : memref<1x640xi32, #tpu.memory_space<hbm>> -> memref<640xi32, #tpu.memory_space<hbm>>
      tpu.enqueue_dma source(%dma_start3A_76 : memref<640xi32, #tpu.memory_space<hbm>>) target(%arg9 : memref<640xi32, #tpu.memory_space<vmem>>) target_semaphore(%arg15 : memref<!tpu.dma_semaphore, #tpu.memory_space<semaphore_mem>>)
      %dma_start3A_77 = arith.constant 1 : i32
      %dma_start3A_78 = tpu.memref_slice %arg2[%dma_start3A_77, %mul3A_72] : memref<2x160000xi32, #tpu.memory_space<hbm>> -> memref<1x640xi32, #tpu.memory_space<hbm>>
      %dma_start3A_79 = tpu.memref_squeeze %dma_start3A_78 : memref<1x640xi32, #tpu.memory_space<hbm>> -> memref<640xi32, #tpu.memory_space<hbm>>
      %dma_start3A_80 = tpu.memref_slice %arg2[%dma_start3A_77, %mul3A_72] : memref<2x160000xi32, #tpu.memory_space<hbm>> -> memref<1x640xi32, #tpu.memory_space<hbm>>
      %dma_start3A_81 = tpu.memref_squeeze %dma_start3A_80 : memref<1x640xi32, #tpu.memory_space<hbm>> -> memref<640xi32, #tpu.memory_space<hbm>>
      tpu.enqueue_dma source(%dma_start3A_81 : memref<640xi32, #tpu.memory_space<hbm>>) target(%arg10 : memref<640xi32, #tpu.memory_space<vmem>>) target_semaphore(%arg15 : memref<!tpu.dma_semaphore, #tpu.memory_space<semaphore_mem>>)
      %dma_wait3A = arith.constant 0 : i32
      %dma_wait3A_82 = tpu.memref_slice %arg2[%dma_wait3A, %mul3A_72] : memref<2x160000xi32, #tpu.memory_space<hbm>> -> memref<1x640xi32, #tpu.memory_space<hbm>>
      %dma_wait3A_83 = tpu.memref_squeeze %dma_wait3A_82 : memref<1x640xi32, #tpu.memory_space<hbm>> -> memref<640xi32, #tpu.memory_space<hbm>>
      %dma_wait3A_84 = tpu.memref_slice %arg2[%dma_wait3A, %mul3A_72] : memref<2x160000xi32, #tpu.memory_space<hbm>> -> memref<1x640xi32, #tpu.memory_space<hbm>>
      %dma_wait3A_85 = tpu.memref_squeeze %dma_wait3A_84 : memref<1x640xi32, #tpu.memory_space<hbm>> -> memref<640xi32, #tpu.memory_space<hbm>>
      tpu.wait_dma2 semaphore(%arg15 : memref<!tpu.dma_semaphore, #tpu.memory_space<semaphore_mem>>) src(%dma_wait3A_85 : memref<640xi32, #tpu.memory_space<hbm>>) dst(%arg9 : memref<640xi32, #tpu.memory_space<vmem>>)
      %dma_wait3A_86 = arith.constant 1 : i32
      %dma_wait3A_87 = tpu.memref_slice %arg2[%dma_wait3A_86, %mul3A_72] : memref<2x160000xi32, #tpu.memory_space<hbm>> -> memref<1x640xi32, #tpu.memory_space<hbm>>
      %dma_wait3A_88 = tpu.memref_squeeze %dma_wait3A_87 : memref<1x640xi32, #tpu.memory_space<hbm>> -> memref<640xi32, #tpu.memory_space<hbm>>
      %dma_wait3A_89 = tpu.memref_slice %arg2[%dma_wait3A_86, %mul3A_72] : memref<2x160000xi32, #tpu.memory_space<hbm>> -> memref<1x640xi32, #tpu.memory_space<hbm>>
      %dma_wait3A_90 = tpu.memref_squeeze %dma_wait3A_89 : memref<1x640xi32, #tpu.memory_space<hbm>> -> memref<640xi32, #tpu.memory_space<hbm>>
      tpu.wait_dma2 semaphore(%arg15 : memref<!tpu.dma_semaphore, #tpu.memory_space<semaphore_mem>>) src(%dma_wait3A_90 : memref<640xi32, #tpu.memory_space<hbm>>) dst(%arg10 : memref<640xi32, #tpu.memory_space<vmem>>)
      %scan3A_91 = arith.constant 0 : i32
      %scan3A_92 = arith.constant 0 : i32
      %scan3A_93 = arith.constant 160 : i32
      %scan3A_94 = arith.addi %scan3A_92, %scan3A_93 : i32
      %scan3A_95 = arith.constant 1 : i32
      %scan3A_96 = scf.for %scan3A_120 = %scan3A_92 to %scan3A_94 step %scan3A_95 iter_args(%scan3A_121 = %scan3A_91) -> (i32)  : i32 {
        %mul3A_122 = arith.constant 16 : i32
        %mul3A_123 = arith.muli %scan3A_120, %mul3A_122 : i32
        %mul3A_124 = arith.constant 4 : i32
        %mul3A_125 = arith.muli %scan3A_120, %mul3A_124 : i32
        %add3A_126 = vector.broadcast %mul3A_125 : i32 to vector<16xi32>
        %add3A_127 = arith.addi %add3A_126, %select_n3A : vector<16xi32>
        %gather3A = tpu.vector_load_idx %arg9[%add3A_127] : memref<640xi32, #tpu.memory_space<vmem>>[vector<16xi32>], vector<16xi32>,
        %gather3A_128 = tpu.vector_load_idx %arg10[%add3A_127] : memref<640xi32, #tpu.memory_space<vmem>>[vector<16xi32>], vector<16xi32>,
        %mul3A_129 = arith.constant 4 : i32
        %mul3A_130 = vector.broadcast %mul3A_129 : i32 to vector<16xi32>
        %mul3A_131 = arith.muli %gather3A, %mul3A_130 : vector<16xi32>
        %add3A_132 = arith.addi %mul3A_131, %select_n3A_51 : vector<16xi32>
        %gather3A_133 = tpu.vector_load_idx %arg7[%add3A_132] : memref<8000xf32, #tpu.memory_space<vmem>>[vector<16xi32>], vector<16xf32>,
        %mul3A_134 = arith.constant 4 : i32
        %mul3A_135 = vector.broadcast %mul3A_134 : i32 to vector<16xi32>
        %mul3A_136 = arith.muli %gather3A_128, %mul3A_135 : vector<16xi32>
        %add3A_137 = arith.addi %mul3A_136, %select_n3A_51 : vector<16xi32>
        %gather3A_138 = tpu.vector_load_idx %arg8[%add3A_137] : memref<8000xf32, #tpu.memory_space<vmem>>[vector<16xi32>], vector<16xf32>,
        %add3A_139 = arith.addf %gather3A_133, %gather3A_138 : vector<16xf32>
        %ge3A = arith.constant 0.000000e+00 : f32
        %ge3A_140 = vector.broadcast %ge3A : f32 to vector<16xf32>
        %ge3A_141 = arith.cmpf oge, %add3A_139, %ge3A_140 : vector<16xf32>
        %mul3A_142 = arith.constant 2.000000e-01 : f32
        %mul3A_143 = vector.broadcast %mul3A_142 : f32 to vector<16xf32>
        %mul3A_144 = arith.mulf %mul3A_143, %add3A_139 : vector<16xf32>
        %select_n3A_145 = arith.select %ge3A_141, %add3A_139, %mul3A_144 : vector<16xi1>, vector<16xf32>
        %exp3A = math.exp %select_n3A_145 : vector<16xf32>
        %swap3A = arith.index_cast %mul3A_123 : i32 to index
        %swap3A_146 = tpu.vector_load %arg11[%swap3A] {strides = array<i32>} : memref<2560xf32, #tpu.memory_space<vmem>>, vector<16xf32>,
        tpu.vector_store %arg11[%swap3A], %exp3A {strides = array<i32>} : memref<2560xf32, #tpu.memory_space<vmem>>, vector<16xf32>,
        %mul3A_147 = arith.constant 2048 : i32
        %mul3A_148 = vector.broadcast %mul3A_147 : i32 to vector<16xi32>
        %mul3A_149 = arith.muli %select_n3A_51, %mul3A_148 : vector<16xi32>
        %add3A_150 = arith.addi %mul3A_149, %gather3A_128 : vector<16xi32>
        %mul3A_151 = arith.constant 2048 : i32
        %mul3A_152 = vector.broadcast %mul3A_151 : i32 to vector<16xi32>
        %mul3A_153 = arith.muli %select_n3A_51, %mul3A_152 : vector<16xi32>
        %add3A_154 = arith.constant 2000 : i32
        %add3A_155 = vector.broadcast %add3A_154 : i32 to vector<16xi32>
        %add3A_156 = arith.addi %mul3A_153, %add3A_155 : vector<16xi32>
        %and3A_157 = arith.constant 7 : i32
        %and3A_158 = vector.broadcast %and3A_157 : i32 to vector<16xi32>
        %and3A_159 = arith.andi %gather3A_128, %and3A_158 : vector<16xi32>
        %add3A_160 = arith.addi %add3A_156, %and3A_159 : vector<16xi32>
        %select_n3A_161 = arith.select %lt3A_69, %add3A_150, %add3A_160 : vector<16xi32>
        %jit3A_162 = arith.constant 8 : i32
        %div3A_163 = arith.divsi %scan3A_120, %jit3A_162 : i32
        %sign3A_164 = arith.constant 0 : i32
        %sign3A_165 = arith.cmpi sgt, %scan3A_120, %sign3A_164 : i32
        %sign3A_166 = arith.extui %sign3A_165 : i1 to i32
        %sign3A_167 = arith.constant 0 : i32
        %sign3A_168 = arith.cmpi slt, %scan3A_120, %sign3A_167 : i32
        %sign3A_169 = arith.extui %sign3A_168 : i1 to i32
        %sign3A_170 = arith.subi %sign3A_166, %sign3A_169 : i32
        %sign3A_171 = arith.constant 0 : i32
        %sign3A_172 = arith.cmpi sgt, %jit3A_162, %sign3A_171 : i32
        %sign3A_173 = arith.extui %sign3A_172 : i1 to i32
        %sign3A_174 = arith.constant 0 : i32
        %sign3A_175 = arith.cmpi slt, %jit3A_162, %sign3A_174 : i32
        %sign3A_176 = arith.extui %sign3A_175 : i1 to i32
        %sign3A_177 = arith.subi %sign3A_173, %sign3A_176 : i32
        %ne3A_178 = arith.cmpi ne, %sign3A_170, %sign3A_177 : i32
        %rem3A_179 = arith.remsi %scan3A_120, %jit3A_162 : i32
        %ne3A_180 = arith.constant 0 : i32
        %ne3A_181 = arith.cmpi ne, %rem3A_179, %ne3A_180 : i32
        %and3A_182 = arith.andi %ne3A_178, %ne3A_181 : i1
        %sub3A_183 = arith.constant 1 : i32
        %sub3A_184 = arith.subi %div3A_163, %sub3A_183 : i32
        %select_n3A_185 = arith.select %and3A_182, %sub3A_184, %div3A_163 : i32
        %jit3A_186 = arith.constant 8 : i32
        %eq3A_187 = arith.constant 0 : i32
        %eq3A_188 = arith.cmpi eq, %jit3A_186, %eq3A_187 : i32
        %jit3A_189 = arith.constant 1 : i32
        %select_n3A_190 = arith.select %eq3A_188, %jit3A_189, %jit3A_186 : i32
        %rem3A_191 = arith.remsi %scan3A_120, %select_n3A_190 : i32
        %ne3A_192 = arith.constant 0 : i32
        %ne3A_193 = arith.cmpi ne, %rem3A_191, %ne3A_192 : i32
        %lt3A_194 = arith.constant 0 : i32
        %lt3A_195 = arith.cmpi slt, %rem3A_191, %lt3A_194 : i32
        %lt3A_196 = arith.constant 0 : i32
        %lt3A_197 = arith.cmpi slt, %select_n3A_190, %lt3A_196 : i32
        %ne3A_198 = arith.xori %lt3A_195, %lt3A_197 : i1
        %and3A_199 = arith.andi %ne3A_198, %ne3A_193 : i1
        %add3A_200 = arith.addi %rem3A_191, %select_n3A_190 : i32
        %select_n3A_201 = arith.select %and3A_199, %add3A_200, %rem3A_191 : i32
        %mul3A_202 = arith.constant 16 : i32
        %mul3A_203 = arith.muli %select_n3A_201, %mul3A_202 : i32
        %swap3A_204 = arith.index_cast %select_n3A_185 : i32 to index
        %swap3A_205 = arith.index_cast %mul3A_203 : i32 to index
        %swap3A_206 = tpu.vector_load %arg12[%swap3A_204, %swap3A_205] {strides = array<i32>} : memref<20x128xi32, #tpu.memory_space<vmem>>, vector<16xi32>,
        tpu.vector_store %arg12[%swap3A_204, %swap3A_205], %select_n3A_161 {strides = array<i32>} : memref<20x128xi32, #tpu.memory_space<vmem>>, vector<16xi32>,
        %scan3A_207 = arith.constant 0 : i32
        scf.yield %scan3A_207 : i32
      }
      %scan3A_97 = arith.constant 160 : i32
      %mul3A_98 = arith.constant 4 : i32
      %mul3A_99 = arith.muli %mul3A_72, %mul3A_98 : i32
      "tpu.region"() ({
        %run_scoped3A_120 = tpu.sem_alloc : memref<!tpu.dma_semaphore, #tpu.memory_space<semaphore_mem>>
        %dma_start3A_121 = tpu.memref_slice %arg5[%mul3A_99] : memref<640000xf32, #tpu.memory_space<hbm>> -> memref<2560xf32, #tpu.memory_space<hbm>>
        %dma_start3A_122 = tpu.memref_slice %arg5[%mul3A_99] : memref<640000xf32, #tpu.memory_space<hbm>> -> memref<2560xf32, #tpu.memory_space<hbm>>
        tpu.enqueue_dma source(%arg11 : memref<2560xf32, #tpu.memory_space<vmem>>) target(%dma_start3A_122 : memref<2560xf32, #tpu.memory_space<hbm>>) target_semaphore(%run_scoped3A_120 : memref<!tpu.dma_semaphore, #tpu.memory_space<semaphore_mem>>)
        %dma_wait3A_123 = tpu.memref_slice %arg5[%mul3A_99] : memref<640000xf32, #tpu.memory_space<hbm>> -> memref<2560xf32, #tpu.memory_space<hbm>>
        %dma_wait3A_124 = tpu.memref_slice %arg5[%mul3A_99] : memref<640000xf32, #tpu.memory_space<hbm>> -> memref<2560xf32, #tpu.memory_space<hbm>>
        tpu.wait_dma2 semaphore(%run_scoped3A_120 : memref<!tpu.dma_semaphore, #tpu.memory_space<semaphore_mem>>) src(%arg11 : memref<2560xf32, #tpu.memory_space<vmem>>) dst(%dma_wait3A_124 : memref<2560xf32, #tpu.memory_space<hbm>>)
        tpu.yield
      }) : () -> ()
      %run_scoped3A = arith.constant 0 : i32
      "tpu.region"() ({
        %run_scoped3A_120 = tpu.sem_alloc : memref<!tpu.dma_semaphore, #tpu.memory_space<semaphore_mem>>
        %dma_start3A_121 = arith.constant 0 : i32
        %dma_start3A_122 = tpu.memref_slice %arg11[%dma_start3A_121] : memref<2560xf32, #tpu.memory_space<vmem>> -> memref<128xf32, #tpu.memory_space<vmem>>
        %dma_start3A_123 = arith.constant 0 : i32
        %dma_start3A_124 = tpu.memref_slice %arg12[%run_scoped3A, %dma_start3A_123] : memref<20x128xi32, #tpu.memory_space<vmem>> -> memref<1x128xi32, #tpu.memory_space<vmem>>
        %dma_start3A_125 = tpu.memref_squeeze %dma_start3A_124 : memref<1x128xi32, #tpu.memory_space<vmem>> -> memref<128xi32, #tpu.memory_space<vmem>>
        %dma_start3A_126 = arith.constant 0 : i32
        %dma_start3A_127 = tpu.memref_slice %arg14[%dma_start3A_126] : memref<8192xf32, #tpu.memory_space<vmem_shared>> -> memref<8192xf32, #tpu.memory_space<vmem_shared>>
        tpu.enqueue_indirect_dma source(%dma_start3A_122 : memref<128xf32, #tpu.memory_space<vmem>>) target(%dma_start3A_127 : memref<8192xf32, #tpu.memory_space<vmem_shared>>) offsets(%dma_start3A_125 : memref<128xi32, #tpu.memory_space<vmem>>) semaphore(%run_scoped3A_120 : memref<!tpu.dma_semaphore, #tpu.memory_space<semaphore_mem>>) {add = true}
        %dma_wait3A_128 = arith.constant 0 : i32
        %dma_wait3A_129 = tpu.memref_slice %arg11[%dma_wait3A_128] : memref<2560xf32, #tpu.memory_space<vmem>> -> memref<128xf32, #tpu.memory_space<vmem>>
        %dma_wait3A_130 = arith.constant 0 : i32
        %dma_wait3A_131 = tpu.memref_slice %arg12[%run_scoped3A, %dma_wait3A_130] : memref<20x128xi32, #tpu.memory_space<vmem>> -> memref<1x128xi32, #tpu.memory_space<vmem>>
        %dma_wait3A_132 = tpu.memref_squeeze %dma_wait3A_131 : memref<1x128xi32, #tpu.memory_space<vmem>> -> memref<128xi32, #tpu.memory_space<vmem>>
        %dma_wait3A_133 = arith.constant 0 : i32
        %dma_wait3A_134 = tpu.memref_slice %arg14[%dma_wait3A_133] : memref<8192xf32, #tpu.memory_space<vmem_shared>> -> memref<8192xf32, #tpu.memory_space<vmem_shared>>
        tpu.wait_indirect_dma semaphore(%run_scoped3A_120 : memref<!tpu.dma_semaphore, #tpu.memory_space<semaphore_mem>>) src(%dma_wait3A_129 : memref<128xf32, #tpu.memory_space<vmem>>) dst(%dma_wait3A_134 : memref<8192xf32, #tpu.memory_space<vmem_shared>>)
        tpu.yield
      }) : () -> ()
      %run_scoped3A_100 = arith.constant 1 : i32
      "tpu.region"() ({
        %run_scoped3A_120 = tpu.sem_alloc : memref<!tpu.dma_semaphore, #tpu.memory_space<semaphore_mem>>
        %dma_start3A_121 = arith.constant 128 : i32
        %dma_start3A_122 = tpu.memref_slice %arg11[%dma_start3A_121] : memref<2560xf32, #tpu.memory_space<vmem>> -> memref<128xf32, #tpu.memory_space<vmem>>
        %dma_start3A_123 = arith.constant 0 : i32
        %dma_start3A_124 = tpu.memref_slice %arg12[%run_scoped3A_100, %dma_start3A_123] : memref<20x128xi32, #tpu.memory_space<vmem>> -> memref<1x128xi32, #tpu.memory_space<vmem>>
        %dma_start3A_125 = tpu.memref_squeeze %dma_start3A_124 : memref<1x128xi32, #tpu.memory_space<vmem>> -> memref<128xi32, #tpu.memory_space<vmem>>
        %dma_start3A_126 = arith.constant 0 : i32
        %dma_start3A_127 = tpu.memref_slice %arg14[%dma_start3A_126] : memref<8192xf32, #tpu.memory_space<vmem_shared>> -> memref<8192xf32, #tpu.memory_space<vmem_shared>>
        tpu.enqueue_indirect_dma source(%dma_start3A_122 : memref<128xf32, #tpu.memory_space<vmem>>) target(%dma_start3A_127 : memref<8192xf32, #tpu.memory_space<vmem_shared>>) offsets(%dma_start3A_125 : memref<128xi32, #tpu.memory_space<vmem>>) semaphore(%run_scoped3A_120 : memref<!tpu.dma_semaphore, #tpu.memory_space<semaphore_mem>>) {add = true}
        %dma_wait3A_128 = arith.constant 128 : i32
        %dma_wait3A_129 = tpu.memref_slice %arg11[%dma_wait3A_128] : memref<2560xf32, #tpu.memory_space<vmem>> -> memref<128xf32, #tpu.memory_space<vmem>>
        %dma_wait3A_130 = arith.constant 0 : i32
        %dma_wait3A_131 = tpu.memref_slice %arg12[%run_scoped3A_100, %dma_wait3A_130] : memref<20x128xi32, #tpu.memory_space<vmem>> -> memref<1x128xi32, #tpu.memory_space<vmem>>
        %dma_wait3A_132 = tpu.memref_squeeze %dma_wait3A_131 : memref<1x128xi32, #tpu.memory_space<vmem>> -> memref<128xi32, #tpu.memory_space<vmem>>
        %dma_wait3A_133 = arith.constant 0 : i32
        %dma_wait3A_134 = tpu.memref_slice %arg14[%dma_wait3A_133] : memref<8192xf32, #tpu.memory_space<vmem_shared>> -> memref<8192xf32, #tpu.memory_space<vmem_shared>>
        tpu.wait_indirect_dma semaphore(%run_scoped3A_120 : memref<!tpu.dma_semaphore, #tpu.memory_space<semaphore_mem>>) src(%dma_wait3A_129 : memref<128xf32, #tpu.memory_space<vmem>>) dst(%dma_wait3A_134 : memref<8192xf32, #tpu.memory_space<vmem_shared>>)
        tpu.yield
      }) : () -> ()
      %run_scoped3A_101 = arith.constant 2 : i32
      "tpu.region"() ({
        %run_scoped3A_120 = tpu.sem_alloc : memref<!tpu.dma_semaphore, #tpu.memory_space<semaphore_mem>>
        %dma_start3A_121 = arith.constant 256 : i32
        %dma_start3A_122 = tpu.memref_slice %arg11[%dma_start3A_121] : memref<2560xf32, #tpu.memory_space<vmem>> -> memref<128xf32, #tpu.memory_space<vmem>>
        %dma_start3A_123 = arith.constant 0 : i32
        %dma_start3A_124 = tpu.memref_slice %arg12[%run_scoped3A_101, %dma_start3A_123] : memref<20x128xi32, #tpu.memory_space<vmem>> -> memref<1x128xi32, #tpu.memory_space<vmem>>
        %dma_start3A_125 = tpu.memref_squeeze %dma_start3A_124 : memref<1x128xi32, #tpu.memory_space<vmem>> -> memref<128xi32, #tpu.memory_space<vmem>>
        %dma_start3A_126 = arith.constant 0 : i32
        %dma_start3A_127 = tpu.memref_slice %arg14[%dma_start3A_126] : memref<8192xf32, #tpu.memory_space<vmem_shared>> -> memref<8192xf32, #tpu.memory_space<vmem_shared>>
        tpu.enqueue_indirect_dma source(%dma_start3A_122 : memref<128xf32, #tpu.memory_space<vmem>>) target(%dma_start3A_127 : memref<8192xf32, #tpu.memory_space<vmem_shared>>) offsets(%dma_start3A_125 : memref<128xi32, #tpu.memory_space<vmem>>) semaphore(%run_scoped3A_120 : memref<!tpu.dma_semaphore, #tpu.memory_space<semaphore_mem>>) {add = true}
        %dma_wait3A_128 = arith.constant 256 : i32
        %dma_wait3A_129 = tpu.memref_slice %arg11[%dma_wait3A_128] : memref<2560xf32, #tpu.memory_space<vmem>> -> memref<128xf32, #tpu.memory_space<vmem>>
        %dma_wait3A_130 = arith.constant 0 : i32
        %dma_wait3A_131 = tpu.memref_slice %arg12[%run_scoped3A_101, %dma_wait3A_130] : memref<20x128xi32, #tpu.memory_space<vmem>> -> memref<1x128xi32, #tpu.memory_space<vmem>>
        %dma_wait3A_132 = tpu.memref_squeeze %dma_wait3A_131 : memref<1x128xi32, #tpu.memory_space<vmem>> -> memref<128xi32, #tpu.memory_space<vmem>>
        %dma_wait3A_133 = arith.constant 0 : i32
        %dma_wait3A_134 = tpu.memref_slice %arg14[%dma_wait3A_133] : memref<8192xf32, #tpu.memory_space<vmem_shared>> -> memref<8192xf32, #tpu.memory_space<vmem_shared>>
        tpu.wait_indirect_dma semaphore(%run_scoped3A_120 : memref<!tpu.dma_semaphore, #tpu.memory_space<semaphore_mem>>) src(%dma_wait3A_129 : memref<128xf32, #tpu.memory_space<vmem>>) dst(%dma_wait3A_134 : memref<8192xf32, #tpu.memory_space<vmem_shared>>)
        tpu.yield
      }) : () -> ()
      %run_scoped3A_102 = arith.constant 3 : i32
      "tpu.region"() ({
        %run_scoped3A_120 = tpu.sem_alloc : memref<!tpu.dma_semaphore, #tpu.memory_space<semaphore_mem>>
        %dma_start3A_121 = arith.constant 384 : i32
        %dma_start3A_122 = tpu.memref_slice %arg11[%dma_start3A_121] : memref<2560xf32, #tpu.memory_space<vmem>> -> memref<128xf32, #tpu.memory_space<vmem>>
        %dma_start3A_123 = arith.constant 0 : i32
        %dma_start3A_124 = tpu.memref_slice %arg12[%run_scoped3A_102, %dma_start3A_123] : memref<20x128xi32, #tpu.memory_space<vmem>> -> memref<1x128xi32, #tpu.memory_space<vmem>>
        %dma_start3A_125 = tpu.memref_squeeze %dma_start3A_124 : memref<1x128xi32, #tpu.memory_space<vmem>> -> memref<128xi32, #tpu.memory_space<vmem>>
        %dma_start3A_126 = arith.constant 0 : i32
        %dma_start3A_127 = tpu.memref_slice %arg14[%dma_start3A_126] : memref<8192xf32, #tpu.memory_space<vmem_shared>> -> memref<8192xf32, #tpu.memory_space<vmem_shared>>
        tpu.enqueue_indirect_dma source(%dma_start3A_122 : memref<128xf32, #tpu.memory_space<vmem>>) target(%dma_start3A_127 : memref<8192xf32, #tpu.memory_space<vmem_shared>>) offsets(%dma_start3A_125 : memref<128xi32, #tpu.memory_space<vmem>>) semaphore(%run_scoped3A_120 : memref<!tpu.dma_semaphore, #tpu.memory_space<semaphore_mem>>) {add = true}
        %dma_wait3A_128 = arith.constant 384 : i32
        %dma_wait3A_129 = tpu.memref_slice %arg11[%dma_wait3A_128] : memref<2560xf32, #tpu.memory_space<vmem>> -> memref<128xf32, #tpu.memory_space<vmem>>
        %dma_wait3A_130 = arith.constant 0 : i32
        %dma_wait3A_131 = tpu.memref_slice %arg12[%run_scoped3A_102, %dma_wait3A_130] : memref<20x128xi32, #tpu.memory_space<vmem>> -> memref<1x128xi32, #tpu.memory_space<vmem>>
        %dma_wait3A_132 = tpu.memref_squeeze %dma_wait3A_131 : memref<1x128xi32, #tpu.memory_space<vmem>> -> memref<128xi32, #tpu.memory_space<vmem>>
        %dma_wait3A_133 = arith.constant 0 : i32
        %dma_wait3A_134 = tpu.memref_slice %arg14[%dma_wait3A_133] : memref<8192xf32, #tpu.memory_space<vmem_shared>> -> memref<8192xf32, #tpu.memory_space<vmem_shared>>
        tpu.wait_indirect_dma semaphore(%run_scoped3A_120 : memref<!tpu.dma_semaphore, #tpu.memory_space<semaphore_mem>>) src(%dma_wait3A_129 : memref<128xf32, #tpu.memory_space<vmem>>) dst(%dma_wait3A_134 : memref<8192xf32, #tpu.memory_space<vmem_shared>>)
        tpu.yield
      }) : () -> ()
      %run_scoped3A_103 = arith.constant 4 : i32
      "tpu.region"() ({
        %run_scoped3A_120 = tpu.sem_alloc : memref<!tpu.dma_semaphore, #tpu.memory_space<semaphore_mem>>
        %dma_start3A_121 = arith.constant 512 : i32
        %dma_start3A_122 = tpu.memref_slice %arg11[%dma_start3A_121] : memref<2560xf32, #tpu.memory_space<vmem>> -> memref<128xf32, #tpu.memory_space<vmem>>
        %dma_start3A_123 = arith.constant 0 : i32
        %dma_start3A_124 = tpu.memref_slice %arg12[%run_scoped3A_103, %dma_start3A_123] : memref<20x128xi32, #tpu.memory_space<vmem>> -> memref<1x128xi32, #tpu.memory_space<vmem>>
        %dma_start3A_125 = tpu.memref_squeeze %dma_start3A_124 : memref<1x128xi32, #tpu.memory_space<vmem>> -> memref<128xi32, #tpu.memory_space<vmem>>
        %dma_start3A_126 = arith.constant 0 : i32
        %dma_start3A_127 = tpu.memref_slice %arg14[%dma_start3A_126] : memref<8192xf32, #tpu.memory_space<vmem_shared>> -> memref<8192xf32, #tpu.memory_space<vmem_shared>>
        tpu.enqueue_indirect_dma source(%dma_start3A_122 : memref<128xf32, #tpu.memory_space<vmem>>) target(%dma_start3A_127 : memref<8192xf32, #tpu.memory_space<vmem_shared>>) offsets(%dma_start3A_125 : memref<128xi32, #tpu.memory_space<vmem>>) semaphore(%run_scoped3A_120 : memref<!tpu.dma_semaphore, #tpu.memory_space<semaphore_mem>>) {add = true}
        %dma_wait3A_128 = arith.constant 512 : i32
        %dma_wait3A_129 = tpu.memref_slice %arg11[%dma_wait3A_128] : memref<2560xf32, #tpu.memory_space<vmem>> -> memref<128xf32, #tpu.memory_space<vmem>>
        %dma_wait3A_130 = arith.constant 0 : i32
        %dma_wait3A_131 = tpu.memref_slice %arg12[%run_scoped3A_103, %dma_wait3A_130] : memref<20x128xi32, #tpu.memory_space<vmem>> -> memref<1x128xi32, #tpu.memory_space<vmem>>
        %dma_wait3A_132 = tpu.memref_squeeze %dma_wait3A_131 : memref<1x128xi32, #tpu.memory_space<vmem>> -> memref<128xi32, #tpu.memory_space<vmem>>
        %dma_wait3A_133 = arith.constant 0 : i32
        %dma_wait3A_134 = tpu.memref_slice %arg14[%dma_wait3A_133] : memref<8192xf32, #tpu.memory_space<vmem_shared>> -> memref<8192xf32, #tpu.memory_space<vmem_shared>>
        tpu.wait_indirect_dma semaphore(%run_scoped3A_120 : memref<!tpu.dma_semaphore, #tpu.memory_space<semaphore_mem>>) src(%dma_wait3A_129 : memref<128xf32, #tpu.memory_space<vmem>>) dst(%dma_wait3A_134 : memref<8192xf32, #tpu.memory_space<vmem_shared>>)
        tpu.yield
      }) : () -> ()
      %run_scoped3A_104 = arith.constant 5 : i32
      "tpu.region"() ({
        %run_scoped3A_120 = tpu.sem_alloc : memref<!tpu.dma_semaphore, #tpu.memory_space<semaphore_mem>>
        %dma_start3A_121 = arith.constant 640 : i32
        %dma_start3A_122 = tpu.memref_slice %arg11[%dma_start3A_121] : memref<2560xf32, #tpu.memory_space<vmem>> -> memref<128xf32, #tpu.memory_space<vmem>>
        %dma_start3A_123 = arith.constant 0 : i32
        %dma_start3A_124 = tpu.memref_slice %arg12[%run_scoped3A_104, %dma_start3A_123] : memref<20x128xi32, #tpu.memory_space<vmem>> -> memref<1x128xi32, #tpu.memory_space<vmem>>
        %dma_start3A_125 = tpu.memref_squeeze %dma_start3A_124 : memref<1x128xi32, #tpu.memory_space<vmem>> -> memref<128xi32, #tpu.memory_space<vmem>>
        %dma_start3A_126 = arith.constant 0 : i32
        %dma_start3A_127 = tpu.memref_slice %arg14[%dma_start3A_126] : memref<8192xf32, #tpu.memory_space<vmem_shared>> -> memref<8192xf32, #tpu.memory_space<vmem_shared>>
        tpu.enqueue_indirect_dma source(%dma_start3A_122 : memref<128xf32, #tpu.memory_space<vmem>>) target(%dma_start3A_127 : memref<8192xf32, #tpu.memory_space<vmem_shared>>) offsets(%dma_start3A_125 : memref<128xi32, #tpu.memory_space<vmem>>) semaphore(%run_scoped3A_120 : memref<!tpu.dma_semaphore, #tpu.memory_space<semaphore_mem>>) {add = true}
        %dma_wait3A_128 = arith.constant 640 : i32
        %dma_wait3A_129 = tpu.memref_slice %arg11[%dma_wait3A_128] : memref<2560xf32, #tpu.memory_space<vmem>> -> memref<128xf32, #tpu.memory_space<vmem>>
        %dma_wait3A_130 = arith.constant 0 : i32
        %dma_wait3A_131 = tpu.memref_slice %arg12[%run_scoped3A_104, %dma_wait3A_130] : memref<20x128xi32, #tpu.memory_space<vmem>> -> memref<1x128xi32, #tpu.memory_space<vmem>>
        %dma_wait3A_132 = tpu.memref_squeeze %dma_wait3A_131 : memref<1x128xi32, #tpu.memory_space<vmem>> -> memref<128xi32, #tpu.memory_space<vmem>>
        %dma_wait3A_133 = arith.constant 0 : i32
        %dma_wait3A_134 = tpu.memref_slice %arg14[%dma_wait3A_133] : memref<8192xf32, #tpu.memory_space<vmem_shared>> -> memref<8192xf32, #tpu.memory_space<vmem_shared>>
        tpu.wait_indirect_dma semaphore(%run_scoped3A_120 : memref<!tpu.dma_semaphore, #tpu.memory_space<semaphore_mem>>) src(%dma_wait3A_129 : memref<128xf32, #tpu.memory_space<vmem>>) dst(%dma_wait3A_134 : memref<8192xf32, #tpu.memory_space<vmem_shared>>)
        tpu.yield
      }) : () -> ()
      %run_scoped3A_105 = arith.constant 6 : i32
      "tpu.region"() ({
        %run_scoped3A_120 = tpu.sem_alloc : memref<!tpu.dma_semaphore, #tpu.memory_space<semaphore_mem>>
        %dma_start3A_121 = arith.constant 768 : i32
        %dma_start3A_122 = tpu.memref_slice %arg11[%dma_start3A_121] : memref<2560xf32, #tpu.memory_space<vmem>> -> memref<128xf32, #tpu.memory_space<vmem>>
        %dma_start3A_123 = arith.constant 0 : i32
        %dma_start3A_124 = tpu.memref_slice %arg12[%run_scoped3A_105, %dma_start3A_123] : memref<20x128xi32, #tpu.memory_space<vmem>> -> memref<1x128xi32, #tpu.memory_space<vmem>>
        %dma_start3A_125 = tpu.memref_squeeze %dma_start3A_124 : memref<1x128xi32, #tpu.memory_space<vmem>> -> memref<128xi32, #tpu.memory_space<vmem>>
        %dma_start3A_126 = arith.constant 0 : i32
        %dma_start3A_127 = tpu.memref_slice %arg14[%dma_start3A_126] : memref<8192xf32, #tpu.memory_space<vmem_shared>> -> memref<8192xf32, #tpu.memory_space<vmem_shared>>
        tpu.enqueue_indirect_dma source(%dma_start3A_122 : memref<128xf32, #tpu.memory_space<vmem>>) target(%dma_start3A_127 : memref<8192xf32, #tpu.memory_space<vmem_shared>>) offsets(%dma_start3A_125 : memref<128xi32, #tpu.memory_space<vmem>>) semaphore(%run_scoped3A_120 : memref<!tpu.dma_semaphore, #tpu.memory_space<semaphore_mem>>) {add = true}
        %dma_wait3A_128 = arith.constant 768 : i32
        %dma_wait3A_129 = tpu.memref_slice %arg11[%dma_wait3A_128] : memref<2560xf32, #tpu.memory_space<vmem>> -> memref<128xf32, #tpu.memory_space<vmem>>
        %dma_wait3A_130 = arith.constant 0 : i32
        %dma_wait3A_131 = tpu.memref_slice %arg12[%run_scoped3A_105, %dma_wait3A_130] : memref<20x128xi32, #tpu.memory_space<vmem>> -> memref<1x128xi32, #tpu.memory_space<vmem>>
        %dma_wait3A_132 = tpu.memref_squeeze %dma_wait3A_131 : memref<1x128xi32, #tpu.memory_space<vmem>> -> memref<128xi32, #tpu.memory_space<vmem>>
        %dma_wait3A_133 = arith.constant 0 : i32
        %dma_wait3A_134 = tpu.memref_slice %arg14[%dma_wait3A_133] : memref<8192xf32, #tpu.memory_space<vmem_shared>> -> memref<8192xf32, #tpu.memory_space<vmem_shared>>
        tpu.wait_indirect_dma semaphore(%run_scoped3A_120 : memref<!tpu.dma_semaphore, #tpu.memory_space<semaphore_mem>>) src(%dma_wait3A_129 : memref<128xf32, #tpu.memory_space<vmem>>) dst(%dma_wait3A_134 : memref<8192xf32, #tpu.memory_space<vmem_shared>>)
        tpu.yield
      }) : () -> ()
      %run_scoped3A_106 = arith.constant 7 : i32
      "tpu.region"() ({
        %run_scoped3A_120 = tpu.sem_alloc : memref<!tpu.dma_semaphore, #tpu.memory_space<semaphore_mem>>
        %dma_start3A_121 = arith.constant 896 : i32
        %dma_start3A_122 = tpu.memref_slice %arg11[%dma_start3A_121] : memref<2560xf32, #tpu.memory_space<vmem>> -> memref<128xf32, #tpu.memory_space<vmem>>
        %dma_start3A_123 = arith.constant 0 : i32
        %dma_start3A_124 = tpu.memref_slice %arg12[%run_scoped3A_106, %dma_start3A_123] : memref<20x128xi32, #tpu.memory_space<vmem>> -> memref<1x128xi32, #tpu.memory_space<vmem>>
        %dma_start3A_125 = tpu.memref_squeeze %dma_start3A_124 : memref<1x128xi32, #tpu.memory_space<vmem>> -> memref<128xi32, #tpu.memory_space<vmem>>
        %dma_start3A_126 = arith.constant 0 : i32
        %dma_start3A_127 = tpu.memref_slice %arg14[%dma_start3A_126] : memref<8192xf32, #tpu.memory_space<vmem_shared>> -> memref<8192xf32, #tpu.memory_space<vmem_shared>>
        tpu.enqueue_indirect_dma source(%dma_start3A_122 : memref<128xf32, #tpu.memory_space<vmem>>) target(%dma_start3A_127 : memref<8192xf32, #tpu.memory_space<vmem_shared>>) offsets(%dma_start3A_125 : memref<128xi32, #tpu.memory_space<vmem>>) semaphore(%run_scoped3A_120 : memref<!tpu.dma_semaphore, #tpu.memory_space<semaphore_mem>>) {add = true}
        %dma_wait3A_128 = arith.constant 896 : i32
        %dma_wait3A_129 = tpu.memref_slice %arg11[%dma_wait3A_128] : memref<2560xf32, #tpu.memory_space<vmem>> -> memref<128xf32, #tpu.memory_space<vmem>>
        %dma_wait3A_130 = arith.constant 0 : i32
        %dma_wait3A_131 = tpu.memref_slice %arg12[%run_scoped3A_106, %dma_wait3A_130] : memref<20x128xi32, #tpu.memory_space<vmem>> -> memref<1x128xi32, #tpu.memory_space<vmem>>
        %dma_wait3A_132 = tpu.memref_squeeze %dma_wait3A_131 : memref<1x128xi32, #tpu.memory_space<vmem>> -> memref<128xi32, #tpu.memory_space<vmem>>
        %dma_wait3A_133 = arith.constant 0 : i32
        %dma_wait3A_134 = tpu.memref_slice %arg14[%dma_wait3A_133] : memref<8192xf32, #tpu.memory_space<vmem_shared>> -> memref<8192xf32, #tpu.memory_space<vmem_shared>>
        tpu.wait_indirect_dma semaphore(%run_scoped3A_120 : memref<!tpu.dma_semaphore, #tpu.memory_space<semaphore_mem>>) src(%dma_wait3A_129 : memref<128xf32, #tpu.memory_space<vmem>>) dst(%dma_wait3A_134 : memref<8192xf32, #tpu.memory_space<vmem_shared>>)
        tpu.yield
      }) : () -> ()
      %run_scoped3A_107 = arith.constant 8 : i32
      "tpu.region"() ({
        %run_scoped3A_120 = tpu.sem_alloc : memref<!tpu.dma_semaphore, #tpu.memory_space<semaphore_mem>>
        %dma_start3A_121 = arith.constant 1024 : i32
        %dma_start3A_122 = tpu.memref_slice %arg11[%dma_start3A_121] : memref<2560xf32, #tpu.memory_space<vmem>> -> memref<128xf32, #tpu.memory_space<vmem>>
        %dma_start3A_123 = arith.constant 0 : i32
        %dma_start3A_124 = tpu.memref_slice %arg12[%run_scoped3A_107, %dma_start3A_123] : memref<20x128xi32, #tpu.memory_space<vmem>> -> memref<1x128xi32, #tpu.memory_space<vmem>>
        %dma_start3A_125 = tpu.memref_squeeze %dma_start3A_124 : memref<1x128xi32, #tpu.memory_space<vmem>> -> memref<128xi32, #tpu.memory_space<vmem>>
        %dma_start3A_126 = arith.constant 0 : i32
        %dma_start3A_127 = tpu.memref_slice %arg14[%dma_start3A_126] : memref<8192xf32, #tpu.memory_space<vmem_shared>> -> memref<8192xf32, #tpu.memory_space<vmem_shared>>
        tpu.enqueue_indirect_dma source(%dma_start3A_122 : memref<128xf32, #tpu.memory_space<vmem>>) target(%dma_start3A_127 : memref<8192xf32, #tpu.memory_space<vmem_shared>>) offsets(%dma_start3A_125 : memref<128xi32, #tpu.memory_space<vmem>>) semaphore(%run_scoped3A_120 : memref<!tpu.dma_semaphore, #tpu.memory_space<semaphore_mem>>) {add = true}
        %dma_wait3A_128 = arith.constant 1024 : i32
        %dma_wait3A_129 = tpu.memref_slice %arg11[%dma_wait3A_128] : memref<2560xf32, #tpu.memory_space<vmem>> -> memref<128xf32, #tpu.memory_space<vmem>>
        %dma_wait3A_130 = arith.constant 0 : i32
        %dma_wait3A_131 = tpu.memref_slice %arg12[%run_scoped3A_107, %dma_wait3A_130] : memref<20x128xi32, #tpu.memory_space<vmem>> -> memref<1x128xi32, #tpu.memory_space<vmem>>
        %dma_wait3A_132 = tpu.memref_squeeze %dma_wait3A_131 : memref<1x128xi32, #tpu.memory_space<vmem>> -> memref<128xi32, #tpu.memory_space<vmem>>
        %dma_wait3A_133 = arith.constant 0 : i32
        %dma_wait3A_134 = tpu.memref_slice %arg14[%dma_wait3A_133] : memref<8192xf32, #tpu.memory_space<vmem_shared>> -> memref<8192xf32, #tpu.memory_space<vmem_shared>>
        tpu.wait_indirect_dma semaphore(%run_scoped3A_120 : memref<!tpu.dma_semaphore, #tpu.memory_space<semaphore_mem>>) src(%dma_wait3A_129 : memref<128xf32, #tpu.memory_space<vmem>>) dst(%dma_wait3A_134 : memref<8192xf32, #tpu.memory_space<vmem_shared>>)
        tpu.yield
      }) : () -> ()
      %run_scoped3A_108 = arith.constant 9 : i32
      "tpu.region"() ({
        %run_scoped3A_120 = tpu.sem_alloc : memref<!tpu.dma_semaphore, #tpu.memory_space<semaphore_mem>>
        %dma_start3A_121 = arith.constant 1152 : i32
        %dma_start3A_122 = tpu.memref_slice %arg11[%dma_start3A_121] : memref<2560xf32, #tpu.memory_space<vmem>> -> memref<128xf32, #tpu.memory_space<vmem>>
        %dma_start3A_123 = arith.constant 0 : i32
        %dma_start3A_124 = tpu.memref_slice %arg12[%run_scoped3A_108, %dma_start3A_123] : memref<20x128xi32, #tpu.memory_space<vmem>> -> memref<1x128xi32, #tpu.memory_space<vmem>>
        %dma_start3A_125 = tpu.memref_squeeze %dma_start3A_124 : memref<1x128xi32, #tpu.memory_space<vmem>> -> memref<128xi32, #tpu.memory_space<vmem>>
        %dma_start3A_126 = arith.constant 0 : i32
        %dma_start3A_127 = tpu.memref_slice %arg14[%dma_start3A_126] : memref<8192xf32, #tpu.memory_space<vmem_shared>> -> memref<8192xf32, #tpu.memory_space<vmem_shared>>
        tpu.enqueue_indirect_dma source(%dma_start3A_122 : memref<128xf32, #tpu.memory_space<vmem>>) target(%dma_start3A_127 : memref<8192xf32, #tpu.memory_space<vmem_shared>>) offsets(%dma_start3A_125 : memref<128xi32, #tpu.memory_space<vmem>>) semaphore(%run_scoped3A_120 : memref<!tpu.dma_semaphore, #tpu.memory_space<semaphore_mem>>) {add = true}
        %dma_wait3A_128 = arith.constant 1152 : i32
        %dma_wait3A_129 = tpu.memref_slice %arg11[%dma_wait3A_128] : memref<2560xf32, #tpu.memory_space<vmem>> -> memref<128xf32, #tpu.memory_space<vmem>>
        %dma_wait3A_130 = arith.constant 0 : i32
        %dma_wait3A_131 = tpu.memref_slice %arg12[%run_scoped3A_108, %dma_wait3A_130] : memref<20x128xi32, #tpu.memory_space<vmem>> -> memref<1x128xi32, #tpu.memory_space<vmem>>
        %dma_wait3A_132 = tpu.memref_squeeze %dma_wait3A_131 : memref<1x128xi32, #tpu.memory_space<vmem>> -> memref<128xi32, #tpu.memory_space<vmem>>
        %dma_wait3A_133 = arith.constant 0 : i32
        %dma_wait3A_134 = tpu.memref_slice %arg14[%dma_wait3A_133] : memref<8192xf32, #tpu.memory_space<vmem_shared>> -> memref<8192xf32, #tpu.memory_space<vmem_shared>>
        tpu.wait_indirect_dma semaphore(%run_scoped3A_120 : memref<!tpu.dma_semaphore, #tpu.memory_space<semaphore_mem>>) src(%dma_wait3A_129 : memref<128xf32, #tpu.memory_space<vmem>>) dst(%dma_wait3A_134 : memref<8192xf32, #tpu.memory_space<vmem_shared>>)
        tpu.yield
      }) : () -> ()
      %run_scoped3A_109 = arith.constant 10 : i32
      "tpu.region"() ({
        %run_scoped3A_120 = tpu.sem_alloc : memref<!tpu.dma_semaphore, #tpu.memory_space<semaphore_mem>>
        %dma_start3A_121 = arith.constant 1280 : i32
        %dma_start3A_122 = tpu.memref_slice %arg11[%dma_start3A_121] : memref<2560xf32, #tpu.memory_space<vmem>> -> memref<128xf32, #tpu.memory_space<vmem>>
        %dma_start3A_123 = arith.constant 0 : i32
        %dma_start3A_124 = tpu.memref_slice %arg12[%run_scoped3A_109, %dma_start3A_123] : memref<20x128xi32, #tpu.memory_space<vmem>> -> memref<1x128xi32, #tpu.memory_space<vmem>>
        %dma_start3A_125 = tpu.memref_squeeze %dma_start3A_124 : memref<1x128xi32, #tpu.memory_space<vmem>> -> memref<128xi32, #tpu.memory_space<vmem>>
        %dma_start3A_126 = arith.constant 0 : i32
        %dma_start3A_127 = tpu.memref_slice %arg14[%dma_start3A_126] : memref<8192xf32, #tpu.memory_space<vmem_shared>> -> memref<8192xf32, #tpu.memory_space<vmem_shared>>
        tpu.enqueue_indirect_dma source(%dma_start3A_122 : memref<128xf32, #tpu.memory_space<vmem>>) target(%dma_start3A_127 : memref<8192xf32, #tpu.memory_space<vmem_shared>>) offsets(%dma_start3A_125 : memref<128xi32, #tpu.memory_space<vmem>>) semaphore(%run_scoped3A_120 : memref<!tpu.dma_semaphore, #tpu.memory_space<semaphore_mem>>) {add = true}
        %dma_wait3A_128 = arith.constant 1280 : i32
        %dma_wait3A_129 = tpu.memref_slice %arg11[%dma_wait3A_128] : memref<2560xf32, #tpu.memory_space<vmem>> -> memref<128xf32, #tpu.memory_space<vmem>>
        %dma_wait3A_130 = arith.constant 0 : i32
        %dma_wait3A_131 = tpu.memref_slice %arg12[%run_scoped3A_109, %dma_wait3A_130] : memref<20x128xi32, #tpu.memory_space<vmem>> -> memref<1x128xi32, #tpu.memory_space<vmem>>
        %dma_wait3A_132 = tpu.memref_squeeze %dma_wait3A_131 : memref<1x128xi32, #tpu.memory_space<vmem>> -> memref<128xi32, #tpu.memory_space<vmem>>
        %dma_wait3A_133 = arith.constant 0 : i32
        %dma_wait3A_134 = tpu.memref_slice %arg14[%dma_wait3A_133] : memref<8192xf32, #tpu.memory_space<vmem_shared>> -> memref<8192xf32, #tpu.memory_space<vmem_shared>>
        tpu.wait_indirect_dma semaphore(%run_scoped3A_120 : memref<!tpu.dma_semaphore, #tpu.memory_space<semaphore_mem>>) src(%dma_wait3A_129 : memref<128xf32, #tpu.memory_space<vmem>>) dst(%dma_wait3A_134 : memref<8192xf32, #tpu.memory_space<vmem_shared>>)
        tpu.yield
      }) : () -> ()
      %run_scoped3A_110 = arith.constant 11 : i32
      "tpu.region"() ({
        %run_scoped3A_120 = tpu.sem_alloc : memref<!tpu.dma_semaphore, #tpu.memory_space<semaphore_mem>>
        %dma_start3A_121 = arith.constant 1408 : i32
        %dma_start3A_122 = tpu.memref_slice %arg11[%dma_start3A_121] : memref<2560xf32, #tpu.memory_space<vmem>> -> memref<128xf32, #tpu.memory_space<vmem>>
        %dma_start3A_123 = arith.constant 0 : i32
        %dma_start3A_124 = tpu.memref_slice %arg12[%run_scoped3A_110, %dma_start3A_123] : memref<20x128xi32, #tpu.memory_space<vmem>> -> memref<1x128xi32, #tpu.memory_space<vmem>>
        %dma_start3A_125 = tpu.memref_squeeze %dma_start3A_124 : memref<1x128xi32, #tpu.memory_space<vmem>> -> memref<128xi32, #tpu.memory_space<vmem>>
        %dma_start3A_126 = arith.constant 0 : i32
        %dma_start3A_127 = tpu.memref_slice %arg14[%dma_start3A_126] : memref<8192xf32, #tpu.memory_space<vmem_shared>> -> memref<8192xf32, #tpu.memory_space<vmem_shared>>
        tpu.enqueue_indirect_dma source(%dma_start3A_122 : memref<128xf32, #tpu.memory_space<vmem>>) target(%dma_start3A_127 : memref<8192xf32, #tpu.memory_space<vmem_shared>>) offsets(%dma_start3A_125 : memref<128xi32, #tpu.memory_space<vmem>>) semaphore(%run_scoped3A_120 : memref<!tpu.dma_semaphore, #tpu.memory_space<semaphore_mem>>) {add = true}
        %dma_wait3A_128 = arith.constant 1408 : i32
        %dma_wait3A_129 = tpu.memref_slice %arg11[%dma_wait3A_128] : memref<2560xf32, #tpu.memory_space<vmem>> -> memref<128xf32, #tpu.memory_space<vmem>>
        %dma_wait3A_130 = arith.constant 0 : i32
        %dma_wait3A_131 = tpu.memref_slice %arg12[%run_scoped3A_110, %dma_wait3A_130] : memref<20x128xi32, #tpu.memory_space<vmem>> -> memref<1x128xi32, #tpu.memory_space<vmem>>
        %dma_wait3A_132 = tpu.memref_squeeze %dma_wait3A_131 : memref<1x128xi32, #tpu.memory_space<vmem>> -> memref<128xi32, #tpu.memory_space<vmem>>
        %dma_wait3A_133 = arith.constant 0 : i32
        %dma_wait3A_134 = tpu.memref_slice %arg14[%dma_wait3A_133] : memref<8192xf32, #tpu.memory_space<vmem_shared>> -> memref<8192xf32, #tpu.memory_space<vmem_shared>>
        tpu.wait_indirect_dma semaphore(%run_scoped3A_120 : memref<!tpu.dma_semaphore, #tpu.memory_space<semaphore_mem>>) src(%dma_wait3A_129 : memref<128xf32, #tpu.memory_space<vmem>>) dst(%dma_wait3A_134 : memref<8192xf32, #tpu.memory_space<vmem_shared>>)
        tpu.yield
      }) : () -> ()
      %run_scoped3A_111 = arith.constant 12 : i32
      "tpu.region"() ({
        %run_scoped3A_120 = tpu.sem_alloc : memref<!tpu.dma_semaphore, #tpu.memory_space<semaphore_mem>>
        %dma_start3A_121 = arith.constant 1536 : i32
        %dma_start3A_122 = tpu.memref_slice %arg11[%dma_start3A_121] : memref<2560xf32, #tpu.memory_space<vmem>> -> memref<128xf32, #tpu.memory_space<vmem>>
        %dma_start3A_123 = arith.constant 0 : i32
        %dma_start3A_124 = tpu.memref_slice %arg12[%run_scoped3A_111, %dma_start3A_123] : memref<20x128xi32, #tpu.memory_space<vmem>> -> memref<1x128xi32, #tpu.memory_space<vmem>>
        %dma_start3A_125 = tpu.memref_squeeze %dma_start3A_124 : memref<1x128xi32, #tpu.memory_space<vmem>> -> memref<128xi32, #tpu.memory_space<vmem>>
        %dma_start3A_126 = arith.constant 0 : i32
        %dma_start3A_127 = tpu.memref_slice %arg14[%dma_start3A_126] : memref<8192xf32, #tpu.memory_space<vmem_shared>> -> memref<8192xf32, #tpu.memory_space<vmem_shared>>
        tpu.enqueue_indirect_dma source(%dma_start3A_122 : memref<128xf32, #tpu.memory_space<vmem>>) target(%dma_start3A_127 : memref<8192xf32, #tpu.memory_space<vmem_shared>>) offsets(%dma_start3A_125 : memref<128xi32, #tpu.memory_space<vmem>>) semaphore(%run_scoped3A_120 : memref<!tpu.dma_semaphore, #tpu.memory_space<semaphore_mem>>) {add = true}
        %dma_wait3A_128 = arith.constant 1536 : i32
        %dma_wait3A_129 = tpu.memref_slice %arg11[%dma_wait3A_128] : memref<2560xf32, #tpu.memory_space<vmem>> -> memref<128xf32, #tpu.memory_space<vmem>>
        %dma_wait3A_130 = arith.constant 0 : i32
        %dma_wait3A_131 = tpu.memref_slice %arg12[%run_scoped3A_111, %dma_wait3A_130] : memref<20x128xi32, #tpu.memory_space<vmem>> -> memref<1x128xi32, #tpu.memory_space<vmem>>
        %dma_wait3A_132 = tpu.memref_squeeze %dma_wait3A_131 : memref<1x128xi32, #tpu.memory_space<vmem>> -> memref<128xi32, #tpu.memory_space<vmem>>
        %dma_wait3A_133 = arith.constant 0 : i32
        %dma_wait3A_134 = tpu.memref_slice %arg14[%dma_wait3A_133] : memref<8192xf32, #tpu.memory_space<vmem_shared>> -> memref<8192xf32, #tpu.memory_space<vmem_shared>>
        tpu.wait_indirect_dma semaphore(%run_scoped3A_120 : memref<!tpu.dma_semaphore, #tpu.memory_space<semaphore_mem>>) src(%dma_wait3A_129 : memref<128xf32, #tpu.memory_space<vmem>>) dst(%dma_wait3A_134 : memref<8192xf32, #tpu.memory_space<vmem_shared>>)
        tpu.yield
      }) : () -> ()
      %run_scoped3A_112 = arith.constant 13 : i32
      "tpu.region"() ({
        %run_scoped3A_120 = tpu.sem_alloc : memref<!tpu.dma_semaphore, #tpu.memory_space<semaphore_mem>>
        %dma_start3A_121 = arith.constant 1664 : i32
        %dma_start3A_122 = tpu.memref_slice %arg11[%dma_start3A_121] : memref<2560xf32, #tpu.memory_space<vmem>> -> memref<128xf32, #tpu.memory_space<vmem>>
        %dma_start3A_123 = arith.constant 0 : i32
        %dma_start3A_124 = tpu.memref_slice %arg12[%run_scoped3A_112, %dma_start3A_123] : memref<20x128xi32, #tpu.memory_space<vmem>> -> memref<1x128xi32, #tpu.memory_space<vmem>>
        %dma_start3A_125 = tpu.memref_squeeze %dma_start3A_124 : memref<1x128xi32, #tpu.memory_space<vmem>> -> memref<128xi32, #tpu.memory_space<vmem>>
        %dma_start3A_126 = arith.constant 0 : i32
        %dma_start3A_127 = tpu.memref_slice %arg14[%dma_start3A_126] : memref<8192xf32, #tpu.memory_space<vmem_shared>> -> memref<8192xf32, #tpu.memory_space<vmem_shared>>
        tpu.enqueue_indirect_dma source(%dma_start3A_122 : memref<128xf32, #tpu.memory_space<vmem>>) target(%dma_start3A_127 : memref<8192xf32, #tpu.memory_space<vmem_shared>>) offsets(%dma_start3A_125 : memref<128xi32, #tpu.memory_space<vmem>>) semaphore(%run_scoped3A_120 : memref<!tpu.dma_semaphore, #tpu.memory_space<semaphore_mem>>) {add = true}
        %dma_wait3A_128 = arith.constant 1664 : i32
        %dma_wait3A_129 = tpu.memref_slice %arg11[%dma_wait3A_128] : memref<2560xf32, #tpu.memory_space<vmem>> -> memref<128xf32, #tpu.memory_space<vmem>>
        %dma_wait3A_130 = arith.constant 0 : i32
        %dma_wait3A_131 = tpu.memref_slice %arg12[%run_scoped3A_112, %dma_wait3A_130] : memref<20x128xi32, #tpu.memory_space<vmem>> -> memref<1x128xi32, #tpu.memory_space<vmem>>
        %dma_wait3A_132 = tpu.memref_squeeze %dma_wait3A_131 : memref<1x128xi32, #tpu.memory_space<vmem>> -> memref<128xi32, #tpu.memory_space<vmem>>
        %dma_wait3A_133 = arith.constant 0 : i32
        %dma_wait3A_134 = tpu.memref_slice %arg14[%dma_wait3A_133] : memref<8192xf32, #tpu.memory_space<vmem_shared>> -> memref<8192xf32, #tpu.memory_space<vmem_shared>>
        tpu.wait_indirect_dma semaphore(%run_scoped3A_120 : memref<!tpu.dma_semaphore, #tpu.memory_space<semaphore_mem>>) src(%dma_wait3A_129 : memref<128xf32, #tpu.memory_space<vmem>>) dst(%dma_wait3A_134 : memref<8192xf32, #tpu.memory_space<vmem_shared>>)
        tpu.yield
      }) : () -> ()
      %run_scoped3A_113 = arith.constant 14 : i32
      "tpu.region"() ({
        %run_scoped3A_120 = tpu.sem_alloc : memref<!tpu.dma_semaphore, #tpu.memory_space<semaphore_mem>>
        %dma_start3A_121 = arith.constant 1792 : i32
        %dma_start3A_122 = tpu.memref_slice %arg11[%dma_start3A_121] : memref<2560xf32, #tpu.memory_space<vmem>> -> memref<128xf32, #tpu.memory_space<vmem>>
        %dma_start3A_123 = arith.constant 0 : i32
        %dma_start3A_124 = tpu.memref_slice %arg12[%run_scoped3A_113, %dma_start3A_123] : memref<20x128xi32, #tpu.memory_space<vmem>> -> memref<1x128xi32, #tpu.memory_space<vmem>>
        %dma_start3A_125 = tpu.memref_squeeze %dma_start3A_124 : memref<1x128xi32, #tpu.memory_space<vmem>> -> memref<128xi32, #tpu.memory_space<vmem>>
        %dma_start3A_126 = arith.constant 0 : i32
        %dma_start3A_127 = tpu.memref_slice %arg14[%dma_start3A_126] : memref<8192xf32, #tpu.memory_space<vmem_shared>> -> memref<8192xf32, #tpu.memory_space<vmem_shared>>
        tpu.enqueue_indirect_dma source(%dma_start3A_122 : memref<128xf32, #tpu.memory_space<vmem>>) target(%dma_start3A_127 : memref<8192xf32, #tpu.memory_space<vmem_shared>>) offsets(%dma_start3A_125 : memref<128xi32, #tpu.memory_space<vmem>>) semaphore(%run_scoped3A_120 : memref<!tpu.dma_semaphore, #tpu.memory_space<semaphore_mem>>) {add = true}
        %dma_wait3A_128 = arith.constant 1792 : i32
        %dma_wait3A_129 = tpu.memref_slice %arg11[%dma_wait3A_128] : memref<2560xf32, #tpu.memory_space<vmem>> -> memref<128xf32, #tpu.memory_space<vmem>>
        %dma_wait3A_130 = arith.constant 0 : i32
        %dma_wait3A_131 = tpu.memref_slice %arg12[%run_scoped3A_113, %dma_wait3A_130] : memref<20x128xi32, #tpu.memory_space<vmem>> -> memref<1x128xi32, #tpu.memory_space<vmem>>
        %dma_wait3A_132 = tpu.memref_squeeze %dma_wait3A_131 : memref<1x128xi32, #tpu.memory_space<vmem>> -> memref<128xi32, #tpu.memory_space<vmem>>
        %dma_wait3A_133 = arith.constant 0 : i32
        %dma_wait3A_134 = tpu.memref_slice %arg14[%dma_wait3A_133] : memref<8192xf32, #tpu.memory_space<vmem_shared>> -> memref<8192xf32, #tpu.memory_space<vmem_shared>>
        tpu.wait_indirect_dma semaphore(%run_scoped3A_120 : memref<!tpu.dma_semaphore, #tpu.memory_space<semaphore_mem>>) src(%dma_wait3A_129 : memref<128xf32, #tpu.memory_space<vmem>>) dst(%dma_wait3A_134 : memref<8192xf32, #tpu.memory_space<vmem_shared>>)
        tpu.yield
      }) : () -> ()
      %run_scoped3A_114 = arith.constant 15 : i32
      "tpu.region"() ({
        %run_scoped3A_120 = tpu.sem_alloc : memref<!tpu.dma_semaphore, #tpu.memory_space<semaphore_mem>>
        %dma_start3A_121 = arith.constant 1920 : i32
        %dma_start3A_122 = tpu.memref_slice %arg11[%dma_start3A_121] : memref<2560xf32, #tpu.memory_space<vmem>> -> memref<128xf32, #tpu.memory_space<vmem>>
        %dma_start3A_123 = arith.constant 0 : i32
        %dma_start3A_124 = tpu.memref_slice %arg12[%run_scoped3A_114, %dma_start3A_123] : memref<20x128xi32, #tpu.memory_space<vmem>> -> memref<1x128xi32, #tpu.memory_space<vmem>>
        %dma_start3A_125 = tpu.memref_squeeze %dma_start3A_124 : memref<1x128xi32, #tpu.memory_space<vmem>> -> memref<128xi32, #tpu.memory_space<vmem>>
        %dma_start3A_126 = arith.constant 0 : i32
        %dma_start3A_127 = tpu.memref_slice %arg14[%dma_start3A_126] : memref<8192xf32, #tpu.memory_space<vmem_shared>> -> memref<8192xf32, #tpu.memory_space<vmem_shared>>
        tpu.enqueue_indirect_dma source(%dma_start3A_122 : memref<128xf32, #tpu.memory_space<vmem>>) target(%dma_start3A_127 : memref<8192xf32, #tpu.memory_space<vmem_shared>>) offsets(%dma_start3A_125 : memref<128xi32, #tpu.memory_space<vmem>>) semaphore(%run_scoped3A_120 : memref<!tpu.dma_semaphore, #tpu.memory_space<semaphore_mem>>) {add = true}
        %dma_wait3A_128 = arith.constant 1920 : i32
        %dma_wait3A_129 = tpu.memref_slice %arg11[%dma_wait3A_128] : memref<2560xf32, #tpu.memory_space<vmem>> -> memref<128xf32, #tpu.memory_space<vmem>>
        %dma_wait3A_130 = arith.constant 0 : i32
        %dma_wait3A_131 = tpu.memref_slice %arg12[%run_scoped3A_114, %dma_wait3A_130] : memref<20x128xi32, #tpu.memory_space<vmem>> -> memref<1x128xi32, #tpu.memory_space<vmem>>
        %dma_wait3A_132 = tpu.memref_squeeze %dma_wait3A_131 : memref<1x128xi32, #tpu.memory_space<vmem>> -> memref<128xi32, #tpu.memory_space<vmem>>
        %dma_wait3A_133 = arith.constant 0 : i32
        %dma_wait3A_134 = tpu.memref_slice %arg14[%dma_wait3A_133] : memref<8192xf32, #tpu.memory_space<vmem_shared>> -> memref<8192xf32, #tpu.memory_space<vmem_shared>>
        tpu.wait_indirect_dma semaphore(%run_scoped3A_120 : memref<!tpu.dma_semaphore, #tpu.memory_space<semaphore_mem>>) src(%dma_wait3A_129 : memref<128xf32, #tpu.memory_space<vmem>>) dst(%dma_wait3A_134 : memref<8192xf32, #tpu.memory_space<vmem_shared>>)
        tpu.yield
      }) : () -> ()
      %run_scoped3A_115 = arith.constant 16 : i32
      "tpu.region"() ({
        %run_scoped3A_120 = tpu.sem_alloc : memref<!tpu.dma_semaphore, #tpu.memory_space<semaphore_mem>>
        %dma_start3A_121 = arith.constant 2048 : i32
        %dma_start3A_122 = tpu.memref_slice %arg11[%dma_start3A_121] : memref<2560xf32, #tpu.memory_space<vmem>> -> memref<128xf32, #tpu.memory_space<vmem>>
        %dma_start3A_123 = arith.constant 0 : i32
        %dma_start3A_124 = tpu.memref_slice %arg12[%run_scoped3A_115, %dma_start3A_123] : memref<20x128xi32, #tpu.memory_space<vmem>> -> memref<1x128xi32, #tpu.memory_space<vmem>>
        %dma_start3A_125 = tpu.memref_squeeze %dma_start3A_124 : memref<1x128xi32, #tpu.memory_space<vmem>> -> memref<128xi32, #tpu.memory_space<vmem>>
        %dma_start3A_126 = arith.constant 0 : i32
        %dma_start3A_127 = tpu.memref_slice %arg14[%dma_start3A_126] : memref<8192xf32, #tpu.memory_space<vmem_shared>> -> memref<8192xf32, #tpu.memory_space<vmem_shared>>
        tpu.enqueue_indirect_dma source(%dma_start3A_122 : memref<128xf32, #tpu.memory_space<vmem>>) target(%dma_start3A_127 : memref<8192xf32, #tpu.memory_space<vmem_shared>>) offsets(%dma_start3A_125 : memref<128xi32, #tpu.memory_space<vmem>>) semaphore(%run_scoped3A_120 : memref<!tpu.dma_semaphore, #tpu.memory_space<semaphore_mem>>) {add = true}
        %dma_wait3A_128 = arith.constant 2048 : i32
        %dma_wait3A_129 = tpu.memref_slice %arg11[%dma_wait3A_128] : memref<2560xf32, #tpu.memory_space<vmem>> -> memref<128xf32, #tpu.memory_space<vmem>>
        %dma_wait3A_130 = arith.constant 0 : i32
        %dma_wait3A_131 = tpu.memref_slice %arg12[%run_scoped3A_115, %dma_wait3A_130] : memref<20x128xi32, #tpu.memory_space<vmem>> -> memref<1x128xi32, #tpu.memory_space<vmem>>
        %dma_wait3A_132 = tpu.memref_squeeze %dma_wait3A_131 : memref<1x128xi32, #tpu.memory_space<vmem>> -> memref<128xi32, #tpu.memory_space<vmem>>
        %dma_wait3A_133 = arith.constant 0 : i32
        %dma_wait3A_134 = tpu.memref_slice %arg14[%dma_wait3A_133] : memref<8192xf32, #tpu.memory_space<vmem_shared>> -> memref<8192xf32, #tpu.memory_space<vmem_shared>>
        tpu.wait_indirect_dma semaphore(%run_scoped3A_120 : memref<!tpu.dma_semaphore, #tpu.memory_space<semaphore_mem>>) src(%dma_wait3A_129 : memref<128xf32, #tpu.memory_space<vmem>>) dst(%dma_wait3A_134 : memref<8192xf32, #tpu.memory_space<vmem_shared>>)
        tpu.yield
      }) : () -> ()
      %run_scoped3A_116 = arith.constant 17 : i32
      "tpu.region"() ({
        %run_scoped3A_120 = tpu.sem_alloc : memref<!tpu.dma_semaphore, #tpu.memory_space<semaphore_mem>>
        %dma_start3A_121 = arith.constant 2176 : i32
        %dma_start3A_122 = tpu.memref_slice %arg11[%dma_start3A_121] : memref<2560xf32, #tpu.memory_space<vmem>> -> memref<128xf32, #tpu.memory_space<vmem>>
        %dma_start3A_123 = arith.constant 0 : i32
        %dma_start3A_124 = tpu.memref_slice %arg12[%run_scoped3A_116, %dma_start3A_123] : memref<20x128xi32, #tpu.memory_space<vmem>> -> memref<1x128xi32, #tpu.memory_space<vmem>>
        %dma_start3A_125 = tpu.memref_squeeze %dma_start3A_124 : memref<1x128xi32, #tpu.memory_space<vmem>> -> memref<128xi32, #tpu.memory_space<vmem>>
        %dma_start3A_126 = arith.constant 0 : i32
        %dma_start3A_127 = tpu.memref_slice %arg14[%dma_start3A_126] : memref<8192xf32, #tpu.memory_space<vmem_shared>> -> memref<8192xf32, #tpu.memory_space<vmem_shared>>
        tpu.enqueue_indirect_dma source(%dma_start3A_122 : memref<128xf32, #tpu.memory_space<vmem>>) target(%dma_start3A_127 : memref<8192xf32, #tpu.memory_space<vmem_shared>>) offsets(%dma_start3A_125 : memref<128xi32, #tpu.memory_space<vmem>>) semaphore(%run_scoped3A_120 : memref<!tpu.dma_semaphore, #tpu.memory_space<semaphore_mem>>) {add = true}
        %dma_wait3A_128 = arith.constant 2176 : i32
        %dma_wait3A_129 = tpu.memref_slice %arg11[%dma_wait3A_128] : memref<2560xf32, #tpu.memory_space<vmem>> -> memref<128xf32, #tpu.memory_space<vmem>>
        %dma_wait3A_130 = arith.constant 0 : i32
        %dma_wait3A_131 = tpu.memref_slice %arg12[%run_scoped3A_116, %dma_wait3A_130] : memref<20x128xi32, #tpu.memory_space<vmem>> -> memref<1x128xi32, #tpu.memory_space<vmem>>
        %dma_wait3A_132 = tpu.memref_squeeze %dma_wait3A_131 : memref<1x128xi32, #tpu.memory_space<vmem>> -> memref<128xi32, #tpu.memory_space<vmem>>
        %dma_wait3A_133 = arith.constant 0 : i32
        %dma_wait3A_134 = tpu.memref_slice %arg14[%dma_wait3A_133] : memref<8192xf32, #tpu.memory_space<vmem_shared>> -> memref<8192xf32, #tpu.memory_space<vmem_shared>>
        tpu.wait_indirect_dma semaphore(%run_scoped3A_120 : memref<!tpu.dma_semaphore, #tpu.memory_space<semaphore_mem>>) src(%dma_wait3A_129 : memref<128xf32, #tpu.memory_space<vmem>>) dst(%dma_wait3A_134 : memref<8192xf32, #tpu.memory_space<vmem_shared>>)
        tpu.yield
      }) : () -> ()
      %run_scoped3A_117 = arith.constant 18 : i32
      "tpu.region"() ({
        %run_scoped3A_120 = tpu.sem_alloc : memref<!tpu.dma_semaphore, #tpu.memory_space<semaphore_mem>>
        %dma_start3A_121 = arith.constant 2304 : i32
        %dma_start3A_122 = tpu.memref_slice %arg11[%dma_start3A_121] : memref<2560xf32, #tpu.memory_space<vmem>> -> memref<128xf32, #tpu.memory_space<vmem>>
        %dma_start3A_123 = arith.constant 0 : i32
        %dma_start3A_124 = tpu.memref_slice %arg12[%run_scoped3A_117, %dma_start3A_123] : memref<20x128xi32, #tpu.memory_space<vmem>> -> memref<1x128xi32, #tpu.memory_space<vmem>>
        %dma_start3A_125 = tpu.memref_squeeze %dma_start3A_124 : memref<1x128xi32, #tpu.memory_space<vmem>> -> memref<128xi32, #tpu.memory_space<vmem>>
        %dma_start3A_126 = arith.constant 0 : i32
        %dma_start3A_127 = tpu.memref_slice %arg14[%dma_start3A_126] : memref<8192xf32, #tpu.memory_space<vmem_shared>> -> memref<8192xf32, #tpu.memory_space<vmem_shared>>
        tpu.enqueue_indirect_dma source(%dma_start3A_122 : memref<128xf32, #tpu.memory_space<vmem>>) target(%dma_start3A_127 : memref<8192xf32, #tpu.memory_space<vmem_shared>>) offsets(%dma_start3A_125 : memref<128xi32, #tpu.memory_space<vmem>>) semaphore(%run_scoped3A_120 : memref<!tpu.dma_semaphore, #tpu.memory_space<semaphore_mem>>) {add = true}
        %dma_wait3A_128 = arith.constant 2304 : i32
        %dma_wait3A_129 = tpu.memref_slice %arg11[%dma_wait3A_128] : memref<2560xf32, #tpu.memory_space<vmem>> -> memref<128xf32, #tpu.memory_space<vmem>>
        %dma_wait3A_130 = arith.constant 0 : i32
        %dma_wait3A_131 = tpu.memref_slice %arg12[%run_scoped3A_117, %dma_wait3A_130] : memref<20x128xi32, #tpu.memory_space<vmem>> -> memref<1x128xi32, #tpu.memory_space<vmem>>
        %dma_wait3A_132 = tpu.memref_squeeze %dma_wait3A_131 : memref<1x128xi32, #tpu.memory_space<vmem>> -> memref<128xi32, #tpu.memory_space<vmem>>
        %dma_wait3A_133 = arith.constant 0 : i32
        %dma_wait3A_134 = tpu.memref_slice %arg14[%dma_wait3A_133] : memref<8192xf32, #tpu.memory_space<vmem_shared>> -> memref<8192xf32, #tpu.memory_space<vmem_shared>>
        tpu.wait_indirect_dma semaphore(%run_scoped3A_120 : memref<!tpu.dma_semaphore, #tpu.memory_space<semaphore_mem>>) src(%dma_wait3A_129 : memref<128xf32, #tpu.memory_space<vmem>>) dst(%dma_wait3A_134 : memref<8192xf32, #tpu.memory_space<vmem_shared>>)
        tpu.yield
      }) : () -> ()
      %run_scoped3A_118 = arith.constant 19 : i32
      "tpu.region"() ({
        %run_scoped3A_120 = tpu.sem_alloc : memref<!tpu.dma_semaphore, #tpu.memory_space<semaphore_mem>>
        %dma_start3A_121 = arith.constant 2432 : i32
        %dma_start3A_122 = tpu.memref_slice %arg11[%dma_start3A_121] : memref<2560xf32, #tpu.memory_space<vmem>> -> memref<128xf32, #tpu.memory_space<vmem>>
        %dma_start3A_123 = arith.constant 0 : i32
        %dma_start3A_124 = tpu.memref_slice %arg12[%run_scoped3A_118, %dma_start3A_123] : memref<20x128xi32, #tpu.memory_space<vmem>> -> memref<1x128xi32, #tpu.memory_space<vmem>>
        %dma_start3A_125 = tpu.memref_squeeze %dma_start3A_124 : memref<1x128xi32, #tpu.memory_space<vmem>> -> memref<128xi32, #tpu.memory_space<vmem>>
        %dma_start3A_126 = arith.constant 0 : i32
        %dma_start3A_127 = tpu.memref_slice %arg14[%dma_start3A_126] : memref<8192xf32, #tpu.memory_space<vmem_shared>> -> memref<8192xf32, #tpu.memory_space<vmem_shared>>
        tpu.enqueue_indirect_dma source(%dma_start3A_122 : memref<128xf32, #tpu.memory_space<vmem>>) target(%dma_start3A_127 : memref<8192xf32, #tpu.memory_space<vmem_shared>>) offsets(%dma_start3A_125 : memref<128xi32, #tpu.memory_space<vmem>>) semaphore(%run_scoped3A_120 : memref<!tpu.dma_semaphore, #tpu.memory_space<semaphore_mem>>) {add = true}
        %dma_wait3A_128 = arith.constant 2432 : i32
        %dma_wait3A_129 = tpu.memref_slice %arg11[%dma_wait3A_128] : memref<2560xf32, #tpu.memory_space<vmem>> -> memref<128xf32, #tpu.memory_space<vmem>>
        %dma_wait3A_130 = arith.constant 0 : i32
        %dma_wait3A_131 = tpu.memref_slice %arg12[%run_scoped3A_118, %dma_wait3A_130] : memref<20x128xi32, #tpu.memory_space<vmem>> -> memref<1x128xi32, #tpu.memory_space<vmem>>
        %dma_wait3A_132 = tpu.memref_squeeze %dma_wait3A_131 : memref<1x128xi32, #tpu.memory_space<vmem>> -> memref<128xi32, #tpu.memory_space<vmem>>
        %dma_wait3A_133 = arith.constant 0 : i32
        %dma_wait3A_134 = tpu.memref_slice %arg14[%dma_wait3A_133] : memref<8192xf32, #tpu.memory_space<vmem_shared>> -> memref<8192xf32, #tpu.memory_space<vmem_shared>>
        tpu.wait_indirect_dma semaphore(%run_scoped3A_120 : memref<!tpu.dma_semaphore, #tpu.memory_space<semaphore_mem>>) src(%dma_wait3A_129 : memref<128xf32, #tpu.memory_space<vmem>>) dst(%dma_wait3A_134 : memref<8192xf32, #tpu.memory_space<vmem_shared>>)
        tpu.yield
      }) : () -> ()
      %scan3A_119 = arith.constant 0 : i32
      scf.yield %scan3A_119 : i32
    }
    %scan3A_58 = arith.constant 8 : i32
    %barrier3A_59 = arith.constant 0 : index
    tpu.barrier barrier_id(%barrier3A_59)
    %eq3A_60 = arith.constant 0 : i32
    %eq3A_61 = arith.cmpi eq, %arg1, %eq3A_60 : i32
    %convert_element_type3A = arith.extui %eq3A_61 : i1 to i32
    %cond3A = arith.constant 0 : i32
    %cond3A_62 = arith.cmpi ne, %convert_element_type3A, %cond3A : i32
    scf.if %cond3A_62 {
      "tpu.region"() ({
        %run_scoped3A = tpu.sem_alloc : memref<!tpu.dma_semaphore, #tpu.memory_space<semaphore_mem>>
        %dma_start3A = arith.constant 0 : i32
        %dma_start3A_63 = tpu.memref_slice %arg6[%arg0, %dma_start3A] : memref<2x8192xf32, #tpu.memory_space<hbm>> -> memref<1x8192xf32, #tpu.memory_space<hbm>>
        %dma_start3A_64 = tpu.memref_squeeze %dma_start3A_63 : memref<1x8192xf32, #tpu.memory_space<hbm>> -> memref<8192xf32, #tpu.memory_space<hbm>>
        tpu.enqueue_dma source(%arg14 : memref<8192xf32, #tpu.memory_space<vmem_shared>>) target(%dma_start3A_64 : memref<8192xf32, #tpu.memory_space<hbm>>) target_semaphore(%run_scoped3A : memref<!tpu.dma_semaphore, #tpu.memory_space<semaphore_mem>>)
        %dma_wait3A = arith.constant 0 : i32
        %dma_wait3A_65 = tpu.memref_slice %arg6[%arg0, %dma_wait3A] : memref<2x8192xf32, #tpu.memory_space<hbm>> -> memref<1x8192xf32, #tpu.memory_space<hbm>>
        %dma_wait3A_66 = tpu.memref_squeeze %dma_wait3A_65 : memref<1x8192xf32, #tpu.memory_space<hbm>> -> memref<8192xf32, #tpu.memory_space<hbm>>
        tpu.wait_dma2 semaphore(%run_scoped3A : memref<!tpu.dma_semaphore, #tpu.memory_space<semaphore_mem>>) src(%arg14 : memref<8192xf32, #tpu.memory_space<vmem_shared>>) dst(%dma_wait3A_66 : memref<8192xf32, #tpu.memory_space<hbm>>)
        tpu.yield
      }) : () -> ()
    } else {
    }
    return
  }
}

module attributes {stable_mosaic.version = 14 : i64} {
  func.func @_proj_body(%arg0: i32, %arg1: memref<1x5000x128xf32, #tpu.memory_space<vmem>>, %arg2: memref<128x16xf32, #tpu.memory_space<vmem>>, %arg3: memref<16xf32, #tpu.memory_space<vmem>>, %arg4: memref<16xf32, #tpu.memory_space<vmem>>, %arg5: memref<1x5000x16xf32, #tpu.memory_space<vmem>>, %arg6: memref<1x5000x1xf32, #tpu.memory_space<vmem>>, %arg7: memref<1x5000x1xf32, #tpu.memory_space<vmem>>) attributes {dimension_semantics = [#tpu.dimension_semantics<arbitrary>], iteration_bounds = array<i64: 4>, scalar_prefetch = 0 : i64, scratch_operands = 0 : i64, tpu.core_type = #tpu.core_type<tc>, window_params = [{transform_indices = @transform_0, window_bounds = array<i64: 1, 5000, 128>}, {pipeline_mode = #tpu.pipeline_mode<synchronous>, transform_indices = @transform_1, window_bounds = array<i64: 128, 16>}, {pipeline_mode = #tpu.pipeline_mode<synchronous>, transform_indices = @transform_2, window_bounds = array<i64: 16>}, {pipeline_mode = #tpu.pipeline_mode<synchronous>, transform_indices = @transform_3, window_bounds = array<i64: 16>}, {transform_indices = @transform_4, window_bounds = array<i64: 1, 5000, 16>}, {transform_indices = @transform_5, window_bounds = array<i64: 1, 5000, 1>}, {transform_indices = @transform_6, window_bounds = array<i64: 1, 5000, 1>}]} {
    %get3A = arith.constant 0 : index
    %get3A_0 = arith.constant 0 : index
    %get3A_1 = arith.constant 0 : index
    %get3A_2 = vector.load %arg1[%get3A, %get3A_0, %get3A_1] : memref<1x5000x128xf32, #tpu.memory_space<vmem>>, vector<1x5000x128xf32>
    %get3A_3 = vector.shape_cast %get3A_2 : vector<1x5000x128xf32> to vector<5000x128xf32>
    %get3A_4 = arith.constant 0 : index
    %get3A_5 = arith.constant 0 : index
    %get3A_6 = vector.load %arg2[%get3A_4, %get3A_5] : memref<128x16xf32, #tpu.memory_space<vmem>>, vector<128x16xf32>
    %dot_general3A = arith.constant dense<0.000000e+00> : vector<5000x16xf32>
    %dot_general3A_7 = tpu.matmul %get3A_3, %get3A_6, %dot_general3A {dimension_numbers = #tpu.dot_dimension_numbers<[1], [0], [0], [1], [0, 0, 1, 1], [], []>, transpose_lhs_hint = false} : vector<5000x128xf32>, vector<128x16xf32>, vector<5000x16xf32> -> vector<5000x16xf32>
    %swap3A = arith.constant 0 : index
    %swap3A_8 = arith.constant 0 : index
    %swap3A_9 = arith.constant 0 : index
    %swap3A_10 = vector.load %arg5[%swap3A, %swap3A_8, %swap3A_9] : memref<1x5000x16xf32, #tpu.memory_space<vmem>>, vector<1x5000x16xf32>
    %swap3A_11 = vector.shape_cast %swap3A_10 : vector<1x5000x16xf32> to vector<5000x16xf32>
    %swap3A_12 = vector.shape_cast %dot_general3A_7 : vector<5000x16xf32> to vector<1x5000x16xf32>
    tpu.vector_store %arg5[%swap3A, %swap3A_8, %swap3A_9], %swap3A_12 {strides = array<i32>} : memref<1x5000x16xf32, #tpu.memory_space<vmem>>, vector<1x5000x16xf32>,
    %get3A_13 = arith.constant 0 : index
    %get3A_14 = vector.load %arg3[%get3A_13] : memref<16xf32, #tpu.memory_space<vmem>>, vector<16xf32>
    %broadcast_in_dim3A = vector.shape_cast %get3A_14 : vector<16xf32> to vector<16x1xf32>
    %dot_general3A_15 = arith.constant dense<0.000000e+00> : vector<5000x1xf32>
    %dot_general3A_16 = tpu.matmul %dot_general3A_7, %broadcast_in_dim3A, %dot_general3A_15 {dimension_numbers = #tpu.dot_dimension_numbers<[1], [0], [0], [1], [0, 0, 1, 1], [], []>, transpose_lhs_hint = false} : vector<5000x16xf32>, vector<16x1xf32>, vector<5000x1xf32> -> vector<5000x1xf32>
    %swap3A_17 = arith.constant 0 : index
    %swap3A_18 = arith.constant 0 : index
    %swap3A_19 = arith.constant 0 : index
    %swap3A_20 = vector.load %arg6[%swap3A_17, %swap3A_18, %swap3A_19] : memref<1x5000x1xf32, #tpu.memory_space<vmem>>, vector<1x5000x1xf32>
    %swap3A_21 = vector.shape_cast %swap3A_20 : vector<1x5000x1xf32> to vector<5000x1xf32>
    %swap3A_22 = vector.shape_cast %dot_general3A_16 : vector<5000x1xf32> to vector<1x5000x1xf32>
    tpu.vector_store %arg6[%swap3A_17, %swap3A_18, %swap3A_19], %swap3A_22 {strides = array<i32>} : memref<1x5000x1xf32, #tpu.memory_space<vmem>>, vector<1x5000x1xf32>,
    %get3A_23 = arith.constant 0 : index
    %get3A_24 = vector.load %arg4[%get3A_23] : memref<16xf32, #tpu.memory_space<vmem>>, vector<16xf32>
    %broadcast_in_dim3A_25 = vector.shape_cast %get3A_24 : vector<16xf32> to vector<16x1xf32>
    %dot_general3A_26 = arith.constant dense<0.000000e+00> : vector<5000x1xf32>
    %dot_general3A_27 = tpu.matmul %dot_general3A_7, %broadcast_in_dim3A_25, %dot_general3A_26 {dimension_numbers = #tpu.dot_dimension_numbers<[1], [0], [0], [1], [0, 0, 1, 1], [], []>, transpose_lhs_hint = false} : vector<5000x16xf32>, vector<16x1xf32>, vector<5000x1xf32> -> vector<5000x1xf32>
    %swap3A_28 = arith.constant 0 : index
    %swap3A_29 = arith.constant 0 : index
    %swap3A_30 = arith.constant 0 : index
    %swap3A_31 = vector.load %arg7[%swap3A_28, %swap3A_29, %swap3A_30] : memref<1x5000x1xf32, #tpu.memory_space<vmem>>, vector<1x5000x1xf32>
    %swap3A_32 = vector.shape_cast %swap3A_31 : vector<1x5000x1xf32> to vector<5000x1xf32>
    %swap3A_33 = vector.shape_cast %dot_general3A_27 : vector<5000x1xf32> to vector<1x5000x1xf32>
    tpu.vector_store %arg7[%swap3A_28, %swap3A_29, %swap3A_30], %swap3A_33 {strides = array<i32>} : memref<1x5000x1xf32, #tpu.memory_space<vmem>>, vector<1x5000x1xf32>,
    return
  }
  func.func @transform_0(%arg0: i32) -> (i32, i32, i32) {
    %c0_i32 = arith.constant 0 : i32
    %c0_i32_0 = arith.constant 0 : i32
    %c0_i32_1 = arith.constant 0 : i32
    return %arg0, %c0_i32, %c0_i32_0 : i32, i32, i32
  }
  func.func @transform_1(%arg0: i32) -> (i32, i32) {
    %c0_i32 = arith.constant 0 : i32
    %c0_i32_0 = arith.constant 0 : i32
    %c0_i32_1 = arith.constant 0 : i32
    return %c0_i32, %c0_i32_0 : i32, i32
  }
  func.func @transform_2(%arg0: i32) -> i32 {
    %c0_i32 = arith.constant 0 : i32
    %c0_i32_0 = arith.constant 0 : i32
    return %c0_i32 : i32
  }
  func.func @transform_3(%arg0: i32) -> i32 {
    %c0_i32 = arith.constant 0 : i32
    %c0_i32_0 = arith.constant 0 : i32
    return %c0_i32 : i32
  }
  func.func @transform_4(%arg0: i32) -> (i32, i32, i32) {
    %c0_i32 = arith.constant 0 : i32
    %c0_i32_0 = arith.constant 0 : i32
    %c0_i32_1 = arith.constant 0 : i32
    return %arg0, %c0_i32, %c0_i32_0 : i32, i32, i32
  }
  func.func @transform_5(%arg0: i32) -> (i32, i32, i32) {
    %c0_i32 = arith.constant 0 : i32
    %c0_i32_0 = arith.constant 0 : i32
    %c0_i32_1 = arith.constant 0 : i32
    return %arg0, %c0_i32, %c0_i32_0 : i32, i32, i32
  }
  func.func @transform_6(%arg0: i32) -> (i32, i32, i32) {
    %c0_i32 = arith.constant 0 : i32
    %c0_i32_0 = arith.constant 0 : i32
    %c0_i32_1 = arith.constant 0 : i32
    return %arg0, %c0_i32, %c0_i32_0 : i32, i32, i32
  }
}

module attributes {stable_mosaic.version = 14 : i64} {
  func.func @_combine_body(%arg0: memref<2000x64xf32, #tpu.memory_space<vmem>>, %arg1: memref<2000x64xf32, #tpu.memory_space<vmem>>, %arg2: memref<2000x64xf32, #tpu.memory_space<vmem>>) attributes {dimension_semantics = [], scalar_prefetch = 0 : i64, scratch_operands = 0 : i64, tpu.core_type = #tpu.core_type<tc>} {
    %get3A = arith.constant 0 : index
    %get3A_0 = arith.constant 0 : index
    %get3A_1 = vector.load %arg0[%get3A, %get3A_0] : memref<2000x64xf32, #tpu.memory_space<vmem>>, vector<2000x64xf32>
    %get3A_2 = arith.constant 0 : index
    %get3A_3 = arith.constant 0 : index
    %get3A_4 = vector.load %arg1[%get3A_2, %get3A_3] : memref<2000x64xf32, #tpu.memory_space<vmem>>, vector<2000x64xf32>
    %add3A = arith.addf %get3A_1, %get3A_4 : vector<2000x64xf32>
    %ge3A = arith.constant 0.000000e+00 : f32
    %ge3A_5 = vector.broadcast %ge3A : f32 to vector<2000x64xf32>
    %ge3A_6 = arith.cmpf oge, %add3A, %ge3A_5 : vector<2000x64xf32>
    %mul3A = arith.constant 0.00999999977 : f32
    %mul3A_7 = vector.broadcast %mul3A : f32 to vector<2000x64xf32>
    %mul3A_8 = arith.mulf %mul3A_7, %add3A : vector<2000x64xf32>
    %select_n3A = arith.select %ge3A_6, %add3A, %mul3A_8 : vector<2000x64xi1>, vector<2000x64xf32>
    %swap3A = arith.constant 0 : index
    %swap3A_9 = arith.constant 0 : index
    %swap3A_10 = vector.load %arg2[%swap3A, %swap3A_9] : memref<2000x64xf32, #tpu.memory_space<vmem>>, vector<2000x64xf32>
    tpu.vector_store %arg2[%swap3A, %swap3A_9], %select_n3A {strides = array<i32>} : memref<2000x64xf32, #tpu.memory_space<vmem>>, vector<2000x64xf32>,
    return
  }
}

module attributes {stable_mosaic.version = 14 : i64} {
  func.func @_proj_body(%arg0: i32, %arg1: memref<1x2000x16xf32, #tpu.memory_space<vmem>>, %arg2: memref<16x32xf32, #tpu.memory_space<vmem>>, %arg3: memref<32xf32, #tpu.memory_space<vmem>>, %arg4: memref<32xf32, #tpu.memory_space<vmem>>, %arg5: memref<1x2000x32xf32, #tpu.memory_space<vmem>>, %arg6: memref<1x2000x1xf32, #tpu.memory_space<vmem>>, %arg7: memref<1x2000x1xf32, #tpu.memory_space<vmem>>) attributes {dimension_semantics = [#tpu.dimension_semantics<arbitrary>], iteration_bounds = array<i64: 4>, scalar_prefetch = 0 : i64, scratch_operands = 0 : i64, tpu.core_type = #tpu.core_type<tc>, window_params = [{transform_indices = @transform_0, window_bounds = array<i64: 1, 2000, 16>}, {pipeline_mode = #tpu.pipeline_mode<synchronous>, transform_indices = @transform_1, window_bounds = array<i64: 16, 32>}, {pipeline_mode = #tpu.pipeline_mode<synchronous>, transform_indices = @transform_2, window_bounds = array<i64: 32>}, {pipeline_mode = #tpu.pipeline_mode<synchronous>, transform_indices = @transform_3, window_bounds = array<i64: 32>}, {transform_indices = @transform_4, window_bounds = array<i64: 1, 2000, 32>}, {transform_indices = @transform_5, window_bounds = array<i64: 1, 2000, 1>}, {transform_indices = @transform_6, window_bounds = array<i64: 1, 2000, 1>}]} {
    %get3A = arith.constant 0 : index
    %get3A_0 = arith.constant 0 : index
    %get3A_1 = arith.constant 0 : index
    %get3A_2 = vector.load %arg1[%get3A, %get3A_0, %get3A_1] : memref<1x2000x16xf32, #tpu.memory_space<vmem>>, vector<1x2000x16xf32>
    %get3A_3 = vector.shape_cast %get3A_2 : vector<1x2000x16xf32> to vector<2000x16xf32>
    %get3A_4 = arith.constant 0 : index
    %get3A_5 = arith.constant 0 : index
    %get3A_6 = vector.load %arg2[%get3A_4, %get3A_5] : memref<16x32xf32, #tpu.memory_space<vmem>>, vector<16x32xf32>
    %dot_general3A = arith.constant dense<0.000000e+00> : vector<2000x32xf32>
    %dot_general3A_7 = tpu.matmul %get3A_3, %get3A_6, %dot_general3A {dimension_numbers = #tpu.dot_dimension_numbers<[1], [0], [0], [1], [0, 0, 1, 1], [], []>, transpose_lhs_hint = false} : vector<2000x16xf32>, vector<16x32xf32>, vector<2000x32xf32> -> vector<2000x32xf32>
    %swap3A = arith.constant 0 : index
    %swap3A_8 = arith.constant 0 : index
    %swap3A_9 = arith.constant 0 : index
    %swap3A_10 = vector.load %arg5[%swap3A, %swap3A_8, %swap3A_9] : memref<1x2000x32xf32, #tpu.memory_space<vmem>>, vector<1x2000x32xf32>
    %swap3A_11 = vector.shape_cast %swap3A_10 : vector<1x2000x32xf32> to vector<2000x32xf32>
    %swap3A_12 = vector.shape_cast %dot_general3A_7 : vector<2000x32xf32> to vector<1x2000x32xf32>
    tpu.vector_store %arg5[%swap3A, %swap3A_8, %swap3A_9], %swap3A_12 {strides = array<i32>} : memref<1x2000x32xf32, #tpu.memory_space<vmem>>, vector<1x2000x32xf32>,
    %get3A_13 = arith.constant 0 : index
    %get3A_14 = vector.load %arg3[%get3A_13] : memref<32xf32, #tpu.memory_space<vmem>>, vector<32xf32>
    %broadcast_in_dim3A = vector.shape_cast %get3A_14 : vector<32xf32> to vector<32x1xf32>
    %dot_general3A_15 = arith.constant dense<0.000000e+00> : vector<2000x1xf32>
    %dot_general3A_16 = tpu.matmul %dot_general3A_7, %broadcast_in_dim3A, %dot_general3A_15 {dimension_numbers = #tpu.dot_dimension_numbers<[1], [0], [0], [1], [0, 0, 1, 1], [], []>, transpose_lhs_hint = false} : vector<2000x32xf32>, vector<32x1xf32>, vector<2000x1xf32> -> vector<2000x1xf32>
    %swap3A_17 = arith.constant 0 : index
    %swap3A_18 = arith.constant 0 : index
    %swap3A_19 = arith.constant 0 : index
    %swap3A_20 = vector.load %arg6[%swap3A_17, %swap3A_18, %swap3A_19] : memref<1x2000x1xf32, #tpu.memory_space<vmem>>, vector<1x2000x1xf32>
    %swap3A_21 = vector.shape_cast %swap3A_20 : vector<1x2000x1xf32> to vector<2000x1xf32>
    %swap3A_22 = vector.shape_cast %dot_general3A_16 : vector<2000x1xf32> to vector<1x2000x1xf32>
    tpu.vector_store %arg6[%swap3A_17, %swap3A_18, %swap3A_19], %swap3A_22 {strides = array<i32>} : memref<1x2000x1xf32, #tpu.memory_space<vmem>>, vector<1x2000x1xf32>,
    %get3A_23 = arith.constant 0 : index
    %get3A_24 = vector.load %arg4[%get3A_23] : memref<32xf32, #tpu.memory_space<vmem>>, vector<32xf32>
    %broadcast_in_dim3A_25 = vector.shape_cast %get3A_24 : vector<32xf32> to vector<32x1xf32>
    %dot_general3A_26 = arith.constant dense<0.000000e+00> : vector<2000x1xf32>
    %dot_general3A_27 = tpu.matmul %dot_general3A_7, %broadcast_in_dim3A_25, %dot_general3A_26 {dimension_numbers = #tpu.dot_dimension_numbers<[1], [0], [0], [1], [0, 0, 1, 1], [], []>, transpose_lhs_hint = false} : vector<2000x32xf32>, vector<32x1xf32>, vector<2000x1xf32> -> vector<2000x1xf32>
    %swap3A_28 = arith.constant 0 : index
    %swap3A_29 = arith.constant 0 : index
    %swap3A_30 = arith.constant 0 : index
    %swap3A_31 = vector.load %arg7[%swap3A_28, %swap3A_29, %swap3A_30] : memref<1x2000x1xf32, #tpu.memory_space<vmem>>, vector<1x2000x1xf32>
    %swap3A_32 = vector.shape_cast %swap3A_31 : vector<1x2000x1xf32> to vector<2000x1xf32>
    %swap3A_33 = vector.shape_cast %dot_general3A_27 : vector<2000x1xf32> to vector<1x2000x1xf32>
    tpu.vector_store %arg7[%swap3A_28, %swap3A_29, %swap3A_30], %swap3A_33 {strides = array<i32>} : memref<1x2000x1xf32, #tpu.memory_space<vmem>>, vector<1x2000x1xf32>,
    return
  }
  func.func @transform_0(%arg0: i32) -> (i32, i32, i32) {
    %c0_i32 = arith.constant 0 : i32
    %c0_i32_0 = arith.constant 0 : i32
    %c0_i32_1 = arith.constant 0 : i32
    return %arg0, %c0_i32, %c0_i32_0 : i32, i32, i32
  }
  func.func @transform_1(%arg0: i32) -> (i32, i32) {
    %c0_i32 = arith.constant 0 : i32
    %c0_i32_0 = arith.constant 0 : i32
    %c0_i32_1 = arith.constant 0 : i32
    return %c0_i32, %c0_i32_0 : i32, i32
  }
  func.func @transform_2(%arg0: i32) -> i32 {
    %c0_i32 = arith.constant 0 : i32
    %c0_i32_0 = arith.constant 0 : i32
    return %c0_i32 : i32
  }
  func.func @transform_3(%arg0: i32) -> i32 {
    %c0_i32 = arith.constant 0 : i32
    %c0_i32_0 = arith.constant 0 : i32
    return %c0_i32 : i32
  }
  func.func @transform_4(%arg0: i32) -> (i32, i32, i32) {
    %c0_i32 = arith.constant 0 : i32
    %c0_i32_0 = arith.constant 0 : i32
    %c0_i32_1 = arith.constant 0 : i32
    return %arg0, %c0_i32, %c0_i32_0 : i32, i32, i32
  }
  func.func @transform_5(%arg0: i32) -> (i32, i32, i32) {
    %c0_i32 = arith.constant 0 : i32
    %c0_i32_0 = arith.constant 0 : i32
    %c0_i32_1 = arith.constant 0 : i32
    return %arg0, %c0_i32, %c0_i32_0 : i32, i32, i32
  }
  func.func @transform_6(%arg0: i32) -> (i32, i32, i32) {
    %c0_i32 = arith.constant 0 : i32
    %c0_i32_0 = arith.constant 0 : i32
    %c0_i32_1 = arith.constant 0 : i32
    return %arg0, %c0_i32, %c0_i32_0 : i32, i32, i32
  }
}

module attributes {stable_mosaic.version = 14 : i64} {
  func.func @_combine_body(%arg0: memref<2000x128xf32, #tpu.memory_space<vmem>>, %arg1: memref<2000x128xf32, #tpu.memory_space<vmem>>, %arg2: memref<2000x128xf32, #tpu.memory_space<vmem>>) attributes {dimension_semantics = [], scalar_prefetch = 0 : i64, scratch_operands = 0 : i64, tpu.core_type = #tpu.core_type<tc>} {
    %get3A = arith.constant 0 : index
    %get3A_0 = arith.constant 0 : index
    %get3A_1 = vector.load %arg0[%get3A, %get3A_0] : memref<2000x128xf32, #tpu.memory_space<vmem>>, vector<2000x128xf32>
    %get3A_2 = arith.constant 0 : index
    %get3A_3 = arith.constant 0 : index
    %get3A_4 = vector.load %arg1[%get3A_2, %get3A_3] : memref<2000x128xf32, #tpu.memory_space<vmem>>, vector<2000x128xf32>
    %add3A = arith.addf %get3A_1, %get3A_4 : vector<2000x128xf32>
    %ge3A = arith.constant 0.000000e+00 : f32
    %ge3A_5 = vector.broadcast %ge3A : f32 to vector<2000x128xf32>
    %ge3A_6 = arith.cmpf oge, %add3A, %ge3A_5 : vector<2000x128xf32>
    %mul3A = arith.constant 0.00999999977 : f32
    %mul3A_7 = vector.broadcast %mul3A : f32 to vector<2000x128xf32>
    %mul3A_8 = arith.mulf %mul3A_7, %add3A : vector<2000x128xf32>
    %select_n3A = arith.select %ge3A_6, %add3A, %mul3A_8 : vector<2000x128xi1>, vector<2000x128xf32>
    %swap3A = arith.constant 0 : index
    %swap3A_9 = arith.constant 0 : index
    %swap3A_10 = vector.load %arg2[%swap3A, %swap3A_9] : memref<2000x128xf32, #tpu.memory_space<vmem>>, vector<2000x128xf32>
    tpu.vector_store %arg2[%swap3A, %swap3A_9], %select_n3A {strides = array<i32>} : memref<2000x128xf32, #tpu.memory_space<vmem>>, vector<2000x128xf32>,
    return
  }
}

</mosaic_0001>

<sc_bundles>
// kernel: kernel.10.cloned.1.call-start
scs
__scs_entry_jumppad:
0x0: {  	(pc) =	sbr.rel $0x88, $3  }
0x1: {  	(tag) =	ssettag $0x0;
	lr =	simm.s32 $0x1  }
0x2: {  	[smem:$0x3F96] =	sst lr;
	_ =	strace $0xD0000000  }
0x3: {  	_ = 	snop  }
0x4: {  	_ = 	snop  }
0x5: {  	_ = 	snop  }
0x6: {  	_ = 	snop  }
0x7: {  	_ = 	snop  }
__scs_overlays_trampoline_lowered:
0x8: {  	[smem:$0x3FA5] =	sst s0  }
0x9: {  	[smem:$0x3FA6] =	sst s1  }
0xa: {  	[smem:$0x3FA7] =	sst s2  }
0xb: {  	[smem:$0x3FA8] =	sst s3  }
0xc: {  	[smem:$0x3FA9] =	sst s4  }
0xd: {  	[smem:$0x3FAA] =	sst s5  }
0xe: {  	[smem:$0x3FAB] =	sst s6  }
0xf: {  	[smem:$0x3FAC] =	sst s7  }
0x10: {  	[smem:$0x3FAD] =	sst s8  }
0x11: {  	[smem:$0x3FAE] =	sst s9;
	s0 =	simm.s32 @!p0 $0x0  }
0x12: {  	s1 =	sld [smem:$0x3F94];
	s0 =	simm.s32 @p0 $0x1  }
0x13: {  	[smem:$0x3FAF] =	sst s0;
	s0 =	simm.s32 @!p1 $0x0  }
0x14: {  	s2 =	sld [smem:$0x3F93];
	s0 =	simm.s32 @p1 $0x1  }
0x15: {  	[smem:$0x3FB0] =	sst s0;
	s0 =	simm.s32 @!p2 $0x0  }
0x16: {  	s3 =	sld [smem:$0x3FDB];
	s0 =	simm.s32 @p2 $0x1  }
0x17: {  	s4 =	simm.s32 $0x1BF5;
	[smem:$0x3FB2] =	sst s0  }
0x18: {  	s0 =	sld [smem:$0x3F95];
	_ =	swait.ge [sflag:s4], $0x0  }
0x19: {  	s7 =	sld [smem:$0x3F96]  }
0x1a: {  	s8 =	sadd.s32 $0xFFFFE003, lr  }
0x1b: {  	s9 =	sadd.s32 $0xFFFFFEF7, lr;
	s5 =	simm.s32 $0xFFFFFFFF;
	p2 =	slt.u32 s8, $0xFFFFF086  }
0x1c: {  	p1 =	slt.u32 s9, $0xF7A;
	s5 =	simm.s32 @!p2 $0x0  }
0x1d: {  	s5 =	simm.s32 @p1 $0x1;
	p0 =	seq.s32 s7, s2  }
0x1e: {  	s7 =	smul.u32 @!p0 $0xF7A, s2;
	p2 =	seq.s32 @!p0 s5, $0x0  }
0x1f: {  	s9 =	smul.u32 $0xF7A, s1;
	s8 =	simm.s32 @!p0 $0x1BF5;
	p2 =	por !p2, p0  }
0x20: {  	[sflag:s8] =	ssyncset.s32 @!p0 $0xFFFFF086;
	s6 =	sadd.s32 @!p0 s3, s7;
	s7 =	simm.s32 @!p0 $0x108  }
0x21: {  	s3 =	sadd.s32 s3, s9;
	s6 =	sadd.s32 @!p0 $0x88, s6;
	s7 =	simm.s32 @p2 $0x1082  }
0x22: {  	[simem:s7], [sflag:s8] =	dma.local @!p0 [hbm:s6], $0xF7A  }
0x23: {  	s9 =	sor.u32 $0xD0000000, s2;
	s6 =	simm.s32 $0x108;
	_ =	swait.ge @!p0 [sflag:s8], $0x0  }
0x24: {  	s3 =	sadd.s32 $0x88, s3;
	s6 =	simm.s32 @!p1 $0x1082;
	[sflag:s4] =	ssyncset.s32 $0xFFFFF086  }
0x25: {  	[simem:s6], [sflag:s4] =	dma.local [hbm:s3], $0xF7A  }
0x26: {  	[smem:$0x3F96] =	sst s1;
	(tag) =	ssettag s2;
	_ =	strace s9  }
0x27: {  	s1 =	sld [smem:$0x3FA6]  }
0x28: {  	s2 =	sld [smem:$0x3FA7]  }
0x29: {  	s4 =	sld [smem:$0x3FA9]  }
0x2a: {  	p0 =	seq.s32 s5, $0x0;
	s5 =	sld [smem:$0x3FAA]  }
0x2b: {  	s6 =	sld [smem:$0x3FAB]  }
0x2c: {  	s7 =	sld [smem:$0x3FAC]  }
0x2d: {  	s3 =	simm.s32 $0x108;
	s8 =	sld [smem:$0x3FAD]  }
0x2e: {  	s3 =	simm.s32 @!p0 $0x1082;
	s9 =	sld [smem:$0x3FAE]  }
0x2f: {  	lr =	sadd.s32 s0, s3;
	s0 =	sld [smem:$0x3FA5]  }
0x30: {  	s3 =	sld [smem:$0x3FA8]  }
0x31: {  	[smem:$0x3FB1] =	sst s10  }
0x32: {  	s10 =	sld [smem:$0x3FAF];
	_ =	sdelay $0x3  }
0x33: {  	p0 =	seq.s32 s10, $0x1;
	s10 =	sld [smem:$0x3FB1];
	_ =	sdelay $0x3  }
0x34: {  	[smem:$0x3FB1] =	sst s10  }
0x35: {  	s10 =	sld [smem:$0x3FB0];
	_ =	sdelay $0x3  }
0x36: {  	p1 =	seq.s32 s10, $0x1;
	s10 =	sld [smem:$0x3FB1];
	_ =	sdelay $0x3  }
0x37: {  	[smem:$0x3FB1] =	sst s10  }
0x38: {  	s10 =	sld [smem:$0x3FB2]  }
0x39: {  	_ = 	snop;
	(pc) =	sbr.ind lr, $3  }
0x3a: {  	_ = 	snop  }
0x3b: {  	_ = 	snop  }
0x3c: {  	p2 =	seq.s32 s10, $0x1;
	s10 =	sld [smem:$0x3FB1]  }
0x3d: {  	_ =	shalt  }
0x3e: {  	_ =	shalt  }
0x3f: {  	_ =	shalt  }
0x40: {  	_ =	shalt  }
0x41: {  	_ =	shalt  }
0x42: {  	_ =	shalt  }
0x43: {  	_ =	shalt  }
0x44: {  	_ =	shalt  }
0x45: {  	_ =	shalt  }
0x46: {  	_ =	shalt  }
0x47: {  	_ =	shalt  }
0x48: {  	_ =	shalt  }
0x49: {  	_ =	shalt  }
0x4a: {  	_ =	shalt  }
0x4b: {  	_ =	shalt  }
0x4c: {  	_ =	shalt  }
0x4d: {  	_ =	shalt  }
0x4e: {  	_ =	shalt  }
0x4f: {  	_ =	shalt  }
0x50: {  	_ =	shalt  }
0x51: {  	_ =	shalt  }
0x52: {  	_ =	shalt  }
0x53: {  	_ =	shalt  }
0x54: {  	_ =	shalt  }
0x55: {  	_ =	shalt  }
0x56: {  	_ =	shalt  }
0x57: {  	_ =	shalt  }
0x58: {  	_ =	shalt  }
0x59: {  	_ =	shalt  }
0x5a: {  	_ =	shalt  }
0x5b: {  	_ =	shalt  }
0x5c: {  	_ =	shalt  }
0x5d: {  	_ =	shalt  }
0x5e: {  	_ =	shalt  }
0x5f: {  	_ =	shalt  }
0x60: {  	_ =	shalt  }
0x61: {  	_ =	shalt  }
0x62: {  	_ =	shalt  }
0x63: {  	_ =	shalt  }
0x64: {  	_ =	shalt  }
0x65: {  	_ =	shalt  }
0x66: {  	_ =	shalt  }
0x67: {  	_ =	shalt  }
0x68: {  	_ =	shalt  }
0x69: {  	_ =	shalt  }
0x6a: {  	_ =	shalt  }
0x6b: {  	_ =	shalt  }
0x6c: {  	_ =	shalt  }
0x6d: {  	_ =	shalt  }
0x6e: {  	_ =	shalt  }
0x6f: {  	_ =	shalt  }
0x70: {  	_ =	shalt  }
0x71: {  	_ =	shalt  }
0x72: {  	_ =	shalt  }
0x73: {  	_ =	shalt  }
0x74: {  	_ =	shalt  }
0x75: {  	_ =	shalt  }
0x76: {  	_ =	shalt  }
0x77: {  	_ =	shalt  }
0x78: {  	_ =	shalt  }
0x79: {  	_ =	shalt  }
0x7a: {  	_ =	shalt  }
0x7b: {  	_ =	shalt  }
0x7c: {  	_ =	shalt  }
0x7d: {  	_ =	shalt  }
0x7e: {  	_ =	shalt  }
0x7f: {  	_ =	shalt  }
0x80: {  	_ =	shalt  }
0x81: {  	_ =	shalt  }
0x82: {  	_ =	shalt  }
0x83: {  	_ =	shalt  }
0x84: {  	_ =	shalt  }
0x85: {  	_ =	shalt  }
0x86: {  	_ =	shalt  }
0x87: {  	_ =	shalt  }
.Lfunc_end0:
.L_simem_size_0:
called_computation_lowered:
.L_overlay_start_0:
0x88: {  	s2 =	sld [smem:$0x3FD9]  }
0x89: {  	s3 =	sld [smem:$0x3FFE];
	_ =	sdelay $0x1  }
0x8a: {  	s1 =	srdreg.scid  }
0x8b: {  	s0 =	sand.u32 $0x1, s1  }
0x8c: {  	s17 =	sshll.u32 s0, $0xA;
	s2 =	sadd.s32 s3, s2  }
0x8d: {  	s2 =	sadd.s32 s2, s17  }
0x8e: {  	[smem:$0x3FBD] =	sst s2  }
0x8f: {  	_ = 	snop  }
0x90: {  	s2 =	sld [smem:$0x3FD0];
	(tm) =	ssettm $0x1  }
0x91: {  	s18 =	sld [smem:$0x3FFB];
	_ =	sdelay $0x3  }
0x92: {  	_ =	strace s18  }
0x93: {  	s3 =	sld [smem:$0x3FFC];
	_ =	sdelay $0x3  }
0x94: {  	_ =	strace s3  }
0x95: {  	s3 =	sld [smem:$0x3FFD];
	_ =	sdelay $0x3  }
0x96: {  	_ =	strace s3  }
0x97: {  	_ =	strace $0x8FFFFFFF  }
0x98: {  	s19 =	sld [smem:$0x3FDB];
	_ =	sdelay $0x1  }
0x99: {  	s4 =	simm.s32 $_scs_section_size  }
0x9a: {  	s5 =	simm.s32 $_size__tile_overlayer_lowered;
	s6 =	simm.s32 $_tile_overlayer_lowered  }
0x9b: {  	s22 =	simm.s32 $0x1BFF;
	s21 =	sshll.u32 s6, $0x1;
	s3 =	sadd.s32 s4, s19  }
0x9c: {  	s7 =	simm.s32 $0x0;
	s20 =	sshll.u32 s5, $0x1;
	s5 =	sadd.s32 s21, s3  }
0x9d: {  	[timem:s7], [sflag:s22] =	dma.local [hbm:s5], s20  }
0x9e: {  	_ =	swait.ge [sflag:s22], s20  }
0x9f: {  	s4 =	ssub.s32 $0x0, s20;
	[sflag:s22] =	ssyncset.done $0x0  }
0xa0: {  	[sflag:s22] =	ssyncadd.s32 s4;
	_ =	sdelay $0x1  }
0xa1: {  	s23 =	simm.s32 $0x1B8B  }
0xa2: {  	_ =	swait.ge [sflag:s23], $0x1  }
0xa3: {  	[sflag:s23] =	ssyncset.done $0x0  }
0xa4: {  	s25 =	simm.s32 $0x1B8E;
	s24 =	sld [smem:$0x3FFE];
	[sflag:s23] =	ssyncadd.s32 $0xFFFFFFFF  }
0xa5: {  	s26 =	simm.s32 $execute0_lowered;
	[smem:$0x3FD2] =	sst s25  }
0xa6: {  	s5 =	sshll.u32 s26, $0x1;
	_ =	strace $0x80000046;
	[dreg:$0x1] =	wrdreg $0xFFFFFFFF  }
0xa7: {  	s28 =	simm.s32 $_size_execute0_lowered;
	s3 =	sadd.s32 s3, s5;
	[dreg:$0x0] =	wrdreg $0x0  }
0xa8: {  	s5 =	sshll.u32 s28, $0x1;
	[dreg:$0x2] =	wrdreg s3  }
0xa9: {  	[dreg:$0x3] =	wrdreg s5  }
0xaa: {  	[dreg:$0x4] =	wrdreg $0xC0  }
0xab: {  	_ =	task [dreg:s7], $0x5FFFF  }
0xac: {  	[dreg:$0x1] =	wrdreg $0xFFFFFFFF  }
0xad: {  	[dreg:$0x0] =	wrdreg $0x60  }
0xae: {  	[dreg:$0x2] =	wrdreg s24  }
0xaf: {  	[dreg:$0x3] =	wrdreg s2  }
0xb0: {  	[dreg:$0x4] =	wrdreg $0xBA300  }
0xb1: {  	[dreg:$0x5] =	wrdreg $0x9  }
0xb2: {  	_ =	task.clear_ibuf [dreg:s7], $0x6FFFF;
	_ =	strace $0x90000046  }
0xb3: {  	s29 =	simm.s32 $0x9;
	_ =	strace $0x80000048  }
0xb4: {  	_ =	swait.ge [sflag:s29], $0x1  }
0xb5: {  	[sflag:s29] =	ssyncadd.s32 $0xFFFFFFFF  }
0xb6: {  	_ =	strace $0x90000048  }
0xb7: {  	_ =	sfence  }
0xb8: {  	s30 =	sld [smem:$0x0];
	_ =	sdelay $0x2  }
0xb9: {  	s31 =	sshll.u32 s1, $0xD;
	s1 =	sshrl.u32 s1, $0x2  }
0xba: {  	s3 =	sand.u32 $0x4000, s31;
	s1 =	sadd.s32 s1, s30  }
0xbb: {  	s0 =	sor.u32 s3, s0;
	s1 =	sshll.u32 s1, $0x11  }
0xbc: {  	s0 =	sor.u32 s1, s0  }
0xbd: {  	s0 =	sadd.s32 $0x8F2B, s0  }
0xbe: {  	[sflag:s0] =	ssyncadd.remote.s32 $0x1  }
0xbf: {  	_ =	sfence.sel $0xFFFF  }
0xc0: {  	[dreg:$0x0] =	wrdreg $0xFFFFFFFF;
	(pc) =	sbr.abs _section_cstart, $3  }
0xc1: {  	[dreg:$0x1] =	wrdreg $0xFFFFFFFF  }
0xc2: {  	_ =	task.clear_ibuf [dreg:s7], $0x2FFFF;
	_ =	strace $0x9FFFFFFF  }
0xc3: {  	(tm) =	ssettm $0x7FFFFFFF  }
tec
execute0_lowered:
.L_overlay_start_1:
0x0: {  	(tag) =	ssettag $0x1  }
0x1: {  	s0 =	rddreg [dreg:$0x0]  }
0x2: {  	s2 =	rddreg [dreg:$0x2]  }
0x3: {  	s3 =	simm.s32 $0x0;
	s1 =	srdreg.scid;
	s9 =	stileid.u32  }
0x4: {  	s12 =	simm.s32 $0x2;
	s13 =	simm.s32 $0x4E20;
	s15 =	simm.s32 $0x9C40  }
0x5: {  	s16 =	simm.s32 $0x9EC0;
	s17 =	simm.s32 $0x1;
	s18 =	simm.s32 $0xA140  }
0x6: {  	s19 =	simm.s32 $0x80;
	s14 =	simm.s32 $0xA940;
	s10 =	simm.s32 $0xB440  }
0x7: {  	s11 =	simm.s32 $0xAA40;
	s20 =	simm.s32 $0xAAC0;
	s23 =	simm.s32 $0x0  }
0x8: {  	[smem:$0x7FF] =	sst s3;
	s1 =	sand.u32 $0x1, s1;
	s5 =	sadd.s32 $0x3A00, s0  }
0x9: {  	s6 =	smul.u32 $0x13C0, s9;
	s7 =	sadd.s32 $0x3000, s0;
	p0 =	sne.s32 s9, $0x0  }
0xa: {  	s9 =	simm.s32 $0xA9C0;
	s4 =	smul.u32 $0x9E0, s1;
	_ =	strace $0x80000047  }
0xb: {  	[dreg:$0x4] =	wrdreg s7;
	s7 =	sadd.s32 $0x17400, s0;
	s8 =	ssub.s32 $0x2, s1  }
0xc: {  	v3 =	vlaneseq.u32;
	s29 =	sshrl.u32 s8, $0x1;
	s6 =	sshrl.u32 s6, $0x2;
	s0 =	sadd.s32 s4, s0  }
0xd: {  	v0 =	vand.u32 $0x3, v3;
	s4 =	ssub.s32 s8, s29;
	s8 =	sshll.u32 s1, $0x4;
	s30 =	sadd.s32 s6, s2  }
0xe: {  	v1 =	vmul.u32 $0x13C0, v0;
	s1 =	simm.s32 $0xB340;
	[dreg:$0x5] =	wrdreg s30;
	s0 =	sadd.s32 $0x3E600, s0  }
0xf: {  	s6 =	simm.s32 $0xB3C0;
	s31 =	smax.u32 s4, $0x1;
	[dreg:$0x6] =	wrdreg s0  }
0x10: {  	v2 =	vimm.f32 $0.0e+00;
	v3 =	vshrl.u32 v3, $0x2;
	v4 =	vadd.s32 $0x1388, v1;
	s4 =	simm.s32 $0xB4C0;
	[dreg:$0x7] =	wrdreg s31;
	s0 =	simm.s32 $0xA8C0  }
.LBB2_1:
0x11: {  	s21 =	rddreg [dreg:$0x1]  }
0x12: {  	[tilespmem:s3], [sflag:$0x2] =	stream.linear.gather [hbm4b:s21+s3], $0x4E20, $0x38;
	[tilespmem:$0xBF20] =	vst v63  }
0x13: {  	_ =	swait.ge [sflag:s12], $0x4E20  }
0x14: {  	[sflag:s12] =	ssyncset.done $0x0  }
0x15: {  	s31 =	rddreg [dreg:$0x4];
	[sflag:s12] =	ssyncadd.s32 $0xFFFFB1E0  }
0x16: {  	[tilespmem:s13], [sflag:$0x2] =	stream.linear.gather [hbm4b:s31+s3], $0x4E20, $0x38;
	[tilespmem:$0xBF20] =	vst v63  }
0x17: {  	_ =	swait.ge [sflag:s12], $0x4E20  }
0x18: {  	[sflag:s12] =	ssyncset.done $0x0  }
0x19: {  	s22 =	simm.s32 $0x0;
	s21 =	simm.s32 $0x40;
	[sflag:s12] =	ssyncadd.s32 $0xFFFFB1E0  }
.LBB2_2:
0x1a: {  	p1 =	sne.s32 s21, $0x1380;
	[tilespmem:s22+$0xB540] =	vst v2;
	s22 =	smov.u32 s21;
	s21 =	sadd.s32 $0x40, s21  }
.Ltmp0:
0x1b: {  	(pc) =	sbr.rel @p1 .LBB2_2-.Ltmp0, $2  }
0x1c: {  	_ =	sdelay $0x2  }
0x1d: {  	s22 =	sshra.s32 s22, $0x2  }
0x1e: {  	[dreg:$0x8] =	wrdreg s23  }
0x1f: {  	[tilespmem:s22+$0xB540] =	vst v2;
	s21 =	rddreg [dreg:$0x5];
	s31 =	simm.s32 $0xB540  }
0x20: {  	[spmem:s21] =	stream.linear.scatter [tilespmem:s31], [sflag:$0x2], $0x4F0, $0x38;
	[tilespmem:$0xBF20] =	vst v63  }
0x21: {  	_ =	swait.ge [sflag:s12], $0x4F0  }
0x22: {  	[sflag:s12] =	ssyncset.done $0x0  }
0x23: {  	[sflag:s12] =	ssyncadd.s32 $0xFFFFFB10  }
0x24: {  	s22 =	simm.s32 $0x0;
	s21 =	simm.s32 $0x0;
	[bflag:$0x0] =	sbarrier.arrive $0xFFFF  }
.LBB2_4:
0x25: {  	s23 =	sshll.u32 s22, $0x5  }
0x26: {  	s24 =	stileid.u32;
	s23 =	sor.u32 s23, s8  }
0x27: {  	s24 =	sor.u32 s24, s23  }
0x28: {  	s23 =	smin.u32 s24, $0x1F3  }
0x29: {  	s25 =	smul.u32 $0x280, s23;
	_ =	sdelay $0x1  }
0x2a: {  	s25 =	sshrl.u32 s25, $0x3  }
0x2b: {  	s25 =	sadd.s32 s5, s25  }
0x2c: {  	[tilespmem:s15], [sflag:$0x1] =	stream.linear.gather [hbm4b:s25+s21], $0x280, $0x38;
	[tilespmem:$0xBF20] =	vst v63  }
0x2d: {  	s25 =	sadd.s32 $0x9C40, s25  }
0x2e: {  	[tilespmem:s16], [sflag:$0x1] =	stream.linear.gather [hbm4b:s25+s21], $0x280, $0x38;
	[tilespmem:$0xBF20] =	vst v63  }
0x2f: {  	_ =	swait.ge [sflag:s17], $0x280  }
0x30: {  	v5 =	vor.u32 s21, v3;
	[sflag:s17] =	ssyncset.done $0x0  }
0x31: {  	[sflag:s17] =	ssyncadd.s32 $0xFFFFFD80  }
0x32: {  	_ =	swait.ge [sflag:s17], $0x280  }
0x33: {  	[sflag:s17] =	ssyncset.done $0x0  }
0x34: {  	[sflag:s17] =	ssyncadd.s32 $0xFFFFFD80  }
0x35: {  	v6 =	vld.idx.msk [tilespmem:v5+s15+$0x0], $0xffff  }
0x36: {  	v7 =	vld.idx.msk [tilespmem:v5+s16+$0x0], $0xffff;
	_ =	sdelay $0x3  }
0x37: {  	v5 =	vshll.u32 v6, $0x2  }
0x38: {  	v6 =	vshll.u32 v7, $0x2;
	v5 =	vor.u32 v0, v5  }
0x39: {  	v6 =	vor.u32 v0, v6;
	_ =	sdelay $0x3  }
0x3a: {  	v5 =	vld.idx.msk [tilespmem:v5+s3+$0x0], $0xffff  }
0x3b: {  	v6 =	vld.idx.msk [tilespmem:v6+s13+$0x0], $0xffff;
	_ =	sdelay $0x4  }
0x3c: {  	v5 =	vadd.f32 v6, v5;
	_ =	sdelay $0x1  }
0x3d: {  	v6 =	vmul.f32 $2.000000030e-01, v5  }
0x3e: {  	vm0 =	vge.f32 v5, $0.0e+00  }
0x3f: {  	v5 =	vsel vm0, v5, v6  }
0x40: {  	v5 =	vmul.f32 $1.442695020e+00, v5;
	_ =	sdelay $0x1  }
0x41: {  	(erf) = vpow2.f32 v5;
	_ =	sdelay $0x5  }
0x42: {  	s26 =	simm.s32 $0x4;
	v8 =	vand.u32 $0x7, v7  }
0x43: {  	s29 =	sand.u32 $0x70, s21;
	s28 =	simm.s32 $0x20;
	v5 =	vor.u32 s26, v3  }
0x44: {  	s30 =	simm.s32 $0x0;
	p1 =	slt.u32 s24, $0x1F4;
	s25 =	sand.u32 $0x3E00, s21  }
0x45: {  	s24 =	simm.s32 $0x10;
	s31 =	sshrl.u32 s25, $0x2;
	s25 =	simm.s32 $0x0;
	v6 =	vadd.s32 v1, v7;
	v7 =	vor.u32 v4, v8;
	v8 =	vpop (erf)  }
.LBB2_5:
0x46: {  	p2 =	sne.s32 s28, $0x9F0;
	[tilespmem:s30+$0xA140] =	vst v8;
	v6 =	vpsel p1, v6, v7;
	s29 =	sor.u32 s29, s31  }
0x47: {  	[tilespmem:s29+$0xAB40] =	vst v6  }
0x48: {  	v6 =	vld.idx.msk [tilespmem:v5+s15+$0x0], $0xffff  }
0x49: {  	v7 =	vld.idx.msk [tilespmem:v5+s16+$0x0], $0xffff;
	_ =	sdelay $0x4  }
0x4a: {  	v5 =	vshll.u32 v6, $0x2  }
0x4b: {  	v5 =	vor.u32 v0, v5;
	v6 =	vshll.u32 v7, $0x2  }
0x4c: {  	v6 =	vor.u32 v0, v6;
	_ =	sdelay $0x3  }
0x4d: {  	v5 =	vld.idx.msk [tilespmem:v5+s3+$0x0], $0xffff  }
0x4e: {  	v6 =	vld.idx.msk [tilespmem:v6+s13+$0x0], $0xffff;
	_ =	sdelay $0x5  }
0x4f: {  	v5 =	vadd.f32 v6, v5;
	_ =	sdelay $0x1  }
0x50: {  	v6 =	vmul.f32 $2.000000030e-01, v5  }
0x51: {  	vm0 =	vge.f32 v5, $0.0e+00  }
0x52: {  	v5 =	vsel vm0, v5, v6  }
0x53: {  	v5 =	vmul.f32 $1.442695020e+00, v5;
	_ =	sdelay $0x1  }
0x54: {  	(erf) = vpow2.f32 v5;
	_ =	sdelay $0x4  }
.Ltmp1:
0x55: {  	(pc) =	sbr.rel @p2 .LBB2_5-.Ltmp1, $4  }
0x56: {  	s26 =	sadd.s32 $0x4, s26  }
0x57: {  	s25 =	sadd.s32 $0x40, s25;
	v5 =	vor.u32 s26, v3  }
0x58: {  	s29 =	sand.u32 $0x70, s24;
	s31 =	sand.u32 $0x3E00, s25;
	s24 =	smov.u32 s28;
	v9 =	vand.u32 $0x7, v7  }
0x59: {  	s28 =	sadd.s32 $0x10, s28;
	s30 =	sshra.s32 s25, $0x2;
	s31 =	sshrl.u32 s31, $0x2;
	v6 =	vadd.s32 v1, v7;
	v7 =	vor.u32 v4, v9;
	v8 =	vpop (erf)  }
0x5a: {  	_ =	sdelay $0x1  }
0x5b: {  	[tilespmem:s30+$0xA140] =	vst v8;
	s26 =	sor.u32 s29, s31;
	v6 =	vpsel p1, v6, v7  }
0x5c: {  	[tilespmem:s26+$0xAB40] =	vst v6  }
0x5d: {  	v6 =	vld.idx.msk [tilespmem:v5+s15+$0x0], $0xffff  }
0x5e: {  	v5 =	vld.idx.msk [tilespmem:v5+s16+$0x0], $0xffff;
	_ =	sdelay $0x3  }
0x5f: {  	v6 =	vshll.u32 v6, $0x2  }
0x60: {  	v7 =	vshll.u32 v5, $0x2;
	v6 =	vor.u32 v0, v6  }
0x61: {  	v7 =	vor.u32 v0, v7;
	_ =	sdelay $0x3  }
0x62: {  	v6 =	vld.idx.msk [tilespmem:v6+s3+$0x0], $0xffff  }
0x63: {  	v7 =	vld.idx.msk [tilespmem:v7+s13+$0x0], $0xffff;
	_ =	sdelay $0x4  }
0x64: {  	v6 =	vadd.f32 v7, v6;
	_ =	sdelay $0x1  }
0x65: {  	v7 =	vmul.f32 $2.000000030e-01, v6  }
0x66: {  	vm0 =	vge.f32 v6, $0.0e+00  }
0x67: {  	v6 =	vsel vm0, v6, v7  }
0x68: {  	v6 =	vmul.f32 $1.442695020e+00, v6;
	_ =	sdelay $0x1  }
0x69: {  	(erf) = vpow2.f32 v6;
	_ =	sdelay $0x6  }
0x6a: {  	s25 =	sadd.s32 $0x40, s25  }
0x6b: {  	s24 =	sand.u32 $0x70, s24;
	s31 =	sand.u32 $0x3E00, s25;
	v6 =	vand.u32 $0x7, v5  }
0x6c: {  	s23 =	smul.u32 $0x140, s23;
	s25 =	sshra.s32 s25, $0x2;
	s26 =	sshrl.u32 s31, $0x2;
	v5 =	vadd.s32 v1, v5;
	v6 =	vor.u32 v4, v6;
	v7 =	vpop (erf)  }
0x6d: {  	s24 =	sor.u32 s24, s26;
	v5 =	vpsel p1, v5, v6;
	[tilespmem:s25+$0xA140] =	vst v7  }
0x6e: {  	s23 =	sadd.s32 s7, s23;
	[tilespmem:s24+$0xAB40] =	vst v5  }
0x6f: {  	[hbm4b:s23+s3] =	stream.linear.scatter [tilespmem:s18], [sflag:$0x2], $0xA00, $0x38;
	[tilespmem:$0xBF20] =	vst v63  }
0x70: {  	_ =	swait.ge [sflag:s12], $0xA00  }
0x71: {  	[sflag:s12] =	ssyncset.done $0x0  }
0x72: {  	s26 =	simm.s32 $0xAB40;
	[sflag:s12] =	ssyncadd.s32 $0xFFFFF600  }
0x73: {  	[spmem:s2] =	stream.indirect.scatter.add.f32 [tilespmem:s18], [sflag:$0x2], $0x1, s26, s19, $0xb8;
	[tilespmem:$0xBF20] =	vst v63  }
0x74: {  	_ =	swait.ge [sflag:s12], $0x80  }
0x75: {  	[sflag:s12] =	ssyncset.done $0x0  }
0x76: {  	s28 =	simm.s32 $0xABC0;
	s29 =	simm.s32 $0xA1C0;
	[sflag:s12] =	ssyncadd.s32 $0xFFFFFF80  }
0x77: {  	[spmem:s2] =	stream.indirect.scatter.add.f32 [tilespmem:s29], [sflag:$0x2], $0x1, s28, s19, $0xb8;
	[tilespmem:$0xBF20] =	vst v63  }
0x78: {  	_ =	swait.ge [sflag:s12], $0x80  }
0x79: {  	[sflag:s12] =	ssyncset.done $0x0  }
0x7a: {  	s30 =	simm.s32 $0xAC40;
	s31 =	simm.s32 $0xA240;
	[sflag:s12] =	ssyncadd.s32 $0xFFFFFF80  }
0x7b: {  	[spmem:s2] =	stream.indirect.scatter.add.f32 [tilespmem:s31], [sflag:$0x2], $0x1, s30, s19, $0xb8;
	[tilespmem:$0xBF20] =	vst v63  }
0x7c: {  	_ =	swait.ge [sflag:s12], $0x80  }
0x7d: {  	[sflag:s12] =	ssyncset.done $0x0  }
0x7e: {  	s25 =	simm.s32 $0xACC0;
	s26 =	simm.s32 $0xA2C0;
	[sflag:s12] =	ssyncadd.s32 $0xFFFFFF80  }
0x7f: {  	[spmem:s2] =	stream.indirect.scatter.add.f32 [tilespmem:s26], [sflag:$0x2], $0x1, s25, s19, $0xb8;
	[tilespmem:$0xBF20] =	vst v63  }
0x80: {  	_ =	swait.ge [sflag:s12], $0x80  }
0x81: {  	[sflag:s12] =	ssyncset.done $0x0  }
0x82: {  	s28 =	simm.s32 $0xAD40;
	s29 =	simm.s32 $0xA340;
	[sflag:s12] =	ssyncadd.s32 $0xFFFFFF80  }
0x83: {  	[spmem:s2] =	stream.indirect.scatter.add.f32 [tilespmem:s29], [sflag:$0x2], $0x1, s28, s19, $0xb8;
	[tilespmem:$0xBF20] =	vst v63  }
0x84: {  	_ =	swait.ge [sflag:s12], $0x80  }
0x85: {  	[sflag:s12] =	ssyncset.done $0x0  }
0x86: {  	s30 =	simm.s32 $0xADC0;
	s31 =	simm.s32 $0xA3C0;
	[sflag:s12] =	ssyncadd.s32 $0xFFFFFF80  }
0x87: {  	[spmem:s2] =	stream.indirect.scatter.add.f32 [tilespmem:s31], [sflag:$0x2], $0x1, s30, s19, $0xb8;
	[tilespmem:$0xBF20] =	vst v63  }
0x88: {  	_ =	swait.ge [sflag:s12], $0x80  }
0x89: {  	[sflag:s12] =	ssyncset.done $0x0  }
0x8a: {  	s25 =	simm.s32 $0xAE40;
	s26 =	simm.s32 $0xA440;
	[sflag:s12] =	ssyncadd.s32 $0xFFFFFF80  }
0x8b: {  	[spmem:s2] =	stream.indirect.scatter.add.f32 [tilespmem:s26], [sflag:$0x2], $0x1, s25, s19, $0xb8;
	[tilespmem:$0xBF20] =	vst v63  }
0x8c: {  	_ =	swait.ge [sflag:s12], $0x80  }
0x8d: {  	[sflag:s12] =	ssyncset.done $0x0  }
0x8e: {  	s28 =	simm.s32 $0xAEC0;
	s29 =	simm.s32 $0xA4C0;
	[sflag:s12] =	ssyncadd.s32 $0xFFFFFF80  }
0x8f: {  	[spmem:s2] =	stream.indirect.scatter.add.f32 [tilespmem:s29], [sflag:$0x2], $0x1, s28, s19, $0xb8;
	[tilespmem:$0xBF20] =	vst v63  }
0x90: {  	_ =	swait.ge [sflag:s12], $0x80  }
0x91: {  	[sflag:s12] =	ssyncset.done $0x0  }
0x92: {  	s30 =	simm.s32 $0xAF40;
	s31 =	simm.s32 $0xA540;
	[sflag:s12] =	ssyncadd.s32 $0xFFFFFF80  }
0x93: {  	[spmem:s2] =	stream.indirect.scatter.add.f32 [tilespmem:s31], [sflag:$0x2], $0x1, s30, s19, $0xb8;
	[tilespmem:$0xBF20] =	vst v63  }
0x94: {  	_ =	swait.ge [sflag:s12], $0x80  }
0x95: {  	[sflag:s12] =	ssyncset.done $0x0  }
0x96: {  	s25 =	simm.s32 $0xAFC0;
	s26 =	simm.s32 $0xA5C0;
	[sflag:s12] =	ssyncadd.s32 $0xFFFFFF80  }
0x97: {  	[spmem:s2] =	stream.indirect.scatter.add.f32 [tilespmem:s26], [sflag:$0x2], $0x1, s25, s19, $0xb8;
	[tilespmem:$0xBF20] =	vst v63  }
0x98: {  	_ =	swait.ge [sflag:s12], $0x80  }
0x99: {  	[sflag:s12] =	ssyncset.done $0x0  }
0x9a: {  	s28 =	simm.s32 $0xB040;
	s29 =	simm.s32 $0xA640;
	[sflag:s12] =	ssyncadd.s32 $0xFFFFFF80  }
0x9b: {  	[spmem:s2] =	stream.indirect.scatter.add.f32 [tilespmem:s29], [sflag:$0x2], $0x1, s28, s19, $0xb8;
	[tilespmem:$0xBF20] =	vst v63  }
0x9c: {  	_ =	swait.ge [sflag:s12], $0x80  }
0x9d: {  	[sflag:s12] =	ssyncset.done $0x0  }
0x9e: {  	s30 =	simm.s32 $0xB0C0;
	s31 =	simm.s32 $0xA6C0;
	[sflag:s12] =	ssyncadd.s32 $0xFFFFFF80  }
0x9f: {  	[spmem:s2] =	stream.indirect.scatter.add.f32 [tilespmem:s31], [sflag:$0x2], $0x1, s30, s19, $0xb8;
	[tilespmem:$0xBF20] =	vst v63  }
0xa0: {  	_ =	swait.ge [sflag:s12], $0x80  }
0xa1: {  	[sflag:s12] =	ssyncset.done $0x0  }
0xa2: {  	s24 =	simm.s32 $0xB140;
	s25 =	simm.s32 $0xA740;
	[sflag:s12] =	ssyncadd.s32 $0xFFFFFF80  }
0xa3: {  	[spmem:s2] =	stream.indirect.scatter.add.f32 [tilespmem:s25], [sflag:$0x2], $0x1, s24, s19, $0xb8;
	[tilespmem:$0xBF20] =	vst v63  }
0xa4: {  	_ =	swait.ge [sflag:s12], $0x80  }
0xa5: {  	[sflag:s12] =	ssyncset.done $0x0  }
0xa6: {  	s26 =	simm.s32 $0xB1C0;
	s28 =	simm.s32 $0xA7C0;
	[sflag:s12] =	ssyncadd.s32 $0xFFFFFF80  }
0xa7: {  	[spmem:s2] =	stream.indirect.scatter.add.f32 [tilespmem:s28], [sflag:$0x2], $0x1, s26, s19, $0xb8;
	[tilespmem:$0xBF20] =	vst v63  }
0xa8: {  	_ =	swait.ge [sflag:s12], $0x80  }
0xa9: {  	[sflag:s12] =	ssyncset.done $0x0  }
0xaa: {  	s29 =	simm.s32 $0xB240;
	s30 =	simm.s32 $0xA840;
	[sflag:s12] =	ssyncadd.s32 $0xFFFFFF80  }
0xab: {  	[spmem:s2] =	stream.indirect.scatter.add.f32 [tilespmem:s30], [sflag:$0x2], $0x1, s29, s19, $0xb8;
	[tilespmem:$0xBF20] =	vst v63  }
0xac: {  	_ =	swait.ge [sflag:s12], $0x80  }
0xad: {  	[sflag:s12] =	ssyncset.done $0x0  }
0xae: {  	s31 =	simm.s32 $0xB2C0;
	[sflag:s12] =	ssyncadd.s32 $0xFFFFFF80  }
0xaf: {  	[spmem:s2] =	stream.indirect.scatter.add.f32 [tilespmem:s0], [sflag:$0x2], $0x1, s31, s19, $0xb8;
	[tilespmem:$0xBF20] =	vst v63  }
0xb0: {  	_ =	swait.ge [sflag:s12], $0x80  }
0xb1: {  	[sflag:s12] =	ssyncset.done $0x0  }
0xb2: {  	[sflag:s12] =	ssyncadd.s32 $0xFFFFFF80  }
0xb3: {  	[spmem:s2] =	stream.indirect.scatter.add.f32 [tilespmem:s14], [sflag:$0x2], $0x1, s1, s19, $0xb8;
	[tilespmem:$0xBF20] =	vst v63  }
0xb4: {  	_ =	swait.ge [sflag:s12], $0x80  }
0xb5: {  	[sflag:s12] =	ssyncset.done $0x0  }
0xb6: {  	[sflag:s12] =	ssyncadd.s32 $0xFFFFFF80  }
0xb7: {  	[spmem:s2] =	stream.indirect.scatter.add.f32 [tilespmem:s9], [sflag:$0x2], $0x1, s6, s19, $0xb8;
	[tilespmem:$0xBF20] =	vst v63  }
0xb8: {  	_ =	swait.ge [sflag:s12], $0x80  }
0xb9: {  	[sflag:s12] =	ssyncset.done $0x0  }
0xba: {  	[sflag:s12] =	ssyncadd.s32 $0xFFFFFF80  }
0xbb: {  	[spmem:s2] =	stream.indirect.scatter.add.f32 [tilespmem:s11], [sflag:$0x2], $0x1, s10, s19, $0xb8;
	[tilespmem:$0xBF20] =	vst v63  }
0xbc: {  	s22 =	sadd.s32 $0x1, s22;
	_ =	swait.ge [sflag:s12], $0x80  }
0xbd: {  	p1 =	sne.s32 s22, $0x10;
	[sflag:s12] =	ssyncset.done $0x0  }
.Ltmp2:
0xbe: {  	[sflag:s12] =	ssyncadd.s32 $0xFFFFFF80;
	(pc) =	sbr.rel @p1 .LBB2_4-.Ltmp2, $4  }
0xbf: {  	[spmem:s2] =	stream.indirect.scatter.add.f32 [tilespmem:s20], [sflag:$0x2], $0x1, s4, s19, $0xb8;
	[tilespmem:$0xBF20] =	vst v63  }
0xc0: {  	_ =	swait.ge [sflag:s12], $0x80  }
0xc1: {  	[sflag:s12] =	ssyncset.done $0x0  }
0xc2: {  	[sflag:s12] =	ssyncadd.s32 $0xFFFFFF80  }
0xc3: {  	[bflag:$0x0] =	sbarrier.arrive $0xFFFF  }
0xc4: {  	s21 =	sshrl.u32 @!p0 s2, $0x3;
	s22 =	simm.s32 @!p0 $0x1C02;
	s23 =	rddreg [dreg:$0x6]  }
0xc5: {  	[hbm:s23], [sflag:s22] =	dma.local @!p0 [spmem:s21], $0x9E0  }
0xc6: {  	s21 =	simm.s32 @!p0 $0x2  }
0xc7: {  	_ =	swait.ge @!p0 [sflag:s21], $0x9E0  }
0xc8: {  	s30 =	rddreg [dreg:$0x8]  }
0xc9: {  	s31 =	rddreg [dreg:$0x7];
	s23 =	sadd.s32 $0x1, s30  }
0xca: {  	p1 =	sne.s32 s23, s31  }
.Ltmp3:
0xcb: {  	_ = 	snop;
	(pc) =	sbr.rel @p1 .LBB2_1-.Ltmp3, $3  }
0xcc: {  	_ =	sdelay $0x1  }
0xcd: {  	[sflag:s21] =	ssyncset.done @!p0 $0x0  }
0xce: {  	[sflag:s21] =	ssyncadd.s32 @!p0 $0xFFFFF620  }
0xcf: {  	_ =	sfence.sel $0x180000  }
0xd0: {  	[bflag:$0x0] =	sbarrier.arrive $0xFFFF  }
0xd1: {  	_ =	strace $0x90000047  }
0xd2: {  	[bflag:$0x2] =	sbarrier.arrive $0xFFFF  }
0xd3: {  	s0 =	rddreg [dreg:$0x3]  }
0xd4: {  	s0 =	sadd.s32 @!p0 $0x100000, s0  }
0xd5: {  	[sflag:s0] =	ssyncadd.tile.s32 @!p0 $0x1;
	_ =	shalt  }
.Lfunc_end2:
_tile_overlayer_lowered:
.L_overlay_start_2:
0xd6: {  	(tag) =	ssettag $0x2  }
0xd7: {  	s0 =	rddreg [dreg:$0x0];
	s2 =	stileid.u32  }
0xd8: {  	s1 =	rddreg [dreg:$0x1];
	p0 =	sne.s32 s2, $0x0  }
0xd9: {  	s3 =	rddreg [dreg:$0x2];
	[bflag:$0x3] =	sbarrier.arrive $0xFFFF;
	s2 =	simm.s32 @!p0 $0x1C02  }
0xda: {  	[timem:s3], [sflag:s2] =	dma.local @!p0 [hbm:s0], s1  }
0xdb: {  	s0 =	simm.s32 @!p0 $0x2  }
0xdc: {  	_ =	swait.ge @!p0 [sflag:s0], s1  }
0xdd: {  	s1 =	ssub.s32 @!p0 $0x0, s1;
	[sflag:s0] =	ssyncset.done @!p0 $0x0  }
0xde: {  	[sflag:s0] =	ssyncadd.s32 @!p0 s1  }
0xdf: {  	[bflag:$0x3] =	sbarrier.arrive $0xFFFF  }
0xe0: {  	_ =	shalt  }

// kernel: kernel.13.cloned.1.call-start
scs
__scs_entry_jumppad:
0x0: {  	(pc) =	sbr.rel $0x88, $3  }
0x1: {  	(tag) =	ssettag $0x0;
	lr =	simm.s32 $0x1  }
0x2: {  	[smem:$0x3F96] =	sst lr;
	_ =	strace $0xD0000000  }
0x3: {  	_ = 	snop  }
0x4: {  	_ = 	snop  }
0x5: {  	_ = 	snop  }
0x6: {  	_ = 	snop  }
0x7: {  	_ = 	snop  }
__scs_overlays_trampoline_lowered:
0x8: {  	[smem:$0x3FA5] =	sst s0  }
0x9: {  	[smem:$0x3FA6] =	sst s1  }
0xa: {  	[smem:$0x3FA7] =	sst s2  }
0xb: {  	[smem:$0x3FA8] =	sst s3  }
0xc: {  	[smem:$0x3FA9] =	sst s4  }
0xd: {  	[smem:$0x3FAA] =	sst s5  }
0xe: {  	[smem:$0x3FAB] =	sst s6  }
0xf: {  	[smem:$0x3FAC] =	sst s7  }
0x10: {  	[smem:$0x3FAD] =	sst s8  }
0x11: {  	[smem:$0x3FAE] =	sst s9;
	s0 =	simm.s32 @!p0 $0x0  }
0x12: {  	s1 =	sld [smem:$0x3F94];
	s0 =	simm.s32 @p0 $0x1  }
0x13: {  	[smem:$0x3FAF] =	sst s0;
	s0 =	simm.s32 @!p1 $0x0  }
0x14: {  	s2 =	sld [smem:$0x3F93];
	s0 =	simm.s32 @p1 $0x1  }
0x15: {  	[smem:$0x3FB0] =	sst s0;
	s0 =	simm.s32 @!p2 $0x0  }
0x16: {  	s3 =	sld [smem:$0x3FDB];
	s0 =	simm.s32 @p2 $0x1  }
0x17: {  	s4 =	simm.s32 $0x1BF5;
	[smem:$0x3FB2] =	sst s0  }
0x18: {  	s0 =	sld [smem:$0x3F95];
	_ =	swait.ge [sflag:s4], $0x0  }
0x19: {  	s7 =	sld [smem:$0x3F96]  }
0x1a: {  	s8 =	sadd.s32 $0xFFFFE003, lr  }
0x1b: {  	s9 =	sadd.s32 $0xFFFFFEF7, lr;
	s5 =	simm.s32 $0xFFFFFFFF;
	p2 =	slt.u32 s8, $0xFFFFF086  }
0x1c: {  	p1 =	slt.u32 s9, $0xF7A;
	s5 =	simm.s32 @!p2 $0x0  }
0x1d: {  	s5 =	simm.s32 @p1 $0x1;
	p0 =	seq.s32 s7, s2  }
0x1e: {  	s7 =	smul.u32 @!p0 $0xF7A, s2;
	p2 =	seq.s32 @!p0 s5, $0x0  }
0x1f: {  	s9 =	smul.u32 $0xF7A, s1;
	s8 =	simm.s32 @!p0 $0x1BF5;
	p2 =	por !p2, p0  }
0x20: {  	[sflag:s8] =	ssyncset.s32 @!p0 $0xFFFFF086;
	s6 =	sadd.s32 @!p0 s3, s7;
	s7 =	simm.s32 @!p0 $0x108  }
0x21: {  	s3 =	sadd.s32 s3, s9;
	s6 =	sadd.s32 @!p0 $0x88, s6;
	s7 =	simm.s32 @p2 $0x1082  }
0x22: {  	[simem:s7], [sflag:s8] =	dma.local @!p0 [hbm:s6], $0xF7A  }
0x23: {  	s9 =	sor.u32 $0xD0000000, s2;
	s6 =	simm.s32 $0x108;
	_ =	swait.ge @!p0 [sflag:s8], $0x0  }
0x24: {  	s3 =	sadd.s32 $0x88, s3;
	s6 =	simm.s32 @!p1 $0x1082;
	[sflag:s4] =	ssyncset.s32 $0xFFFFF086  }
0x25: {  	[simem:s6], [sflag:s4] =	dma.local [hbm:s3], $0xF7A  }
0x26: {  	[smem:$0x3F96] =	sst s1;
	(tag) =	ssettag s2;
	_ =	strace s9  }
0x27: {  	s1 =	sld [smem:$0x3FA6]  }
0x28: {  	s2 =	sld [smem:$0x3FA7]  }
0x29: {  	s4 =	sld [smem:$0x3FA9]  }
0x2a: {  	p0 =	seq.s32 s5, $0x0;
	s5 =	sld [smem:$0x3FAA]  }
0x2b: {  	s6 =	sld [smem:$0x3FAB]  }
0x2c: {  	s7 =	sld [smem:$0x3FAC]  }
0x2d: {  	s3 =	simm.s32 $0x108;
	s8 =	sld [smem:$0x3FAD]  }
0x2e: {  	s3 =	simm.s32 @!p0 $0x1082;
	s9 =	sld [smem:$0x3FAE]  }
0x2f: {  	lr =	sadd.s32 s0, s3;
	s0 =	sld [smem:$0x3FA5]  }
0x30: {  	s3 =	sld [smem:$0x3FA8]  }
0x31: {  	[smem:$0x3FB1] =	sst s10  }
0x32: {  	s10 =	sld [smem:$0x3FAF];
	_ =	sdelay $0x3  }
0x33: {  	p0 =	seq.s32 s10, $0x1;
	s10 =	sld [smem:$0x3FB1];
	_ =	sdelay $0x3  }
0x34: {  	[smem:$0x3FB1] =	sst s10  }
0x35: {  	s10 =	sld [smem:$0x3FB0];
	_ =	sdelay $0x3  }
0x36: {  	p1 =	seq.s32 s10, $0x1;
	s10 =	sld [smem:$0x3FB1];
	_ =	sdelay $0x3  }
0x37: {  	[smem:$0x3FB1] =	sst s10  }
0x38: {  	s10 =	sld [smem:$0x3FB2]  }
0x39: {  	_ = 	snop;
	(pc) =	sbr.ind lr, $3  }
0x3a: {  	_ = 	snop  }
0x3b: {  	_ = 	snop  }
0x3c: {  	p2 =	seq.s32 s10, $0x1;
	s10 =	sld [smem:$0x3FB1]  }
0x3d: {  	_ =	shalt  }
0x3e: {  	_ =	shalt  }
0x3f: {  	_ =	shalt  }
0x40: {  	_ =	shalt  }
0x41: {  	_ =	shalt  }
0x42: {  	_ =	shalt  }
0x43: {  	_ =	shalt  }
0x44: {  	_ =	shalt  }
0x45: {  	_ =	shalt  }
0x46: {  	_ =	shalt  }
0x47: {  	_ =	shalt  }
0x48: {  	_ =	shalt  }
0x49: {  	_ =	shalt  }
0x4a: {  	_ =	shalt  }
0x4b: {  	_ =	shalt  }
0x4c: {  	_ =	shalt  }
0x4d: {  	_ =	shalt  }
0x4e: {  	_ =	shalt  }
0x4f: {  	_ =	shalt  }
0x50: {  	_ =	shalt  }
0x51: {  	_ =	shalt  }
0x52: {  	_ =	shalt  }
0x53: {  	_ =	shalt  }
0x54: {  	_ =	shalt  }
0x55: {  	_ =	shalt  }
0x56: {  	_ =	shalt  }
0x57: {  	_ =	shalt  }
0x58: {  	_ =	shalt  }
0x59: {  	_ =	shalt  }
0x5a: {  	_ =	shalt  }
0x5b: {  	_ =	shalt  }
0x5c: {  	_ =	shalt  }
0x5d: {  	_ =	shalt  }
0x5e: {  	_ =	shalt  }
0x5f: {  	_ =	shalt  }
0x60: {  	_ =	shalt  }
0x61: {  	_ =	shalt  }
0x62: {  	_ =	shalt  }
0x63: {  	_ =	shalt  }
0x64: {  	_ =	shalt  }
0x65: {  	_ =	shalt  }
0x66: {  	_ =	shalt  }
0x67: {  	_ =	shalt  }
0x68: {  	_ =	shalt  }
0x69: {  	_ =	shalt  }
0x6a: {  	_ =	shalt  }
0x6b: {  	_ =	shalt  }
0x6c: {  	_ =	shalt  }
0x6d: {  	_ =	shalt  }
0x6e: {  	_ =	shalt  }
0x6f: {  	_ =	shalt  }
0x70: {  	_ =	shalt  }
0x71: {  	_ =	shalt  }
0x72: {  	_ =	shalt  }
0x73: {  	_ =	shalt  }
0x74: {  	_ =	shalt  }
0x75: {  	_ =	shalt  }
0x76: {  	_ =	shalt  }
0x77: {  	_ =	shalt  }
0x78: {  	_ =	shalt  }
0x79: {  	_ =	shalt  }
0x7a: {  	_ =	shalt  }
0x7b: {  	_ =	shalt  }
0x7c: {  	_ =	shalt  }
0x7d: {  	_ =	shalt  }
0x7e: {  	_ =	shalt  }
0x7f: {  	_ =	shalt  }
0x80: {  	_ =	shalt  }
0x81: {  	_ =	shalt  }
0x82: {  	_ =	shalt  }
0x83: {  	_ =	shalt  }
0x84: {  	_ =	shalt  }
0x85: {  	_ =	shalt  }
0x86: {  	_ =	shalt  }
0x87: {  	_ =	shalt  }
.Lfunc_end0:
.L_simem_size_0:
called_computation.1_lowered:
.L_overlay_start_0:
0x88: {  	s2 =	sld [smem:$0x3FD9]  }
0x89: {  	s3 =	sld [smem:$0x3FFE];
	_ =	sdelay $0x1  }
0x8a: {  	s1 =	srdreg.scid  }
0x8b: {  	s0 =	sand.u32 $0x1, s1  }
0x8c: {  	s17 =	sshll.u32 s0, $0xA;
	s2 =	sadd.s32 s3, s2  }
0x8d: {  	s2 =	sadd.s32 s2, s17  }
0x8e: {  	[smem:$0x3FBD] =	sst s2  }
0x8f: {  	_ = 	snop  }
0x90: {  	s2 =	sld [smem:$0x3FC6]  }
0x91: {  	s18 =	sld [smem:$0x3FD0];
	(tm) =	ssettm $0x1  }
0x92: {  	s4 =	sld [smem:$0x3FFB];
	_ =	sdelay $0x3  }
0x93: {  	_ =	strace s4  }
0x94: {  	s4 =	sld [smem:$0x3FFC];
	_ =	sdelay $0x3  }
0x95: {  	_ =	strace s4  }
0x96: {  	s4 =	sld [smem:$0x3FFD];
	_ =	sdelay $0x3  }
0x97: {  	_ =	strace s4  }
0x98: {  	_ =	strace $0x8FFFFFFF  }
0x99: {  	s19 =	sld [smem:$0x3FDB];
	_ =	sdelay $0x1  }
0x9a: {  	s5 =	simm.s32 $_scs_section_size  }
0x9b: {  	s6 =	simm.s32 $_size__tile_overlayer_lowered;
	s7 =	simm.s32 $_tile_overlayer_lowered  }
0x9c: {  	s22 =	simm.s32 $0x1BFF;
	s21 =	sshll.u32 s7, $0x1;
	s4 =	sadd.s32 s5, s19  }
0x9d: {  	s8 =	simm.s32 $0x0;
	s20 =	sshll.u32 s6, $0x1;
	s6 =	sadd.s32 s21, s4  }
0x9e: {  	[timem:s8], [sflag:s22] =	dma.local [hbm:s6], s20  }
0x9f: {  	_ =	swait.ge [sflag:s22], s20  }
0xa0: {  	s5 =	ssub.s32 $0x0, s20;
	[sflag:s22] =	ssyncset.done $0x0  }
0xa1: {  	[sflag:s22] =	ssyncadd.s32 s5;
	_ =	sdelay $0x1  }
0xa2: {  	s23 =	simm.s32 $0x1B8B  }
0xa3: {  	_ =	swait.ge [sflag:s23], $0x1  }
0xa4: {  	[sflag:s23] =	ssyncset.done $0x0  }
0xa5: {  	s25 =	simm.s32 $0x1B8E;
	s24 =	sld [smem:$0x3FFE];
	[sflag:s23] =	ssyncadd.s32 $0xFFFFFFFF  }
0xa6: {  	s26 =	simm.s32 $execute0_lowered;
	[smem:$0x3FD2] =	sst s25  }
0xa7: {  	s6 =	sshll.u32 s26, $0x1;
	_ =	strace $0x80000049;
	[dreg:$0x1] =	wrdreg $0xFFFFFFFF  }
0xa8: {  	s28 =	simm.s32 $_size_execute0_lowered;
	s4 =	sadd.s32 s4, s6;
	[dreg:$0x0] =	wrdreg $0x0  }
0xa9: {  	s6 =	sshll.u32 s28, $0x1;
	[dreg:$0x2] =	wrdreg s4  }
0xaa: {  	[dreg:$0x3] =	wrdreg s6  }
0xab: {  	[dreg:$0x4] =	wrdreg $0xC0  }
0xac: {  	_ =	task [dreg:s8], $0x5FFFF  }
0xad: {  	[dreg:$0x1] =	wrdreg $0xFFFFFFFF  }
0xae: {  	[dreg:$0x0] =	wrdreg $0x60  }
0xaf: {  	[dreg:$0x2] =	wrdreg s24  }
0xb0: {  	[dreg:$0x3] =	wrdreg s2  }
0xb1: {  	[dreg:$0x4] =	wrdreg s18  }
0xb2: {  	[dreg:$0x5] =	wrdreg $0x15E800  }
0xb3: {  	[dreg:$0x6] =	wrdreg $0x9  }
0xb4: {  	_ =	task.clear_ibuf [dreg:s8], $0x7FFFF;
	_ =	strace $0x90000049  }
0xb5: {  	s29 =	simm.s32 $0x9;
	_ =	strace $0x8000004B  }
0xb6: {  	_ =	swait.ge [sflag:s29], $0x1  }
0xb7: {  	[sflag:s29] =	ssyncadd.s32 $0xFFFFFFFF  }
0xb8: {  	_ =	strace $0x9000004B  }
0xb9: {  	_ =	sfence  }
0xba: {  	s30 =	sld [smem:$0x0];
	_ =	sdelay $0x2  }
0xbb: {  	s31 =	sshll.u32 s1, $0xD;
	s1 =	sshrl.u32 s1, $0x2  }
0xbc: {  	s3 =	sand.u32 $0x4000, s31;
	s1 =	sadd.s32 s1, s30  }
0xbd: {  	s0 =	sor.u32 s3, s0;
	s1 =	sshll.u32 s1, $0x11  }
0xbe: {  	s0 =	sor.u32 s1, s0  }
0xbf: {  	s0 =	sadd.s32 $0x8F2B, s0  }
0xc0: {  	[sflag:s0] =	ssyncadd.remote.s32 $0x1  }
0xc1: {  	_ =	sfence.sel $0xFFFF  }
0xc2: {  	[dreg:$0x0] =	wrdreg $0xFFFFFFFF;
	(pc) =	sbr.abs _section_cstart, $3  }
0xc3: {  	[dreg:$0x1] =	wrdreg $0xFFFFFFFF  }
0xc4: {  	_ =	task.clear_ibuf [dreg:s8], $0x2FFFF;
	_ =	strace $0x9FFFFFFF  }
0xc5: {  	(tm) =	ssettm $0x7FFFFFFF  }
tec
execute0_lowered:
.L_overlay_start_1:
0x0: {  	(tag) =	ssettag $0x1  }
0x1: {  	s0 =	rddreg [dreg:$0x0]  }
0x2: {  	s1 =	rddreg [dreg:$0x2]  }
0x3: {  	s2 =	rddreg [dreg:$0x3]  }
0x4: {  	s3 =	simm.s32 $0x0;
	s5 =	srdreg.scid;
	s12 =	stileid.u32  }
0x5: {  	s16 =	simm.s32 $0xBE80;
	s18 =	simm.s32 $0xA080;
	s19 =	simm.s32 $0xA300  }
0x6: {  	s21 =	simm.s32 $0x1;
	s22 =	simm.s32 $0x80;
	s28 =	simm.s32 $0xFE80  }
0x7: {  	s30 =	simm.s32 $0x11E80;
	s31 =	simm.s32 $0xBB80;
	s15 =	simm.s32 $0x2  }
0x8: {  	s13 =	simm.s32 $0xBD80;
	s14 =	simm.s32 $0xBE00;
	s20 =	simm.s32 $0x0  }
0x9: {  	s29 =	simm.s32 $0x9E00;
	[smem:$0x7FF] =	sst s3;
	s4 =	sadd.s32 $0x3A00, s0  }
0xa: {  	s5 =	sand.u32 $0x1, s5;
	s6 =	sadd.s32 $0x17400, s0;
	s9 =	smul.u32 $0x7E00, s12  }
0xb: {  	s8 =	sadd.s32 $0x3E600, s0;
	p0 =	sne.s32 s12, $0x0;
	s12 =	simm.s32 $0xBD00  }
0xc: {  	_ =	strace $0x8000004A;
	s7 =	ssub.s32 $0x2, s5;
	[dreg:$0x5] =	wrdreg s8  }
0xd: {  	s8 =	sadd.s32 $0x3FA00, s0;
	s11 =	smul.u32 $0x3F00, s5;
	s0 =	sadd.s32 $0x3EFE0, s0  }
0xe: {  	s10 =	sshrl.u32 s7, $0x1;
	s23 =	sshrl.u32 s9, $0x2;
	s9 =	sshll.u32 s5, $0x4  }
0xf: {  	[dreg:$0x6] =	wrdreg s0;
	s0 =	simm.s32 $0x13E80;
	s7 =	ssub.s32 s7, s10  }
0x10: {  	s24 =	sadd.s32 s23, s2;
	s25 =	sadd.s32 s1, s11;
	s23 =	simm.s32 $0x4  }
0x11: {  	v0 =	vimm.f32 $0.0e+00;
	vm0 =	vmxor vm0, vm0;
	v1 =	vlaneseq.u32;
	s10 =	simm.s32 $0xBC00;
	s11 =	simm.s32 $0xBC80;
	[dreg:$0x7] =	wrdreg s24  }
0x12: {  	v3 =	vimm.s32 $0x0;
	vm1 =	vcmask $0x300;
	v2 =	vand.u32 $0x3, v1;
	s1 =	simm.s32 $0x3;
	[dreg:$0x8] =	wrdreg s25;
	s26 =	smax.u32 s7, $0x1  }
0x13: {  	v1 =	vshrl.u32 v1, $0x2;
	v3 =	vsel vm1, $0x3, v3;
	v2 =	vmul.u32 $0x13C0, v2;
	s25 =	simm.s32 $0xDE80;
	s7 =	simm.s32 $0xAF80;
	[dreg:$0x9] =	wrdreg s26  }
.LBB2_1:
0x14: {  	[dreg:$0xa] =	wrdreg s20  }
0x15: {  	s5 =	rddreg [dreg:$0x5]  }
0x16: {  	[tilespmem:s3], [sflag:$0x4] =	stream.linear.gather [hbm4b:s5+s3], $0x4F00, $0x38;
	[tilespmem:$0x17E00] =	vst v63  }
0x17: {  	_ =	swait.ge [sflag:s23], $0x4F00  }
0x18: {  	[sflag:s23] =	ssyncset.done $0x0  }
0x19: {  	s17 =	simm.s32 $0x4F00;
	s26 =	rddreg [dreg:$0x6];
	[sflag:s23] =	ssyncadd.s32 $0xFFFFB100  }
0x1a: {  	[tilespmem:s17], [sflag:$0x4] =	stream.linear.gather [hbm4b:s26+s3], $0x4F00, $0x38;
	[tilespmem:$0x17E00] =	vst v63  }
0x1b: {  	_ =	swait.ge [sflag:s23], $0x4F00  }
0x1c: {  	[sflag:s23] =	ssyncset.done $0x0  }
0x1d: {  	s5 =	simm.s32 $0x0;
	[sflag:s23] =	ssyncadd.s32 $0xFFFFB100  }
0x1e: {  	s17 =	simm.s32 $0x40;
	v4 =	vld [tilespmem:s5+$0x4F00]  }
.LBB2_2:
0x1f: {  	p1 =	sne.s32 s17, $0x13BC0;
	v5 =	vld [tilespmem:s5+$0x0];
	_ =	sdelay $0x2  }
.Ltmp0:
0x20: {  	(pc) =	sbr.rel @p1 .LBB2_2-.Ltmp0, $4  }
0x21: {  	_ = 	snop  }
0x22: {  	v5 =	vadd.f32 v4, v5  }
0x23: {  	s20 =	sshra.s32 s17, $0x2  }
0x24: {  	s17 =	sadd.s32 $0x40, s17;
	v4 =	vld [tilespmem:s20+$0x4F00];
	[tilespmem:s5+$0x0] =	vst v5;
	s5 =	smov.u32 s20  }
0x25: {  	v5 =	vld [tilespmem:s5+$0x0];
	_ =	sdelay $0x4  }
0x26: {  	v4 =	vadd.f32 v4, v5;
	_ =	sdelay $0x1  }
0x27: {  	s17 =	simm.s32 $0x100;
	[tilespmem:s5+$0x0] =	vst v4;
	s5 =	simm.s32 $0x0  }
.LBB2_4:
0x28: {  	p1 =	sne.s32 s17, $0x7D00;
	[tilespmem:s5+$0xBEB0] =	vst v0;
	s20 =	smov.u32 s17;
	s17 =	sadd.s32 $0x100, s17  }
.Ltmp1:
0x29: {  	[tilespmem:s5+$0xBEA0] =	vst v0;
	(pc) =	sbr.rel @p1 .LBB2_4-.Ltmp1, $3  }
0x2a: {  	[tilespmem:s5+$0xBE80] =	vst v0  }
0x2b: {  	[tilespmem:s5+$0xBE90] =	vst v0;
	_ =	sdelay $0x1  }
0x2c: {  	s5 =	sshra.s32 s20, $0x2  }
0x2d: {  	[tilespmem:s5+$0xBEB0] =	vst v0  }
0x2e: {  	[tilespmem:s5+$0xBEA0] =	vst v0  }
0x2f: {  	[tilespmem:s5+$0xBE80] =	vst v0  }
0x30: {  	[tilespmem:s5+$0xBE90] =	vst v0;
	s26 =	rddreg [dreg:$0x7]  }
0x31: {  	[spmem:s26] =	stream.linear.scatter [tilespmem:s16], [sflag:$0x4], $0x1F80, $0x38;
	[tilespmem:$0x17E00] =	vst v63  }
0x32: {  	_ =	swait.ge [sflag:s23], $0x1F80  }
0x33: {  	[sflag:s23] =	ssyncset.done $0x0  }
0x34: {  	[sflag:s23] =	ssyncadd.s32 $0xFFFFE080  }
0x35: {  	s5 =	simm.s32 $0x0;
	s17 =	simm.s32 $0x0;
	[bflag:$0x0] =	sbarrier.arrive $0xFFFF  }
.LBB2_6:
0x36: {  	s20 =	sshll.u32 s17, $0x5  }
0x37: {  	s23 =	stileid.u32;
	s20 =	sor.u32 s20, s9  }
0x38: {  	s23 =	sor.u32 s23, s20  }
0x39: {  	s20 =	smin.u32 s23, $0x1F3  }
0x3a: {  	s24 =	smul.u32 $0x280, s20;
	_ =	sdelay $0x1  }
0x3b: {  	s24 =	sshrl.u32 s24, $0x3  }
0x3c: {  	s26 =	sadd.s32 s4, s24  }
0x3d: {  	[tilespmem:s29], [sflag:$0x1] =	stream.linear.gather [hbm4b:s26+s5], $0x280, $0x38;
	[tilespmem:$0x17E00] =	vst v63  }
0x3e: {  	s26 =	sadd.s32 $0x9C40, s26  }
0x3f: {  	[tilespmem:s18], [sflag:$0x1] =	stream.linear.gather [hbm4b:s26+s5], $0x280, $0x38;
	[tilespmem:$0x17E00] =	vst v63  }
0x40: {  	s26 =	rddreg [dreg:$0x1]  }
0x41: {  	s20 =	smul.u32 $0x140, s20;
	s24 =	sadd.s32 s26, s24  }
0x42: {  	[tilespmem:s19], [sflag:$0x1] =	stream.linear.gather [hbm4b:s24+s5], $0x280, $0x38;
	[tilespmem:$0x17E00] =	vst v63  }
0x43: {  	s20 =	sadd.s32 s6, s20;
	s26 =	simm.s32 $0xA580  }
0x44: {  	[tilespmem:s26], [sflag:$0x1] =	stream.linear.gather [hbm4b:s20+s5], $0xA00, $0x38;
	[tilespmem:$0x17E00] =	vst v63  }
0x45: {  	_ =	swait.ge [sflag:s21], $0x280  }
0x46: {  	[sflag:s21] =	ssyncset.done $0x0  }
0x47: {  	[sflag:s21] =	ssyncadd.s32 $0xFFFFFD80  }
0x48: {  	_ =	swait.ge [sflag:s21], $0x280  }
0x49: {  	[sflag:s21] =	ssyncset.done $0x0  }
0x4a: {  	[sflag:s21] =	ssyncadd.s32 $0xFFFFFD80  }
0x4b: {  	_ =	swait.ge [sflag:s21], $0x280  }
0x4c: {  	[sflag:s21] =	ssyncset.done $0x0  }
0x4d: {  	[sflag:s21] =	ssyncadd.s32 $0xFFFFFD80  }
0x4e: {  	_ =	swait.ge [sflag:s21], $0xA00  }
0x4f: {  	[sflag:s21] =	ssyncset.done $0x0  }
0x50: {  	s20 =	simm.s32 $0x0;
	[sflag:s21] =	ssyncadd.s32 $0xFFFFF600  }
0x51: {  	vm1 =	vmmov vm0;
	p1 =	slt.u32 s23, $0x1F4;
	v4 =	vld [tilespmem:s20+$0xA080]  }
0x52: {  	s23 =	simm.s32 $0x40;
	vm1 =	vmneg @p1 vm1;
	v5 =	vld [tilespmem:s20+$0x9E00]  }
.LBB2_7:
0x53: {  	_ = 	snop  }
0x54: {  	p1 =	sne.s32 s23, $0x9C0  }
.Ltmp2:
0x55: {  	_ = 	snop;
	(pc) =	sbr.rel @p1 .LBB2_7-.Ltmp2, $4  }
0x56: {  	vm2 =	vlt.s32 v4, $0x7D0;
	v6 =	vand.u32 $0xF, v4  }
0x57: {  	s24 =	sshra.s32 s23, $0x2;
	v7 =	vmov v4;
	vm2 =	vmand vm1, vm2;
	v6 =	vor.u32 $0x7D0, v6  }
0x58: {  	v4 =	vld [tilespmem:s24+$0xA080];
	[tilespmem:s20+$0xB980] =	vst v5;
	v6 =	vsel vm2, v7, v6  }
0x59: {  	s23 =	sadd.s32 $0x40, s23;
	v5 =	vld [tilespmem:s24+$0x9E00];
	[tilespmem:s20+$0xBC00] =	vst v6;
	s20 =	smov.u32 s24  }
0x5a: {  	_ =	sdelay $0x2  }
0x5b: {  	vm2 =	vlt.s32 v4, $0x7D0;
	v6 =	vand.u32 $0xF, v4  }
0x5c: {  	vm2 =	vmand vm1, vm2;
	v6 =	vor.u32 $0x7D0, v6  }
0x5d: {  	[tilespmem:s20+$0xB980] =	vst v5;
	v4 =	vsel vm2, v4, v6  }
0x5e: {  	s23 =	simm.s32 $0xB980;
	[tilespmem:s20+$0xBC00] =	vst v4  }
0x5f: {  	[tilespmem:s16], [sflag:$0x2] =	stream.indirect.gather [hbm4b:s8+s22], $0x40, s23, s22, $0xb8;
	[tilespmem:$0x17E00] =	vst v63  }
0x60: {  	s24 =	simm.s32 $0xBA00  }
0x61: {  	[tilespmem:s25], [sflag:$0x2] =	stream.indirect.gather [hbm4b:s8+s22], $0x40, s24, s22, $0xb8;
	[tilespmem:$0x17E00] =	vst v63  }
0x62: {  	s26 =	simm.s32 $0x0;
	s23 =	simm.s32 $0xBA80  }
0x63: {  	v4 =	vor.u32 s26, v1;
	[tilespmem:s28], [sflag:$0x2] =	stream.indirect.gather [hbm4b:s8+s22], $0x40, s23, s22, $0xb8;
	[tilespmem:$0x17E00] =	vst v63  }
0x64: {  	s23 =	simm.s32 $0xBB00  }
0x65: {  	[tilespmem:s30], [sflag:$0x2] =	stream.indirect.gather [hbm4b:s8+s22], $0x40, s23, s22, $0xb8;
	[tilespmem:$0x17E00] =	vst v63  }
0x66: {  	_ = 	snop  }
0x67: {  	[tilespmem:s0], [sflag:$0x2] =	stream.indirect.gather [hbm4b:s8+s22], $0x40, s31, s22, $0xb8;
	[tilespmem:$0x17E00] =	vst v63  }
0x68: {  	v5 =	vld.idx.msk [tilespmem:v4+s18+$0x0], $0xffff;
	_ =	sdelay $0x4  }
0x69: {  	v6 =	vadd.s32 v2, v5;
	_ =	sdelay $0x4  }
0x6a: {  	v6 =	vld.idx.msk [tilespmem:v6+s3+$0x0], $0xffff;
	_ =	sdelay $0x4  }
0x6b: {  	v6 =	vadd.f32 $1.000000020e-16, v6;
	_ =	sdelay $0x1  }
0x6c: {  	(erf) = vrcp.f32 v6;
	_ =	sdelay $0x3  }
0x6d: {  	s24 =	simm.s32 $0xA580  }
0x6e: {  	v6 =	vld [tilespmem:s24+$0x0];
	_ =	sdelay $0x1  }
0x6f: {  	v4 =	vld.idx.msk [tilespmem:v4+s19+$0x0], $0xffff;
	_ =	sdelay $0x1  }
0x70: {  	v7 =	vpop (erf)  }
0x71: {  	s26 =	simm.s32 $0x4;
	v6 =	vmul.f32 v7, v6  }
0x72: {  	v7 =	vor.u32 s26, v1  }
0x73: {  	vm2 =	vlt.s32 v5, $0x7D0;
	v4 =	vmul.f32 v6, v4  }
0x74: {  	vm2 =	vmand vm1, vm2  }
0x75: {  	s20 =	simm.s32 $0xAF80;
	v4 =	vnsel vm2, $0x0, v4  }
0x76: {  	[tilespmem:s20+$0x0] =	vst v4  }
0x77: {  	v5 =	vld.idx.msk [tilespmem:v7+s18+$0x0], $0xffff;
	_ =	sdelay $0x4  }
0x78: {  	v4 =	vadd.s32 v2, v5;
	_ =	sdelay $0x4  }
0x79: {  	v4 =	vld.idx.msk [tilespmem:v4+s3+$0x0], $0xffff;
	_ =	sdelay $0x4  }
0x7a: {  	v4 =	vadd.f32 $1.000000020e-16, v4;
	_ =	sdelay $0x1  }
0x7b: {  	(erf) = vrcp.f32 v4;
	_ =	sdelay $0x3  }
0x7c: {  	s23 =	simm.s32 $0xA590  }
0x7d: {  	v4 =	vld [tilespmem:s23+$0x0];
	_ =	sdelay $0x1  }
0x7e: {  	v6 =	vld.idx.msk [tilespmem:v7+s19+$0x0], $0xffff;
	_ =	sdelay $0x1  }
0x7f: {  	v8 =	vpop (erf)  }
0x80: {  	s24 =	simm.s32 $0x8;
	v7 =	vmul.f32 v8, v4  }
0x81: {  	v4 =	vor.u32 s24, v1;
	s24 =	simm.s32 $0xC  }
.LBB2_9:
0x82: {  	p1 =	sne.s32 s24, $0x27C;
	v6 =	vmul.f32 v7, v6;
	vm2 =	vlt.s32 v5, $0x7D0  }
0x83: {  	vm2 =	vmand vm1, vm2  }
0x84: {  	s20 =	sadd.s32 $0x10, s20;
	v5 =	vnsel vm2, $0x0, v6  }
0x85: {  	[tilespmem:s20+$0x0] =	vst v5  }
0x86: {  	v5 =	vld.idx.msk [tilespmem:v4+s18+$0x0], $0xffff;
	_ =	sdelay $0x5  }
0x87: {  	v6 =	vadd.s32 v2, v5;
	_ =	sdelay $0x4  }
0x88: {  	v6 =	vld.idx.msk [tilespmem:v6+s3+$0x0], $0xffff;
	_ =	sdelay $0x5  }
0x89: {  	v6 =	vadd.f32 $1.000000020e-16, v6;
	_ =	sdelay $0x1  }
0x8a: {  	(erf) = vrcp.f32 v6;
	_ =	sdelay $0x3  }
0x8b: {  	s23 =	sadd.s32 $0x10, s23  }
0x8c: {  	v7 =	vld [tilespmem:s23+$0x0]  }
0x8d: {  	v6 =	vld.idx.msk [tilespmem:v4+s19+$0x0], $0xffff  }
.Ltmp3:
0x8e: {  	(pc) =	sbr.rel @p1 .LBB2_9-.Ltmp3, $4  }
0x8f: {  	_ = 	snop  }
0x90: {  	v4 =	vpop (erf)  }
0x91: {  	v7 =	vmul.f32 v4, v7  }
0x92: {  	v4 =	vor.u32 s24, v1;
	s24 =	sadd.s32 $0x4, s24  }
0x93: {  	v6 =	vmul.f32 v7, v6;
	vm2 =	vlt.s32 v5, $0x7D0  }
0x94: {  	vm2 =	vmand vm1, vm2  }
0x95: {  	s20 =	sadd.s32 $0x10, s20;
	v5 =	vnsel vm2, $0x0, v6  }
0x96: {  	[tilespmem:s20+$0x0] =	vst v5  }
0x97: {  	v5 =	vld.idx.msk [tilespmem:v4+s18+$0x0], $0xffff;
	_ =	sdelay $0x4  }
0x98: {  	v6 =	vadd.s32 v2, v5;
	_ =	sdelay $0x4  }
0x99: {  	v6 =	vld.idx.msk [tilespmem:v6+s3+$0x0], $0xffff;
	_ =	sdelay $0x4  }
0x9a: {  	v6 =	vadd.f32 $1.000000020e-16, v6;
	_ =	sdelay $0x1  }
0x9b: {  	(erf) = vrcp.f32 v6;
	_ =	sdelay $0x3  }
0x9c: {  	s23 =	sadd.s32 $0x10, s23  }
0x9d: {  	v6 =	vld [tilespmem:s23+$0x0];
	_ =	sdelay $0x1  }
0x9e: {  	v4 =	vld.idx.msk [tilespmem:v4+s19+$0x0], $0xffff;
	_ =	sdelay $0x1  }
0x9f: {  	v7 =	vpop (erf)  }
0xa0: {  	v6 =	vmul.f32 v7, v6;
	_ =	sdelay $0x1  }
0xa1: {  	vm2 =	vlt.s32 v5, $0x7D0;
	v4 =	vmul.f32 v6, v4  }
0xa2: {  	vm1 =	vmand vm1, vm2  }
0xa3: {  	s20 =	sadd.s32 $0x10, s20;
	v4 =	vnsel vm1, $0x0, v4  }
0xa4: {  	[tilespmem:s20+$0x0] =	vst v4  }
0xa5: {  	_ =	swait.ge [sflag:s15], $0x2000  }
0xa6: {  	[sflag:s15] =	ssyncset.done $0x0  }
0xa7: {  	[sflag:s15] =	ssyncadd.s32 $0xFFFFE000  }
0xa8: {  	_ =	swait.ge [sflag:s15], $0x2000  }
0xa9: {  	[sflag:s15] =	ssyncset.done $0x0  }
0xaa: {  	s24 =	simm.s32 $0x0;
	[sflag:s15] =	ssyncadd.s32 $0xFFFFE000  }
0xab: {  	v4 =	vmov s24;
	_ =	swait.ge [sflag:s15], $0x2000  }
0xac: {  	v4 =	vshrl.u32 v4, $0x3;
	[sflag:s15] =	ssyncset.done $0x0  }
0xad: {  	v4 =	vshll.u32 v4, v3;
	[sflag:s15] =	ssyncadd.s32 $0xFFFFE000  }
0xae: {  	v5 =	vbroadcast v4, $0x0;
	_ =	swait.ge [sflag:s15], $0x2000  }
0xaf: {  	[sflag:s15] =	ssyncset.done $0x0  }
0xb0: {  	[sflag:s15] =	ssyncadd.s32 $0xFFFFE000  }
0xb1: {  	_ =	swait.ge [sflag:s15], $0x2000  }
0xb2: {  	[sflag:s15] =	ssyncset.done $0x0  }
0xb3: {  	[sflag:s15] =	ssyncadd.s32 $0xFFFFE000  }
0xb4: {  	s20 =	simm.s32 $0xBF00;
	v5 =	vld.idx.msk [tilespmem:v5+s7+$0x0], $0xffff  }
0xb5: {  	v6 =	vld [tilespmem:s20+$0xFFFFFF80]  }
0xb6: {  	v7 =	vadd.s32 $0x1, v4  }
0xb7: {  	v7 =	vbroadcast v7, $0x0;
	_ =	sdelay $0x2  }
0xb8: {  	v5 =	vmul.f32 v6, v5;
	_ =	sdelay $0x1  }
0xb9: {  	v6 =	vld [tilespmem:s20+$0xFFFFFF90];
	[tilespmem:s20+$0xFFFFFF80] =	vst v5  }
0xba: {  	v5 =	vld.idx.msk [tilespmem:v7+s7+$0x0], $0xffff  }
0xbb: {  	v7 =	vadd.s32 $0x2, v4  }
0xbc: {  	v7 =	vbroadcast v7, $0x0;
	_ =	sdelay $0x2  }
0xbd: {  	v5 =	vmul.f32 v6, v5;
	_ =	sdelay $0x1  }
0xbe: {  	v6 =	vld [tilespmem:s20+$0xFFFFFFA0];
	[tilespmem:s20+$0xFFFFFF90] =	vst v5  }
0xbf: {  	v5 =	vld.idx.msk [tilespmem:v7+s7+$0x0], $0xffff;
	_ =	sdelay $0x1  }
0xc0: {  	v4 =	vadd.s32 $0x3, v4  }
0xc1: {  	v4 =	vbroadcast v4, $0x0;
	_ =	sdelay $0x1  }
0xc2: {  	v5 =	vmul.f32 v6, v5  }
0xc3: {  	s26 =	simm.s32 $0x4  }
0xc4: {  	[tilespmem:s20+$0xFFFFFFA0] =	vst v5;
	v5 =	vmov s26  }
0xc5: {  	v6 =	vld [tilespmem:s20+$0xFFFFFFB0];
	v5 =	vshrl.u32 v5, $0x3  }
0xc6: {  	v4 =	vld.idx.msk [tilespmem:v4+s7+$0x0], $0xffff;
	v5 =	vshll.u32 v5, v3  }
0xc7: {  	v7 =	vadd.s32 $0x4, v5  }
0xc8: {  	v7 =	vbroadcast v7, $0x0;
	_ =	sdelay $0x2  }
0xc9: {  	v4 =	vmul.f32 v6, v4;
	_ =	sdelay $0x1  }
0xca: {  	v6 =	vld [tilespmem:s20+$0xFFFFFFC0];
	[tilespmem:s20+$0xFFFFFFB0] =	vst v4  }
0xcb: {  	v4 =	vld.idx.msk [tilespmem:v7+s7+$0x0], $0xffff  }
0xcc: {  	v7 =	vadd.s32 $0x5, v5  }
0xcd: {  	v7 =	vbroadcast v7, $0x0;
	_ =	sdelay $0x2  }
0xce: {  	v4 =	vmul.f32 v6, v4;
	_ =	sdelay $0x1  }
0xcf: {  	v6 =	vld [tilespmem:s20+$0xFFFFFFD0];
	[tilespmem:s20+$0xFFFFFFC0] =	vst v4  }
0xd0: {  	v4 =	vld.idx.msk [tilespmem:v7+s7+$0x0], $0xffff  }
0xd1: {  	v7 =	vadd.s32 $0x6, v5  }
0xd2: {  	v7 =	vbroadcast v7, $0x0;
	_ =	sdelay $0x2  }
0xd3: {  	v4 =	vmul.f32 v6, v4;
	_ =	sdelay $0x1  }
0xd4: {  	v6 =	vld [tilespmem:s20+$0xFFFFFFE0];
	[tilespmem:s20+$0xFFFFFFD0] =	vst v4  }
0xd5: {  	v4 =	vld.idx.msk [tilespmem:v7+s7+$0x0], $0xffff  }
0xd6: {  	v5 =	vadd.s32 $0x7, v5  }
0xd7: {  	v5 =	vbroadcast v5, $0x0;
	_ =	sdelay $0x2  }
0xd8: {  	v4 =	vmul.f32 v6, v4;
	_ =	sdelay $0x1  }
0xd9: {  	s24 =	simm.s32 $0x8;
	[tilespmem:s20+$0xFFFFFFE0] =	vst v4  }
0xda: {  	v4 =	vld.idx.msk [tilespmem:v5+s7+$0x0], $0xffff;
	v5 =	vmov s24  }
0xdb: {  	v6 =	vld [tilespmem:s20+$0xFFFFFFF0];
	v5 =	vshrl.u32 v5, $0x3  }
0xdc: {  	v5 =	vshll.u32 v5, v3  }
0xdd: {  	v7 =	vbroadcast v5, $0x0;
	_ =	sdelay $0x2  }
0xde: {  	v4 =	vmul.f32 v6, v4;
	_ =	sdelay $0x1  }
0xdf: {  	v6 =	vld [tilespmem:s20+$0x0];
	[tilespmem:s20+$0xFFFFFFF0] =	vst v4  }
0xe0: {  	v4 =	vld.idx.msk [tilespmem:v7+s7+$0x0], $0xffff  }
0xe1: {  	v7 =	vadd.s32 $0x1, v5  }
0xe2: {  	v7 =	vbroadcast v7, $0x0;
	_ =	sdelay $0x2  }
0xe3: {  	v4 =	vmul.f32 v6, v4;
	_ =	sdelay $0x1  }
0xe4: {  	v6 =	vld [tilespmem:s20+$0x10];
	[tilespmem:s20+$0x0] =	vst v4  }
0xe5: {  	v4 =	vld.idx.msk [tilespmem:v7+s7+$0x0], $0xffff  }
0xe6: {  	v7 =	vadd.s32 $0x2, v5  }
0xe7: {  	v7 =	vbroadcast v7, $0x0;
	_ =	sdelay $0x2  }
0xe8: {  	v4 =	vmul.f32 v6, v4;
	_ =	sdelay $0x1  }
0xe9: {  	v6 =	vld [tilespmem:s20+$0x20];
	[tilespmem:s20+$0x10] =	vst v4  }
0xea: {  	v4 =	vld.idx.msk [tilespmem:v7+s7+$0x0], $0xffff;
	_ =	sdelay $0x1  }
0xeb: {  	v5 =	vadd.s32 $0x3, v5  }
0xec: {  	v5 =	vbroadcast v5, $0x0;
	_ =	sdelay $0x1  }
0xed: {  	v4 =	vmul.f32 v6, v4  }
0xee: {  	s26 =	simm.s32 $0xC  }
0xef: {  	[tilespmem:s20+$0x20] =	vst v4;
	v4 =	vmov s26  }
0xf0: {  	v6 =	vld [tilespmem:s20+$0x30];
	v4 =	vshrl.u32 v4, $0x3  }
0xf1: {  	v5 =	vld.idx.msk [tilespmem:v5+s7+$0x0], $0xffff;
	v4 =	vshll.u32 v4, v3  }
0xf2: {  	v7 =	vadd.s32 $0x4, v4  }
0xf3: {  	v7 =	vbroadcast v7, $0x0;
	_ =	sdelay $0x2  }
0xf4: {  	v5 =	vmul.f32 v6, v5;
	_ =	sdelay $0x1  }
0xf5: {  	v6 =	vld [tilespmem:s20+$0x40];
	[tilespmem:s20+$0x30] =	vst v5  }
0xf6: {  	v5 =	vld.idx.msk [tilespmem:v7+s7+$0x0], $0xffff  }
0xf7: {  	v7 =	vadd.s32 $0x5, v4  }
0xf8: {  	v7 =	vbroadcast v7, $0x0;
	_ =	sdelay $0x2  }
0xf9: {  	v5 =	vmul.f32 v6, v5;
	_ =	sdelay $0x1  }
0xfa: {  	v6 =	vld [tilespmem:s20+$0x50];
	[tilespmem:s20+$0x40] =	vst v5  }
0xfb: {  	v5 =	vld.idx.msk [tilespmem:v7+s7+$0x0], $0xffff  }
0xfc: {  	v7 =	vadd.s32 $0x6, v4  }
0xfd: {  	v7 =	vbroadcast v7, $0x0;
	_ =	sdelay $0x2  }
0xfe: {  	v5 =	vmul.f32 v6, v5;
	_ =	sdelay $0x1  }
0xff: {  	v6 =	vld [tilespmem:s20+$0x60];
	[tilespmem:s20+$0x50] =	vst v5  }
0x100: {  	v5 =	vld.idx.msk [tilespmem:v7+s7+$0x0], $0xffff  }
0x101: {  	v4 =	vadd.s32 $0x7, v4  }
0x102: {  	v4 =	vbroadcast v4, $0x0;
	_ =	sdelay $0x2  }
0x103: {  	v5 =	vmul.f32 v6, v5;
	_ =	sdelay $0x1  }
0x104: {  	s23 =	simm.s32 $0x1C;
	s24 =	simm.s32 $0x2C;
	s26 =	simm.s32 $0x10;
	[tilespmem:s20+$0x60] =	vst v5  }
.LBB2_11:
0x105: {  	p1 =	sne.s32 s24, $0x9FC;
	v5 =	vmov s26;
	v4 =	vld.idx.msk [tilespmem:v4+s7+$0x0], $0xffff  }
0x106: {  	v5 =	vshrl.u32 v5, $0x3;
	v6 =	vld [tilespmem:s20+$0x70]  }
0x107: {  	v5 =	vshll.u32 v5, v3  }
0x108: {  	v7 =	vbroadcast v5, $0x0;
	_ =	sdelay $0x2  }
0x109: {  	v4 =	vmul.f32 v6, v4;
	_ =	sdelay $0x1  }
0x10a: {  	[tilespmem:s20+$0x70] =	vst v4  }
0x10b: {  	s20 =	sadd.s32 $0x100, s20;
	v4 =	vld.idx.msk [tilespmem:v7+s7+$0x0], $0xffff  }
0x10c: {  	v6 =	vld [tilespmem:s20+$0xFFFFFF80]  }
0x10d: {  	v7 =	vadd.s32 $0x1, v5  }
0x10e: {  	v7 =	vbroadcast v7, $0x0;
	_ =	sdelay $0x2  }
0x10f: {  	v4 =	vmul.f32 v6, v4;
	_ =	sdelay $0x1  }
0x110: {  	[tilespmem:s20+$0xFFFFFF80] =	vst v4  }
0x111: {  	v4 =	vld.idx.msk [tilespmem:v7+s7+$0x0], $0xffff  }
0x112: {  	v6 =	vld [tilespmem:s20+$0xFFFFFF90]  }
0x113: {  	v7 =	vadd.s32 $0x2, v5  }
0x114: {  	v7 =	vbroadcast v7, $0x0;
	_ =	sdelay $0x2  }
0x115: {  	v4 =	vmul.f32 v6, v4;
	_ =	sdelay $0x1  }
0x116: {  	[tilespmem:s20+$0xFFFFFF90] =	vst v4  }
0x117: {  	v4 =	vld.idx.msk [tilespmem:v7+s7+$0x0], $0xffff  }
0x118: {  	v6 =	vld [tilespmem:s20+$0xFFFFFFA0]  }
0x119: {  	v5 =	vadd.s32 $0x3, v5  }
0x11a: {  	v5 =	vbroadcast v5, $0x0;
	_ =	sdelay $0x2  }
0x11b: {  	v4 =	vmul.f32 v6, v4  }
0x11c: {  	s26 =	sadd.s32 $0xFFFFFFF8, s23  }
0x11d: {  	[tilespmem:s20+$0xFFFFFFA0] =	vst v4;
	v4 =	vmov s26  }
0x11e: {  	v5 =	vld.idx.msk [tilespmem:v5+s7+$0x0], $0xffff;
	v4 =	vshrl.u32 v4, $0x3  }
0x11f: {  	v6 =	vld [tilespmem:s20+$0xFFFFFFB0];
	v4 =	vshll.u32 v4, v3  }
0x120: {  	v7 =	vadd.s32 $0x4, v4  }
0x121: {  	v7 =	vbroadcast v7, $0x0;
	_ =	sdelay $0x2  }
0x122: {  	v5 =	vmul.f32 v6, v5;
	_ =	sdelay $0x1  }
0x123: {  	[tilespmem:s20+$0xFFFFFFB0] =	vst v5  }
0x124: {  	v5 =	vld.idx.msk [tilespmem:v7+s7+$0x0], $0xffff  }
0x125: {  	v6 =	vld [tilespmem:s20+$0xFFFFFFC0]  }
0x126: {  	v7 =	vadd.s32 $0x5, v4  }
0x127: {  	v7 =	vbroadcast v7, $0x0;
	_ =	sdelay $0x2  }
0x128: {  	v5 =	vmul.f32 v6, v5;
	_ =	sdelay $0x1  }
0x129: {  	[tilespmem:s20+$0xFFFFFFC0] =	vst v5  }
0x12a: {  	v5 =	vld.idx.msk [tilespmem:v7+s7+$0x0], $0xffff  }
0x12b: {  	v6 =	vld [tilespmem:s20+$0xFFFFFFD0]  }
0x12c: {  	v7 =	vadd.s32 $0x6, v4  }
0x12d: {  	v7 =	vbroadcast v7, $0x0;
	_ =	sdelay $0x2  }
0x12e: {  	v5 =	vmul.f32 v6, v5;
	_ =	sdelay $0x1  }
0x12f: {  	[tilespmem:s20+$0xFFFFFFD0] =	vst v5  }
0x130: {  	v5 =	vld.idx.msk [tilespmem:v7+s7+$0x0], $0xffff  }
0x131: {  	v6 =	vld [tilespmem:s20+$0xFFFFFFE0]  }
0x132: {  	v4 =	vadd.s32 $0x7, v4  }
0x133: {  	v4 =	vbroadcast v4, $0x0;
	_ =	sdelay $0x2  }
0x134: {  	v5 =	vmul.f32 v6, v5;
	_ =	sdelay $0x1  }
0x135: {  	s26 =	sadd.s32 $0xFFFFFFFC, s23;
	[tilespmem:s20+$0xFFFFFFE0] =	vst v5  }
0x136: {  	v5 =	vmov s26;
	v4 =	vld.idx.msk [tilespmem:v4+s7+$0x0], $0xffff  }
0x137: {  	v5 =	vshrl.u32 v5, $0x3;
	v6 =	vld [tilespmem:s20+$0xFFFFFFF0]  }
0x138: {  	v5 =	vshll.u32 v5, v3  }
0x139: {  	v7 =	vbroadcast v5, $0x0;
	_ =	sdelay $0x2  }
0x13a: {  	v4 =	vmul.f32 v6, v4;
	_ =	sdelay $0x1  }
0x13b: {  	[tilespmem:s20+$0xFFFFFFF0] =	vst v4  }
0x13c: {  	v4 =	vld.idx.msk [tilespmem:v7+s7+$0x0], $0xffff  }
0x13d: {  	v6 =	vld [tilespmem:s20+$0x0]  }
0x13e: {  	v7 =	vadd.s32 $0x1, v5  }
0x13f: {  	v7 =	vbroadcast v7, $0x0;
	_ =	sdelay $0x2  }
0x140: {  	v4 =	vmul.f32 v6, v4;
	_ =	sdelay $0x1  }
0x141: {  	[tilespmem:s20+$0x0] =	vst v4  }
0x142: {  	v4 =	vld.idx.msk [tilespmem:v7+s7+$0x0], $0xffff  }
0x143: {  	v6 =	vld [tilespmem:s20+$0x10]  }
0x144: {  	v7 =	vadd.s32 $0x2, v5  }
0x145: {  	v7 =	vbroadcast v7, $0x0;
	_ =	sdelay $0x2  }
0x146: {  	v4 =	vmul.f32 v6, v4;
	_ =	sdelay $0x1  }
0x147: {  	[tilespmem:s20+$0x10] =	vst v4  }
0x148: {  	v4 =	vld.idx.msk [tilespmem:v7+s7+$0x0], $0xffff  }
0x149: {  	v6 =	vld [tilespmem:s20+$0x20]  }
0x14a: {  	v5 =	vadd.s32 $0x3, v5  }
0x14b: {  	v5 =	vbroadcast v5, $0x0;
	_ =	sdelay $0x2  }
0x14c: {  	v4 =	vmul.f32 v6, v4;
	_ =	sdelay $0x1  }
0x14d: {  	[tilespmem:s20+$0x20] =	vst v4;
	v4 =	vmov s23;
	s23 =	smov.u32 s24  }
0x14e: {  	v5 =	vld.idx.msk [tilespmem:v5+s7+$0x0], $0xffff;
	v4 =	vshrl.u32 v4, $0x3  }
0x14f: {  	v6 =	vld [tilespmem:s20+$0x30];
	v4 =	vshll.u32 v4, v3  }
0x150: {  	v7 =	vadd.s32 $0x4, v4  }
0x151: {  	v7 =	vbroadcast v7, $0x0;
	_ =	sdelay $0x2  }
0x152: {  	v5 =	vmul.f32 v6, v5;
	_ =	sdelay $0x1  }
0x153: {  	[tilespmem:s20+$0x30] =	vst v5  }
0x154: {  	v5 =	vld.idx.msk [tilespmem:v7+s7+$0x0], $0xffff  }
0x155: {  	v6 =	vld [tilespmem:s20+$0x40]  }
0x156: {  	v7 =	vadd.s32 $0x5, v4  }
0x157: {  	v7 =	vbroadcast v7, $0x0;
	_ =	sdelay $0x2  }
0x158: {  	v5 =	vmul.f32 v6, v5;
	_ =	sdelay $0x1  }
0x159: {  	[tilespmem:s20+$0x40] =	vst v5  }
0x15a: {  	v5 =	vld.idx.msk [tilespmem:v7+s7+$0x0], $0xffff  }
0x15b: {  	v6 =	vld [tilespmem:s20+$0x50]  }
0x15c: {  	v7 =	vadd.s32 $0x6, v4  }
0x15d: {  	v7 =	vbroadcast v7, $0x0;
	_ =	sdelay $0x2  }
0x15e: {  	v5 =	vmul.f32 v6, v5;
	_ =	sdelay $0x1  }
0x15f: {  	[tilespmem:s20+$0x50] =	vst v5  }
0x160: {  	v5 =	vld.idx.msk [tilespmem:v7+s7+$0x0], $0xffff  }
0x161: {  	v6 =	vld [tilespmem:s20+$0x60]  }
0x162: {  	v4 =	vadd.s32 $0x7, v4  }
0x163: {  	v4 =	vbroadcast v4, $0x0  }
.Ltmp4:
0x164: {  	(pc) =	sbr.rel @p1 .LBB2_11-.Ltmp4, $3  }
0x165: {  	_ = 	snop  }
0x166: {  	v5 =	vmul.f32 v6, v5;
	_ =	sdelay $0x1  }
0x167: {  	s24 =	sadd.s32 $0x10, s24;
	s26 =	sadd.s32 $0xFFFFFFF4, s23;
	[tilespmem:s20+$0x60] =	vst v5  }
0x168: {  	_ =	sdelay $0x3  }
0x169: {  	v4 =	vld.idx.msk [tilespmem:v4+s7+$0x0], $0xffff  }
0x16a: {  	v5 =	vmov s26;
	v6 =	vld [tilespmem:s20+$0x70]  }
0x16b: {  	v5 =	vshrl.u32 v5, $0x3  }
0x16c: {  	v5 =	vshll.u32 v5, v3  }
0x16d: {  	v7 =	vbroadcast v5, $0x0;
	_ =	sdelay $0x1  }
0x16e: {  	v4 =	vmul.f32 v6, v4;
	_ =	sdelay $0x1  }
0x16f: {  	[tilespmem:s20+$0x70] =	vst v4;
	s20 =	sadd.s32 $0x100, s20  }
0x170: {  	v38 =	vld [tilespmem:s20+$0xFFFFFF80]  }
0x171: {  	v4 =	vld.idx.msk [tilespmem:v7+s7+$0x0], $0xffff  }
0x172: {  	v39 =	vadd.s32 $0x1, v5  }
0x173: {  	v7 =	vbroadcast v39, $0x0;
	_ =	sdelay $0x2  }
0x174: {  	v4 =	vmul.f32 v38, v4;
	_ =	sdelay $0x1  }
0x175: {  	v40 =	vld [tilespmem:s20+$0xFFFFFF90];
	[tilespmem:s20+$0xFFFFFF80] =	vst v4  }
0x176: {  	v4 =	vld.idx.msk [tilespmem:v7+s7+$0x0], $0xffff  }
0x177: {  	v41 =	vadd.s32 $0x2, v5  }
0x178: {  	v7 =	vbroadcast v41, $0x0;
	_ =	sdelay $0x2  }
0x179: {  	v4 =	vmul.f32 v40, v4;
	_ =	sdelay $0x1  }
0x17a: {  	v42 =	vld [tilespmem:s20+$0xFFFFFFA0];
	[tilespmem:s20+$0xFFFFFF90] =	vst v4  }
0x17b: {  	v4 =	vld.idx.msk [tilespmem:v7+s7+$0x0], $0xffff;
	_ =	sdelay $0x1  }
0x17c: {  	v5 =	vadd.s32 $0x3, v5  }
0x17d: {  	v5 =	vbroadcast v5, $0x0;
	_ =	sdelay $0x1  }
0x17e: {  	v4 =	vmul.f32 v42, v4  }
0x17f: {  	s24 =	sadd.s32 $0xFFFFFFF8, s23  }
0x180: {  	[tilespmem:s20+$0xFFFFFFA0] =	vst v4;
	v4 =	vmov s24  }
0x181: {  	v43 =	vld [tilespmem:s20+$0xFFFFFFB0];
	v4 =	vshrl.u32 v4, $0x3  }
0x182: {  	v5 =	vld.idx.msk [tilespmem:v5+s7+$0x0], $0xffff;
	v4 =	vshll.u32 v4, v3  }
0x183: {  	v44 =	vadd.s32 $0x4, v4  }
0x184: {  	v7 =	vbroadcast v44, $0x0;
	_ =	sdelay $0x2  }
0x185: {  	v5 =	vmul.f32 v43, v5;
	_ =	sdelay $0x1  }
0x186: {  	v45 =	vld [tilespmem:s20+$0xFFFFFFC0];
	[tilespmem:s20+$0xFFFFFFB0] =	vst v5  }
0x187: {  	v5 =	vld.idx.msk [tilespmem:v7+s7+$0x0], $0xffff  }
0x188: {  	v46 =	vadd.s32 $0x5, v4  }
0x189: {  	v7 =	vbroadcast v46, $0x0;
	_ =	sdelay $0x2  }
0x18a: {  	v5 =	vmul.f32 v45, v5;
	_ =	sdelay $0x1  }
0x18b: {  	v47 =	vld [tilespmem:s20+$0xFFFFFFD0];
	[tilespmem:s20+$0xFFFFFFC0] =	vst v5  }
0x18c: {  	v5 =	vld.idx.msk [tilespmem:v7+s7+$0x0], $0xffff  }
0x18d: {  	v48 =	vadd.s32 $0x6, v4  }
0x18e: {  	v7 =	vbroadcast v48, $0x0;
	_ =	sdelay $0x2  }
0x18f: {  	v5 =	vmul.f32 v47, v5;
	_ =	sdelay $0x1  }
0x190: {  	v49 =	vld [tilespmem:s20+$0xFFFFFFE0];
	[tilespmem:s20+$0xFFFFFFD0] =	vst v5  }
0x191: {  	v5 =	vld.idx.msk [tilespmem:v7+s7+$0x0], $0xffff  }
0x192: {  	v4 =	vadd.s32 $0x7, v4  }
0x193: {  	v4 =	vbroadcast v4, $0x0;
	_ =	sdelay $0x2  }
0x194: {  	v5 =	vmul.f32 v49, v5  }
0x195: {  	s26 =	sadd.s32 $0xFFFFFFFC, s23  }
0x196: {  	v50 =	vld [tilespmem:s20+$0xFFFFFFF0];
	[tilespmem:s20+$0xFFFFFFE0] =	vst v5;
	v5 =	vmov s26  }
0x197: {  	v4 =	vld.idx.msk [tilespmem:v4+s7+$0x0], $0xffff;
	v5 =	vshrl.u32 v5, $0x3  }
0x198: {  	v5 =	vshll.u32 v5, v3  }
0x199: {  	v51 =	vbroadcast v5, $0x0;
	_ =	sdelay $0x2  }
0x19a: {  	v4 =	vmul.f32 v50, v4;
	_ =	sdelay $0x1  }
0x19b: {  	v52 =	vld [tilespmem:s20+$0x0];
	[tilespmem:s20+$0xFFFFFFF0] =	vst v4  }
0x19c: {  	v4 =	vld.idx.msk [tilespmem:v51+s7+$0x0], $0xffff  }
0x19d: {  	v53 =	vadd.s32 $0x1, v5  }
0x19e: {  	v7 =	vbroadcast v53, $0x0;
	_ =	sdelay $0x2  }
0x19f: {  	v4 =	vmul.f32 v52, v4;
	_ =	sdelay $0x1  }
0x1a0: {  	v54 =	vld [tilespmem:s20+$0x10];
	[tilespmem:s20+$0x0] =	vst v4  }
0x1a1: {  	v4 =	vld.idx.msk [tilespmem:v7+s7+$0x0], $0xffff  }
0x1a2: {  	v55 =	vadd.s32 $0x2, v5  }
0x1a3: {  	v7 =	vbroadcast v55, $0x0;
	_ =	sdelay $0x2  }
0x1a4: {  	v4 =	vmul.f32 v54, v4;
	_ =	sdelay $0x1  }
0x1a5: {  	v56 =	vld [tilespmem:s20+$0x20];
	[tilespmem:s20+$0x10] =	vst v4  }
0x1a6: {  	v4 =	vld.idx.msk [tilespmem:v7+s7+$0x0], $0xffff;
	_ =	sdelay $0x1  }
0x1a7: {  	v5 =	vadd.s32 $0x3, v5  }
0x1a8: {  	v5 =	vbroadcast v5, $0x0;
	_ =	sdelay $0x1  }
0x1a9: {  	v4 =	vmul.f32 v56, v4;
	_ =	sdelay $0x1  }
0x1aa: {  	[tilespmem:s20+$0x20] =	vst v4;
	v4 =	vmov s23  }
0x1ab: {  	v57 =	vld [tilespmem:s20+$0x30];
	v4 =	vshrl.u32 v4, $0x3  }
0x1ac: {  	v5 =	vld.idx.msk [tilespmem:v5+s7+$0x0], $0xffff;
	v4 =	vshll.u32 v4, v3  }
0x1ad: {  	v58 =	vadd.s32 $0x4, v4  }
0x1ae: {  	v7 =	vbroadcast v58, $0x0;
	_ =	sdelay $0x2  }
0x1af: {  	v5 =	vmul.f32 v57, v5;
	_ =	sdelay $0x1  }
0x1b0: {  	v59 =	vld [tilespmem:s20+$0x40];
	[tilespmem:s20+$0x30] =	vst v5  }
0x1b1: {  	v5 =	vld.idx.msk [tilespmem:v7+s7+$0x0], $0xffff  }
0x1b2: {  	v60 =	vadd.s32 $0x5, v4  }
0x1b3: {  	v7 =	vbroadcast v60, $0x0;
	_ =	sdelay $0x2  }
0x1b4: {  	v5 =	vmul.f32 v59, v5;
	_ =	sdelay $0x1  }
0x1b5: {  	v61 =	vld [tilespmem:s20+$0x50];
	[tilespmem:s20+$0x40] =	vst v5  }
0x1b6: {  	v5 =	vld.idx.msk [tilespmem:v7+s7+$0x0], $0xffff  }
0x1b7: {  	v62 =	vadd.s32 $0x6, v4  }
0x1b8: {  	v7 =	vbroadcast v62, $0x0;
	_ =	sdelay $0x2  }
0x1b9: {  	v5 =	vmul.f32 v61, v5;
	_ =	sdelay $0x1  }
0x1ba: {  	v63 =	vld [tilespmem:s20+$0x60];
	[tilespmem:s20+$0x50] =	vst v5  }
0x1bb: {  	v5 =	vld.idx.msk [tilespmem:v7+s7+$0x0], $0xffff  }
0x1bc: {  	v4 =	vadd.s32 $0x7, v4  }
0x1bd: {  	v4 =	vbroadcast v4, $0x0;
	_ =	sdelay $0x2  }
0x1be: {  	v5 =	vmul.f32 v63, v5;
	_ =	sdelay $0x1  }
0x1bf: {  	[tilespmem:s20+$0x60] =	vst v5;
	v5 =	vld [tilespmem:s20+$0x70]  }
0x1c0: {  	v4 =	vld.idx.msk [tilespmem:v4+s7+$0x0], $0xffff;
	_ =	sdelay $0x4  }
0x1c1: {  	v4 =	vmul.f32 v5, v4;
	_ =	sdelay $0x1  }
0x1c2: {  	[tilespmem:s20+$0x70] =	vst v4  }
0x1c3: {  	[spmem:s2] =	stream.indirect.scatter.add.f32 [tilespmem:s16], [sflag:$0x3], $0x40, s10, s22, $0xb8;
	[tilespmem:$0x17E00] =	vst v63  }
0x1c4: {  	_ = 	snop  }
0x1c5: {  	[spmem:s2] =	stream.indirect.scatter.add.f32 [tilespmem:s25], [sflag:$0x3], $0x40, s11, s22, $0xb8;
	[tilespmem:$0x17E00] =	vst v63  }
0x1c6: {  	_ = 	snop  }
0x1c7: {  	[spmem:s2] =	stream.indirect.scatter.add.f32 [tilespmem:s28], [sflag:$0x3], $0x40, s12, s22, $0xb8;
	[tilespmem:$0x17E00] =	vst v63  }
0x1c8: {  	_ = 	snop  }
0x1c9: {  	[spmem:s2] =	stream.indirect.scatter.add.f32 [tilespmem:s30], [sflag:$0x3], $0x40, s13, s22, $0xb8;
	[tilespmem:$0x17E00] =	vst v63  }
0x1ca: {  	_ = 	snop  }
0x1cb: {  	[spmem:s2] =	stream.indirect.scatter.add.f32 [tilespmem:s0], [sflag:$0x3], $0x40, s14, s22, $0xb8;
	[tilespmem:$0x17E00] =	vst v63  }
0x1cc: {  	_ =	swait.ge [sflag:s1], $0x2000  }
0x1cd: {  	[sflag:s1] =	ssyncset.done $0x0  }
0x1ce: {  	[sflag:s1] =	ssyncadd.s32 $0xFFFFE000  }
0x1cf: {  	_ =	swait.ge [sflag:s1], $0x2000  }
0x1d0: {  	[sflag:s1] =	ssyncset.done $0x0  }
0x1d1: {  	[sflag:s1] =	ssyncadd.s32 $0xFFFFE000  }
0x1d2: {  	_ =	swait.ge [sflag:s1], $0x2000  }
0x1d3: {  	[sflag:s1] =	ssyncset.done $0x0  }
0x1d4: {  	s17 =	sadd.s32 $0x1, s17;
	[sflag:s1] =	ssyncadd.s32 $0xFFFFE000  }
0x1d5: {  	p1 =	sne.s32 s17, $0x10;
	_ =	swait.ge [sflag:s1], $0x2000  }
.Ltmp5:
0x1d6: {  	[sflag:s1] =	ssyncset.done $0x0;
	(pc) =	sbr.rel @p1 .LBB2_6-.Ltmp5, $4  }
0x1d7: {  	[sflag:s1] =	ssyncadd.s32 $0xFFFFE000  }
0x1d8: {  	_ =	swait.ge [sflag:s1], $0x2000  }
0x1d9: {  	[sflag:s1] =	ssyncset.done $0x0  }
0x1da: {  	[sflag:s1] =	ssyncadd.s32 $0xFFFFE000  }
0x1db: {  	[bflag:$0x0] =	sbarrier.arrive $0xFFFF  }
0x1dc: {  	s5 =	sshrl.u32 @!p0 s2, $0x3;
	s17 =	simm.s32 @!p0 $0x1C04;
	s20 =	rddreg [dreg:$0x8]  }
0x1dd: {  	[hbm:s20], [sflag:s17] =	dma.local @!p0 [spmem:s5], $0x3F00  }
0x1de: {  	s5 =	simm.s32 @!p0 $0x4  }
0x1df: {  	_ =	swait.ge @!p0 [sflag:s5], $0x3F00  }
0x1e0: {  	s24 =	rddreg [dreg:$0xa]  }
0x1e1: {  	s26 =	rddreg [dreg:$0x9];
	s20 =	sadd.s32 $0x1, s24  }
0x1e2: {  	p1 =	sne.s32 s20, s26  }
.Ltmp6:
0x1e3: {  	_ = 	snop;
	(pc) =	sbr.rel @p1 .LBB2_1-.Ltmp6, $3  }
0x1e4: {  	_ =	sdelay $0x1  }
0x1e5: {  	[sflag:s5] =	ssyncset.done @!p0 $0x0  }
0x1e6: {  	s23 =	simm.s32 $0x4;
	[sflag:s5] =	ssyncadd.s32 @!p0 $0xFFFFC100  }
0x1e7: {  	_ =	sfence.sel $0x180000  }
0x1e8: {  	[bflag:$0x0] =	sbarrier.arrive $0xFFFF  }
0x1e9: {  	_ =	strace $0x9000004A  }
0x1ea: {  	[bflag:$0x2] =	sbarrier.arrive $0xFFFF  }
0x1eb: {  	s0 =	rddreg [dreg:$0x4]  }
0x1ec: {  	s0 =	sadd.s32 @!p0 $0x100000, s0  }
0x1ed: {  	[sflag:s0] =	ssyncadd.tile.s32 @!p0 $0x1;
	_ =	shalt  }
.Lfunc_end2:
_tile_overlayer_lowered:
.L_overlay_start_2:
0x1ee: {  	(tag) =	ssettag $0x2  }
0x1ef: {  	s0 =	rddreg [dreg:$0x0];
	s2 =	stileid.u32  }
0x1f0: {  	s1 =	rddreg [dreg:$0x1];
	p0 =	sne.s32 s2, $0x0  }
0x1f1: {  	s3 =	rddreg [dreg:$0x2];
	[bflag:$0x3] =	sbarrier.arrive $0xFFFF;
	s2 =	simm.s32 @!p0 $0x1C04  }
0x1f2: {  	[timem:s3], [sflag:s2] =	dma.local @!p0 [hbm:s0], s1  }
0x1f3: {  	s0 =	simm.s32 @!p0 $0x4  }
0x1f4: {  	_ =	swait.ge @!p0 [sflag:s0], s1  }
0x1f5: {  	s1 =	ssub.s32 @!p0 $0x0, s1;
	[sflag:s0] =	ssyncset.done @!p0 $0x0  }
0x1f6: {  	[sflag:s0] =	ssyncadd.s32 @!p0 s1  }
0x1f7: {  	[bflag:$0x3] =	sbarrier.arrive $0xFFFF  }
0x1f8: {  	_ =	shalt  }

// kernel: kernel.16.cloned.1.call-start
scs
__scs_entry_jumppad:
0x0: {  	(pc) =	sbr.rel $0x88, $3  }
0x1: {  	(tag) =	ssettag $0x0;
	lr =	simm.s32 $0x1  }
0x2: {  	[smem:$0x3F96] =	sst lr;
	_ =	strace $0xD0000000  }
0x3: {  	_ = 	snop  }
0x4: {  	_ = 	snop  }
0x5: {  	_ = 	snop  }
0x6: {  	_ = 	snop  }
0x7: {  	_ = 	snop  }
__scs_overlays_trampoline_lowered:
0x8: {  	[smem:$0x3FA5] =	sst s0  }
0x9: {  	[smem:$0x3FA6] =	sst s1  }
0xa: {  	[smem:$0x3FA7] =	sst s2  }
0xb: {  	[smem:$0x3FA8] =	sst s3  }
0xc: {  	[smem:$0x3FA9] =	sst s4  }
0xd: {  	[smem:$0x3FAA] =	sst s5  }
0xe: {  	[smem:$0x3FAB] =	sst s6  }
0xf: {  	[smem:$0x3FAC] =	sst s7  }
0x10: {  	[smem:$0x3FAD] =	sst s8  }
0x11: {  	[smem:$0x3FAE] =	sst s9;
	s0 =	simm.s32 @!p0 $0x0  }
0x12: {  	s1 =	sld [smem:$0x3F94];
	s0 =	simm.s32 @p0 $0x1  }
0x13: {  	[smem:$0x3FAF] =	sst s0;
	s0 =	simm.s32 @!p1 $0x0  }
0x14: {  	s2 =	sld [smem:$0x3F93];
	s0 =	simm.s32 @p1 $0x1  }
0x15: {  	[smem:$0x3FB0] =	sst s0;
	s0 =	simm.s32 @!p2 $0x0  }
0x16: {  	s3 =	sld [smem:$0x3FDB];
	s0 =	simm.s32 @p2 $0x1  }
0x17: {  	s4 =	simm.s32 $0x1BF5;
	[smem:$0x3FB2] =	sst s0  }
0x18: {  	s0 =	sld [smem:$0x3F95];
	_ =	swait.ge [sflag:s4], $0x0  }
0x19: {  	s7 =	sld [smem:$0x3F96]  }
0x1a: {  	s8 =	sadd.s32 $0xFFFFE003, lr  }
0x1b: {  	s9 =	sadd.s32 $0xFFFFFEF7, lr;
	s5 =	simm.s32 $0xFFFFFFFF;
	p2 =	slt.u32 s8, $0xFFFFF086  }
0x1c: {  	p1 =	slt.u32 s9, $0xF7A;
	s5 =	simm.s32 @!p2 $0x0  }
0x1d: {  	s5 =	simm.s32 @p1 $0x1;
	p0 =	seq.s32 s7, s2  }
0x1e: {  	s7 =	smul.u32 @!p0 $0xF7A, s2;
	p2 =	seq.s32 @!p0 s5, $0x0  }
0x1f: {  	s9 =	smul.u32 $0xF7A, s1;
	s8 =	simm.s32 @!p0 $0x1BF5;
	p2 =	por !p2, p0  }
0x20: {  	[sflag:s8] =	ssyncset.s32 @!p0 $0xFFFFF086;
	s6 =	sadd.s32 @!p0 s3, s7;
	s7 =	simm.s32 @!p0 $0x108  }
0x21: {  	s3 =	sadd.s32 s3, s9;
	s6 =	sadd.s32 @!p0 $0x88, s6;
	s7 =	simm.s32 @p2 $0x1082  }
0x22: {  	[simem:s7], [sflag:s8] =	dma.local @!p0 [hbm:s6], $0xF7A  }
0x23: {  	s9 =	sor.u32 $0xD0000000, s2;
	s6 =	simm.s32 $0x108;
	_ =	swait.ge @!p0 [sflag:s8], $0x0  }
0x24: {  	s3 =	sadd.s32 $0x88, s3;
	s6 =	simm.s32 @!p1 $0x1082;
	[sflag:s4] =	ssyncset.s32 $0xFFFFF086  }
0x25: {  	[simem:s6], [sflag:s4] =	dma.local [hbm:s3], $0xF7A  }
0x26: {  	[smem:$0x3F96] =	sst s1;
	(tag) =	ssettag s2;
	_ =	strace s9  }
0x27: {  	s1 =	sld [smem:$0x3FA6]  }
0x28: {  	s2 =	sld [smem:$0x3FA7]  }
0x29: {  	s4 =	sld [smem:$0x3FA9]  }
0x2a: {  	p0 =	seq.s32 s5, $0x0;
	s5 =	sld [smem:$0x3FAA]  }
0x2b: {  	s6 =	sld [smem:$0x3FAB]  }
0x2c: {  	s7 =	sld [smem:$0x3FAC]  }
0x2d: {  	s3 =	simm.s32 $0x108;
	s8 =	sld [smem:$0x3FAD]  }
0x2e: {  	s3 =	simm.s32 @!p0 $0x1082;
	s9 =	sld [smem:$0x3FAE]  }
0x2f: {  	lr =	sadd.s32 s0, s3;
	s0 =	sld [smem:$0x3FA5]  }
0x30: {  	s3 =	sld [smem:$0x3FA8]  }
0x31: {  	[smem:$0x3FB1] =	sst s10  }
0x32: {  	s10 =	sld [smem:$0x3FAF];
	_ =	sdelay $0x3  }
0x33: {  	p0 =	seq.s32 s10, $0x1;
	s10 =	sld [smem:$0x3FB1];
	_ =	sdelay $0x3  }
0x34: {  	[smem:$0x3FB1] =	sst s10  }
0x35: {  	s10 =	sld [smem:$0x3FB0];
	_ =	sdelay $0x3  }
0x36: {  	p1 =	seq.s32 s10, $0x1;
	s10 =	sld [smem:$0x3FB1];
	_ =	sdelay $0x3  }
0x37: {  	[smem:$0x3FB1] =	sst s10  }
0x38: {  	s10 =	sld [smem:$0x3FB2]  }
0x39: {  	_ = 	snop;
	(pc) =	sbr.ind lr, $3  }
0x3a: {  	_ = 	snop  }
0x3b: {  	_ = 	snop  }
0x3c: {  	p2 =	seq.s32 s10, $0x1;
	s10 =	sld [smem:$0x3FB1]  }
0x3d: {  	_ =	shalt  }
0x3e: {  	_ =	shalt  }
0x3f: {  	_ =	shalt  }
0x40: {  	_ =	shalt  }
0x41: {  	_ =	shalt  }
0x42: {  	_ =	shalt  }
0x43: {  	_ =	shalt  }
0x44: {  	_ =	shalt  }
0x45: {  	_ =	shalt  }
0x46: {  	_ =	shalt  }
0x47: {  	_ =	shalt  }
0x48: {  	_ =	shalt  }
0x49: {  	_ =	shalt  }
0x4a: {  	_ =	shalt  }
0x4b: {  	_ =	shalt  }
0x4c: {  	_ =	shalt  }
0x4d: {  	_ =	shalt  }
0x4e: {  	_ =	shalt  }
0x4f: {  	_ =	shalt  }
0x50: {  	_ =	shalt  }
0x51: {  	_ =	shalt  }
0x52: {  	_ =	shalt  }
0x53: {  	_ =	shalt  }
0x54: {  	_ =	shalt  }
0x55: {  	_ =	shalt  }
0x56: {  	_ =	shalt  }
0x57: {  	_ =	shalt  }
0x58: {  	_ =	shalt  }
0x59: {  	_ =	shalt  }
0x5a: {  	_ =	shalt  }
0x5b: {  	_ =	shalt  }
0x5c: {  	_ =	shalt  }
0x5d: {  	_ =	shalt  }
0x5e: {  	_ =	shalt  }
0x5f: {  	_ =	shalt  }
0x60: {  	_ =	shalt  }
0x61: {  	_ =	shalt  }
0x62: {  	_ =	shalt  }
0x63: {  	_ =	shalt  }
0x64: {  	_ =	shalt  }
0x65: {  	_ =	shalt  }
0x66: {  	_ =	shalt  }
0x67: {  	_ =	shalt  }
0x68: {  	_ =	shalt  }
0x69: {  	_ =	shalt  }
0x6a: {  	_ =	shalt  }
0x6b: {  	_ =	shalt  }
0x6c: {  	_ =	shalt  }
0x6d: {  	_ =	shalt  }
0x6e: {  	_ =	shalt  }
0x6f: {  	_ =	shalt  }
0x70: {  	_ =	shalt  }
0x71: {  	_ =	shalt  }
0x72: {  	_ =	shalt  }
0x73: {  	_ =	shalt  }
0x74: {  	_ =	shalt  }
0x75: {  	_ =	shalt  }
0x76: {  	_ =	shalt  }
0x77: {  	_ =	shalt  }
0x78: {  	_ =	shalt  }
0x79: {  	_ =	shalt  }
0x7a: {  	_ =	shalt  }
0x7b: {  	_ =	shalt  }
0x7c: {  	_ =	shalt  }
0x7d: {  	_ =	shalt  }
0x7e: {  	_ =	shalt  }
0x7f: {  	_ =	shalt  }
0x80: {  	_ =	shalt  }
0x81: {  	_ =	shalt  }
0x82: {  	_ =	shalt  }
0x83: {  	_ =	shalt  }
0x84: {  	_ =	shalt  }
0x85: {  	_ =	shalt  }
0x86: {  	_ =	shalt  }
0x87: {  	_ =	shalt  }
.Lfunc_end0:
.L_simem_size_0:
called_computation.2_lowered:
.L_overlay_start_0:
0x88: {  	s2 =	sld [smem:$0x3FD9]  }
0x89: {  	s3 =	sld [smem:$0x3FFE];
	_ =	sdelay $0x1  }
0x8a: {  	s1 =	srdreg.scid  }
0x8b: {  	s0 =	sand.u32 $0x1, s1  }
0x8c: {  	s16 =	sshll.u32 s0, $0xA;
	s2 =	sadd.s32 s3, s2  }
0x8d: {  	s2 =	sadd.s32 s2, s16  }
0x8e: {  	[smem:$0x3FBD] =	sst s2  }
0x8f: {  	_ = 	snop  }
0x90: {  	(tm) =	ssettm $0x1  }
0x91: {  	s17 =	sld [smem:$0x3FFB];
	_ =	sdelay $0x3  }
0x92: {  	_ =	strace s17  }
0x93: {  	s2 =	sld [smem:$0x3FFC];
	_ =	sdelay $0x3  }
0x94: {  	_ =	strace s2  }
0x95: {  	s2 =	sld [smem:$0x3FFD];
	_ =	sdelay $0x3  }
0x96: {  	_ =	strace s2  }
0x97: {  	_ =	strace $0x8FFFFFFF  }
0x98: {  	s18 =	sld [smem:$0x3FDB];
	_ =	sdelay $0x1  }
0x99: {  	s19 =	simm.s32 $_scs_section_size  }
0x9a: {  	s4 =	simm.s32 $_size__tile_overlayer_lowered;
	s5 =	simm.s32 $_tile_overlayer_lowered  }
0x9b: {  	s22 =	simm.s32 $0x1BFF;
	s21 =	sshll.u32 s5, $0x1;
	s2 =	sadd.s32 s19, s18  }
0x9c: {  	s6 =	simm.s32 $0x0;
	s20 =	sshll.u32 s4, $0x1;
	s4 =	sadd.s32 s21, s2  }
0x9d: {  	[timem:s6], [sflag:s22] =	dma.local [hbm:s4], s20  }
0x9e: {  	_ =	swait.ge [sflag:s22], s20  }
0x9f: {  	s3 =	ssub.s32 $0x0, s20;
	[sflag:s22] =	ssyncset.done $0x0  }
0xa0: {  	[sflag:s22] =	ssyncadd.s32 s3;
	_ =	sdelay $0x1  }
0xa1: {  	s23 =	simm.s32 $0x1B8B  }
0xa2: {  	_ =	swait.ge [sflag:s23], $0x1  }
0xa3: {  	[sflag:s23] =	ssyncset.done $0x0  }
0xa4: {  	s25 =	simm.s32 $0x1B8E;
	s24 =	sld [smem:$0x3FFE];
	[sflag:s23] =	ssyncadd.s32 $0xFFFFFFFF  }
0xa5: {  	s26 =	simm.s32 $execute0_lowered;
	[smem:$0x3FD2] =	sst s25  }
0xa6: {  	s4 =	sshll.u32 s26, $0x1;
	_ =	strace $0x8000004C;
	[dreg:$0x1] =	wrdreg $0xFFFFFFFF  }
0xa7: {  	s28 =	simm.s32 $_size_execute0_lowered;
	s2 =	sadd.s32 s2, s4;
	[dreg:$0x0] =	wrdreg $0x0  }
0xa8: {  	s4 =	sshll.u32 s28, $0x1;
	[dreg:$0x2] =	wrdreg s2  }
0xa9: {  	[dreg:$0x3] =	wrdreg s4  }
0xaa: {  	[dreg:$0x4] =	wrdreg $0xC0  }
0xab: {  	_ =	task [dreg:s6], $0x5FFFF  }
0xac: {  	[dreg:$0x1] =	wrdreg $0xFFFFFFFF  }
0xad: {  	[dreg:$0x0] =	wrdreg $0x60  }
0xae: {  	[dreg:$0x2] =	wrdreg s24  }
0xaf: {  	[dreg:$0x3] =	wrdreg $0x59800  }
0xb0: {  	[dreg:$0x4] =	wrdreg $0x9  }
0xb1: {  	_ =	task.clear_ibuf [dreg:s6], $0x5FFFF;
	_ =	strace $0x9000004C  }
0xb2: {  	s29 =	simm.s32 $0x9;
	_ =	strace $0x8000004E  }
0xb3: {  	_ =	swait.ge [sflag:s29], $0x1  }
0xb4: {  	[sflag:s29] =	ssyncadd.s32 $0xFFFFFFFF  }
0xb5: {  	_ =	strace $0x9000004E  }
0xb6: {  	_ =	sfence  }
0xb7: {  	s30 =	sld [smem:$0x0];
	_ =	sdelay $0x2  }
0xb8: {  	s31 =	sshll.u32 s1, $0xD;
	s1 =	sshrl.u32 s1, $0x2  }
0xb9: {  	s3 =	sand.u32 $0x4000, s31;
	s1 =	sadd.s32 s1, s30  }
0xba: {  	s0 =	sor.u32 s3, s0;
	s1 =	sshll.u32 s1, $0x11  }
0xbb: {  	s0 =	sor.u32 s1, s0  }
0xbc: {  	s0 =	sadd.s32 $0x8F2B, s0  }
0xbd: {  	[sflag:s0] =	ssyncadd.remote.s32 $0x1  }
0xbe: {  	_ =	sfence.sel $0xFFFF  }
0xbf: {  	[dreg:$0x0] =	wrdreg $0xFFFFFFFF;
	(pc) =	sbr.abs _section_cstart, $3  }
0xc0: {  	[dreg:$0x1] =	wrdreg $0xFFFFFFFF  }
0xc1: {  	_ =	task.clear_ibuf [dreg:s6], $0x2FFFF;
	_ =	strace $0x9FFFFFFF  }
0xc2: {  	(tm) =	ssettm $0x7FFFFFFF  }
0xc3: {  	_ =	shalt  }
tec
execute0_lowered:
.L_overlay_start_1:
0x0: {  	(tag) =	ssettag $0x1  }
0x1: {  	s0 =	rddreg [dreg:$0x0]  }
0x2: {  	s1 =	rddreg [dreg:$0x1];
	s2 =	simm.s32 $0x0;
	s25 =	srdreg.scid  }
0x3: {  	s10 =	stileid.u32;
	s12 =	simm.s32 $0x2;
	s13 =	simm.s32 $0x1F40  }
0x4: {  	s15 =	simm.s32 $0x3E80;
	s16 =	simm.s32 $0x4100;
	s17 =	simm.s32 $0x1  }
0x5: {  	s18 =	simm.s32 $0x4380;
	s19 =	simm.s32 $0x80;
	s31 =	simm.s32 $0x5500  }
0x6: {  	s14 =	simm.s32 $0x5580;
	s11 =	simm.s32 $0x4C80;
	s20 =	simm.s32 $0x4D00  }
0x7: {  	s23 =	simm.s32 $0x0;
	[smem:$0x7FF] =	sst s2;
	s3 =	sadd.s32 $0x49800, s0  }
0x8: {  	s4 =	sadd.s32 $0x3400, s0;
	s5 =	sadd.s32 $0x3000, s0;
	s6 =	sadd.s32 $0x3800, s0  }
0x9: {  	s9 =	sshll.u32 s10, $0x9;
	_ =	strace $0x8000004D;
	[dreg:$0x3] =	wrdreg s4  }
0xa: {  	p0 =	sne.s32 s10, $0x0;
	s10 =	simm.s32 $0x5680;
	[dreg:$0x4] =	wrdreg s5  }
0xb: {  	s4 =	sand.u32 $0x1, s25;
	s29 =	sadd.s32 s9, s1;
	s9 =	simm.s32 $0x4C00  }
0xc: {  	v3 =	vlaneseq.u32;
	s26 =	sshll.u32 s4, $0xA;
	s7 =	ssub.s32 $0x2, s4;
	s8 =	sshll.u32 s4, $0x4  }
0xd: {  	v0 =	vand.u32 $0x3, v3;
	[dreg:$0x5] =	wrdreg s29;
	s0 =	sadd.s32 s26, s0;
	s28 =	sshrl.u32 s7, $0x1  }
0xe: {  	v1 =	vmul.u32 $0x800, v0;
	s4 =	simm.s32 $0x4B80;
	s5 =	ssub.s32 s7, s28;
	s0 =	sadd.s32 $0x17200, s0  }
0xf: {  	s7 =	simm.s32 $0x5700;
	[dreg:$0x6] =	wrdreg s0;
	s30 =	smax.u32 s5, $0x1  }
0x10: {  	v2 =	vimm.f32 $0.0e+00;
	v3 =	vshrl.u32 v3, $0x2;
	v4 =	vor.u32 $0x7D0, v1;
	s0 =	simm.s32 $0x4B00;
	s5 =	simm.s32 $0x5600;
	[dreg:$0x7] =	wrdreg s30  }
.LBB2_1:
0x11: {  	[dreg:$0x8] =	wrdreg s23  }
0x12: {  	s21 =	rddreg [dreg:$0x3]  }
0x13: {  	[tilespmem:s2], [sflag:$0x2] =	stream.linear.gather [hbm4b:s21+s2], $0x1F40, $0x38;
	[tilespmem:$0x5B80] =	vst v63  }
0x14: {  	_ =	swait.ge [sflag:s12], $0x1F40  }
0x15: {  	[sflag:s12] =	ssyncset.done $0x0  }
0x16: {  	s29 =	rddreg [dreg:$0x4];
	[sflag:s12] =	ssyncadd.s32 $0xFFFFE0C0  }
0x17: {  	[tilespmem:s13], [sflag:$0x2] =	stream.linear.gather [hbm4b:s29+s2], $0x1F40, $0x38;
	[tilespmem:$0x5B80] =	vst v63  }
0x18: {  	_ =	swait.ge [sflag:s12], $0x1F40  }
0x19: {  	[sflag:s12] =	ssyncset.done $0x0  }
0x1a: {  	[sflag:s12] =	ssyncadd.s32 $0xFFFFE0C0  }
0x1b: {  	[tilespmem:$0x5780] =	vst v2  }
0x1c: {  	[tilespmem:$0x5790] =	vst v2  }
0x1d: {  	[tilespmem:$0x57A0] =	vst v2  }
0x1e: {  	[tilespmem:$0x57B0] =	vst v2  }
0x1f: {  	[tilespmem:$0x57C0] =	vst v2  }
0x20: {  	[tilespmem:$0x57D0] =	vst v2  }
0x21: {  	[tilespmem:$0x57E0] =	vst v2  }
0x22: {  	[tilespmem:$0x57F0] =	vst v2  }
0x23: {  	[tilespmem:$0x5800] =	vst v2  }
0x24: {  	[tilespmem:$0x5810] =	vst v2  }
0x25: {  	[tilespmem:$0x5820] =	vst v2  }
0x26: {  	[tilespmem:$0x5830] =	vst v2  }
0x27: {  	[tilespmem:$0x5840] =	vst v2  }
0x28: {  	[tilespmem:$0x5850] =	vst v2  }
0x29: {  	[tilespmem:$0x5860] =	vst v2  }
0x2a: {  	[tilespmem:$0x5870] =	vst v2  }
0x2b: {  	[tilespmem:$0x5880] =	vst v2  }
0x2c: {  	[tilespmem:$0x5890] =	vst v2  }
0x2d: {  	[tilespmem:$0x58A0] =	vst v2  }
0x2e: {  	[tilespmem:$0x58B0] =	vst v2  }
0x2f: {  	[tilespmem:$0x58C0] =	vst v2  }
0x30: {  	[tilespmem:$0x58D0] =	vst v2  }
0x31: {  	[tilespmem:$0x58E0] =	vst v2  }
0x32: {  	[tilespmem:$0x58F0] =	vst v2  }
0x33: {  	[tilespmem:$0x5900] =	vst v2  }
0x34: {  	[tilespmem:$0x5910] =	vst v2  }
0x35: {  	[tilespmem:$0x5920] =	vst v2  }
0x36: {  	[tilespmem:$0x5930] =	vst v2  }
0x37: {  	[tilespmem:$0x5940] =	vst v2  }
0x38: {  	[tilespmem:$0x5950] =	vst v2  }
0x39: {  	[tilespmem:$0x5960] =	vst v2  }
0x3a: {  	s22 =	simm.s32 $0x5780;
	s30 =	rddreg [dreg:$0x5];
	[tilespmem:$0x5970] =	vst v2  }
0x3b: {  	[spmem:s30] =	stream.linear.scatter [tilespmem:s22], [sflag:$0x2], $0x200, $0x38;
	[tilespmem:$0x5B80] =	vst v63  }
0x3c: {  	_ =	swait.ge [sflag:s12], $0x200  }
0x3d: {  	[sflag:s12] =	ssyncset.done $0x0  }
0x3e: {  	[sflag:s12] =	ssyncadd.s32 $0xFFFFFE00  }
0x3f: {  	s21 =	simm.s32 $0x0;
	[bflag:$0x0] =	sbarrier.arrive $0xFFFF  }
.LBB2_2:
0x40: {  	s22 =	sshll.u32 s21, $0x5  }
0x41: {  	s23 =	stileid.u32;
	s22 =	sor.u32 s22, s8  }
0x42: {  	s24 =	sor.u32 s23, s22  }
0x43: {  	s22 =	smin.u32 s24, $0xF9  }
0x44: {  	s26 =	smul.u32 $0x280, s22;
	_ =	sdelay $0x1  }
0x45: {  	s23 =	sshrl.u32 s26, $0x3  }
0x46: {  	s25 =	sadd.s32 s3, s23;
	s23 =	simm.s32 $0x0  }
0x47: {  	[tilespmem:s15], [sflag:$0x1] =	stream.linear.gather [hbm4b:s25+s23], $0x280, $0x38;
	[tilespmem:$0x5B80] =	vst v63  }
0x48: {  	s25 =	sadd.s32 $0x4E20, s25  }
0x49: {  	[tilespmem:s16], [sflag:$0x1] =	stream.linear.gather [hbm4b:s25+s23], $0x280, $0x38;
	[tilespmem:$0x5B80] =	vst v63  }
0x4a: {  	_ =	swait.ge [sflag:s17], $0x280  }
0x4b: {  	v5 =	vor.u32 s23, v3;
	[sflag:s17] =	ssyncset.done $0x0  }
0x4c: {  	[sflag:s17] =	ssyncadd.s32 $0xFFFFFD80  }
0x4d: {  	_ =	swait.ge [sflag:s17], $0x280  }
0x4e: {  	[sflag:s17] =	ssyncset.done $0x0  }
0x4f: {  	[sflag:s17] =	ssyncadd.s32 $0xFFFFFD80  }
0x50: {  	v6 =	vld.idx.msk [tilespmem:v5+s15+$0x0], $0xffff  }
0x51: {  	v7 =	vld.idx.msk [tilespmem:v5+s16+$0x0], $0xffff;
	_ =	sdelay $0x3  }
0x52: {  	v5 =	vshll.u32 v6, $0x2  }
0x53: {  	v6 =	vshll.u32 v7, $0x2;
	v5 =	vor.u32 v0, v5  }
0x54: {  	v6 =	vor.u32 v0, v6;
	_ =	sdelay $0x3  }
0x55: {  	v5 =	vld.idx.msk [tilespmem:v5+s2+$0x0], $0xffff  }
0x56: {  	v6 =	vld.idx.msk [tilespmem:v6+s13+$0x0], $0xffff;
	_ =	sdelay $0x4  }
0x57: {  	v5 =	vadd.f32 v6, v5;
	_ =	sdelay $0x1  }
0x58: {  	v6 =	vmul.f32 $2.000000030e-01, v5  }
0x59: {  	vm0 =	vge.f32 v5, $0.0e+00  }
0x5a: {  	v5 =	vsel vm0, v5, v6  }
0x5b: {  	v5 =	vmul.f32 $1.442695020e+00, v5;
	_ =	sdelay $0x1  }
0x5c: {  	(erf) = vpow2.f32 v5;
	_ =	sdelay $0x5  }
0x5d: {  	s25 =	simm.s32 $0x4;
	v8 =	vand.u32 $0x7, v7  }
0x5e: {  	s29 =	simm.s32 $0x0;
	v5 =	vor.u32 s25, v3  }
0x5f: {  	p1 =	slt.u32 s24, $0xFA;
	s24 =	simm.s32 $0x10;
	s30 =	sand.u32 $0x3E00, s23  }
0x60: {  	s26 =	simm.s32 $0x20;
	s28 =	sand.u32 $0x70, s23;
	s30 =	sshrl.u32 s30, $0x2;
	v6 =	vadd.s32 v1, v7;
	v7 =	vor.u32 v4, v8;
	v8 =	vpop (erf)  }
.LBB2_3:
0x61: {  	p2 =	sne.s32 s26, $0x9F0;
	[tilespmem:s29+$0x4380] =	vst v8;
	v6 =	vpsel p1, v6, v7;
	s28 =	sor.u32 s28, s30  }
0x62: {  	[tilespmem:s28+$0x4D80] =	vst v6  }
0x63: {  	v6 =	vld.idx.msk [tilespmem:v5+s15+$0x0], $0xffff  }
0x64: {  	v7 =	vld.idx.msk [tilespmem:v5+s16+$0x0], $0xffff;
	_ =	sdelay $0x4  }
0x65: {  	v5 =	vshll.u32 v6, $0x2  }
0x66: {  	v5 =	vor.u32 v0, v5;
	v6 =	vshll.u32 v7, $0x2  }
0x67: {  	v6 =	vor.u32 v0, v6;
	_ =	sdelay $0x3  }
0x68: {  	v5 =	vld.idx.msk [tilespmem:v5+s2+$0x0], $0xffff  }
0x69: {  	v6 =	vld.idx.msk [tilespmem:v6+s13+$0x0], $0xffff;
	_ =	sdelay $0x5  }
0x6a: {  	v5 =	vadd.f32 v6, v5;
	_ =	sdelay $0x1  }
0x6b: {  	v6 =	vmul.f32 $2.000000030e-01, v5  }
0x6c: {  	vm0 =	vge.f32 v5, $0.0e+00  }
0x6d: {  	v5 =	vsel vm0, v5, v6  }
0x6e: {  	v5 =	vmul.f32 $1.442695020e+00, v5;
	_ =	sdelay $0x1  }
0x6f: {  	(erf) = vpow2.f32 v5;
	_ =	sdelay $0x4  }
.Ltmp0:
0x70: {  	(pc) =	sbr.rel @p2 .LBB2_3-.Ltmp0, $4  }
0x71: {  	s25 =	sadd.s32 $0x4, s25  }
0x72: {  	s23 =	sadd.s32 $0x40, s23;
	v5 =	vor.u32 s25, v3  }
0x73: {  	s28 =	sand.u32 $0x70, s24;
	s30 =	sand.u32 $0x3E00, s23;
	s24 =	smov.u32 s26;
	v9 =	vand.u32 $0x7, v7  }
0x74: {  	s26 =	sadd.s32 $0x10, s26;
	s29 =	sshra.s32 s23, $0x2;
	s30 =	sshrl.u32 s30, $0x2;
	v6 =	vadd.s32 v1, v7;
	v7 =	vor.u32 v4, v9;
	v8 =	vpop (erf)  }
0x75: {  	_ =	sdelay $0x1  }
0x76: {  	[tilespmem:s29+$0x4380] =	vst v8;
	s25 =	sor.u32 s28, s30;
	v6 =	vpsel p1, v6, v7  }
0x77: {  	[tilespmem:s25+$0x4D80] =	vst v6  }
0x78: {  	v6 =	vld.idx.msk [tilespmem:v5+s15+$0x0], $0xffff  }
0x79: {  	v5 =	vld.idx.msk [tilespmem:v5+s16+$0x0], $0xffff;
	_ =	sdelay $0x3  }
0x7a: {  	v6 =	vshll.u32 v6, $0x2  }
0x7b: {  	v7 =	vshll.u32 v5, $0x2;
	v6 =	vor.u32 v0, v6  }
0x7c: {  	v7 =	vor.u32 v0, v7;
	_ =	sdelay $0x3  }
0x7d: {  	v6 =	vld.idx.msk [tilespmem:v6+s2+$0x0], $0xffff  }
0x7e: {  	v7 =	vld.idx.msk [tilespmem:v7+s13+$0x0], $0xffff;
	_ =	sdelay $0x4  }
0x7f: {  	v6 =	vadd.f32 v7, v6;
	_ =	sdelay $0x1  }
0x80: {  	v7 =	vmul.f32 $2.000000030e-01, v6  }
0x81: {  	vm0 =	vge.f32 v6, $0.0e+00  }
0x82: {  	v6 =	vsel vm0, v6, v7  }
0x83: {  	v6 =	vmul.f32 $1.442695020e+00, v6;
	_ =	sdelay $0x1  }
0x84: {  	(erf) = vpow2.f32 v6;
	_ =	sdelay $0x6  }
0x85: {  	s23 =	sadd.s32 $0x40, s23  }
0x86: {  	s24 =	sand.u32 $0x70, s24;
	s30 =	sand.u32 $0x3E00, s23;
	v6 =	vand.u32 $0x7, v5  }
0x87: {  	s22 =	smul.u32 $0x140, s22;
	s23 =	sshra.s32 s23, $0x2;
	s25 =	sshrl.u32 s30, $0x2;
	v5 =	vadd.s32 v1, v5;
	v6 =	vor.u32 v4, v6;
	v7 =	vpop (erf)  }
0x88: {  	s24 =	sor.u32 s24, s25;
	v5 =	vpsel p1, v5, v6;
	[tilespmem:s23+$0x4380] =	vst v7  }
0x89: {  	s22 =	sadd.s32 s6, s22;
	[tilespmem:s24+$0x4D80] =	vst v5  }
0x8a: {  	[hbm4b:s22+s2] =	stream.linear.scatter [tilespmem:s18], [sflag:$0x2], $0xA00, $0x38;
	[tilespmem:$0x5B80] =	vst v63  }
0x8b: {  	_ =	swait.ge [sflag:s12], $0xA00  }
0x8c: {  	[sflag:s12] =	ssyncset.done $0x0  }
0x8d: {  	s25 =	simm.s32 $0x4D80;
	[sflag:s12] =	ssyncadd.s32 $0xFFFFF600  }
0x8e: {  	[spmem:s1] =	stream.indirect.scatter.add.f32 [tilespmem:s18], [sflag:$0x2], $0x1, s25, s19, $0xb8;
	[tilespmem:$0x5B80] =	vst v63  }
0x8f: {  	_ =	swait.ge [sflag:s12], $0x80  }
0x90: {  	[sflag:s12] =	ssyncset.done $0x0  }
0x91: {  	s26 =	simm.s32 $0x4E00;
	s28 =	simm.s32 $0x4400;
	[sflag:s12] =	ssyncadd.s32 $0xFFFFFF80  }
0x92: {  	[spmem:s1] =	stream.indirect.scatter.add.f32 [tilespmem:s28], [sflag:$0x2], $0x1, s26, s19, $0xb8;
	[tilespmem:$0x5B80] =	vst v63  }
0x93: {  	_ =	swait.ge [sflag:s12], $0x80  }
0x94: {  	[sflag:s12] =	ssyncset.done $0x0  }
0x95: {  	s29 =	simm.s32 $0x4E80;
	s30 =	simm.s32 $0x4480;
	[sflag:s12] =	ssyncadd.s32 $0xFFFFFF80  }
0x96: {  	[spmem:s1] =	stream.indirect.scatter.add.f32 [tilespmem:s30], [sflag:$0x2], $0x1, s29, s19, $0xb8;
	[tilespmem:$0x5B80] =	vst v63  }
0x97: {  	_ =	swait.ge [sflag:s12], $0x80  }
0x98: {  	[sflag:s12] =	ssyncset.done $0x0  }
0x99: {  	s24 =	simm.s32 $0x4F00;
	s25 =	simm.s32 $0x4500;
	[sflag:s12] =	ssyncadd.s32 $0xFFFFFF80  }
0x9a: {  	[spmem:s1] =	stream.indirect.scatter.add.f32 [tilespmem:s25], [sflag:$0x2], $0x1, s24, s19, $0xb8;
	[tilespmem:$0x5B80] =	vst v63  }
0x9b: {  	_ =	swait.ge [sflag:s12], $0x80  }
0x9c: {  	[sflag:s12] =	ssyncset.done $0x0  }
0x9d: {  	s26 =	simm.s32 $0x4F80;
	s28 =	simm.s32 $0x4580;
	[sflag:s12] =	ssyncadd.s32 $0xFFFFFF80  }
0x9e: {  	[spmem:s1] =	stream.indirect.scatter.add.f32 [tilespmem:s28], [sflag:$0x2], $0x1, s26, s19, $0xb8;
	[tilespmem:$0x5B80] =	vst v63  }
0x9f: {  	_ =	swait.ge [sflag:s12], $0x80  }
0xa0: {  	[sflag:s12] =	ssyncset.done $0x0  }
0xa1: {  	s29 =	simm.s32 $0x5000;
	s30 =	simm.s32 $0x4600;
	[sflag:s12] =	ssyncadd.s32 $0xFFFFFF80  }
0xa2: {  	[spmem:s1] =	stream.indirect.scatter.add.f32 [tilespmem:s30], [sflag:$0x2], $0x1, s29, s19, $0xb8;
	[tilespmem:$0x5B80] =	vst v63  }
0xa3: {  	_ =	swait.ge [sflag:s12], $0x80  }
0xa4: {  	[sflag:s12] =	ssyncset.done $0x0  }
0xa5: {  	s24 =	simm.s32 $0x5080;
	s25 =	simm.s32 $0x4680;
	[sflag:s12] =	ssyncadd.s32 $0xFFFFFF80  }
0xa6: {  	[spmem:s1] =	stream.indirect.scatter.add.f32 [tilespmem:s25], [sflag:$0x2], $0x1, s24, s19, $0xb8;
	[tilespmem:$0x5B80] =	vst v63  }
0xa7: {  	_ =	swait.ge [sflag:s12], $0x80  }
0xa8: {  	[sflag:s12] =	ssyncset.done $0x0  }
0xa9: {  	s26 =	simm.s32 $0x5100;
	s28 =	simm.s32 $0x4700;
	[sflag:s12] =	ssyncadd.s32 $0xFFFFFF80  }
0xaa: {  	[spmem:s1] =	stream.indirect.scatter.add.f32 [tilespmem:s28], [sflag:$0x2], $0x1, s26, s19, $0xb8;
	[tilespmem:$0x5B80] =	vst v63  }
0xab: {  	_ =	swait.ge [sflag:s12], $0x80  }
0xac: {  	[sflag:s12] =	ssyncset.done $0x0  }
0xad: {  	s29 =	simm.s32 $0x5180;
	s30 =	simm.s32 $0x4780;
	[sflag:s12] =	ssyncadd.s32 $0xFFFFFF80  }
0xae: {  	[spmem:s1] =	stream.indirect.scatter.add.f32 [tilespmem:s30], [sflag:$0x2], $0x1, s29, s19, $0xb8;
	[tilespmem:$0x5B80] =	vst v63  }
0xaf: {  	_ =	swait.ge [sflag:s12], $0x80  }
0xb0: {  	[sflag:s12] =	ssyncset.done $0x0  }
0xb1: {  	s24 =	simm.s32 $0x5200;
	s25 =	simm.s32 $0x4800;
	[sflag:s12] =	ssyncadd.s32 $0xFFFFFF80  }
0xb2: {  	[spmem:s1] =	stream.indirect.scatter.add.f32 [tilespmem:s25], [sflag:$0x2], $0x1, s24, s19, $0xb8;
	[tilespmem:$0x5B80] =	vst v63  }
0xb3: {  	_ =	swait.ge [sflag:s12], $0x80  }
0xb4: {  	[sflag:s12] =	ssyncset.done $0x0  }
0xb5: {  	s26 =	simm.s32 $0x5280;
	s28 =	simm.s32 $0x4880;
	[sflag:s12] =	ssyncadd.s32 $0xFFFFFF80  }
0xb6: {  	[spmem:s1] =	stream.indirect.scatter.add.f32 [tilespmem:s28], [sflag:$0x2], $0x1, s26, s19, $0xb8;
	[tilespmem:$0x5B80] =	vst v63  }
0xb7: {  	_ =	swait.ge [sflag:s12], $0x80  }
0xb8: {  	[sflag:s12] =	ssyncset.done $0x0  }
0xb9: {  	s29 =	simm.s32 $0x5300;
	s30 =	simm.s32 $0x4900;
	[sflag:s12] =	ssyncadd.s32 $0xFFFFFF80  }
0xba: {  	[spmem:s1] =	stream.indirect.scatter.add.f32 [tilespmem:s30], [sflag:$0x2], $0x1, s29, s19, $0xb8;
	[tilespmem:$0x5B80] =	vst v63  }
0xbb: {  	_ =	swait.ge [sflag:s12], $0x80  }
0xbc: {  	[sflag:s12] =	ssyncset.done $0x0  }
0xbd: {  	s24 =	simm.s32 $0x5380;
	s25 =	simm.s32 $0x4980;
	[sflag:s12] =	ssyncadd.s32 $0xFFFFFF80  }
0xbe: {  	[spmem:s1] =	stream.indirect.scatter.add.f32 [tilespmem:s25], [sflag:$0x2], $0x1, s24, s19, $0xb8;
	[tilespmem:$0x5B80] =	vst v63  }
0xbf: {  	_ =	swait.ge [sflag:s12], $0x80  }
0xc0: {  	[sflag:s12] =	ssyncset.done $0x0  }
0xc1: {  	s26 =	simm.s32 $0x5400;
	s28 =	simm.s32 $0x4A00;
	[sflag:s12] =	ssyncadd.s32 $0xFFFFFF80  }
0xc2: {  	[spmem:s1] =	stream.indirect.scatter.add.f32 [tilespmem:s28], [sflag:$0x2], $0x1, s26, s19, $0xb8;
	[tilespmem:$0x5B80] =	vst v63  }
0xc3: {  	_ =	swait.ge [sflag:s12], $0x80  }
0xc4: {  	[sflag:s12] =	ssyncset.done $0x0  }
0xc5: {  	s29 =	simm.s32 $0x5480;
	s30 =	simm.s32 $0x4A80;
	[sflag:s12] =	ssyncadd.s32 $0xFFFFFF80  }
0xc6: {  	[spmem:s1] =	stream.indirect.scatter.add.f32 [tilespmem:s30], [sflag:$0x2], $0x1, s29, s19, $0xb8;
	[tilespmem:$0x5B80] =	vst v63  }
0xc7: {  	_ =	swait.ge [sflag:s12], $0x80  }
0xc8: {  	[sflag:s12] =	ssyncset.done $0x0  }
0xc9: {  	[sflag:s12] =	ssyncadd.s32 $0xFFFFFF80  }
0xca: {  	[spmem:s1] =	stream.indirect.scatter.add.f32 [tilespmem:s0], [sflag:$0x2], $0x1, s31, s19, $0xb8;
	[tilespmem:$0x5B80] =	vst v63  }
0xcb: {  	_ =	swait.ge [sflag:s12], $0x80  }
0xcc: {  	[sflag:s12] =	ssyncset.done $0x0  }
0xcd: {  	[sflag:s12] =	ssyncadd.s32 $0xFFFFFF80  }
0xce: {  	[spmem:s1] =	stream.indirect.scatter.add.f32 [tilespmem:s4], [sflag:$0x2], $0x1, s14, s19, $0xb8;
	[tilespmem:$0x5B80] =	vst v63  }
0xcf: {  	_ =	swait.ge [sflag:s12], $0x80  }
0xd0: {  	[sflag:s12] =	ssyncset.done $0x0  }
0xd1: {  	[sflag:s12] =	ssyncadd.s32 $0xFFFFFF80  }
0xd2: {  	[spmem:s1] =	stream.indirect.scatter.add.f32 [tilespmem:s9], [sflag:$0x2], $0x1, s5, s19, $0xb8;
	[tilespmem:$0x5B80] =	vst v63  }
0xd3: {  	_ =	swait.ge [sflag:s12], $0x80  }
0xd4: {  	[sflag:s12] =	ssyncset.done $0x0  }
0xd5: {  	[sflag:s12] =	ssyncadd.s32 $0xFFFFFF80  }
0xd6: {  	[spmem:s1] =	stream.indirect.scatter.add.f32 [tilespmem:s11], [sflag:$0x2], $0x1, s10, s19, $0xb8;
	[tilespmem:$0x5B80] =	vst v63  }
0xd7: {  	s21 =	sadd.s32 $0x1, s21;
	_ =	swait.ge [sflag:s12], $0x80  }
0xd8: {  	p1 =	sne.s32 s21, $0x8;
	[sflag:s12] =	ssyncset.done $0x0  }
.Ltmp1:
0xd9: {  	[sflag:s12] =	ssyncadd.s32 $0xFFFFFF80;
	(pc) =	sbr.rel @p1 .LBB2_2-.Ltmp1, $4  }
0xda: {  	[spmem:s1] =	stream.indirect.scatter.add.f32 [tilespmem:s20], [sflag:$0x2], $0x1, s7, s19, $0xb8;
	[tilespmem:$0x5B80] =	vst v63  }
0xdb: {  	_ =	swait.ge [sflag:s12], $0x80  }
0xdc: {  	[sflag:s12] =	ssyncset.done $0x0  }
0xdd: {  	[sflag:s12] =	ssyncadd.s32 $0xFFFFFF80  }
0xde: {  	[bflag:$0x0] =	sbarrier.arrive $0xFFFF  }
0xdf: {  	s21 =	sshrl.u32 @!p0 s1, $0x3;
	s22 =	simm.s32 @!p0 $0x1C02;
	s23 =	rddreg [dreg:$0x6]  }
0xe0: {  	[hbm:s23], [sflag:s22] =	dma.local @!p0 [spmem:s21], $0x400  }
0xe1: {  	s21 =	simm.s32 @!p0 $0x2  }
0xe2: {  	_ =	swait.ge @!p0 [sflag:s21], $0x400  }
0xe3: {  	s29 =	rddreg [dreg:$0x8]  }
0xe4: {  	s30 =	rddreg [dreg:$0x7];
	s23 =	sadd.s32 $0x1, s29  }
0xe5: {  	p1 =	sne.s32 s23, s30  }
.Ltmp2:
0xe6: {  	_ = 	snop;
	(pc) =	sbr.rel @p1 .LBB2_1-.Ltmp2, $3  }
0xe7: {  	_ =	sdelay $0x1  }
0xe8: {  	[sflag:s21] =	ssyncset.done @!p0 $0x0  }
0xe9: {  	[sflag:s21] =	ssyncadd.s32 @!p0 $0xFFFFFC00  }
0xea: {  	_ =	sfence.sel $0x180000  }
0xeb: {  	[bflag:$0x0] =	sbarrier.arrive $0xFFFF  }
0xec: {  	_ =	strace $0x9000004D  }
0xed: {  	[bflag:$0x2] =	sbarrier.arrive $0xFFFF  }
0xee: {  	s0 =	rddreg [dreg:$0x2]  }
0xef: {  	s0 =	sadd.s32 @!p0 $0x100000, s0  }
0xf0: {  	[sflag:s0] =	ssyncadd.tile.s32 @!p0 $0x1;
	_ =	shalt  }
.Lfunc_end2:
_tile_overlayer_lowered:
.L_overlay_start_2:
0xf1: {  	(tag) =	ssettag $0x2  }
0xf2: {  	s0 =	rddreg [dreg:$0x0];
	s2 =	stileid.u32  }
0xf3: {  	s1 =	rddreg [dreg:$0x1];
	p0 =	sne.s32 s2, $0x0  }
0xf4: {  	s3 =	rddreg [dreg:$0x2];
	[bflag:$0x3] =	sbarrier.arrive $0xFFFF;
	s2 =	simm.s32 @!p0 $0x1C02  }
0xf5: {  	[timem:s3], [sflag:s2] =	dma.local @!p0 [hbm:s0], s1  }
0xf6: {  	s0 =	simm.s32 @!p0 $0x2  }
0xf7: {  	_ =	swait.ge @!p0 [sflag:s0], s1  }
0xf8: {  	s1 =	ssub.s32 @!p0 $0x0, s1;
	[sflag:s0] =	ssyncset.done @!p0 $0x0  }
0xf9: {  	[sflag:s0] =	ssyncadd.s32 @!p0 s1  }
0xfa: {  	[bflag:$0x3] =	sbarrier.arrive $0xFFFF  }
0xfb: {  	_ =	shalt  }

// kernel: kernel.19.cloned.1.call-start
scs
__scs_entry_jumppad:
0x0: {  	(pc) =	sbr.rel $0x88, $3  }
0x1: {  	(tag) =	ssettag $0x0;
	lr =	simm.s32 $0x1  }
0x2: {  	[smem:$0x3F96] =	sst lr;
	_ =	strace $0xD0000000  }
0x3: {  	_ = 	snop  }
0x4: {  	_ = 	snop  }
0x5: {  	_ = 	snop  }
0x6: {  	_ = 	snop  }
0x7: {  	_ = 	snop  }
__scs_overlays_trampoline_lowered:
0x8: {  	[smem:$0x3FA5] =	sst s0  }
0x9: {  	[smem:$0x3FA6] =	sst s1  }
0xa: {  	[smem:$0x3FA7] =	sst s2  }
0xb: {  	[smem:$0x3FA8] =	sst s3  }
0xc: {  	[smem:$0x3FA9] =	sst s4  }
0xd: {  	[smem:$0x3FAA] =	sst s5  }
0xe: {  	[smem:$0x3FAB] =	sst s6  }
0xf: {  	[smem:$0x3FAC] =	sst s7  }
0x10: {  	[smem:$0x3FAD] =	sst s8  }
0x11: {  	[smem:$0x3FAE] =	sst s9;
	s0 =	simm.s32 @!p0 $0x0  }
0x12: {  	s1 =	sld [smem:$0x3F94];
	s0 =	simm.s32 @p0 $0x1  }
0x13: {  	[smem:$0x3FAF] =	sst s0;
	s0 =	simm.s32 @!p1 $0x0  }
0x14: {  	s2 =	sld [smem:$0x3F93];
	s0 =	simm.s32 @p1 $0x1  }
0x15: {  	[smem:$0x3FB0] =	sst s0;
	s0 =	simm.s32 @!p2 $0x0  }
0x16: {  	s3 =	sld [smem:$0x3FDB];
	s0 =	simm.s32 @p2 $0x1  }
0x17: {  	s4 =	simm.s32 $0x1BF5;
	[smem:$0x3FB2] =	sst s0  }
0x18: {  	s0 =	sld [smem:$0x3F95];
	_ =	swait.ge [sflag:s4], $0x0  }
0x19: {  	s7 =	sld [smem:$0x3F96]  }
0x1a: {  	s8 =	sadd.s32 $0xFFFFE003, lr  }
0x1b: {  	s9 =	sadd.s32 $0xFFFFFEF7, lr;
	s5 =	simm.s32 $0xFFFFFFFF;
	p2 =	slt.u32 s8, $0xFFFFF086  }
0x1c: {  	p1 =	slt.u32 s9, $0xF7A;
	s5 =	simm.s32 @!p2 $0x0  }
0x1d: {  	s5 =	simm.s32 @p1 $0x1;
	p0 =	seq.s32 s7, s2  }
0x1e: {  	s7 =	smul.u32 @!p0 $0xF7A, s2;
	p2 =	seq.s32 @!p0 s5, $0x0  }
0x1f: {  	s9 =	smul.u32 $0xF7A, s1;
	s8 =	simm.s32 @!p0 $0x1BF5;
	p2 =	por !p2, p0  }
0x20: {  	[sflag:s8] =	ssyncset.s32 @!p0 $0xFFFFF086;
	s6 =	sadd.s32 @!p0 s3, s7;
	s7 =	simm.s32 @!p0 $0x108  }
0x21: {  	s3 =	sadd.s32 s3, s9;
	s6 =	sadd.s32 @!p0 $0x88, s6;
	s7 =	simm.s32 @p2 $0x1082  }
0x22: {  	[simem:s7], [sflag:s8] =	dma.local @!p0 [hbm:s6], $0xF7A  }
0x23: {  	s9 =	sor.u32 $0xD0000000, s2;
	s6 =	simm.s32 $0x108;
	_ =	swait.ge @!p0 [sflag:s8], $0x0  }
0x24: {  	s3 =	sadd.s32 $0x88, s3;
	s6 =	simm.s32 @!p1 $0x1082;
	[sflag:s4] =	ssyncset.s32 $0xFFFFF086  }
0x25: {  	[simem:s6], [sflag:s4] =	dma.local [hbm:s3], $0xF7A  }
0x26: {  	[smem:$0x3F96] =	sst s1;
	(tag) =	ssettag s2;
	_ =	strace s9  }
0x27: {  	s1 =	sld [smem:$0x3FA6]  }
0x28: {  	s2 =	sld [smem:$0x3FA7]  }
0x29: {  	s4 =	sld [smem:$0x3FA9]  }
0x2a: {  	p0 =	seq.s32 s5, $0x0;
	s5 =	sld [smem:$0x3FAA]  }
0x2b: {  	s6 =	sld [smem:$0x3FAB]  }
0x2c: {  	s7 =	sld [smem:$0x3FAC]  }
0x2d: {  	s3 =	simm.s32 $0x108;
	s8 =	sld [smem:$0x3FAD]  }
0x2e: {  	s3 =	simm.s32 @!p0 $0x1082;
	s9 =	sld [smem:$0x3FAE]  }
0x2f: {  	lr =	sadd.s32 s0, s3;
	s0 =	sld [smem:$0x3FA5]  }
0x30: {  	s3 =	sld [smem:$0x3FA8]  }
0x31: {  	[smem:$0x3FB1] =	sst s10  }
0x32: {  	s10 =	sld [smem:$0x3FAF];
	_ =	sdelay $0x3  }
0x33: {  	p0 =	seq.s32 s10, $0x1;
	s10 =	sld [smem:$0x3FB1];
	_ =	sdelay $0x3  }
0x34: {  	[smem:$0x3FB1] =	sst s10  }
0x35: {  	s10 =	sld [smem:$0x3FB0];
	_ =	sdelay $0x3  }
0x36: {  	p1 =	seq.s32 s10, $0x1;
	s10 =	sld [smem:$0x3FB1];
	_ =	sdelay $0x3  }
0x37: {  	[smem:$0x3FB1] =	sst s10  }
0x38: {  	s10 =	sld [smem:$0x3FB2]  }
0x39: {  	_ = 	snop;
	(pc) =	sbr.ind lr, $3  }
0x3a: {  	_ = 	snop  }
0x3b: {  	_ = 	snop  }
0x3c: {  	p2 =	seq.s32 s10, $0x1;
	s10 =	sld [smem:$0x3FB1]  }
0x3d: {  	_ =	shalt  }
0x3e: {  	_ =	shalt  }
0x3f: {  	_ =	shalt  }
0x40: {  	_ =	shalt  }
0x41: {  	_ =	shalt  }
0x42: {  	_ =	shalt  }
0x43: {  	_ =	shalt  }
0x44: {  	_ =	shalt  }
0x45: {  	_ =	shalt  }
0x46: {  	_ =	shalt  }
0x47: {  	_ =	shalt  }
0x48: {  	_ =	shalt  }
0x49: {  	_ =	shalt  }
0x4a: {  	_ =	shalt  }
0x4b: {  	_ =	shalt  }
0x4c: {  	_ =	shalt  }
0x4d: {  	_ =	shalt  }
0x4e: {  	_ =	shalt  }
0x4f: {  	_ =	shalt  }
0x50: {  	_ =	shalt  }
0x51: {  	_ =	shalt  }
0x52: {  	_ =	shalt  }
0x53: {  	_ =	shalt  }
0x54: {  	_ =	shalt  }
0x55: {  	_ =	shalt  }
0x56: {  	_ =	shalt  }
0x57: {  	_ =	shalt  }
0x58: {  	_ =	shalt  }
0x59: {  	_ =	shalt  }
0x5a: {  	_ =	shalt  }
0x5b: {  	_ =	shalt  }
0x5c: {  	_ =	shalt  }
0x5d: {  	_ =	shalt  }
0x5e: {  	_ =	shalt  }
0x5f: {  	_ =	shalt  }
0x60: {  	_ =	shalt  }
0x61: {  	_ =	shalt  }
0x62: {  	_ =	shalt  }
0x63: {  	_ =	shalt  }
0x64: {  	_ =	shalt  }
0x65: {  	_ =	shalt  }
0x66: {  	_ =	shalt  }
0x67: {  	_ =	shalt  }
0x68: {  	_ =	shalt  }
0x69: {  	_ =	shalt  }
0x6a: {  	_ =	shalt  }
0x6b: {  	_ =	shalt  }
0x6c: {  	_ =	shalt  }
0x6d: {  	_ =	shalt  }
0x6e: {  	_ =	shalt  }
0x6f: {  	_ =	shalt  }
0x70: {  	_ =	shalt  }
0x71: {  	_ =	shalt  }
0x72: {  	_ =	shalt  }
0x73: {  	_ =	shalt  }
0x74: {  	_ =	shalt  }
0x75: {  	_ =	shalt  }
0x76: {  	_ =	shalt  }
0x77: {  	_ =	shalt  }
0x78: {  	_ =	shalt  }
0x79: {  	_ =	shalt  }
0x7a: {  	_ =	shalt  }
0x7b: {  	_ =	shalt  }
0x7c: {  	_ =	shalt  }
0x7d: {  	_ =	shalt  }
0x7e: {  	_ =	shalt  }
0x7f: {  	_ =	shalt  }
0x80: {  	_ =	shalt  }
0x81: {  	_ =	shalt  }
0x82: {  	_ =	shalt  }
0x83: {  	_ =	shalt  }
0x84: {  	_ =	shalt  }
0x85: {  	_ =	shalt  }
0x86: {  	_ =	shalt  }
0x87: {  	_ =	shalt  }
.Lfunc_end0:
.L_simem_size_0:
called_computation.3_lowered:
.L_overlay_start_0:
0x88: {  	s2 =	sld [smem:$0x3FD9]  }
0x89: {  	s3 =	sld [smem:$0x3FFE];
	_ =	sdelay $0x1  }
0x8a: {  	s1 =	srdreg.scid  }
0x8b: {  	s0 =	sand.u32 $0x1, s1  }
0x8c: {  	s17 =	sshll.u32 s0, $0xA;
	s2 =	sadd.s32 s3, s2  }
0x8d: {  	s2 =	sadd.s32 s2, s17  }
0x8e: {  	[smem:$0x3FBD] =	sst s2  }
0x8f: {  	_ = 	snop  }
0x90: {  	s2 =	sld [smem:$0x3FC5]  }
0x91: {  	s18 =	sld [smem:$0x3FD0];
	(tm) =	ssettm $0x1  }
0x92: {  	s4 =	sld [smem:$0x3FFB];
	_ =	sdelay $0x3  }
0x93: {  	_ =	strace s4  }
0x94: {  	s4 =	sld [smem:$0x3FFC];
	_ =	sdelay $0x3  }
0x95: {  	_ =	strace s4  }
0x96: {  	s4 =	sld [smem:$0x3FFD];
	_ =	sdelay $0x3  }
0x97: {  	_ =	strace s4  }
0x98: {  	_ =	strace $0x8FFFFFFF  }
0x99: {  	s19 =	sld [smem:$0x3FDB];
	_ =	sdelay $0x1  }
0x9a: {  	s5 =	simm.s32 $_scs_section_size  }
0x9b: {  	s6 =	simm.s32 $_size__tile_overlayer_lowered;
	s7 =	simm.s32 $_tile_overlayer_lowered  }
0x9c: {  	s22 =	simm.s32 $0x1BFF;
	s21 =	sshll.u32 s7, $0x1;
	s4 =	sadd.s32 s5, s19  }
0x9d: {  	s8 =	simm.s32 $0x0;
	s20 =	sshll.u32 s6, $0x1;
	s6 =	sadd.s32 s21, s4  }
0x9e: {  	[timem:s8], [sflag:s22] =	dma.local [hbm:s6], s20  }
0x9f: {  	_ =	swait.ge [sflag:s22], s20  }
0xa0: {  	s5 =	ssub.s32 $0x0, s20;
	[sflag:s22] =	ssyncset.done $0x0  }
0xa1: {  	[sflag:s22] =	ssyncadd.s32 s5;
	_ =	sdelay $0x1  }
0xa2: {  	s23 =	simm.s32 $0x1B8B  }
0xa3: {  	_ =	swait.ge [sflag:s23], $0x1  }
0xa4: {  	[sflag:s23] =	ssyncset.done $0x0  }
0xa5: {  	s25 =	simm.s32 $0x1B8E;
	s24 =	sld [smem:$0x3FFE];
	[sflag:s23] =	ssyncadd.s32 $0xFFFFFFFF  }
0xa6: {  	s26 =	simm.s32 $execute0_lowered;
	[smem:$0x3FD2] =	sst s25  }
0xa7: {  	s6 =	sshll.u32 s26, $0x1;
	_ =	strace $0x8000004F;
	[dreg:$0x1] =	wrdreg $0xFFFFFFFF  }
0xa8: {  	s28 =	simm.s32 $_size_execute0_lowered;
	s4 =	sadd.s32 s4, s6;
	[dreg:$0x0] =	wrdreg $0x0  }
0xa9: {  	s6 =	sshll.u32 s28, $0x1;
	[dreg:$0x2] =	wrdreg s4  }
0xaa: {  	[dreg:$0x3] =	wrdreg s6  }
0xab: {  	[dreg:$0x4] =	wrdreg $0xC0  }
0xac: {  	_ =	task [dreg:s8], $0x5FFFF  }
0xad: {  	[dreg:$0x1] =	wrdreg $0xFFFFFFFF  }
0xae: {  	[dreg:$0x0] =	wrdreg $0x60  }
0xaf: {  	[dreg:$0x2] =	wrdreg s24  }
0xb0: {  	[dreg:$0x3] =	wrdreg s2  }
0xb1: {  	[dreg:$0x4] =	wrdreg s18  }
0xb2: {  	[dreg:$0x5] =	wrdreg $0x1A0800  }
0xb3: {  	[dreg:$0x6] =	wrdreg $0x9  }
0xb4: {  	_ =	task.clear_ibuf [dreg:s8], $0x7FFFF;
	_ =	strace $0x9000004F  }
0xb5: {  	s29 =	simm.s32 $0x9;
	_ =	strace $0x80000051  }
0xb6: {  	_ =	swait.ge [sflag:s29], $0x1  }
0xb7: {  	[sflag:s29] =	ssyncadd.s32 $0xFFFFFFFF  }
0xb8: {  	_ =	strace $0x90000051  }
0xb9: {  	_ =	sfence  }
0xba: {  	s30 =	sld [smem:$0x0];
	_ =	sdelay $0x2  }
0xbb: {  	s31 =	sshll.u32 s1, $0xD;
	s1 =	sshrl.u32 s1, $0x2  }
0xbc: {  	s3 =	sand.u32 $0x4000, s31;
	s1 =	sadd.s32 s1, s30  }
0xbd: {  	s0 =	sor.u32 s3, s0;
	s1 =	sshll.u32 s1, $0x11  }
0xbe: {  	s0 =	sor.u32 s1, s0  }
0xbf: {  	s0 =	sadd.s32 $0x8F2B, s0  }
0xc0: {  	[sflag:s0] =	ssyncadd.remote.s32 $0x1  }
0xc1: {  	_ =	sfence.sel $0xFFFF  }
0xc2: {  	[dreg:$0x0] =	wrdreg $0xFFFFFFFF;
	(pc) =	sbr.abs _section_cstart, $3  }
0xc3: {  	[dreg:$0x1] =	wrdreg $0xFFFFFFFF  }
0xc4: {  	_ =	task.clear_ibuf [dreg:s8], $0x2FFFF;
	_ =	strace $0x9FFFFFFF  }
0xc5: {  	(tm) =	ssettm $0x7FFFFFFF  }
tec
execute0_lowered:
.L_overlay_start_1:
0x0: {  	(tag) =	ssettag $0x1  }
0x1: {  	s0 =	rddreg [dreg:$0x0]  }
0x2: {  	s2 =	rddreg [dreg:$0x2]  }
0x3: {  	s3 =	rddreg [dreg:$0x3];
	s4 =	simm.s32 $0x0;
	s1 =	srdreg.scid  }
0x4: {  	s11 =	stileid.u32;
	s16 =	simm.s32 $0x6080;
	s18 =	simm.s32 $0x4280  }
0x5: {  	s19 =	simm.s32 $0x4500;
	s21 =	simm.s32 $0x1;
	s22 =	simm.s32 $0x80  }
0x6: {  	s28 =	simm.s32 $0xE080;
	s30 =	simm.s32 $0x12080;
	s31 =	simm.s32 $0x5D80  }
0x7: {  	s15 =	simm.s32 $0x2;
	s12 =	simm.s32 $0x5F00;
	s13 =	simm.s32 $0x5F80  }
0x8: {  	s14 =	simm.s32 $0x6000;
	s20 =	simm.s32 $0x0;
	[smem:$0x7FF] =	sst s4  }
0x9: {  	s1 =	sand.u32 $0x1, s1;
	s6 =	sadd.s32 $0x49800, s0;
	s9 =	smul.u32 $0xFC00, s11  }
0xa: {  	s7 =	sadd.s32 $0x3800, s0;
	s10 =	sadd.s32 $0x17200, s0;
	p0 =	sne.s32 s11, $0x0  }
0xb: {  	s11 =	simm.s32 $0x5E80;
	_ =	strace $0x80000050;
	s5 =	smul.u32 $0x7E00, s1  }
0xc: {  	s8 =	ssub.s32 $0x2, s1;
	[dreg:$0x5] =	wrdreg s10;
	s10 =	simm.s32 $0x5E00  }
0xd: {  	s23 =	sshrl.u32 s8, $0x1;
	s24 =	sshrl.u32 s9, $0x2;
	s9 =	sshll.u32 s1, $0x4  }
0xe: {  	s1 =	simm.s32 $0x3;
	s5 =	sadd.s32 s5, s0;
	s0 =	sadd.s32 $0x17600, s0  }
0xf: {  	s8 =	ssub.s32 s8, s23;
	s25 =	sadd.s32 s24, s3;
	[dreg:$0x6] =	wrdreg s0  }
0x10: {  	v0 =	vimm.f32 $0.0e+00;
	v1 =	vlaneseq.u32;
	s23 =	simm.s32 $0x4;
	[dreg:$0x7] =	wrdreg s25;
	s26 =	sadd.s32 $0x17A00, s5  }
0x11: {  	v3 =	vimm.s32 $0x0;
	vm0 =	vcmask $0x300;
	v2 =	vand.u32 $0x3, v1;
	s29 =	smax.u32 s8, $0x1;
	s25 =	simm.s32 $0xA080;
	[dreg:$0x8] =	wrdreg s26  }
0x12: {  	v1 =	vshrl.u32 v1, $0x2;
	v3 =	vsel vm0, $0x3, v3;
	v2 =	vmul.u32 $0x800, v2;
	s0 =	simm.s32 $0x16080;
	s8 =	simm.s32 $0x5180;
	[dreg:$0x9] =	wrdreg s29  }
.LBB2_1:
0x13: {  	[dreg:$0xa] =	wrdreg s20  }
0x14: {  	s5 =	rddreg [dreg:$0x5]  }
0x15: {  	[tilespmem:s4], [sflag:$0x4] =	stream.linear.gather [hbm4b:s5+s4], $0x2000, $0x38;
	[tilespmem:$0x1DF80] =	vst v63  }
0x16: {  	_ =	swait.ge [sflag:s23], $0x2000  }
0x17: {  	[sflag:s23] =	ssyncset.done $0x0  }
0x18: {  	s17 =	simm.s32 $0x2000;
	s29 =	rddreg [dreg:$0x6];
	[sflag:s23] =	ssyncadd.s32 $0xFFFFE000  }
0x19: {  	[tilespmem:s17], [sflag:$0x4] =	stream.linear.gather [hbm4b:s29+s4], $0x2000, $0x38;
	[tilespmem:$0x1DF80] =	vst v63  }
0x1a: {  	_ =	swait.ge [sflag:s23], $0x2000  }
0x1b: {  	[sflag:s23] =	ssyncset.done $0x0  }
0x1c: {  	s5 =	simm.s32 $0x0;
	[sflag:s23] =	ssyncadd.s32 $0xFFFFE000  }
0x1d: {  	s17 =	simm.s32 $0x40;
	v4 =	vld [tilespmem:s5+$0x2000]  }
.LBB2_2:
0x1e: {  	p1 =	sne.s32 s17, $0x7FC0;
	v5 =	vld [tilespmem:s5+$0x0];
	_ =	sdelay $0x2  }
.Ltmp0:
0x1f: {  	(pc) =	sbr.rel @p1 .LBB2_2-.Ltmp0, $4  }
0x20: {  	_ = 	snop  }
0x21: {  	v5 =	vadd.f32 v4, v5  }
0x22: {  	s20 =	sshra.s32 s17, $0x2  }
0x23: {  	s17 =	sadd.s32 $0x40, s17;
	v4 =	vld [tilespmem:s20+$0x2000];
	[tilespmem:s5+$0x0] =	vst v5;
	s5 =	smov.u32 s20  }
0x24: {  	v5 =	vld [tilespmem:s5+$0x0];
	_ =	sdelay $0x4  }
0x25: {  	v4 =	vadd.f32 v4, v5;
	_ =	sdelay $0x1  }
0x26: {  	s17 =	simm.s32 $0x200;
	[tilespmem:s5+$0x0] =	vst v4;
	s5 =	simm.s32 $0x0  }
.LBB2_4:
0x27: {  	p1 =	sne.s32 s17, $0xFA00;
	[tilespmem:s5+$0x60F0] =	vst v0  }
0x28: {  	[tilespmem:s5+$0x6080] =	vst v0  }
0x29: {  	[tilespmem:s5+$0x6090] =	vst v0  }
.Ltmp1:
0x2a: {  	[tilespmem:s5+$0x60A0] =	vst v0;
	(pc) =	sbr.rel @p1 .LBB2_4-.Ltmp1, $4  }
0x2b: {  	[tilespmem:s5+$0x60B0] =	vst v0  }
0x2c: {  	[tilespmem:s5+$0x60C0] =	vst v0  }
0x2d: {  	[tilespmem:s5+$0x60D0] =	vst v0  }
0x2e: {  	[tilespmem:s5+$0x60E0] =	vst v0;
	s5 =	sshra.s32 s17, $0x2;
	s17 =	sadd.s32 $0x200, s17  }
0x2f: {  	[tilespmem:s5+$0x60F0] =	vst v0  }
0x30: {  	[tilespmem:s5+$0x6080] =	vst v0  }
0x31: {  	[tilespmem:s5+$0x6090] =	vst v0  }
0x32: {  	[tilespmem:s5+$0x60A0] =	vst v0  }
0x33: {  	[tilespmem:s5+$0x60B0] =	vst v0  }
0x34: {  	[tilespmem:s5+$0x60C0] =	vst v0  }
0x35: {  	[tilespmem:s5+$0x60D0] =	vst v0  }
0x36: {  	[tilespmem:s5+$0x60E0] =	vst v0;
	s29 =	rddreg [dreg:$0x7]  }
0x37: {  	[spmem:s29] =	stream.linear.scatter [tilespmem:s16], [sflag:$0x4], $0x3F00, $0x38;
	[tilespmem:$0x1DF80] =	vst v63  }
0x38: {  	_ =	swait.ge [sflag:s23], $0x3F00  }
0x39: {  	[sflag:s23] =	ssyncset.done $0x0  }
0x3a: {  	[sflag:s23] =	ssyncadd.s32 $0xFFFFC100  }
0x3b: {  	s5 =	simm.s32 $0x0;
	s17 =	simm.s32 $0x0;
	[bflag:$0x0] =	sbarrier.arrive $0xFFFF  }
.LBB2_6:
0x3c: {  	s20 =	sshll.u32 s17, $0x5  }
0x3d: {  	s23 =	stileid.u32;
	s20 =	sor.u32 s20, s9  }
0x3e: {  	s23 =	sor.u32 s23, s20  }
0x3f: {  	s20 =	smin.u32 s23, $0xF9  }
0x40: {  	s24 =	smul.u32 $0x280, s20;
	_ =	sdelay $0x1  }
0x41: {  	s24 =	sshrl.u32 s24, $0x3  }
0x42: {  	s29 =	simm.s32 $0x4000;
	s26 =	sadd.s32 s6, s24  }
0x43: {  	[tilespmem:s29], [sflag:$0x1] =	stream.linear.gather [hbm4b:s26+s5], $0x280, $0x38;
	[tilespmem:$0x1DF80] =	vst v63  }
0x44: {  	s26 =	sadd.s32 $0x4E20, s26;
	s29 =	rddreg [dreg:$0x1]  }
0x45: {  	[tilespmem:s18], [sflag:$0x1] =	stream.linear.gather [hbm4b:s26+s5], $0x280, $0x38;
	[tilespmem:$0x1DF80] =	vst v63  }
0x46: {  	s20 =	smul.u32 $0x140, s20;
	s24 =	sadd.s32 s29, s24  }
0x47: {  	[tilespmem:s19], [sflag:$0x1] =	stream.linear.gather [hbm4b:s24+s5], $0x280, $0x38;
	[tilespmem:$0x1DF80] =	vst v63  }
0x48: {  	s20 =	sadd.s32 s7, s20;
	s29 =	simm.s32 $0x4780  }
0x49: {  	[tilespmem:s29], [sflag:$0x1] =	stream.linear.gather [hbm4b:s20+s5], $0xA00, $0x38;
	[tilespmem:$0x1DF80] =	vst v63  }
0x4a: {  	_ =	swait.ge [sflag:s21], $0x280  }
0x4b: {  	[sflag:s21] =	ssyncset.done $0x0  }
0x4c: {  	[sflag:s21] =	ssyncadd.s32 $0xFFFFFD80  }
0x4d: {  	_ =	swait.ge [sflag:s21], $0x280  }
0x4e: {  	[sflag:s21] =	ssyncset.done $0x0  }
0x4f: {  	[sflag:s21] =	ssyncadd.s32 $0xFFFFFD80  }
0x50: {  	_ =	swait.ge [sflag:s21], $0x280  }
0x51: {  	[sflag:s21] =	ssyncset.done $0x0  }
0x52: {  	[sflag:s21] =	ssyncadd.s32 $0xFFFFFD80  }
0x53: {  	_ =	swait.ge [sflag:s21], $0xA00  }
0x54: {  	[sflag:s21] =	ssyncset.done $0x0  }
0x55: {  	s20 =	simm.s32 $0x0;
	[sflag:s21] =	ssyncadd.s32 $0xFFFFF600  }
0x56: {  	v4 =	vld [tilespmem:s20+$0x4280]  }
0x57: {  	p1 =	slt.u32 s23, $0xFA;
	s23 =	simm.s32 $0x40;
	v5 =	vld [tilespmem:s20+$0x4000]  }
.LBB2_7:
0x58: {  	_ = 	snop  }
0x59: {  	p2 =	sne.s32 s23, $0x9C0  }
.Ltmp2:
0x5a: {  	_ = 	snop;
	(pc) =	sbr.rel @p2 .LBB2_7-.Ltmp2, $4  }
0x5b: {  	v6 =	vand.u32 $0xF, v4  }
0x5c: {  	s24 =	sshra.s32 s23, $0x2;
	v7 =	vmov v4;
	v6 =	vor.u32 $0x7D0, v6  }
0x5d: {  	v4 =	vld [tilespmem:s24+$0x4280];
	[tilespmem:s20+$0x5B80] =	vst v5;
	v6 =	vpsel p1, v7, v6  }
0x5e: {  	s23 =	sadd.s32 $0x40, s23;
	v5 =	vld [tilespmem:s24+$0x4000];
	[tilespmem:s20+$0x5E00] =	vst v6;
	s20 =	smov.u32 s24  }
0x5f: {  	_ =	sdelay $0x2  }
0x60: {  	v6 =	vand.u32 $0xF, v4  }
0x61: {  	v6 =	vor.u32 $0x7D0, v6  }
0x62: {  	[tilespmem:s20+$0x5B80] =	vst v5;
	v4 =	vpsel p1, v4, v6  }
0x63: {  	s24 =	simm.s32 $0x5B80;
	[tilespmem:s20+$0x5E00] =	vst v4  }
0x64: {  	[tilespmem:s16], [sflag:$0x2] =	stream.indirect.gather [hbm4b:s2+s22], $0x80, s24, s22, $0xb8;
	[tilespmem:$0x1DF80] =	vst v63  }
0x65: {  	s26 =	simm.s32 $0x5C00  }
0x66: {  	[tilespmem:s25], [sflag:$0x2] =	stream.indirect.gather [hbm4b:s2+s22], $0x80, s26, s22, $0xb8;
	[tilespmem:$0x1DF80] =	vst v63  }
0x67: {  	s29 =	simm.s32 $0x0;
	s23 =	simm.s32 $0x5C80  }
0x68: {  	v4 =	vor.u32 s29, v1;
	[tilespmem:s28], [sflag:$0x2] =	stream.indirect.gather [hbm4b:s2+s22], $0x80, s23, s22, $0xb8;
	[tilespmem:$0x1DF80] =	vst v63  }
0x69: {  	s24 =	simm.s32 $0x5D00  }
0x6a: {  	[tilespmem:s30], [sflag:$0x2] =	stream.indirect.gather [hbm4b:s2+s22], $0x80, s24, s22, $0xb8;
	[tilespmem:$0x1DF80] =	vst v63  }
0x6b: {  	_ = 	snop  }
0x6c: {  	[tilespmem:s0], [sflag:$0x2] =	stream.indirect.gather [hbm4b:s2+s22], $0x80, s31, s22, $0xb8;
	[tilespmem:$0x1DF80] =	vst v63  }
0x6d: {  	v5 =	vld.idx.msk [tilespmem:v4+s18+$0x0], $0xffff;
	_ =	sdelay $0x4  }
0x6e: {  	v5 =	vadd.s32 v2, v5;
	_ =	sdelay $0x4  }
0x6f: {  	v5 =	vld.idx.msk [tilespmem:v5+s4+$0x0], $0xffff;
	_ =	sdelay $0x4  }
0x70: {  	v5 =	vadd.f32 $1.000000020e-16, v5;
	_ =	sdelay $0x1  }
0x71: {  	(erf) = vrcp.f32 v5;
	_ =	sdelay $0x3  }
0x72: {  	s26 =	simm.s32 $0x4780  }
0x73: {  	v5 =	vld [tilespmem:s26+$0x0];
	_ =	sdelay $0x1  }
0x74: {  	v4 =	vld.idx.msk [tilespmem:v4+s19+$0x0], $0xffff;
	_ =	sdelay $0x1  }
0x75: {  	v6 =	vpop (erf)  }
0x76: {  	s29 =	simm.s32 $0x4;
	v5 =	vmul.f32 v6, v5  }
0x77: {  	v6 =	vor.u32 s29, v1  }
0x78: {  	v4 =	vmul.f32 v5, v4;
	_ =	sdelay $0x1  }
0x79: {  	s20 =	simm.s32 $0x5180;
	v4 =	vpsel !p1, $0x0, v4  }
0x7a: {  	[tilespmem:s20+$0x0] =	vst v4  }
0x7b: {  	v4 =	vld.idx.msk [tilespmem:v6+s18+$0x0], $0xffff;
	_ =	sdelay $0x4  }
0x7c: {  	v4 =	vadd.s32 v2, v4;
	_ =	sdelay $0x4  }
0x7d: {  	v4 =	vld.idx.msk [tilespmem:v4+s4+$0x0], $0xffff;
	_ =	sdelay $0x4  }
0x7e: {  	v4 =	vadd.f32 $1.000000020e-16, v4;
	_ =	sdelay $0x1  }
0x7f: {  	(erf) = vrcp.f32 v4;
	_ =	sdelay $0x3  }
0x80: {  	s23 =	simm.s32 $0x4790  }
0x81: {  	v4 =	vld [tilespmem:s23+$0x0];
	_ =	sdelay $0x1  }
0x82: {  	v5 =	vld.idx.msk [tilespmem:v6+s19+$0x0], $0xffff;
	_ =	sdelay $0x1  }
0x83: {  	v7 =	vpop (erf)  }
0x84: {  	s24 =	simm.s32 $0x8;
	v6 =	vmul.f32 v7, v4  }
0x85: {  	v4 =	vor.u32 s24, v1;
	s24 =	simm.s32 $0xC  }
.LBB2_9:
0x86: {  	p2 =	sne.s32 s24, $0x27C;
	v5 =	vmul.f32 v6, v5;
	_ =	sdelay $0x1  }
0x87: {  	s20 =	sadd.s32 $0x10, s20;
	v5 =	vpsel !p1, $0x0, v5  }
0x88: {  	[tilespmem:s20+$0x0] =	vst v5  }
0x89: {  	v5 =	vld.idx.msk [tilespmem:v4+s18+$0x0], $0xffff;
	_ =	sdelay $0x5  }
0x8a: {  	v5 =	vadd.s32 v2, v5;
	_ =	sdelay $0x4  }
0x8b: {  	v5 =	vld.idx.msk [tilespmem:v5+s4+$0x0], $0xffff;
	_ =	sdelay $0x5  }
0x8c: {  	v5 =	vadd.f32 $1.000000020e-16, v5;
	_ =	sdelay $0x1  }
0x8d: {  	(erf) = vrcp.f32 v5;
	_ =	sdelay $0x3  }
0x8e: {  	s23 =	sadd.s32 $0x10, s23  }
0x8f: {  	v6 =	vld [tilespmem:s23+$0x0]  }
0x90: {  	v5 =	vld.idx.msk [tilespmem:v4+s19+$0x0], $0xffff  }
.Ltmp3:
0x91: {  	(pc) =	sbr.rel @p2 .LBB2_9-.Ltmp3, $4  }
0x92: {  	_ = 	snop  }
0x93: {  	v4 =	vpop (erf)  }
0x94: {  	v6 =	vmul.f32 v4, v6  }
0x95: {  	v4 =	vor.u32 s24, v1;
	s24 =	sadd.s32 $0x4, s24  }
0x96: {  	v5 =	vmul.f32 v6, v5;
	_ =	sdelay $0x1  }
0x97: {  	s20 =	sadd.s32 $0x10, s20;
	v5 =	vpsel !p1, $0x0, v5  }
0x98: {  	[tilespmem:s20+$0x0] =	vst v5  }
0x99: {  	v5 =	vld.idx.msk [tilespmem:v4+s18+$0x0], $0xffff;
	_ =	sdelay $0x4  }
0x9a: {  	v5 =	vadd.s32 v2, v5;
	_ =	sdelay $0x4  }
0x9b: {  	v5 =	vld.idx.msk [tilespmem:v5+s4+$0x0], $0xffff;
	_ =	sdelay $0x4  }
0x9c: {  	v5 =	vadd.f32 $1.000000020e-16, v5;
	_ =	sdelay $0x1  }
0x9d: {  	(erf) = vrcp.f32 v5;
	_ =	sdelay $0x3  }
0x9e: {  	s23 =	sadd.s32 $0x10, s23  }
0x9f: {  	v5 =	vld [tilespmem:s23+$0x0];
	_ =	sdelay $0x1  }
0xa0: {  	v4 =	vld.idx.msk [tilespmem:v4+s19+$0x0], $0xffff;
	_ =	sdelay $0x1  }
0xa1: {  	v6 =	vpop (erf)  }
0xa2: {  	v5 =	vmul.f32 v6, v5;
	_ =	sdelay $0x1  }
0xa3: {  	v4 =	vmul.f32 v5, v4;
	_ =	sdelay $0x1  }
0xa4: {  	s20 =	sadd.s32 $0x10, s20;
	v4 =	vpsel !p1, $0x0, v4  }
0xa5: {  	[tilespmem:s20+$0x0] =	vst v4  }
0xa6: {  	_ =	swait.ge [sflag:s15], $0x4000  }
0xa7: {  	[sflag:s15] =	ssyncset.done $0x0  }
0xa8: {  	[sflag:s15] =	ssyncadd.s32 $0xFFFFC000  }
0xa9: {  	_ =	swait.ge [sflag:s15], $0x4000  }
0xaa: {  	[sflag:s15] =	ssyncset.done $0x0  }
0xab: {  	s23 =	simm.s32 $0x0;
	[sflag:s15] =	ssyncadd.s32 $0xFFFFC000  }
0xac: {  	v4 =	vmov s23;
	_ =	swait.ge [sflag:s15], $0x4000  }
0xad: {  	v4 =	vshrl.u32 v4, $0x3;
	[sflag:s15] =	ssyncset.done $0x0  }
0xae: {  	v4 =	vshll.u32 v4, v3;
	[sflag:s15] =	ssyncadd.s32 $0xFFFFC000  }
0xaf: {  	v5 =	vbroadcast v4, $0x0;
	_ =	swait.ge [sflag:s15], $0x4000  }
0xb0: {  	[sflag:s15] =	ssyncset.done $0x0  }
0xb1: {  	[sflag:s15] =	ssyncadd.s32 $0xFFFFC000  }
0xb2: {  	_ =	swait.ge [sflag:s15], $0x4000  }
0xb3: {  	[sflag:s15] =	ssyncset.done $0x0  }
0xb4: {  	[sflag:s15] =	ssyncadd.s32 $0xFFFFC000  }
0xb5: {  	s20 =	simm.s32 $0x6180;
	v5 =	vld.idx.msk [tilespmem:v5+s8+$0x0], $0xffff  }
0xb6: {  	v6 =	vld [tilespmem:s20+$0xFFFFFF00]  }
0xb7: {  	v7 =	vld [tilespmem:s20+$0xFFFFFF10]  }
0xb8: {  	v8 =	vadd.s32 $0x1, v4  }
0xb9: {  	v8 =	vbroadcast v8, $0x0;
	_ =	sdelay $0x1  }
0xba: {  	v6 =	vmul.f32 v6, v5  }
0xbb: {  	v5 =	vmul.f32 v7, v5  }
0xbc: {  	[tilespmem:s20+$0xFFFFFF00] =	vst v6  }
0xbd: {  	[tilespmem:s20+$0xFFFFFF10] =	vst v5;
	v6 =	vld [tilespmem:s20+$0xFFFFFF20]  }
0xbe: {  	v5 =	vld.idx.msk [tilespmem:v8+s8+$0x0], $0xffff  }
0xbf: {  	v7 =	vld [tilespmem:s20+$0xFFFFFF30]  }
0xc0: {  	v8 =	vadd.s32 $0x2, v4  }
0xc1: {  	v8 =	vbroadcast v8, $0x0;
	_ =	sdelay $0x1  }
0xc2: {  	v6 =	vmul.f32 v6, v5  }
0xc3: {  	v5 =	vmul.f32 v7, v5  }
0xc4: {  	[tilespmem:s20+$0xFFFFFF20] =	vst v6  }
0xc5: {  	[tilespmem:s20+$0xFFFFFF30] =	vst v5;
	v6 =	vld [tilespmem:s20+$0xFFFFFF40]  }
0xc6: {  	v5 =	vld.idx.msk [tilespmem:v8+s8+$0x0], $0xffff  }
0xc7: {  	v7 =	vld [tilespmem:s20+$0xFFFFFF50]  }
0xc8: {  	v4 =	vadd.s32 $0x3, v4  }
0xc9: {  	v4 =	vbroadcast v4, $0x0;
	_ =	sdelay $0x1  }
0xca: {  	v6 =	vmul.f32 v6, v5  }
0xcb: {  	v5 =	vmul.f32 v7, v5  }
0xcc: {  	s24 =	simm.s32 $0x4;
	[tilespmem:s20+$0xFFFFFF40] =	vst v6  }
0xcd: {  	[tilespmem:s20+$0xFFFFFF50] =	vst v5;
	v5 =	vmov s24;
	v6 =	vld [tilespmem:s20+$0xFFFFFF60]  }
0xce: {  	v4 =	vld.idx.msk [tilespmem:v4+s8+$0x0], $0xffff;
	v5 =	vshrl.u32 v5, $0x3  }
0xcf: {  	v7 =	vld [tilespmem:s20+$0xFFFFFF70];
	v5 =	vshll.u32 v5, v3  }
0xd0: {  	v8 =	vadd.s32 $0x4, v5  }
0xd1: {  	v8 =	vbroadcast v8, $0x0;
	_ =	sdelay $0x1  }
0xd2: {  	v6 =	vmul.f32 v6, v4  }
0xd3: {  	v4 =	vmul.f32 v7, v4  }
0xd4: {  	[tilespmem:s20+$0xFFFFFF60] =	vst v6  }
0xd5: {  	[tilespmem:s20+$0xFFFFFF70] =	vst v4;
	v6 =	vld [tilespmem:s20+$0xFFFFFF80]  }
0xd6: {  	v4 =	vld.idx.msk [tilespmem:v8+s8+$0x0], $0xffff  }
0xd7: {  	v7 =	vld [tilespmem:s20+$0xFFFFFF90]  }
0xd8: {  	v8 =	vadd.s32 $0x5, v5  }
0xd9: {  	v8 =	vbroadcast v8, $0x0;
	_ =	sdelay $0x1  }
0xda: {  	v6 =	vmul.f32 v6, v4  }
0xdb: {  	v4 =	vmul.f32 v7, v4  }
0xdc: {  	[tilespmem:s20+$0xFFFFFF80] =	vst v6  }
0xdd: {  	[tilespmem:s20+$0xFFFFFF90] =	vst v4;
	v6 =	vld [tilespmem:s20+$0xFFFFFFA0]  }
0xde: {  	v4 =	vld.idx.msk [tilespmem:v8+s8+$0x0], $0xffff  }
0xdf: {  	v7 =	vld [tilespmem:s20+$0xFFFFFFB0]  }
0xe0: {  	v8 =	vadd.s32 $0x6, v5  }
0xe1: {  	v8 =	vbroadcast v8, $0x0;
	_ =	sdelay $0x1  }
0xe2: {  	v6 =	vmul.f32 v6, v4  }
0xe3: {  	v4 =	vmul.f32 v7, v4  }
0xe4: {  	[tilespmem:s20+$0xFFFFFFA0] =	vst v6  }
0xe5: {  	[tilespmem:s20+$0xFFFFFFB0] =	vst v4;
	v6 =	vld [tilespmem:s20+$0xFFFFFFC0]  }
0xe6: {  	v4 =	vld.idx.msk [tilespmem:v8+s8+$0x0], $0xffff  }
0xe7: {  	v7 =	vld [tilespmem:s20+$0xFFFFFFD0]  }
0xe8: {  	v5 =	vadd.s32 $0x7, v5  }
0xe9: {  	v5 =	vbroadcast v5, $0x0;
	_ =	sdelay $0x1  }
0xea: {  	v6 =	vmul.f32 v6, v4  }
0xeb: {  	v4 =	vmul.f32 v7, v4  }
0xec: {  	[tilespmem:s20+$0xFFFFFFC0] =	vst v6  }
0xed: {  	s26 =	simm.s32 $0x8;
	[tilespmem:s20+$0xFFFFFFD0] =	vst v4;
	v6 =	vld [tilespmem:s20+$0xFFFFFFE0]  }
0xee: {  	v4 =	vld.idx.msk [tilespmem:v5+s8+$0x0], $0xffff;
	v5 =	vmov s26  }
0xef: {  	v8 =	vld [tilespmem:s20+$0xFFFFFFF0];
	v5 =	vshrl.u32 v5, $0x3  }
0xf0: {  	v5 =	vshll.u32 v5, v3  }
0xf1: {  	v7 =	vbroadcast v5, $0x0;
	_ =	sdelay $0x1  }
0xf2: {  	v6 =	vmul.f32 v6, v4  }
0xf3: {  	v4 =	vmul.f32 v8, v4  }
0xf4: {  	[tilespmem:s20+$0xFFFFFFE0] =	vst v6  }
0xf5: {  	[tilespmem:s20+$0xFFFFFFF0] =	vst v4;
	v6 =	vld [tilespmem:s20+$0x0]  }
0xf6: {  	v4 =	vld.idx.msk [tilespmem:v7+s8+$0x0], $0xffff  }
0xf7: {  	v7 =	vld [tilespmem:s20+$0x10]  }
0xf8: {  	v8 =	vadd.s32 $0x1, v5  }
0xf9: {  	v8 =	vbroadcast v8, $0x0;
	_ =	sdelay $0x1  }
0xfa: {  	v6 =	vmul.f32 v6, v4  }
0xfb: {  	v4 =	vmul.f32 v7, v4  }
0xfc: {  	[tilespmem:s20+$0x0] =	vst v6  }
0xfd: {  	[tilespmem:s20+$0x10] =	vst v4;
	v6 =	vld [tilespmem:s20+$0x20]  }
0xfe: {  	v4 =	vld.idx.msk [tilespmem:v8+s8+$0x0], $0xffff  }
0xff: {  	v7 =	vld [tilespmem:s20+$0x30]  }
0x100: {  	v8 =	vadd.s32 $0x2, v5  }
0x101: {  	v8 =	vbroadcast v8, $0x0;
	_ =	sdelay $0x1  }
0x102: {  	v6 =	vmul.f32 v6, v4  }
0x103: {  	v4 =	vmul.f32 v7, v4  }
0x104: {  	[tilespmem:s20+$0x20] =	vst v6  }
0x105: {  	[tilespmem:s20+$0x30] =	vst v4;
	v6 =	vld [tilespmem:s20+$0x40]  }
0x106: {  	v4 =	vld.idx.msk [tilespmem:v8+s8+$0x0], $0xffff  }
0x107: {  	v7 =	vld [tilespmem:s20+$0x50]  }
0x108: {  	v5 =	vadd.s32 $0x3, v5  }
0x109: {  	v5 =	vbroadcast v5, $0x0;
	_ =	sdelay $0x1  }
0x10a: {  	v6 =	vmul.f32 v6, v4  }
0x10b: {  	v4 =	vmul.f32 v7, v4  }
0x10c: {  	s29 =	simm.s32 $0xC;
	[tilespmem:s20+$0x40] =	vst v6  }
0x10d: {  	[tilespmem:s20+$0x50] =	vst v4;
	v4 =	vmov s29;
	v6 =	vld [tilespmem:s20+$0x60]  }
0x10e: {  	v5 =	vld.idx.msk [tilespmem:v5+s8+$0x0], $0xffff;
	v4 =	vshrl.u32 v4, $0x3  }
0x10f: {  	v7 =	vld [tilespmem:s20+$0x70];
	v4 =	vshll.u32 v4, v3  }
0x110: {  	v8 =	vadd.s32 $0x4, v4  }
0x111: {  	v8 =	vbroadcast v8, $0x0;
	_ =	sdelay $0x1  }
0x112: {  	v6 =	vmul.f32 v6, v5  }
0x113: {  	v5 =	vmul.f32 v7, v5  }
0x114: {  	[tilespmem:s20+$0x60] =	vst v6  }
0x115: {  	[tilespmem:s20+$0x70] =	vst v5;
	v6 =	vld [tilespmem:s20+$0x80]  }
0x116: {  	v5 =	vld.idx.msk [tilespmem:v8+s8+$0x0], $0xffff  }
0x117: {  	v7 =	vld [tilespmem:s20+$0x90]  }
0x118: {  	v8 =	vadd.s32 $0x5, v4  }
0x119: {  	v8 =	vbroadcast v8, $0x0;
	_ =	sdelay $0x1  }
0x11a: {  	v6 =	vmul.f32 v6, v5  }
0x11b: {  	v5 =	vmul.f32 v7, v5  }
0x11c: {  	[tilespmem:s20+$0x80] =	vst v6  }
0x11d: {  	[tilespmem:s20+$0x90] =	vst v5;
	v6 =	vld [tilespmem:s20+$0xA0]  }
0x11e: {  	v5 =	vld.idx.msk [tilespmem:v8+s8+$0x0], $0xffff  }
0x11f: {  	v7 =	vld [tilespmem:s20+$0xB0]  }
0x120: {  	v8 =	vadd.s32 $0x6, v4  }
0x121: {  	v8 =	vbroadcast v8, $0x0;
	_ =	sdelay $0x1  }
0x122: {  	v6 =	vmul.f32 v6, v5  }
0x123: {  	v5 =	vmul.f32 v7, v5  }
0x124: {  	v7 =	vld [tilespmem:s20+$0xD0];
	[tilespmem:s20+$0xA0] =	vst v6  }
0x125: {  	v4 =	vadd.s32 $0x7, v4;
	[tilespmem:s20+$0xB0] =	vst v5;
	v5 =	vld [tilespmem:s20+$0xC0]  }
0x126: {  	s23 =	simm.s32 $0x6180;
	s24 =	simm.s32 $0x1C;
	v4 =	vbroadcast v4, $0x0;
	v6 =	vld.idx.msk [tilespmem:v8+s8+$0x0], $0xffff  }
.LBB2_11:
0x127: {  	p1 =	sne.s32 s24, $0x9FC  }
0x128: {  	s20 =	sadd.s32 $0x200, s20;
	s26 =	smov.u32 s24;
	s24 =	sadd.s32 $0x10, s24  }
0x129: {  	_ =	sdelay $0x1  }
0x12a: {  	v5 =	vmul.f32 v5, v6;
	v6 =	vmul.f32 v7, v6;
	_ =	sdelay $0x1  }
0x12b: {  	[tilespmem:s23+$0xC0] =	vst v5  }
0x12c: {  	[tilespmem:s23+$0xD0] =	vst v6;
	v5 =	vld [tilespmem:s23+$0xE0]  }
0x12d: {  	s29 =	sadd.s32 $0xFFFFFFF4, s26;
	v4 =	vld.idx.msk [tilespmem:v4+s8+$0x0], $0xffff  }
0x12e: {  	v6 =	vmov s29;
	v7 =	vld [tilespmem:s23+$0xF0]  }
0x12f: {  	v6 =	vshrl.u32 v6, $0x3  }
0x130: {  	v6 =	vshll.u32 v6, v3  }
0x131: {  	v8 =	vbroadcast v6, $0x0;
	v9 =	vadd.s32 $0x1, v6;
	v10 =	vadd.s32 $0x2, v6  }
0x132: {  	v6 =	vadd.s32 $0x3, v6  }
0x133: {  	v5 =	vmul.f32 v5, v4;
	v4 =	vmul.f32 v7, v4;
	_ =	sdelay $0x1  }
0x134: {  	[tilespmem:s23+$0xE0] =	vst v5  }
0x135: {  	v5 =	vld [tilespmem:s20+$0xFFFFFF10];
	[tilespmem:s23+$0xF0] =	vst v4;
	s23 =	smov.u32 s20  }
0x136: {  	v4 =	vld.idx.msk [tilespmem:v8+s8+$0x0], $0xffff  }
0x137: {  	v7 =	vld [tilespmem:s20+$0xFFFFFF00];
	_ =	sdelay $0x1  }
0x138: {  	v8 =	vbroadcast v9, $0x0;
	_ =	sdelay $0x2  }
0x139: {  	v7 =	vmul.f32 v7, v4;
	v4 =	vmul.f32 v5, v4;
	_ =	sdelay $0x1  }
0x13a: {  	[tilespmem:s20+$0xFFFFFF00] =	vst v7  }
0x13b: {  	[tilespmem:s20+$0xFFFFFF10] =	vst v4;
	v4 =	vld [tilespmem:s20+$0xFFFFFF30]  }
0x13c: {  	v5 =	vld.idx.msk [tilespmem:v8+s8+$0x0], $0xffff  }
0x13d: {  	v7 =	vld [tilespmem:s20+$0xFFFFFF20]  }
0x13e: {  	v8 =	vbroadcast v10, $0x0;
	_ =	sdelay $0x3  }
0x13f: {  	v4 =	vmul.f32 v4, v5;
	v7 =	vmul.f32 v7, v5;
	_ =	sdelay $0x1  }
0x140: {  	[tilespmem:s20+$0xFFFFFF20] =	vst v7  }
0x141: {  	[tilespmem:s20+$0xFFFFFF30] =	vst v4;
	v4 =	vld [tilespmem:s20+$0xFFFFFF50]  }
0x142: {  	v5 =	vld.idx.msk [tilespmem:v8+s8+$0x0], $0xffff  }
0x143: {  	v6 =	vbroadcast v6, $0x0;
	v7 =	vld [tilespmem:s20+$0xFFFFFF40];
	_ =	sdelay $0x3  }
0x144: {  	s29 =	sadd.s32 $0xFFFFFFF8, s26  }
0x145: {  	v4 =	vmul.f32 v4, v5;
	v7 =	vmul.f32 v7, v5;
	v5 =	vmov s29  }
0x146: {  	v5 =	vshrl.u32 v5, $0x3  }
0x147: {  	[tilespmem:s20+$0xFFFFFF40] =	vst v7;
	v5 =	vshll.u32 v5, v3  }
0x148: {  	[tilespmem:s20+$0xFFFFFF50] =	vst v4;
	v4 =	vld [tilespmem:s20+$0xFFFFFF70];
	v7 =	vadd.s32 $0x4, v5;
	v8 =	vadd.s32 $0x5, v5;
	v9 =	vadd.s32 $0x6, v5  }
0x149: {  	v6 =	vld.idx.msk [tilespmem:v6+s8+$0x0], $0xffff;
	v7 =	vbroadcast v7, $0x0  }
0x14a: {  	v10 =	vld [tilespmem:s20+$0xFFFFFF60];
	_ =	sdelay $0x4  }
0x14b: {  	v4 =	vmul.f32 v4, v6;
	v10 =	vmul.f32 v10, v6;
	_ =	sdelay $0x1  }
0x14c: {  	[tilespmem:s20+$0xFFFFFF60] =	vst v10  }
0x14d: {  	v6 =	vbroadcast v8, $0x0;
	[tilespmem:s20+$0xFFFFFF70] =	vst v4;
	v4 =	vld [tilespmem:s20+$0xFFFFFF90]  }
0x14e: {  	v7 =	vld.idx.msk [tilespmem:v7+s8+$0x0], $0xffff  }
0x14f: {  	v8 =	vld [tilespmem:s20+$0xFFFFFF80];
	_ =	sdelay $0x4  }
0x150: {  	v4 =	vmul.f32 v4, v7;
	v8 =	vmul.f32 v8, v7;
	_ =	sdelay $0x1  }
0x151: {  	v7 =	vbroadcast v9, $0x0;
	[tilespmem:s20+$0xFFFFFF80] =	vst v8  }
0x152: {  	[tilespmem:s20+$0xFFFFFF90] =	vst v4;
	v4 =	vld [tilespmem:s20+$0xFFFFFFB0]  }
0x153: {  	v6 =	vld.idx.msk [tilespmem:v6+s8+$0x0], $0xffff  }
0x154: {  	v8 =	vld [tilespmem:s20+$0xFFFFFFA0];
	_ =	sdelay $0x4  }
0x155: {  	v5 =	vadd.s32 $0x7, v5;
	v4 =	vmul.f32 v4, v6;
	v8 =	vmul.f32 v8, v6  }
0x156: {  	v5 =	vbroadcast v5, $0x0  }
0x157: {  	[tilespmem:s20+$0xFFFFFFA0] =	vst v8  }
0x158: {  	[tilespmem:s20+$0xFFFFFFB0] =	vst v4;
	v4 =	vld [tilespmem:s20+$0xFFFFFFD0]  }
0x159: {  	v6 =	vld.idx.msk [tilespmem:v7+s8+$0x0], $0xffff  }
0x15a: {  	v7 =	vld [tilespmem:s20+$0xFFFFFFC0]  }
0x15b: {  	s29 =	sadd.s32 $0xFFFFFFFC, s26  }
0x15c: {  	v8 =	vmov s29  }
0x15d: {  	v8 =	vshrl.u32 v8, $0x3;
	v9 =	vld [tilespmem:s20+$0xFFFFFFF0]  }
0x15e: {  	v8 =	vshll.u32 v8, v3  }
0x15f: {  	v10 =	vbroadcast v8, $0x0;
	v11 =	vadd.s32 $0x1, v8;
	v7 =	vmul.f32 v7, v6  }
0x160: {  	v4 =	vmul.f32 v4, v6;
	v6 =	vadd.s32 $0x2, v8;
	v8 =	vadd.s32 $0x3, v8  }
0x161: {  	[tilespmem:s20+$0xFFFFFFC0] =	vst v7  }
0x162: {  	[tilespmem:s20+$0xFFFFFFD0] =	vst v4  }
0x163: {  	v4 =	vld.idx.msk [tilespmem:v5+s8+$0x0], $0xffff  }
0x164: {  	v5 =	vld [tilespmem:s20+$0xFFFFFFE0];
	_ =	sdelay $0x3  }
0x165: {  	v7 =	vbroadcast v11, $0x0  }
0x166: {  	v5 =	vmul.f32 v5, v4;
	v4 =	vmul.f32 v9, v4;
	_ =	sdelay $0x1  }
0x167: {  	[tilespmem:s20+$0xFFFFFFE0] =	vst v5  }
0x168: {  	[tilespmem:s20+$0xFFFFFFF0] =	vst v4;
	v4 =	vld [tilespmem:s20+$0x10]  }
0x169: {  	v5 =	vld.idx.msk [tilespmem:v10+s8+$0x0], $0xffff  }
0x16a: {  	v9 =	vld [tilespmem:s20+$0x0];
	_ =	sdelay $0x2  }
0x16b: {  	v6 =	vbroadcast v6, $0x0;
	_ =	sdelay $0x1  }
0x16c: {  	v4 =	vmul.f32 v4, v5;
	v9 =	vmul.f32 v9, v5;
	_ =	sdelay $0x1  }
0x16d: {  	[tilespmem:s20+$0x0] =	vst v9  }
0x16e: {  	[tilespmem:s20+$0x10] =	vst v4;
	v4 =	vld [tilespmem:s20+$0x30]  }
0x16f: {  	v5 =	vld.idx.msk [tilespmem:v7+s8+$0x0], $0xffff  }
0x170: {  	v7 =	vld [tilespmem:s20+$0x20];
	_ =	sdelay $0x1  }
0x171: {  	v8 =	vbroadcast v8, $0x0;
	_ =	sdelay $0x2  }
0x172: {  	v4 =	vmul.f32 v4, v5;
	v7 =	vmul.f32 v7, v5;
	_ =	sdelay $0x1  }
0x173: {  	v5 =	vmov s26;
	[tilespmem:s20+$0x20] =	vst v7  }
0x174: {  	v5 =	vshrl.u32 v5, $0x3;
	[tilespmem:s20+$0x30] =	vst v4;
	v4 =	vld [tilespmem:s20+$0x50]  }
0x175: {  	v5 =	vshll.u32 v5, v3;
	v6 =	vld.idx.msk [tilespmem:v6+s8+$0x0], $0xffff  }
0x176: {  	v9 =	vadd.s32 $0x4, v5;
	v10 =	vadd.s32 $0x6, v5;
	v11 =	vadd.s32 $0x7, v5;
	v7 =	vld [tilespmem:s20+$0x40]  }
0x177: {  	v5 =	vadd.s32 $0x5, v5;
	v9 =	vbroadcast v9, $0x0;
	_ =	sdelay $0x3  }
0x178: {  	v4 =	vmul.f32 v4, v6;
	v7 =	vmul.f32 v7, v6;
	_ =	sdelay $0x1  }
0x179: {  	[tilespmem:s20+$0x40] =	vst v7  }
0x17a: {  	[tilespmem:s20+$0x50] =	vst v4;
	v4 =	vld [tilespmem:s20+$0x70]  }
0x17b: {  	v6 =	vld.idx.msk [tilespmem:v8+s8+$0x0], $0xffff  }
0x17c: {  	v5 =	vbroadcast v5, $0x0;
	v7 =	vld [tilespmem:s20+$0x60];
	_ =	sdelay $0x4  }
0x17d: {  	v4 =	vmul.f32 v4, v6;
	v7 =	vmul.f32 v7, v6;
	_ =	sdelay $0x1  }
0x17e: {  	[tilespmem:s20+$0x60] =	vst v7  }
0x17f: {  	[tilespmem:s20+$0x70] =	vst v4;
	v4 =	vld [tilespmem:s20+$0x90]  }
0x180: {  	v7 =	vbroadcast v10, $0x0;
	v6 =	vld.idx.msk [tilespmem:v9+s8+$0x0], $0xffff  }
0x181: {  	v8 =	vld [tilespmem:s20+$0x80];
	_ =	sdelay $0x4  }
0x182: {  	v4 =	vmul.f32 v4, v6;
	v8 =	vmul.f32 v8, v6;
	_ =	sdelay $0x1  }
0x183: {  	[tilespmem:s20+$0x80] =	vst v8  }
0x184: {  	[tilespmem:s20+$0x90] =	vst v4;
	v6 =	vld [tilespmem:s20+$0xB0];
	v4 =	vbroadcast v11, $0x0  }
0x185: {  	v5 =	vld.idx.msk [tilespmem:v5+s8+$0x0], $0xffff  }
0x186: {  	v8 =	vld [tilespmem:s20+$0xA0];
	_ =	sdelay $0x4  }
0x187: {  	v8 =	vmul.f32 v8, v5;
	v5 =	vmul.f32 v6, v5  }
.Ltmp4:
0x188: {  	(pc) =	sbr.rel @p1 .LBB2_11-.Ltmp4, $4  }
0x189: {  	[tilespmem:s20+$0xA0] =	vst v8  }
0x18a: {  	[tilespmem:s20+$0xB0] =	vst v5;
	v5 =	vld [tilespmem:s20+$0xC0]  }
0x18b: {  	v6 =	vld.idx.msk [tilespmem:v7+s8+$0x0], $0xffff  }
0x18c: {  	v7 =	vld [tilespmem:s20+$0xD0]  }
0x18d: {  	_ =	sdelay $0x2  }
0x18e: {  	v5 =	vmul.f32 v5, v6  }
0x18f: {  	v62 =	vmul.f32 v7, v6  }
0x190: {  	[tilespmem:s23+$0xC0] =	vst v5  }
0x191: {  	v5 =	vld [tilespmem:s23+$0xE0];
	[tilespmem:s23+$0xD0] =	vst v62  }
0x192: {  	v4 =	vld.idx.msk [tilespmem:v4+s8+$0x0], $0xffff  }
0x193: {  	v63 =	vld [tilespmem:s23+$0xF0];
	_ =	sdelay $0x3  }
0x194: {  	v5 =	vmul.f32 v5, v4  }
0x195: {  	v4 =	vmul.f32 v63, v4  }
0x196: {  	[tilespmem:s23+$0xE0] =	vst v5  }
0x197: {  	[tilespmem:s23+$0xF0] =	vst v4  }
0x198: {  	[spmem:s3] =	stream.indirect.scatter.add.f32 [tilespmem:s16], [sflag:$0x3], $0x80, s10, s22, $0xb8;
	[tilespmem:$0x1DF80] =	vst v63  }
0x199: {  	_ = 	snop  }
0x19a: {  	[spmem:s3] =	stream.indirect.scatter.add.f32 [tilespmem:s25], [sflag:$0x3], $0x80, s11, s22, $0xb8;
	[tilespmem:$0x1DF80] =	vst v63  }
0x19b: {  	_ = 	snop  }
0x19c: {  	[spmem:s3] =	stream.indirect.scatter.add.f32 [tilespmem:s28], [sflag:$0x3], $0x80, s12, s22, $0xb8;
	[tilespmem:$0x1DF80] =	vst v63  }
0x19d: {  	_ = 	snop  }
0x19e: {  	[spmem:s3] =	stream.indirect.scatter.add.f32 [tilespmem:s30], [sflag:$0x3], $0x80, s13, s22, $0xb8;
	[tilespmem:$0x1DF80] =	vst v63  }
0x19f: {  	_ = 	snop  }
0x1a0: {  	[spmem:s3] =	stream.indirect.scatter.add.f32 [tilespmem:s0], [sflag:$0x3], $0x80, s14, s22, $0xb8;
	[tilespmem:$0x1DF80] =	vst v63  }
0x1a1: {  	_ =	swait.ge [sflag:s1], $0x4000  }
0x1a2: {  	[sflag:s1] =	ssyncset.done $0x0  }
0x1a3: {  	[sflag:s1] =	ssyncadd.s32 $0xFFFFC000  }
0x1a4: {  	_ =	swait.ge [sflag:s1], $0x4000  }
0x1a5: {  	[sflag:s1] =	ssyncset.done $0x0  }
0x1a6: {  	[sflag:s1] =	ssyncadd.s32 $0xFFFFC000  }
0x1a7: {  	_ =	swait.ge [sflag:s1], $0x4000  }
0x1a8: {  	[sflag:s1] =	ssyncset.done $0x0  }
0x1a9: {  	s17 =	sadd.s32 $0x1, s17;
	[sflag:s1] =	ssyncadd.s32 $0xFFFFC000  }
0x1aa: {  	p1 =	sne.s32 s17, $0x8;
	_ =	swait.ge [sflag:s1], $0x4000  }
.Ltmp5:
0x1ab: {  	[sflag:s1] =	ssyncset.done $0x0;
	(pc) =	sbr.rel @p1 .LBB2_6-.Ltmp5, $4  }
0x1ac: {  	[sflag:s1] =	ssyncadd.s32 $0xFFFFC000  }
0x1ad: {  	_ =	swait.ge [sflag:s1], $0x4000  }
0x1ae: {  	[sflag:s1] =	ssyncset.done $0x0  }
0x1af: {  	[sflag:s1] =	ssyncadd.s32 $0xFFFFC000  }
0x1b0: {  	[bflag:$0x0] =	sbarrier.arrive $0xFFFF  }
0x1b1: {  	s5 =	sshrl.u32 @!p0 s3, $0x3;
	s17 =	simm.s32 @!p0 $0x1C04;
	s20 =	rddreg [dreg:$0x8]  }
0x1b2: {  	[hbm:s20], [sflag:s17] =	dma.local @!p0 [spmem:s5], $0x7E00  }
0x1b3: {  	s5 =	simm.s32 @!p0 $0x4  }
0x1b4: {  	_ =	swait.ge @!p0 [sflag:s5], $0x7E00  }
0x1b5: {  	s26 =	rddreg [dreg:$0xa]  }
0x1b6: {  	s29 =	rddreg [dreg:$0x9];
	s20 =	sadd.s32 $0x1, s26  }
0x1b7: {  	p1 =	sne.s32 s20, s29  }
.Ltmp6:
0x1b8: {  	_ = 	snop;
	(pc) =	sbr.rel @p1 .LBB2_1-.Ltmp6, $3  }
0x1b9: {  	_ =	sdelay $0x1  }
0x1ba: {  	[sflag:s5] =	ssyncset.done @!p0 $0x0  }
0x1bb: {  	s23 =	simm.s32 $0x4;
	[sflag:s5] =	ssyncadd.s32 @!p0 $0xFFFF8200  }
0x1bc: {  	_ =	sfence.sel $0x180000  }
0x1bd: {  	[bflag:$0x0] =	sbarrier.arrive $0xFFFF  }
0x1be: {  	_ =	strace $0x90000050  }
0x1bf: {  	[bflag:$0x2] =	sbarrier.arrive $0xFFFF  }
0x1c0: {  	s0 =	rddreg [dreg:$0x4]  }
0x1c1: {  	s0 =	sadd.s32 @!p0 $0x100000, s0  }
0x1c2: {  	[sflag:s0] =	ssyncadd.tile.s32 @!p0 $0x1;
	_ =	shalt  }
.Lfunc_end2:
_tile_overlayer_lowered:
.L_overlay_start_2:
0x1c3: {  	(tag) =	ssettag $0x2  }
0x1c4: {  	s0 =	rddreg [dreg:$0x0];
	s2 =	stileid.u32  }
0x1c5: {  	s1 =	rddreg [dreg:$0x1];
	p0 =	sne.s32 s2, $0x0  }
0x1c6: {  	s3 =	rddreg [dreg:$0x2];
	[bflag:$0x3] =	sbarrier.arrive $0xFFFF;
	s2 =	simm.s32 @!p0 $0x1C04  }
0x1c7: {  	[timem:s3], [sflag:s2] =	dma.local @!p0 [hbm:s0], s1  }
0x1c8: {  	s0 =	simm.s32 @!p0 $0x4  }
0x1c9: {  	_ =	swait.ge @!p0 [sflag:s0], s1  }
0x1ca: {  	s1 =	ssub.s32 @!p0 $0x0, s1;
	[sflag:s0] =	ssyncset.done @!p0 $0x0  }
0x1cb: {  	[sflag:s0] =	ssyncadd.s32 @!p0 s1  }
0x1cc: {  	[bflag:$0x3] =	sbarrier.arrive $0xFFFF  }
0x1cd: {  	_ =	shalt  }

</sc_bundles>
